<compile_context>
chip_gen: v7x
topology: tpu7x:2x2x1
jax: 0.10.2.dev20260603
libtpu: 0.0.44.dev20260713+nightly
codegen_flags: <defaults>
</compile_context>

<pallas_src>
import functools

import jax
import jax.numpy as jnp
from jax import lax
from jax.experimental import pallas as pl
from jax.experimental.pallas import tpu as pltpu
from jax.experimental.pallas import tpu_sc as plsc

N = 10000
E = 160000
D_EDGE = 16
H = 32
L_LAYERS = 4
MLP_H = 128

NC = 2
NS = 16
NW = NC * NS

CH = 128
CHUNKS = 40
EPT = CH * CHUNKS
PAD_E = NW * EPT
NROWS = 10112
RPT = NROWS // NS

BE = 1024
NBLK = PAD_E // BE

_MESH = plsc.VectorSubcoreMesh(core_axis_name="c", subcore_axis_name="s")
_SC_PARAMS = pltpu.CompilerParams(use_tc_tiling_on_sc=False)



@functools.partial(
    pl.kernel,
    out_type=(
        jax.ShapeDtypeStruct((NC, NROWS, H), jnp.float32),
        jax.ShapeDtypeStruct((NC, NROWS, H), jnp.float32),
    ),
    mesh=_MESH,
    scratch_types=[
        pltpu.VMEM((CH,), jnp.int32),
        pltpu.VMEM((CH,), jnp.int32),
        pltpu.VMEM((CH, H), jnp.float32),
        pltpu.VMEM((CH, H), jnp.float32),
        pltpu.VMEM((CH, H), jnp.float32),
        pltpu.VMEM((RPT, H), jnp.float32),
        pltpu.VMEM_SHARED((NROWS, H), jnp.float32),
        pltpu.VMEM_SHARED((NROWS, H), jnp.float32),
        pltpu.SemaphoreType.DMA,
    ],
    compiler_params=_SC_PARAMS,
)
def _sc_messages(e_hbm, v_hbm, row_hbm, col_hbm, seg1_hbm, seg2_hbm,
                 rowb, colb, eb, vb, m2b, zrows, acc1, acc2, sem):
    c = lax.axis_index("c")
    s = lax.axis_index("s")
    wid = c * NS + s

    def zrow(j, _):
        zero = jnp.zeros((16,), jnp.float32)
        zrows[j, pl.ds(0, 16)] = zero
        zrows[j, pl.ds(16, 16)] = zero
        return 0
    lax.fori_loop(0, RPT, zrow, 0)
    pltpu.sync_copy(zrows, acc1.at[pl.ds(s * RPT, RPT)])
    pltpu.sync_copy(zrows, acc2.at[pl.ds(s * RPT, RPT)])
    plsc.subcore_barrier()

    base = wid * EPT

    def chunk(t, _):
        off = pl.multiple_of(base + t * CH, CH)
        pltpu.sync_copy(row_hbm.at[pl.ds(off, CH)], rowb)
        pltpu.sync_copy(col_hbm.at[pl.ds(off, CH)], colb)
        pltpu.sync_copy(e_hbm.at[pl.ds(off, CH)], eb)
        pltpu.async_copy(v_hbm.at[rowb], vb, sem).wait()

        def rowop(j, _):
            for half in (0, 16):
                ev = eb[j, pl.ds(half, 16)]
                vv = vb[j, pl.ds(half, 16)]
                vb[j, pl.ds(half, 16)] = jnp.maximum(vv + ev, 0.0) + 1e-7
                m2b[j, pl.ds(half, 16)] = jnp.maximum(ev, 0.0) + 1e-7
            return 0
        lax.fori_loop(0, CH, rowop, 0)

        pltpu.sync_copy(vb, acc1.at[colb], add=True)
        pltpu.sync_copy(m2b, acc2.at[colb], add=True)
        return 0
    lax.fori_loop(0, CHUNKS, chunk, 0)
    plsc.subcore_barrier()

    pltpu.sync_copy(acc1.at[pl.ds(s * RPT, RPT)], seg1_hbm.at[c, pl.ds(s * RPT, RPT)])
    pltpu.sync_copy(acc2.at[pl.ds(s * RPT, RPT)], seg2_hbm.at[c, pl.ds(s * RPT, RPT)])


@functools.partial(
    pl.kernel,
    out_type=jax.ShapeDtypeStruct((PAD_E, H), jnp.float32),
    mesh=_MESH,
    scratch_types=[
        pltpu.VMEM((CH,), jnp.int32),
        pltpu.VMEM((CH, H), jnp.float32),
        pltpu.SemaphoreType.DMA,
    ],
    compiler_params=_SC_PARAMS,
)
def _sc_gather(table_hbm, idx_hbm, out_hbm, idxb, rowsb, sem):
    c = lax.axis_index("c")
    s = lax.axis_index("s")
    base = (c * NS + s) * EPT

    def chunk(t, _):
        off = pl.multiple_of(base + t * CH, CH)
        pltpu.sync_copy(idx_hbm.at[pl.ds(off, CH)], idxb)
        pltpu.async_copy(table_hbm.at[idxb], rowsb, sem).wait()
        pltpu.sync_copy(rowsb, out_hbm.at[pl.ds(off, CH)])
        return 0
    lax.fori_loop(0, CHUNKS, chunk, 0)



def _dense_mlp_kernel(x_ref, w1_ref, b1_ref, g_ref, beta_ref, w2_ref, b2_ref, o_ref):
    h = jnp.dot(x_ref[...], w1_ref[...], preferred_element_type=jnp.float32, precision=lax.Precision.HIGHEST) + b1_ref[...]
    mu = jnp.mean(h, axis=0, keepdims=True)
    var = jnp.mean((h - mu) * (h - mu), axis=0, keepdims=True)
    hn = (h - mu) * lax.rsqrt(var + 1e-5) * g_ref[...] + beta_ref[...]
    o_ref[...] = jnp.dot(jnp.maximum(hn, 0.0), w2_ref[...],
                         preferred_element_type=jnp.float32, precision=lax.Precision.HIGHEST) + b2_ref[...]


def _mlp_small(xa, p):
    dout = p["W2"].shape[1]
    return pl.pallas_call(
        _dense_mlp_kernel,
        out_shape=jax.ShapeDtypeStruct((xa.shape[0], dout), jnp.float32),
    )(xa, p["W1"], p["b1"].reshape(1, -1), p["g"].reshape(1, -1),
      p["beta"].reshape(1, -1), p["W2"], p["b2"].reshape(1, -1))


def _stats_kernel(nrows, x_ref, w1_ref, b1_ref, s_ref, q_ref, c_ref):
    i = pl.program_id(0)
    h = jnp.dot(x_ref[...], w1_ref[...], preferred_element_type=jnp.float32, precision=lax.Precision.HIGHEST) + b1_ref[...]

    @pl.when(i == 0)
    def _():
        c_ref[...] = jnp.mean(h, axis=0, keepdims=True)
        s_ref[...] = jnp.zeros_like(s_ref)
        q_ref[...] = jnp.zeros_like(q_ref)

    rows = i * BE + lax.broadcasted_iota(jnp.int32, (BE, 1), 0)
    d = jnp.where(rows < nrows, h - c_ref[...], 0.0)
    s_ref[...] += jnp.sum(d, axis=0, keepdims=True)
    q_ref[...] += jnp.sum(d * d, axis=0, keepdims=True)


def _stats_call(xa, w1, b1, nrows):
    din = xa.shape[1]
    return pl.pallas_call(
        functools.partial(_stats_kernel, nrows),
        grid=(NBLK,),
        in_specs=[
            pl.BlockSpec((BE, din), lambda i: (i, 0)),
            pl.BlockSpec((din, MLP_H), lambda i: (0, 0)),
            pl.BlockSpec((1, MLP_H), lambda i: (0, 0)),
        ],
        out_specs=[
            pl.BlockSpec((1, MLP_H), lambda i: (0, 0)),
            pl.BlockSpec((1, MLP_H), lambda i: (0, 0)),
            pl.BlockSpec((1, MLP_H), lambda i: (0, 0)),
        ],
        out_shape=[
            jax.ShapeDtypeStruct((1, MLP_H), jnp.float32),
            jax.ShapeDtypeStruct((1, MLP_H), jnp.float32),
            jax.ShapeDtypeStruct((1, MLP_H), jnp.float32),
        ],
    )(xa, w1, b1.reshape(1, -1))


def _apply_kernel(nrows, x_ref, w1_ref, b1_ref, g_ref, beta_ref, w2_ref, b2_ref,
                  s_ref, q_ref, c_ref, o_ref):
    h = jnp.dot(x_ref[...], w1_ref[...], preferred_element_type=jnp.float32, precision=lax.Precision.HIGHEST) + b1_ref[...]
    ds = s_ref[...] * (1.0 / nrows)
    mu = c_ref[...] + ds
    var = q_ref[...] * (1.0 / nrows) - ds * ds
    hn = (h - mu) * lax.rsqrt(var + 1e-5) * g_ref[...] + beta_ref[...]
    o_ref[...] = jnp.dot(jnp.maximum(hn, 0.0), w2_ref[...],
                         preferred_element_type=jnp.float32, precision=lax.Precision.HIGHEST) + b2_ref[...]


def _apply_call(xa, p, stats, nrows):
    din = xa.shape[1]
    dout = p["W2"].shape[1]
    return pl.pallas_call(
        functools.partial(_apply_kernel, nrows),
        grid=(NBLK,),
        in_specs=[
            pl.BlockSpec((BE, din), lambda i: (i, 0)),
            pl.BlockSpec((din, MLP_H), lambda i: (0, 0)),
            pl.BlockSpec((1, MLP_H), lambda i: (0, 0)),
            pl.BlockSpec((1, MLP_H), lambda i: (0, 0)),
            pl.BlockSpec((1, MLP_H), lambda i: (0, 0)),
            pl.BlockSpec((MLP_H, dout), lambda i: (0, 0)),
            pl.BlockSpec((1, dout), lambda i: (0, 0)),
            pl.BlockSpec((1, MLP_H), lambda i: (0, 0)),
            pl.BlockSpec((1, MLP_H), lambda i: (0, 0)),
            pl.BlockSpec((1, MLP_H), lambda i: (0, 0)),
        ],
        out_specs=pl.BlockSpec((BE, dout), lambda i: (i, 0)),
        out_shape=jax.ShapeDtypeStruct((PAD_E, dout), jnp.float32),
    )(xa, p["W1"], p["b1"].reshape(1, -1), p["g"].reshape(1, -1),
      p["beta"].reshape(1, -1), p["W2"], p["b2"].reshape(1, -1),
      stats[0], stats[1], stats[2])


BN = 1264


def _node_update_kernel(v_ref, s1_ref, s2_ref, wn_ref, bn_ref, we_ref,
                        vo_ref, z_ref):
    seg1 = s1_ref[0] + s1_ref[1]
    vo_ref[...] = v_ref[...] + jnp.maximum(
        jnp.dot(v_ref[...] + seg1, wn_ref[...],
                preferred_element_type=jnp.float32, precision=lax.Precision.HIGHEST) + bn_ref[...], 0.0)
    seg2 = s2_ref[0] + s2_ref[1]
    z_ref[...] = jnp.dot(seg2, we_ref[...], preferred_element_type=jnp.float32, precision=lax.Precision.HIGHEST)


def _node_update(v, seg1, seg2, wn, bn, we):
    return pl.pallas_call(
        _node_update_kernel,
        grid=(NROWS // BN,),
        in_specs=[
            pl.BlockSpec((BN, H), lambda i: (i, 0)),
            pl.BlockSpec((2, BN, H), lambda i: (0, i, 0)),
            pl.BlockSpec((2, BN, H), lambda i: (0, i, 0)),
            pl.BlockSpec((H, H), lambda i: (0, 0)),
            pl.BlockSpec((1, H), lambda i: (0, 0)),
            pl.BlockSpec((H, H), lambda i: (0, 0)),
        ],
        out_specs=(
            pl.BlockSpec((BN, H), lambda i: (i, 0)),
            pl.BlockSpec((BN, H), lambda i: (i, 0)),
        ),
        out_shape=(
            jax.ShapeDtypeStruct((NROWS, H), jnp.float32),
            jax.ShapeDtypeStruct((NROWS, H), jnp.float32),
        ),
    )(v, seg1, seg2, wn, bn.reshape(1, -1), we)


def _edge_update_kernel(e_ref, gz_ref, we_ref, be_ref, o_ref):
    o_ref[...] = e_ref[...] + jnp.maximum(
        jnp.dot(e_ref[...], we_ref[...], preferred_element_type=jnp.float32, precision=lax.Precision.HIGHEST)
        + gz_ref[...] + be_ref[...], 0.0)


def _edge_update(e, gz, we, be):
    return pl.pallas_call(
        _edge_update_kernel,
        grid=(NBLK,),
        in_specs=[
            pl.BlockSpec((BE, H), lambda i: (i, 0)),
            pl.BlockSpec((BE, H), lambda i: (i, 0)),
            pl.BlockSpec((H, H), lambda i: (0, 0)),
            pl.BlockSpec((1, H), lambda i: (0, 0)),
        ],
        out_specs=pl.BlockSpec((BE, H), lambda i: (i, 0)),
        out_shape=jax.ShapeDtypeStruct((PAD_E, H), jnp.float32),
    )(e, gz, we, be.reshape(1, -1))



def kernel(x, edge_index, edge_attr, params):
    p = params
    ei = edge_index.astype(jnp.int32)
    row = ei[0]
    col = ei[1]
    perm = jnp.argsort(row * N + col, stable=True).astype(jnp.int32)

    pad = PAD_E - E
    row_p = jnp.concatenate([row, jnp.zeros((pad,), jnp.int32)])
    col_p = jnp.concatenate([col, jnp.full((pad,), N, jnp.int32)])
    perm_p = jnp.concatenate([perm, jnp.zeros((pad,), jnp.int32)])
    ea_p = jnp.concatenate(
        [edge_attr.astype(jnp.float32), jnp.zeros((pad, D_EDGE), jnp.float32)])

    v = jnp.concatenate(
        [_mlp_small(x, p["enc_n"]), jnp.zeros((NROWS - N, H), jnp.float32)])
    e = _apply_call(ea_p, p["enc_e"],
                    _stats_call(ea_p, p["enc_e"]["W1"], p["enc_e"]["b1"], E),
                    E)

    for l in range(L_LAYERS):
        seg1, seg2 = _sc_messages(e, v, row_p, col_p)
        v, z = _node_update(v, seg1, seg2, p["Wn"][l], p["bn"][l], p["We"][l])
        gz = _sc_gather(z, row_p)
        e = _edge_update(e, gz, p["We"][l], p["be"][l])

    node_out = _mlp_small(v[:N], p["dec_n"])

    es = _sc_gather(e, perm_p)
    edge_out = _apply_call(es, p["dec_e"],
                           _stats_call(e, p["dec_e"]["W1"], p["dec_e"]["b1"], E),
                           E)
    return node_out, edge_out[:E]

# --- scband reference (transcript-rebuilt; emitter-appended) ---
"""Pipeline reference for scband-spco-deep-gcnet-87333864997151 (READ-ONLY COPY).

The authoritative reference and input builder live on the scoring server;
editing this copy changes nothing except your own understanding.
"""

import jax, jax.numpy as jnp
import numpy as np

N = 10000
E = 160000
D_NODE = 128
D_EDGE = 16
H = 32
L = 4
MLP_H = 128
NODE_OUT = 2
EDGE_OUT = 2


def _mlp_params(key, din, dh, dout):
    k1, k2 = jax.random.split(key)
    return {
        "W1": jax.random.normal(k1, (din, dh), dtype=jnp.float32) * 0.1,
        "b1": jnp.zeros((dh,), dtype=jnp.float32),
        "g": jnp.ones((dh,), dtype=jnp.float32),
        "beta": jnp.zeros((dh,), dtype=jnp.float32),
        "W2": jax.random.normal(k2, (dh, dout), dtype=jnp.float32) * 0.1,
        "b2": jnp.zeros((dout,), dtype=jnp.float32),
    }


def setup_inputs(seed: int = 0) -> dict:
    key = jax.random.key(seed)
    ks = jax.random.split(key, 10)
    x = jax.random.normal(ks[0], (N, D_NODE), dtype=jnp.float32)
    edge_index = jax.random.randint(ks[1], (2, E), 0, N).astype(jnp.int64)
    edge_attr = jax.random.normal(ks[2], (E, D_EDGE), dtype=jnp.float32)
    params = {
        "enc_n": _mlp_params(ks[3], D_NODE, MLP_H, H),
        "enc_e": _mlp_params(ks[4], D_EDGE, MLP_H, H),
        "Wn": jax.random.normal(ks[5], (L, H, H), dtype=jnp.float32) * 0.1,
        "bn": jnp.zeros((L, H), dtype=jnp.float32),
        "We": jax.random.normal(ks[6], (L, H, H), dtype=jnp.float32) * 0.1,
        "be": jnp.zeros((L, H), dtype=jnp.float32),
        "dec_n": _mlp_params(ks[7], H, MLP_H, NODE_OUT),
        "dec_e": _mlp_params(ks[8], H, MLP_H, EDGE_OUT),
    }
    return {"x": x, "edge_index": edge_index, "edge_attr": edge_attr, "params": params}


def _mlp(x, p):
    h = x @ p["W1"] + p["b1"]
    mu = jnp.mean(h, axis=0)
    var = jnp.var(h, axis=0)
    h = (h - mu) / jnp.sqrt(var + 1e-5) * p["g"] + p["beta"]
    h = jax.nn.relu(h)
    return h @ p["W2"] + p["b2"]


def _prep(edge_index):
    ei = edge_index.astype(jnp.int64)
    keyv = ei[0] * N + ei[1]
    perm = jnp.argsort(keyv, stable=True)
    row = ei[0][perm]
    col = ei[1][perm]
    return perm, row, col


def _forward(x, edge_attr, params, perm, row, col):
    e_attr = edge_attr[perm]
    v = _mlp(x, params["enc_n"])
    e = _mlp(e_attr, params["enc_e"])
    for l in range(L):
        msg = jax.nn.relu(v[row] + e) + 1e-7
        aggr = jax.ops.segment_sum(msg, col, num_segments=N)
        v = v + jax.nn.relu((v + aggr) @ params["Wn"][l] + params["bn"][l])
        emsg = jax.nn.relu(e) + 1e-7
        eaggr = jax.ops.segment_sum(emsg, col, num_segments=N)[row]
        e = e + jax.nn.relu((e + eaggr) @ params["We"][l] + params["be"][l])
    node_out = _mlp(v, params["dec_n"])
    edge_out = _mlp(e, params["dec_e"])
    return node_out, edge_out


def reference(x, edge_index, edge_attr, params):
    perm, row, col = _prep(edge_index)
    return _forward(
        x,
        edge_attr,
        params,
        perm,
        row,
        col,
    )

if __name__ == "__main__":
    import jax
    _d = setup_inputs()
    print(jax.jit(kernel)(*tuple(_d.values())))

</pallas_src>

<mosaic_0001>
#map = affine_map<(d0, d1) -> (0, 0)>
#map1 = affine_map<(d0, d1) -> (0)>
module attributes {stable_mosaic.version = 14 : i64} {
  func.func @_sc_gather(%arg0: i32, %arg1: i32, %arg2: memref<10112x32xf32, #tpu.memory_space<hbm>>, %arg3: memref<163840xi32, #tpu.memory_space<hbm>>, %arg4: memref<163840x32xf32, #tpu.memory_space<hbm>>, %arg5: memref<128xi32, #tpu.memory_space<vmem>>, %arg6: memref<128x32xf32, #tpu.memory_space<vmem>>, %arg7: memref<!tpu.dma_semaphore, #tpu.memory_space<semaphore_mem>>) attributes {dimension_semantics = [#tpu.dimension_semantics<core_parallel>, #tpu.dimension_semantics<subcore_parallel>], iteration_bounds = array<i64: 2, 16>, scalar_prefetch = 0 : i64, scratch_operands = 3 : i64, tpu.core_type = #tpu.core_type<sc_vector_subcore>, window_params = [{transform_indices = #map}, {transform_indices = #map1}, {transform_indices = #map}]} {
    %mul3A = arith.constant 16 : i32
    %mul3A_0 = arith.muli %arg0, %mul3A : i32
    %add3A = arith.addi %mul3A_0, %arg1 : i32
    %mul3A_1 = arith.constant 5120 : i32
    %mul3A_2 = arith.muli %add3A, %mul3A_1 : i32
    %scan3A = arith.constant 0 : i32
    %scan3A_3 = arith.constant 0 : i32
    %scan3A_4 = arith.constant 40 : i32
    %scan3A_5 = arith.addi %scan3A_3, %scan3A_4 : i32
    %scan3A_6 = arith.constant 1 : i32
    %scan3A_7 = scf.for %scan3A_9 = %scan3A_3 to %scan3A_5 step %scan3A_6 iter_args(%scan3A_10 = %scan3A) -> (i32)  : i32 {
      %mul3A_11 = arith.constant 128 : i32
      %mul3A_12 = arith.muli %scan3A_9, %mul3A_11 : i32
      %add3A_13 = arith.addi %mul3A_2, %mul3A_12 : i32
      %multiple_of3A = tpu.assume_multiple %add3A_13, 128 : i32
      "tpu.region"() ({
        %run_scoped3A = tpu.sem_alloc : memref<!tpu.dma_semaphore, #tpu.memory_space<semaphore_mem>>
        %dma_start3A_19 = tpu.memref_slice %arg3[%multiple_of3A] : memref<163840xi32, #tpu.memory_space<hbm>> -> memref<128xi32, #tpu.memory_space<hbm>>
        %dma_start3A_20 = tpu.memref_slice %arg3[%multiple_of3A] : memref<163840xi32, #tpu.memory_space<hbm>> -> memref<128xi32, #tpu.memory_space<hbm>>
        tpu.enqueue_dma source(%dma_start3A_20 : memref<128xi32, #tpu.memory_space<hbm>>) target(%arg5 : memref<128xi32, #tpu.memory_space<vmem>>) target_semaphore(%run_scoped3A : memref<!tpu.dma_semaphore, #tpu.memory_space<semaphore_mem>>)
        %dma_wait3A_21 = tpu.memref_slice %arg3[%multiple_of3A] : memref<163840xi32, #tpu.memory_space<hbm>> -> memref<128xi32, #tpu.memory_space<hbm>>
        %dma_wait3A_22 = tpu.memref_slice %arg3[%multiple_of3A] : memref<163840xi32, #tpu.memory_space<hbm>> -> memref<128xi32, #tpu.memory_space<hbm>>
        tpu.wait_dma2 semaphore(%run_scoped3A : memref<!tpu.dma_semaphore, #tpu.memory_space<semaphore_mem>>) src(%dma_wait3A_22 : memref<128xi32, #tpu.memory_space<hbm>>) dst(%arg5 : memref<128xi32, #tpu.memory_space<vmem>>)
        tpu.yield
      }) : () -> ()
      %dma_start3A = arith.constant 0 : i32
      %dma_start3A_14 = arith.constant 0 : i32
      %dma_start3A_15 = tpu.memref_slice %arg2[%dma_start3A, %dma_start3A_14] : memref<10112x32xf32, #tpu.memory_space<hbm>> -> memref<10112x32xf32, #tpu.memory_space<hbm>>
      tpu.enqueue_indirect_dma source(%dma_start3A_15 : memref<10112x32xf32, #tpu.memory_space<hbm>>) target(%arg6 : memref<128x32xf32, #tpu.memory_space<vmem>>) offsets(%arg5 : memref<128xi32, #tpu.memory_space<vmem>>) semaphore(%arg7 : memref<!tpu.dma_semaphore, #tpu.memory_space<semaphore_mem>>)
      %dma_wait3A = arith.constant 0 : i32
      %dma_wait3A_16 = arith.constant 0 : i32
      %dma_wait3A_17 = tpu.memref_slice %arg2[%dma_wait3A, %dma_wait3A_16] : memref<10112x32xf32, #tpu.memory_space<hbm>> -> memref<10112x32xf32, #tpu.memory_space<hbm>>
      tpu.wait_indirect_dma semaphore(%arg7 : memref<!tpu.dma_semaphore, #tpu.memory_space<semaphore_mem>>) src(%dma_wait3A_17 : memref<10112x32xf32, #tpu.memory_space<hbm>>) dst(%arg6 : memref<128x32xf32, #tpu.memory_space<vmem>>)
      "tpu.region"() ({
        %run_scoped3A = tpu.sem_alloc : memref<!tpu.dma_semaphore, #tpu.memory_space<semaphore_mem>>
        %dma_start3A_19 = arith.constant 0 : i32
        %dma_start3A_20 = tpu.memref_slice %arg4[%multiple_of3A, %dma_start3A_19] : memref<163840x32xf32, #tpu.memory_space<hbm>> -> memref<128x32xf32, #tpu.memory_space<hbm>>
        %dma_start3A_21 = arith.constant 0 : i32
        %dma_start3A_22 = tpu.memref_slice %arg4[%multiple_of3A, %dma_start3A_21] : memref<163840x32xf32, #tpu.memory_space<hbm>> -> memref<128x32xf32, #tpu.memory_space<hbm>>
        tpu.enqueue_dma source(%arg6 : memref<128x32xf32, #tpu.memory_space<vmem>>) target(%dma_start3A_22 : memref<128x32xf32, #tpu.memory_space<hbm>>) target_semaphore(%run_scoped3A : memref<!tpu.dma_semaphore, #tpu.memory_space<semaphore_mem>>)
        %dma_wait3A_23 = arith.constant 0 : i32
        %dma_wait3A_24 = tpu.memref_slice %arg4[%multiple_of3A, %dma_wait3A_23] : memref<163840x32xf32, #tpu.memory_space<hbm>> -> memref<128x32xf32, #tpu.memory_space<hbm>>
        %dma_wait3A_25 = arith.constant 0 : i32
        %dma_wait3A_26 = tpu.memref_slice %arg4[%multiple_of3A, %dma_wait3A_25] : memref<163840x32xf32, #tpu.memory_space<hbm>> -> memref<128x32xf32, #tpu.memory_space<hbm>>
        tpu.wait_dma2 semaphore(%run_scoped3A : memref<!tpu.dma_semaphore, #tpu.memory_space<semaphore_mem>>) src(%arg6 : memref<128x32xf32, #tpu.memory_space<vmem>>) dst(%dma_wait3A_26 : memref<128x32xf32, #tpu.memory_space<hbm>>)
        tpu.yield
      }) : () -> ()
      %scan3A_18 = arith.constant 0 : i32
      scf.yield %scan3A_18 : i32
    }
    %scan3A_8 = arith.constant 40 : i32
    return
  }
}

#map = affine_map<(d0, d1) -> (0, 0)>
#map1 = affine_map<(d0, d1) -> (0)>
module attributes {stable_mosaic.version = 14 : i64} {
  func.func @_sc_gather(%arg0: i32, %arg1: i32, %arg2: memref<10112x32xf32, #tpu.memory_space<hbm>>, %arg3: memref<163840xi32, #tpu.memory_space<hbm>>, %arg4: memref<163840x32xf32, #tpu.memory_space<hbm>>, %arg5: memref<128xi32, #tpu.memory_space<vmem>>, %arg6: memref<128x32xf32, #tpu.memory_space<vmem>>, %arg7: memref<!tpu.dma_semaphore, #tpu.memory_space<semaphore_mem>>) attributes {dimension_semantics = [#tpu.dimension_semantics<core_parallel>, #tpu.dimension_semantics<subcore_parallel>], iteration_bounds = array<i64: 2, 16>, scalar_prefetch = 0 : i64, scratch_operands = 3 : i64, tpu.core_type = #tpu.core_type<sc_vector_subcore>, window_params = [{transform_indices = #map}, {transform_indices = #map1}, {transform_indices = #map}]} {
    %mul3A = arith.constant 16 : i32
    %mul3A_0 = arith.muli %arg0, %mul3A : i32
    %add3A = arith.addi %mul3A_0, %arg1 : i32
    %mul3A_1 = arith.constant 5120 : i32
    %mul3A_2 = arith.muli %add3A, %mul3A_1 : i32
    %scan3A = arith.constant 0 : i32
    %scan3A_3 = arith.constant 0 : i32
    %scan3A_4 = arith.constant 40 : i32
    %scan3A_5 = arith.addi %scan3A_3, %scan3A_4 : i32
    %scan3A_6 = arith.constant 1 : i32
    %scan3A_7 = scf.for %scan3A_9 = %scan3A_3 to %scan3A_5 step %scan3A_6 iter_args(%scan3A_10 = %scan3A) -> (i32)  : i32 {
      %mul3A_11 = arith.constant 128 : i32
      %mul3A_12 = arith.muli %scan3A_9, %mul3A_11 : i32
      %add3A_13 = arith.addi %mul3A_2, %mul3A_12 : i32
      %multiple_of3A = tpu.assume_multiple %add3A_13, 128 : i32
      "tpu.region"() ({
        %run_scoped3A = tpu.sem_alloc : memref<!tpu.dma_semaphore, #tpu.memory_space<semaphore_mem>>
        %dma_start3A_19 = tpu.memref_slice %arg3[%multiple_of3A] : memref<163840xi32, #tpu.memory_space<hbm>> -> memref<128xi32, #tpu.memory_space<hbm>>
        %dma_start3A_20 = tpu.memref_slice %arg3[%multiple_of3A] : memref<163840xi32, #tpu.memory_space<hbm>> -> memref<128xi32, #tpu.memory_space<hbm>>
        tpu.enqueue_dma source(%dma_start3A_20 : memref<128xi32, #tpu.memory_space<hbm>>) target(%arg5 : memref<128xi32, #tpu.memory_space<vmem>>) target_semaphore(%run_scoped3A : memref<!tpu.dma_semaphore, #tpu.memory_space<semaphore_mem>>)
        %dma_wait3A_21 = tpu.memref_slice %arg3[%multiple_of3A] : memref<163840xi32, #tpu.memory_space<hbm>> -> memref<128xi32, #tpu.memory_space<hbm>>
        %dma_wait3A_22 = tpu.memref_slice %arg3[%multiple_of3A] : memref<163840xi32, #tpu.memory_space<hbm>> -> memref<128xi32, #tpu.memory_space<hbm>>
        tpu.wait_dma2 semaphore(%run_scoped3A : memref<!tpu.dma_semaphore, #tpu.memory_space<semaphore_mem>>) src(%dma_wait3A_22 : memref<128xi32, #tpu.memory_space<hbm>>) dst(%arg5 : memref<128xi32, #tpu.memory_space<vmem>>)
        tpu.yield
      }) : () -> ()
      %dma_start3A = arith.constant 0 : i32
      %dma_start3A_14 = arith.constant 0 : i32
      %dma_start3A_15 = tpu.memref_slice %arg2[%dma_start3A, %dma_start3A_14] : memref<10112x32xf32, #tpu.memory_space<hbm>> -> memref<10112x32xf32, #tpu.memory_space<hbm>>
      tpu.enqueue_indirect_dma source(%dma_start3A_15 : memref<10112x32xf32, #tpu.memory_space<hbm>>) target(%arg6 : memref<128x32xf32, #tpu.memory_space<vmem>>) offsets(%arg5 : memref<128xi32, #tpu.memory_space<vmem>>) semaphore(%arg7 : memref<!tpu.dma_semaphore, #tpu.memory_space<semaphore_mem>>)
      %dma_wait3A = arith.constant 0 : i32
      %dma_wait3A_16 = arith.constant 0 : i32
      %dma_wait3A_17 = tpu.memref_slice %arg2[%dma_wait3A, %dma_wait3A_16] : memref<10112x32xf32, #tpu.memory_space<hbm>> -> memref<10112x32xf32, #tpu.memory_space<hbm>>
      tpu.wait_indirect_dma semaphore(%arg7 : memref<!tpu.dma_semaphore, #tpu.memory_space<semaphore_mem>>) src(%dma_wait3A_17 : memref<10112x32xf32, #tpu.memory_space<hbm>>) dst(%arg6 : memref<128x32xf32, #tpu.memory_space<vmem>>)
      "tpu.region"() ({
        %run_scoped3A = tpu.sem_alloc : memref<!tpu.dma_semaphore, #tpu.memory_space<semaphore_mem>>
        %dma_start3A_19 = arith.constant 0 : i32
        %dma_start3A_20 = tpu.memref_slice %arg4[%multiple_of3A, %dma_start3A_19] : memref<163840x32xf32, #tpu.memory_space<hbm>> -> memref<128x32xf32, #tpu.memory_space<hbm>>
        %dma_start3A_21 = arith.constant 0 : i32
        %dma_start3A_22 = tpu.memref_slice %arg4[%multiple_of3A, %dma_start3A_21] : memref<163840x32xf32, #tpu.memory_space<hbm>> -> memref<128x32xf32, #tpu.memory_space<hbm>>
        tpu.enqueue_dma source(%arg6 : memref<128x32xf32, #tpu.memory_space<vmem>>) target(%dma_start3A_22 : memref<128x32xf32, #tpu.memory_space<hbm>>) target_semaphore(%run_scoped3A : memref<!tpu.dma_semaphore, #tpu.memory_space<semaphore_mem>>)
        %dma_wait3A_23 = arith.constant 0 : i32
        %dma_wait3A_24 = tpu.memref_slice %arg4[%multiple_of3A, %dma_wait3A_23] : memref<163840x32xf32, #tpu.memory_space<hbm>> -> memref<128x32xf32, #tpu.memory_space<hbm>>
        %dma_wait3A_25 = arith.constant 0 : i32
        %dma_wait3A_26 = tpu.memref_slice %arg4[%multiple_of3A, %dma_wait3A_25] : memref<163840x32xf32, #tpu.memory_space<hbm>> -> memref<128x32xf32, #tpu.memory_space<hbm>>
        tpu.wait_dma2 semaphore(%run_scoped3A : memref<!tpu.dma_semaphore, #tpu.memory_space<semaphore_mem>>) src(%arg6 : memref<128x32xf32, #tpu.memory_space<vmem>>) dst(%dma_wait3A_26 : memref<128x32xf32, #tpu.memory_space<hbm>>)
        tpu.yield
      }) : () -> ()
      %scan3A_18 = arith.constant 0 : i32
      scf.yield %scan3A_18 : i32
    }
    %scan3A_8 = arith.constant 40 : i32
    return
  }
}

#map = affine_map<(d0, d1) -> (0, 0)>
#map1 = affine_map<(d0, d1) -> (0)>
#map2 = affine_map<(d0, d1) -> (0, 0, 0)>
module attributes {stable_mosaic.version = 14 : i64} {
  func.func @_sc_messages(%arg0: i32, %arg1: i32, %arg2: memref<163840x32xf32, #tpu.memory_space<hbm>>, %arg3: memref<10112x32xf32, #tpu.memory_space<hbm>>, %arg4: memref<163840xi32, #tpu.memory_space<hbm>>, %arg5: memref<163840xi32, #tpu.memory_space<hbm>>, %arg6: memref<2x10112x32xf32, #tpu.memory_space<hbm>>, %arg7: memref<2x10112x32xf32, #tpu.memory_space<hbm>>, %arg8: memref<128xi32, #tpu.memory_space<vmem>>, %arg9: memref<128xi32, #tpu.memory_space<vmem>>, %arg10: memref<128x32xf32, #tpu.memory_space<vmem>>, %arg11: memref<128x32xf32, #tpu.memory_space<vmem>>, %arg12: memref<128x32xf32, #tpu.memory_space<vmem>>, %arg13: memref<632x32xf32, #tpu.memory_space<vmem>>, %arg14: memref<10112x32xf32, #tpu.memory_space<vmem_shared>>, %arg15: memref<10112x32xf32, #tpu.memory_space<vmem_shared>>, %arg16: memref<!tpu.dma_semaphore, #tpu.memory_space<semaphore_mem>>) attributes {dimension_semantics = [#tpu.dimension_semantics<core_parallel>, #tpu.dimension_semantics<subcore_parallel>], iteration_bounds = array<i64: 2, 16>, scalar_prefetch = 0 : i64, scratch_operands = 9 : i64, tpu.core_type = #tpu.core_type<sc_vector_subcore>, window_params = [{transform_indices = #map}, {transform_indices = #map}, {transform_indices = #map1}, {transform_indices = #map1}, {transform_indices = #map2}, {transform_indices = #map2}]} {
    %mul3A = arith.constant 16 : i32
    %mul3A_0 = arith.muli %arg0, %mul3A : i32
    %add3A = arith.addi %mul3A_0, %arg1 : i32
    %scan3A = arith.constant 0 : i32
    %scan3A_1 = arith.constant 0 : i32
    %scan3A_2 = arith.constant 632 : i32
    %scan3A_3 = arith.addi %scan3A_1, %scan3A_2 : i32
    %scan3A_4 = arith.constant 1 : i32
    %scan3A_5 = scf.for %scan3A_29 = %scan3A_1 to %scan3A_3 step %scan3A_4 iter_args(%scan3A_30 = %scan3A) -> (i32)  : i32 {
      %broadcast_in_dim3A = arith.constant 0.000000e+00 : f32
      %broadcast_in_dim3A_31 = vector.broadcast %broadcast_in_dim3A : f32 to vector<16xf32>
      %swap3A = arith.index_cast %scan3A_29 : i32 to index
      %swap3A_32 = arith.constant 0 : index
      %swap3A_33 = tpu.vector_load %arg13[%swap3A, %swap3A_32] {strides = array<i32>} : memref<632x32xf32, #tpu.memory_space<vmem>>, vector<1x16xf32>,
      %swap3A_34 = vector.shape_cast %swap3A_33 : vector<1x16xf32> to vector<16xf32>
      %swap3A_35 = vector.shape_cast %broadcast_in_dim3A_31 : vector<16xf32> to vector<1x16xf32>
      tpu.vector_store %arg13[%swap3A, %swap3A_32], %swap3A_35 {strides = array<i32>} : memref<632x32xf32, #tpu.memory_space<vmem>>, vector<1x16xf32>,
      %swap3A_36 = arith.index_cast %scan3A_29 : i32 to index
      %swap3A_37 = arith.constant 16 : index
      %swap3A_38 = tpu.vector_load %arg13[%swap3A_36, %swap3A_37] {strides = array<i32>} : memref<632x32xf32, #tpu.memory_space<vmem>>, vector<1x16xf32>,
      %swap3A_39 = vector.shape_cast %swap3A_38 : vector<1x16xf32> to vector<16xf32>
      %swap3A_40 = vector.shape_cast %broadcast_in_dim3A_31 : vector<16xf32> to vector<1x16xf32>
      tpu.vector_store %arg13[%swap3A_36, %swap3A_37], %swap3A_40 {strides = array<i32>} : memref<632x32xf32, #tpu.memory_space<vmem>>, vector<1x16xf32>,
      %scan3A_41 = arith.constant 0 : i32
      scf.yield %scan3A_41 : i32
    }
    %scan3A_6 = arith.constant 632 : i32
    %mul3A_7 = arith.constant 632 : i32
    %mul3A_8 = arith.muli %arg1, %mul3A_7 : i32
    "tpu.region"() ({
      %run_scoped3A = tpu.sem_alloc : memref<!tpu.dma_semaphore, #tpu.memory_space<semaphore_mem>>
      %dma_start3A = arith.constant 0 : i32
      %dma_start3A_29 = tpu.memref_slice %arg14[%mul3A_8, %dma_start3A] : memref<10112x32xf32, #tpu.memory_space<vmem_shared>> -> memref<632x32xf32, #tpu.memory_space<vmem_shared>>
      %dma_start3A_30 = arith.constant 0 : i32
      %dma_start3A_31 = tpu.memref_slice %arg14[%mul3A_8, %dma_start3A_30] : memref<10112x32xf32, #tpu.memory_space<vmem_shared>> -> memref<632x32xf32, #tpu.memory_space<vmem_shared>>
      tpu.enqueue_dma source(%arg13 : memref<632x32xf32, #tpu.memory_space<vmem>>) target(%dma_start3A_31 : memref<632x32xf32, #tpu.memory_space<vmem_shared>>) target_semaphore(%run_scoped3A : memref<!tpu.dma_semaphore, #tpu.memory_space<semaphore_mem>>)
      %dma_wait3A = arith.constant 0 : i32
      %dma_wait3A_32 = tpu.memref_slice %arg14[%mul3A_8, %dma_wait3A] : memref<10112x32xf32, #tpu.memory_space<vmem_shared>> -> memref<632x32xf32, #tpu.memory_space<vmem_shared>>
      %dma_wait3A_33 = arith.constant 0 : i32
      %dma_wait3A_34 = tpu.memref_slice %arg14[%mul3A_8, %dma_wait3A_33] : memref<10112x32xf32, #tpu.memory_space<vmem_shared>> -> memref<632x32xf32, #tpu.memory_space<vmem_shared>>
      tpu.wait_dma2 semaphore(%run_scoped3A : memref<!tpu.dma_semaphore, #tpu.memory_space<semaphore_mem>>) src(%arg13 : memref<632x32xf32, #tpu.memory_space<vmem>>) dst(%dma_wait3A_34 : memref<632x32xf32, #tpu.memory_space<vmem_shared>>)
      tpu.yield
    }) : () -> ()
    %mul3A_9 = arith.constant 632 : i32
    %mul3A_10 = arith.muli %arg1, %mul3A_9 : i32
    "tpu.region"() ({
      %run_scoped3A = tpu.sem_alloc : memref<!tpu.dma_semaphore, #tpu.memory_space<semaphore_mem>>
      %dma_start3A = arith.constant 0 : i32
      %dma_start3A_29 = tpu.memref_slice %arg15[%mul3A_10, %dma_start3A] : memref<10112x32xf32, #tpu.memory_space<vmem_shared>> -> memref<632x32xf32, #tpu.memory_space<vmem_shared>>
      %dma_start3A_30 = arith.constant 0 : i32
      %dma_start3A_31 = tpu.memref_slice %arg15[%mul3A_10, %dma_start3A_30] : memref<10112x32xf32, #tpu.memory_space<vmem_shared>> -> memref<632x32xf32, #tpu.memory_space<vmem_shared>>
      tpu.enqueue_dma source(%arg13 : memref<632x32xf32, #tpu.memory_space<vmem>>) target(%dma_start3A_31 : memref<632x32xf32, #tpu.memory_space<vmem_shared>>) target_semaphore(%run_scoped3A : memref<!tpu.dma_semaphore, #tpu.memory_space<semaphore_mem>>)
      %dma_wait3A = arith.constant 0 : i32
      %dma_wait3A_32 = tpu.memref_slice %arg15[%mul3A_10, %dma_wait3A] : memref<10112x32xf32, #tpu.memory_space<vmem_shared>> -> memref<632x32xf32, #tpu.memory_space<vmem_shared>>
      %dma_wait3A_33 = arith.constant 0 : i32
      %dma_wait3A_34 = tpu.memref_slice %arg15[%mul3A_10, %dma_wait3A_33] : memref<10112x32xf32, #tpu.memory_space<vmem_shared>> -> memref<632x32xf32, #tpu.memory_space<vmem_shared>>
      tpu.wait_dma2 semaphore(%run_scoped3A : memref<!tpu.dma_semaphore, #tpu.memory_space<semaphore_mem>>) src(%arg13 : memref<632x32xf32, #tpu.memory_space<vmem>>) dst(%dma_wait3A_34 : memref<632x32xf32, #tpu.memory_space<vmem_shared>>)
      tpu.yield
    }) : () -> ()
    %barrier3A = arith.constant 0 : index
    tpu.barrier barrier_id(%barrier3A)
    %mul3A_11 = arith.constant 5120 : i32
    %mul3A_12 = arith.muli %add3A, %mul3A_11 : i32
    %scan3A_13 = arith.constant 0 : i32
    %scan3A_14 = arith.constant 0 : i32
    %scan3A_15 = arith.constant 40 : i32
    %scan3A_16 = arith.addi %scan3A_14, %scan3A_15 : i32
    %scan3A_17 = arith.constant 1 : i32
    %scan3A_18 = scf.for %scan3A_29 = %scan3A_14 to %scan3A_16 step %scan3A_17 iter_args(%scan3A_30 = %scan3A_13) -> (i32)  : i32 {
      %mul3A_31 = arith.constant 128 : i32
      %mul3A_32 = arith.muli %scan3A_29, %mul3A_31 : i32
      %add3A_33 = arith.addi %mul3A_12, %mul3A_32 : i32
      %multiple_of3A = tpu.assume_multiple %add3A_33, 128 : i32
      "tpu.region"() ({
        %run_scoped3A = tpu.sem_alloc : memref<!tpu.dma_semaphore, #tpu.memory_space<semaphore_mem>>
        %dma_start3A_46 = tpu.memref_slice %arg4[%multiple_of3A] : memref<163840xi32, #tpu.memory_space<hbm>> -> memref<128xi32, #tpu.memory_space<hbm>>
        %dma_start3A_47 = tpu.memref_slice %arg4[%multiple_of3A] : memref<163840xi32, #tpu.memory_space<hbm>> -> memref<128xi32, #tpu.memory_space<hbm>>
        tpu.enqueue_dma source(%dma_start3A_47 : memref<128xi32, #tpu.memory_space<hbm>>) target(%arg8 : memref<128xi32, #tpu.memory_space<vmem>>) target_semaphore(%run_scoped3A : memref<!tpu.dma_semaphore, #tpu.memory_space<semaphore_mem>>)
        %dma_wait3A_48 = tpu.memref_slice %arg4[%multiple_of3A] : memref<163840xi32, #tpu.memory_space<hbm>> -> memref<128xi32, #tpu.memory_space<hbm>>
        %dma_wait3A_49 = tpu.memref_slice %arg4[%multiple_of3A] : memref<163840xi32, #tpu.memory_space<hbm>> -> memref<128xi32, #tpu.memory_space<hbm>>
        tpu.wait_dma2 semaphore(%run_scoped3A : memref<!tpu.dma_semaphore, #tpu.memory_space<semaphore_mem>>) src(%dma_wait3A_49 : memref<128xi32, #tpu.memory_space<hbm>>) dst(%arg8 : memref<128xi32, #tpu.memory_space<vmem>>)
        tpu.yield
      }) : () -> ()
      "tpu.region"() ({
        %run_scoped3A = tpu.sem_alloc : memref<!tpu.dma_semaphore, #tpu.memory_space<semaphore_mem>>
        %dma_start3A_46 = tpu.memref_slice %arg5[%multiple_of3A] : memref<163840xi32, #tpu.memory_space<hbm>> -> memref<128xi32, #tpu.memory_space<hbm>>
        %dma_start3A_47 = tpu.memref_slice %arg5[%multiple_of3A] : memref<163840xi32, #tpu.memory_space<hbm>> -> memref<128xi32, #tpu.memory_space<hbm>>
        tpu.enqueue_dma source(%dma_start3A_47 : memref<128xi32, #tpu.memory_space<hbm>>) target(%arg9 : memref<128xi32, #tpu.memory_space<vmem>>) target_semaphore(%run_scoped3A : memref<!tpu.dma_semaphore, #tpu.memory_space<semaphore_mem>>)
        %dma_wait3A_48 = tpu.memref_slice %arg5[%multiple_of3A] : memref<163840xi32, #tpu.memory_space<hbm>> -> memref<128xi32, #tpu.memory_space<hbm>>
        %dma_wait3A_49 = tpu.memref_slice %arg5[%multiple_of3A] : memref<163840xi32, #tpu.memory_space<hbm>> -> memref<128xi32, #tpu.memory_space<hbm>>
        tpu.wait_dma2 semaphore(%run_scoped3A : memref<!tpu.dma_semaphore, #tpu.memory_space<semaphore_mem>>) src(%dma_wait3A_49 : memref<128xi32, #tpu.memory_space<hbm>>) dst(%arg9 : memref<128xi32, #tpu.memory_space<vmem>>)
        tpu.yield
      }) : () -> ()
      "tpu.region"() ({
        %run_scoped3A = tpu.sem_alloc : memref<!tpu.dma_semaphore, #tpu.memory_space<semaphore_mem>>
        %dma_start3A_46 = arith.constant 0 : i32
        %dma_start3A_47 = tpu.memref_slice %arg2[%multiple_of3A, %dma_start3A_46] : memref<163840x32xf32, #tpu.memory_space<hbm>> -> memref<128x32xf32, #tpu.memory_space<hbm>>
        %dma_start3A_48 = arith.constant 0 : i32
        %dma_start3A_49 = tpu.memref_slice %arg2[%multiple_of3A, %dma_start3A_48] : memref<163840x32xf32, #tpu.memory_space<hbm>> -> memref<128x32xf32, #tpu.memory_space<hbm>>
        tpu.enqueue_dma source(%dma_start3A_49 : memref<128x32xf32, #tpu.memory_space<hbm>>) target(%arg10 : memref<128x32xf32, #tpu.memory_space<vmem>>) target_semaphore(%run_scoped3A : memref<!tpu.dma_semaphore, #tpu.memory_space<semaphore_mem>>)
        %dma_wait3A_50 = arith.constant 0 : i32
        %dma_wait3A_51 = tpu.memref_slice %arg2[%multiple_of3A, %dma_wait3A_50] : memref<163840x32xf32, #tpu.memory_space<hbm>> -> memref<128x32xf32, #tpu.memory_space<hbm>>
        %dma_wait3A_52 = arith.constant 0 : i32
        %dma_wait3A_53 = tpu.memref_slice %arg2[%multiple_of3A, %dma_wait3A_52] : memref<163840x32xf32, #tpu.memory_space<hbm>> -> memref<128x32xf32, #tpu.memory_space<hbm>>
        tpu.wait_dma2 semaphore(%run_scoped3A : memref<!tpu.dma_semaphore, #tpu.memory_space<semaphore_mem>>) src(%dma_wait3A_53 : memref<128x32xf32, #tpu.memory_space<hbm>>) dst(%arg10 : memref<128x32xf32, #tpu.memory_space<vmem>>)
        tpu.yield
      }) : () -> ()
      %dma_start3A = arith.constant 0 : i32
      %dma_start3A_34 = arith.constant 0 : i32
      %dma_start3A_35 = tpu.memref_slice %arg3[%dma_start3A, %dma_start3A_34] : memref<10112x32xf32, #tpu.memory_space<hbm>> -> memref<10112x32xf32, #tpu.memory_space<hbm>>
      tpu.enqueue_indirect_dma source(%dma_start3A_35 : memref<10112x32xf32, #tpu.memory_space<hbm>>) target(%arg11 : memref<128x32xf32, #tpu.memory_space<vmem>>) offsets(%arg8 : memref<128xi32, #tpu.memory_space<vmem>>) semaphore(%arg16 : memref<!tpu.dma_semaphore, #tpu.memory_space<semaphore_mem>>)
      %dma_wait3A = arith.constant 0 : i32
      %dma_wait3A_36 = arith.constant 0 : i32
      %dma_wait3A_37 = tpu.memref_slice %arg3[%dma_wait3A, %dma_wait3A_36] : memref<10112x32xf32, #tpu.memory_space<hbm>> -> memref<10112x32xf32, #tpu.memory_space<hbm>>
      tpu.wait_indirect_dma semaphore(%arg16 : memref<!tpu.dma_semaphore, #tpu.memory_space<semaphore_mem>>) src(%dma_wait3A_37 : memref<10112x32xf32, #tpu.memory_space<hbm>>) dst(%arg11 : memref<128x32xf32, #tpu.memory_space<vmem>>)
      %scan3A_38 = arith.constant 0 : i32
      %scan3A_39 = arith.constant 0 : i32
      %scan3A_40 = arith.constant 128 : i32
      %scan3A_41 = arith.addi %scan3A_39, %scan3A_40 : i32
      %scan3A_42 = arith.constant 1 : i32
      %scan3A_43 = scf.for %scan3A_46 = %scan3A_39 to %scan3A_41 step %scan3A_42 iter_args(%scan3A_47 = %scan3A_38) -> (i32)  : i32 {
        %get3A = arith.index_cast %scan3A_46 : i32 to index
        %get3A_48 = arith.constant 0 : index
        %get3A_49 = tpu.vector_load %arg10[%get3A, %get3A_48] {strides = array<i32>} : memref<128x32xf32, #tpu.memory_space<vmem>>, vector<1x16xf32>,
        %get3A_50 = vector.shape_cast %get3A_49 : vector<1x16xf32> to vector<16xf32>
        %get3A_51 = arith.index_cast %scan3A_46 : i32 to index
        %get3A_52 = arith.constant 0 : index
        %get3A_53 = tpu.vector_load %arg11[%get3A_51, %get3A_52] {strides = array<i32>} : memref<128x32xf32, #tpu.memory_space<vmem>>, vector<1x16xf32>,
        %get3A_54 = vector.shape_cast %get3A_53 : vector<1x16xf32> to vector<16xf32>
        %add3A_55 = arith.addf %get3A_54, %get3A_50 : vector<16xf32>
        %max3A = arith.constant 0.000000e+00 : f32
        %max3A_56 = vector.broadcast %max3A : f32 to vector<16xf32>
        %max3A_57 = arith.maximumf %add3A_55, %max3A_56 : vector<16xf32>
        %add3A_58 = arith.constant 1.000000e-07 : f32
        %add3A_59 = vector.broadcast %add3A_58 : f32 to vector<16xf32>
        %add3A_60 = arith.addf %max3A_57, %add3A_59 : vector<16xf32>
        %swap3A = arith.index_cast %scan3A_46 : i32 to index
        %swap3A_61 = arith.constant 0 : index
        %swap3A_62 = tpu.vector_load %arg11[%swap3A, %swap3A_61] {strides = array<i32>} : memref<128x32xf32, #tpu.memory_space<vmem>>, vector<1x16xf32>,
        %swap3A_63 = vector.shape_cast %swap3A_62 : vector<1x16xf32> to vector<16xf32>
        %swap3A_64 = vector.shape_cast %add3A_60 : vector<16xf32> to vector<1x16xf32>
        tpu.vector_store %arg11[%swap3A, %swap3A_61], %swap3A_64 {strides = array<i32>} : memref<128x32xf32, #tpu.memory_space<vmem>>, vector<1x16xf32>,
        %max3A_65 = arith.constant 0.000000e+00 : f32
        %max3A_66 = vector.broadcast %max3A_65 : f32 to vector<16xf32>
        %max3A_67 = arith.maximumf %get3A_50, %max3A_66 : vector<16xf32>
        %add3A_68 = arith.constant 1.000000e-07 : f32
        %add3A_69 = vector.broadcast %add3A_68 : f32 to vector<16xf32>
        %add3A_70 = arith.addf %max3A_67, %add3A_69 : vector<16xf32>
        %swap3A_71 = arith.index_cast %scan3A_46 : i32 to index
        %swap3A_72 = arith.constant 0 : index
        %swap3A_73 = tpu.vector_load %arg12[%swap3A_71, %swap3A_72] {strides = array<i32>} : memref<128x32xf32, #tpu.memory_space<vmem>>, vector<1x16xf32>,
        %swap3A_74 = vector.shape_cast %swap3A_73 : vector<1x16xf32> to vector<16xf32>
        %swap3A_75 = vector.shape_cast %add3A_70 : vector<16xf32> to vector<1x16xf32>
        tpu.vector_store %arg12[%swap3A_71, %swap3A_72], %swap3A_75 {strides = array<i32>} : memref<128x32xf32, #tpu.memory_space<vmem>>, vector<1x16xf32>,
        %get3A_76 = arith.index_cast %scan3A_46 : i32 to index
        %get3A_77 = arith.constant 16 : index
        %get3A_78 = tpu.vector_load %arg10[%get3A_76, %get3A_77] {strides = array<i32>} : memref<128x32xf32, #tpu.memory_space<vmem>>, vector<1x16xf32>,
        %get3A_79 = vector.shape_cast %get3A_78 : vector<1x16xf32> to vector<16xf32>
        %get3A_80 = arith.index_cast %scan3A_46 : i32 to index
        %get3A_81 = arith.constant 16 : index
        %get3A_82 = tpu.vector_load %arg11[%get3A_80, %get3A_81] {strides = array<i32>} : memref<128x32xf32, #tpu.memory_space<vmem>>, vector<1x16xf32>,
        %get3A_83 = vector.shape_cast %get3A_82 : vector<1x16xf32> to vector<16xf32>
        %add3A_84 = arith.addf %get3A_83, %get3A_79 : vector<16xf32>
        %max3A_85 = arith.constant 0.000000e+00 : f32
        %max3A_86 = vector.broadcast %max3A_85 : f32 to vector<16xf32>
        %max3A_87 = arith.maximumf %add3A_84, %max3A_86 : vector<16xf32>
        %add3A_88 = arith.constant 1.000000e-07 : f32
        %add3A_89 = vector.broadcast %add3A_88 : f32 to vector<16xf32>
        %add3A_90 = arith.addf %max3A_87, %add3A_89 : vector<16xf32>
        %swap3A_91 = arith.index_cast %scan3A_46 : i32 to index
        %swap3A_92 = arith.constant 16 : index
        %swap3A_93 = tpu.vector_load %arg11[%swap3A_91, %swap3A_92] {strides = array<i32>} : memref<128x32xf32, #tpu.memory_space<vmem>>, vector<1x16xf32>,
        %swap3A_94 = vector.shape_cast %swap3A_93 : vector<1x16xf32> to vector<16xf32>
        %swap3A_95 = vector.shape_cast %add3A_90 : vector<16xf32> to vector<1x16xf32>
        tpu.vector_store %arg11[%swap3A_91, %swap3A_92], %swap3A_95 {strides = array<i32>} : memref<128x32xf32, #tpu.memory_space<vmem>>, vector<1x16xf32>,
        %max3A_96 = arith.constant 0.000000e+00 : f32
        %max3A_97 = vector.broadcast %max3A_96 : f32 to vector<16xf32>
        %max3A_98 = arith.maximumf %get3A_79, %max3A_97 : vector<16xf32>
        %add3A_99 = arith.constant 1.000000e-07 : f32
        %add3A_100 = vector.broadcast %add3A_99 : f32 to vector<16xf32>
        %add3A_101 = arith.addf %max3A_98, %add3A_100 : vector<16xf32>
        %swap3A_102 = arith.index_cast %scan3A_46 : i32 to index
        %swap3A_103 = arith.constant 16 : index
        %swap3A_104 = tpu.vector_load %arg12[%swap3A_102, %swap3A_103] {strides = array<i32>} : memref<128x32xf32, #tpu.memory_space<vmem>>, vector<1x16xf32>,
        %swap3A_105 = vector.shape_cast %swap3A_104 : vector<1x16xf32> to vector<16xf32>
        %swap3A_106 = vector.shape_cast %add3A_101 : vector<16xf32> to vector<1x16xf32>
        tpu.vector_store %arg12[%swap3A_102, %swap3A_103], %swap3A_106 {strides = array<i32>} : memref<128x32xf32, #tpu.memory_space<vmem>>, vector<1x16xf32>,
        %scan3A_107 = arith.constant 0 : i32
        scf.yield %scan3A_107 : i32
      }
      %scan3A_44 = arith.constant 128 : i32
      "tpu.region"() ({
        %run_scoped3A = tpu.sem_alloc : memref<!tpu.dma_semaphore, #tpu.memory_space<semaphore_mem>>
        %dma_start3A_46 = arith.constant 0 : i32
        %dma_start3A_47 = arith.constant 0 : i32
        %dma_start3A_48 = tpu.memref_slice %arg14[%dma_start3A_46, %dma_start3A_47] : memref<10112x32xf32, #tpu.memory_space<vmem_shared>> -> memref<10112x32xf32, #tpu.memory_space<vmem_shared>>
        tpu.enqueue_indirect_dma source(%arg11 : memref<128x32xf32, #tpu.memory_space<vmem>>) target(%dma_start3A_48 : memref<10112x32xf32, #tpu.memory_space<vmem_shared>>) offsets(%arg9 : memref<128xi32, #tpu.memory_space<vmem>>) semaphore(%run_scoped3A : memref<!tpu.dma_semaphore, #tpu.memory_space<semaphore_mem>>) {add = true}
        %dma_wait3A_49 = arith.constant 0 : i32
        %dma_wait3A_50 = arith.constant 0 : i32
        %dma_wait3A_51 = tpu.memref_slice %arg14[%dma_wait3A_49, %dma_wait3A_50] : memref<10112x32xf32, #tpu.memory_space<vmem_shared>> -> memref<10112x32xf32, #tpu.memory_space<vmem_shared>>
        tpu.wait_indirect_dma semaphore(%run_scoped3A : memref<!tpu.dma_semaphore, #tpu.memory_space<semaphore_mem>>) src(%arg11 : memref<128x32xf32, #tpu.memory_space<vmem>>) dst(%dma_wait3A_51 : memref<10112x32xf32, #tpu.memory_space<vmem_shared>>)
        tpu.yield
      }) : () -> ()
      "tpu.region"() ({
        %run_scoped3A = tpu.sem_alloc : memref<!tpu.dma_semaphore, #tpu.memory_space<semaphore_mem>>
        %dma_start3A_46 = arith.constant 0 : i32
        %dma_start3A_47 = arith.constant 0 : i32
        %dma_start3A_48 = tpu.memref_slice %arg15[%dma_start3A_46, %dma_start3A_47] : memref<10112x32xf32, #tpu.memory_space<vmem_shared>> -> memref<10112x32xf32, #tpu.memory_space<vmem_shared>>
        tpu.enqueue_indirect_dma source(%arg12 : memref<128x32xf32, #tpu.memory_space<vmem>>) target(%dma_start3A_48 : memref<10112x32xf32, #tpu.memory_space<vmem_shared>>) offsets(%arg9 : memref<128xi32, #tpu.memory_space<vmem>>) semaphore(%run_scoped3A : memref<!tpu.dma_semaphore, #tpu.memory_space<semaphore_mem>>) {add = true}
        %dma_wait3A_49 = arith.constant 0 : i32
        %dma_wait3A_50 = arith.constant 0 : i32
        %dma_wait3A_51 = tpu.memref_slice %arg15[%dma_wait3A_49, %dma_wait3A_50] : memref<10112x32xf32, #tpu.memory_space<vmem_shared>> -> memref<10112x32xf32, #tpu.memory_space<vmem_shared>>
        tpu.wait_indirect_dma semaphore(%run_scoped3A : memref<!tpu.dma_semaphore, #tpu.memory_space<semaphore_mem>>) src(%arg12 : memref<128x32xf32, #tpu.memory_space<vmem>>) dst(%dma_wait3A_51 : memref<10112x32xf32, #tpu.memory_space<vmem_shared>>)
        tpu.yield
      }) : () -> ()
      %scan3A_45 = arith.constant 0 : i32
      scf.yield %scan3A_45 : i32
    }
    %scan3A_19 = arith.constant 40 : i32
    %barrier3A_20 = arith.constant 0 : index
    tpu.barrier barrier_id(%barrier3A_20)
    %mul3A_21 = arith.constant 632 : i32
    %mul3A_22 = arith.muli %arg1, %mul3A_21 : i32
    %mul3A_23 = arith.constant 632 : i32
    %mul3A_24 = arith.muli %arg1, %mul3A_23 : i32
    "tpu.region"() ({
      %run_scoped3A = tpu.sem_alloc : memref<!tpu.dma_semaphore, #tpu.memory_space<semaphore_mem>>
      %dma_start3A = arith.constant 0 : i32
      %dma_start3A_29 = tpu.memref_slice %arg6[%arg0, %mul3A_24, %dma_start3A] : memref<2x10112x32xf32, #tpu.memory_space<hbm>> -> memref<1x632x32xf32, #tpu.memory_space<hbm>>
      %dma_start3A_30 = tpu.memref_squeeze %dma_start3A_29 : memref<1x632x32xf32, #tpu.memory_space<hbm>> -> memref<632x32xf32, #tpu.memory_space<hbm>>
      %dma_start3A_31 = arith.constant 0 : i32
      %dma_start3A_32 = tpu.memref_slice %arg14[%mul3A_22, %dma_start3A_31] : memref<10112x32xf32, #tpu.memory_space<vmem_shared>> -> memref<632x32xf32, #tpu.memory_space<vmem_shared>>
      tpu.enqueue_dma source(%dma_start3A_32 : memref<632x32xf32, #tpu.memory_space<vmem_shared>>) target(%dma_start3A_30 : memref<632x32xf32, #tpu.memory_space<hbm>>) target_semaphore(%run_scoped3A : memref<!tpu.dma_semaphore, #tpu.memory_space<semaphore_mem>>)
      %dma_wait3A = arith.constant 0 : i32
      %dma_wait3A_33 = tpu.memref_slice %arg6[%arg0, %mul3A_24, %dma_wait3A] : memref<2x10112x32xf32, #tpu.memory_space<hbm>> -> memref<1x632x32xf32, #tpu.memory_space<hbm>>
      %dma_wait3A_34 = tpu.memref_squeeze %dma_wait3A_33 : memref<1x632x32xf32, #tpu.memory_space<hbm>> -> memref<632x32xf32, #tpu.memory_space<hbm>>
      %dma_wait3A_35 = arith.constant 0 : i32
      %dma_wait3A_36 = tpu.memref_slice %arg14[%mul3A_22, %dma_wait3A_35] : memref<10112x32xf32, #tpu.memory_space<vmem_shared>> -> memref<632x32xf32, #tpu.memory_space<vmem_shared>>
      tpu.wait_dma2 semaphore(%run_scoped3A : memref<!tpu.dma_semaphore, #tpu.memory_space<semaphore_mem>>) src(%dma_wait3A_36 : memref<632x32xf32, #tpu.memory_space<vmem_shared>>) dst(%dma_wait3A_34 : memref<632x32xf32, #tpu.memory_space<hbm>>)
      tpu.yield
    }) : () -> ()
    %mul3A_25 = arith.constant 632 : i32
    %mul3A_26 = arith.muli %arg1, %mul3A_25 : i32
    %mul3A_27 = arith.constant 632 : i32
    %mul3A_28 = arith.muli %arg1, %mul3A_27 : i32
    "tpu.region"() ({
      %run_scoped3A = tpu.sem_alloc : memref<!tpu.dma_semaphore, #tpu.memory_space<semaphore_mem>>
      %dma_start3A = arith.constant 0 : i32
      %dma_start3A_29 = tpu.memref_slice %arg7[%arg0, %mul3A_28, %dma_start3A] : memref<2x10112x32xf32, #tpu.memory_space<hbm>> -> memref<1x632x32xf32, #tpu.memory_space<hbm>>
      %dma_start3A_30 = tpu.memref_squeeze %dma_start3A_29 : memref<1x632x32xf32, #tpu.memory_space<hbm>> -> memref<632x32xf32, #tpu.memory_space<hbm>>
      %dma_start3A_31 = arith.constant 0 : i32
      %dma_start3A_32 = tpu.memref_slice %arg15[%mul3A_26, %dma_start3A_31] : memref<10112x32xf32, #tpu.memory_space<vmem_shared>> -> memref<632x32xf32, #tpu.memory_space<vmem_shared>>
      tpu.enqueue_dma source(%dma_start3A_32 : memref<632x32xf32, #tpu.memory_space<vmem_shared>>) target(%dma_start3A_30 : memref<632x32xf32, #tpu.memory_space<hbm>>) target_semaphore(%run_scoped3A : memref<!tpu.dma_semaphore, #tpu.memory_space<semaphore_mem>>)
      %dma_wait3A = arith.constant 0 : i32
      %dma_wait3A_33 = tpu.memref_slice %arg7[%arg0, %mul3A_28, %dma_wait3A] : memref<2x10112x32xf32, #tpu.memory_space<hbm>> -> memref<1x632x32xf32, #tpu.memory_space<hbm>>
      %dma_wait3A_34 = tpu.memref_squeeze %dma_wait3A_33 : memref<1x632x32xf32, #tpu.memory_space<hbm>> -> memref<632x32xf32, #tpu.memory_space<hbm>>
      %dma_wait3A_35 = arith.constant 0 : i32
      %dma_wait3A_36 = tpu.memref_slice %arg15[%mul3A_26, %dma_wait3A_35] : memref<10112x32xf32, #tpu.memory_space<vmem_shared>> -> memref<632x32xf32, #tpu.memory_space<vmem_shared>>
      tpu.wait_dma2 semaphore(%run_scoped3A : memref<!tpu.dma_semaphore, #tpu.memory_space<semaphore_mem>>) src(%dma_wait3A_36 : memref<632x32xf32, #tpu.memory_space<vmem_shared>>) dst(%dma_wait3A_34 : memref<632x32xf32, #tpu.memory_space<hbm>>)
      tpu.yield
    }) : () -> ()
    return
  }
}

#map = affine_map<(d0, d1) -> (0, 0)>
#map1 = affine_map<(d0, d1) -> (0)>
#map2 = affine_map<(d0, d1) -> (0, 0, 0)>
module attributes {stable_mosaic.version = 14 : i64} {
  func.func @_sc_messages(%arg0: i32, %arg1: i32, %arg2: memref<163840x32xf32, #tpu.memory_space<hbm>>, %arg3: memref<10112x32xf32, #tpu.memory_space<hbm>>, %arg4: memref<163840xi32, #tpu.memory_space<hbm>>, %arg5: memref<163840xi32, #tpu.memory_space<hbm>>, %arg6: memref<2x10112x32xf32, #tpu.memory_space<hbm>>, %arg7: memref<2x10112x32xf32, #tpu.memory_space<hbm>>, %arg8: memref<128xi32, #tpu.memory_space<vmem>>, %arg9: memref<128xi32, #tpu.memory_space<vmem>>, %arg10: memref<128x32xf32, #tpu.memory_space<vmem>>, %arg11: memref<128x32xf32, #tpu.memory_space<vmem>>, %arg12: memref<128x32xf32, #tpu.memory_space<vmem>>, %arg13: memref<632x32xf32, #tpu.memory_space<vmem>>, %arg14: memref<10112x32xf32, #tpu.memory_space<vmem_shared>>, %arg15: memref<10112x32xf32, #tpu.memory_space<vmem_shared>>, %arg16: memref<!tpu.dma_semaphore, #tpu.memory_space<semaphore_mem>>) attributes {dimension_semantics = [#tpu.dimension_semantics<core_parallel>, #tpu.dimension_semantics<subcore_parallel>], iteration_bounds = array<i64: 2, 16>, scalar_prefetch = 0 : i64, scratch_operands = 9 : i64, tpu.core_type = #tpu.core_type<sc_vector_subcore>, window_params = [{transform_indices = #map}, {transform_indices = #map}, {transform_indices = #map1}, {transform_indices = #map1}, {transform_indices = #map2}, {transform_indices = #map2}]} {
    %mul3A = arith.constant 16 : i32
    %mul3A_0 = arith.muli %arg0, %mul3A : i32
    %add3A = arith.addi %mul3A_0, %arg1 : i32
    %scan3A = arith.constant 0 : i32
    %scan3A_1 = arith.constant 0 : i32
    %scan3A_2 = arith.constant 632 : i32
    %scan3A_3 = arith.addi %scan3A_1, %scan3A_2 : i32
    %scan3A_4 = arith.constant 1 : i32
    %scan3A_5 = scf.for %scan3A_29 = %scan3A_1 to %scan3A_3 step %scan3A_4 iter_args(%scan3A_30 = %scan3A) -> (i32)  : i32 {
      %broadcast_in_dim3A = arith.constant 0.000000e+00 : f32
      %broadcast_in_dim3A_31 = vector.broadcast %broadcast_in_dim3A : f32 to vector<16xf32>
      %swap3A = arith.index_cast %scan3A_29 : i32 to index
      %swap3A_32 = arith.constant 0 : index
      %swap3A_33 = tpu.vector_load %arg13[%swap3A, %swap3A_32] {strides = array<i32>} : memref<632x32xf32, #tpu.memory_space<vmem>>, vector<1x16xf32>,
      %swap3A_34 = vector.shape_cast %swap3A_33 : vector<1x16xf32> to vector<16xf32>
      %swap3A_35 = vector.shape_cast %broadcast_in_dim3A_31 : vector<16xf32> to vector<1x16xf32>
      tpu.vector_store %arg13[%swap3A, %swap3A_32], %swap3A_35 {strides = array<i32>} : memref<632x32xf32, #tpu.memory_space<vmem>>, vector<1x16xf32>,
      %swap3A_36 = arith.index_cast %scan3A_29 : i32 to index
      %swap3A_37 = arith.constant 16 : index
      %swap3A_38 = tpu.vector_load %arg13[%swap3A_36, %swap3A_37] {strides = array<i32>} : memref<632x32xf32, #tpu.memory_space<vmem>>, vector<1x16xf32>,
      %swap3A_39 = vector.shape_cast %swap3A_38 : vector<1x16xf32> to vector<16xf32>
      %swap3A_40 = vector.shape_cast %broadcast_in_dim3A_31 : vector<16xf32> to vector<1x16xf32>
      tpu.vector_store %arg13[%swap3A_36, %swap3A_37], %swap3A_40 {strides = array<i32>} : memref<632x32xf32, #tpu.memory_space<vmem>>, vector<1x16xf32>,
      %scan3A_41 = arith.constant 0 : i32
      scf.yield %scan3A_41 : i32
    }
    %scan3A_6 = arith.constant 632 : i32
    %mul3A_7 = arith.constant 632 : i32
    %mul3A_8 = arith.muli %arg1, %mul3A_7 : i32
    "tpu.region"() ({
      %run_scoped3A = tpu.sem_alloc : memref<!tpu.dma_semaphore, #tpu.memory_space<semaphore_mem>>
      %dma_start3A = arith.constant 0 : i32
      %dma_start3A_29 = tpu.memref_slice %arg14[%mul3A_8, %dma_start3A] : memref<10112x32xf32, #tpu.memory_space<vmem_shared>> -> memref<632x32xf32, #tpu.memory_space<vmem_shared>>
      %dma_start3A_30 = arith.constant 0 : i32
      %dma_start3A_31 = tpu.memref_slice %arg14[%mul3A_8, %dma_start3A_30] : memref<10112x32xf32, #tpu.memory_space<vmem_shared>> -> memref<632x32xf32, #tpu.memory_space<vmem_shared>>
      tpu.enqueue_dma source(%arg13 : memref<632x32xf32, #tpu.memory_space<vmem>>) target(%dma_start3A_31 : memref<632x32xf32, #tpu.memory_space<vmem_shared>>) target_semaphore(%run_scoped3A : memref<!tpu.dma_semaphore, #tpu.memory_space<semaphore_mem>>)
      %dma_wait3A = arith.constant 0 : i32
      %dma_wait3A_32 = tpu.memref_slice %arg14[%mul3A_8, %dma_wait3A] : memref<10112x32xf32, #tpu.memory_space<vmem_shared>> -> memref<632x32xf32, #tpu.memory_space<vmem_shared>>
      %dma_wait3A_33 = arith.constant 0 : i32
      %dma_wait3A_34 = tpu.memref_slice %arg14[%mul3A_8, %dma_wait3A_33] : memref<10112x32xf32, #tpu.memory_space<vmem_shared>> -> memref<632x32xf32, #tpu.memory_space<vmem_shared>>
      tpu.wait_dma2 semaphore(%run_scoped3A : memref<!tpu.dma_semaphore, #tpu.memory_space<semaphore_mem>>) src(%arg13 : memref<632x32xf32, #tpu.memory_space<vmem>>) dst(%dma_wait3A_34 : memref<632x32xf32, #tpu.memory_space<vmem_shared>>)
      tpu.yield
    }) : () -> ()
    %mul3A_9 = arith.constant 632 : i32
    %mul3A_10 = arith.muli %arg1, %mul3A_9 : i32
    "tpu.region"() ({
      %run_scoped3A = tpu.sem_alloc : memref<!tpu.dma_semaphore, #tpu.memory_space<semaphore_mem>>
      %dma_start3A = arith.constant 0 : i32
      %dma_start3A_29 = tpu.memref_slice %arg15[%mul3A_10, %dma_start3A] : memref<10112x32xf32, #tpu.memory_space<vmem_shared>> -> memref<632x32xf32, #tpu.memory_space<vmem_shared>>
      %dma_start3A_30 = arith.constant 0 : i32
      %dma_start3A_31 = tpu.memref_slice %arg15[%mul3A_10, %dma_start3A_30] : memref<10112x32xf32, #tpu.memory_space<vmem_shared>> -> memref<632x32xf32, #tpu.memory_space<vmem_shared>>
      tpu.enqueue_dma source(%arg13 : memref<632x32xf32, #tpu.memory_space<vmem>>) target(%dma_start3A_31 : memref<632x32xf32, #tpu.memory_space<vmem_shared>>) target_semaphore(%run_scoped3A : memref<!tpu.dma_semaphore, #tpu.memory_space<semaphore_mem>>)
      %dma_wait3A = arith.constant 0 : i32
      %dma_wait3A_32 = tpu.memref_slice %arg15[%mul3A_10, %dma_wait3A] : memref<10112x32xf32, #tpu.memory_space<vmem_shared>> -> memref<632x32xf32, #tpu.memory_space<vmem_shared>>
      %dma_wait3A_33 = arith.constant 0 : i32
      %dma_wait3A_34 = tpu.memref_slice %arg15[%mul3A_10, %dma_wait3A_33] : memref<10112x32xf32, #tpu.memory_space<vmem_shared>> -> memref<632x32xf32, #tpu.memory_space<vmem_shared>>
      tpu.wait_dma2 semaphore(%run_scoped3A : memref<!tpu.dma_semaphore, #tpu.memory_space<semaphore_mem>>) src(%arg13 : memref<632x32xf32, #tpu.memory_space<vmem>>) dst(%dma_wait3A_34 : memref<632x32xf32, #tpu.memory_space<vmem_shared>>)
      tpu.yield
    }) : () -> ()
    %barrier3A = arith.constant 0 : index
    tpu.barrier barrier_id(%barrier3A)
    %mul3A_11 = arith.constant 5120 : i32
    %mul3A_12 = arith.muli %add3A, %mul3A_11 : i32
    %scan3A_13 = arith.constant 0 : i32
    %scan3A_14 = arith.constant 0 : i32
    %scan3A_15 = arith.constant 40 : i32
    %scan3A_16 = arith.addi %scan3A_14, %scan3A_15 : i32
    %scan3A_17 = arith.constant 1 : i32
    %scan3A_18 = scf.for %scan3A_29 = %scan3A_14 to %scan3A_16 step %scan3A_17 iter_args(%scan3A_30 = %scan3A_13) -> (i32)  : i32 {
      %mul3A_31 = arith.constant 128 : i32
      %mul3A_32 = arith.muli %scan3A_29, %mul3A_31 : i32
      %add3A_33 = arith.addi %mul3A_12, %mul3A_32 : i32
      %multiple_of3A = tpu.assume_multiple %add3A_33, 128 : i32
      "tpu.region"() ({
        %run_scoped3A = tpu.sem_alloc : memref<!tpu.dma_semaphore, #tpu.memory_space<semaphore_mem>>
        %dma_start3A_46 = tpu.memref_slice %arg4[%multiple_of3A] : memref<163840xi32, #tpu.memory_space<hbm>> -> memref<128xi32, #tpu.memory_space<hbm>>
        %dma_start3A_47 = tpu.memref_slice %arg4[%multiple_of3A] : memref<163840xi32, #tpu.memory_space<hbm>> -> memref<128xi32, #tpu.memory_space<hbm>>
        tpu.enqueue_dma source(%dma_start3A_47 : memref<128xi32, #tpu.memory_space<hbm>>) target(%arg8 : memref<128xi32, #tpu.memory_space<vmem>>) target_semaphore(%run_scoped3A : memref<!tpu.dma_semaphore, #tpu.memory_space<semaphore_mem>>)
        %dma_wait3A_48 = tpu.memref_slice %arg4[%multiple_of3A] : memref<163840xi32, #tpu.memory_space<hbm>> -> memref<128xi32, #tpu.memory_space<hbm>>
        %dma_wait3A_49 = tpu.memref_slice %arg4[%multiple_of3A] : memref<163840xi32, #tpu.memory_space<hbm>> -> memref<128xi32, #tpu.memory_space<hbm>>
        tpu.wait_dma2 semaphore(%run_scoped3A : memref<!tpu.dma_semaphore, #tpu.memory_space<semaphore_mem>>) src(%dma_wait3A_49 : memref<128xi32, #tpu.memory_space<hbm>>) dst(%arg8 : memref<128xi32, #tpu.memory_space<vmem>>)
        tpu.yield
      }) : () -> ()
      "tpu.region"() ({
        %run_scoped3A = tpu.sem_alloc : memref<!tpu.dma_semaphore, #tpu.memory_space<semaphore_mem>>
        %dma_start3A_46 = tpu.memref_slice %arg5[%multiple_of3A] : memref<163840xi32, #tpu.memory_space<hbm>> -> memref<128xi32, #tpu.memory_space<hbm>>
        %dma_start3A_47 = tpu.memref_slice %arg5[%multiple_of3A] : memref<163840xi32, #tpu.memory_space<hbm>> -> memref<128xi32, #tpu.memory_space<hbm>>
        tpu.enqueue_dma source(%dma_start3A_47 : memref<128xi32, #tpu.memory_space<hbm>>) target(%arg9 : memref<128xi32, #tpu.memory_space<vmem>>) target_semaphore(%run_scoped3A : memref<!tpu.dma_semaphore, #tpu.memory_space<semaphore_mem>>)
        %dma_wait3A_48 = tpu.memref_slice %arg5[%multiple_of3A] : memref<163840xi32, #tpu.memory_space<hbm>> -> memref<128xi32, #tpu.memory_space<hbm>>
        %dma_wait3A_49 = tpu.memref_slice %arg5[%multiple_of3A] : memref<163840xi32, #tpu.memory_space<hbm>> -> memref<128xi32, #tpu.memory_space<hbm>>
        tpu.wait_dma2 semaphore(%run_scoped3A : memref<!tpu.dma_semaphore, #tpu.memory_space<semaphore_mem>>) src(%dma_wait3A_49 : memref<128xi32, #tpu.memory_space<hbm>>) dst(%arg9 : memref<128xi32, #tpu.memory_space<vmem>>)
        tpu.yield
      }) : () -> ()
      "tpu.region"() ({
        %run_scoped3A = tpu.sem_alloc : memref<!tpu.dma_semaphore, #tpu.memory_space<semaphore_mem>>
        %dma_start3A_46 = arith.constant 0 : i32
        %dma_start3A_47 = tpu.memref_slice %arg2[%multiple_of3A, %dma_start3A_46] : memref<163840x32xf32, #tpu.memory_space<hbm>> -> memref<128x32xf32, #tpu.memory_space<hbm>>
        %dma_start3A_48 = arith.constant 0 : i32
        %dma_start3A_49 = tpu.memref_slice %arg2[%multiple_of3A, %dma_start3A_48] : memref<163840x32xf32, #tpu.memory_space<hbm>> -> memref<128x32xf32, #tpu.memory_space<hbm>>
        tpu.enqueue_dma source(%dma_start3A_49 : memref<128x32xf32, #tpu.memory_space<hbm>>) target(%arg10 : memref<128x32xf32, #tpu.memory_space<vmem>>) target_semaphore(%run_scoped3A : memref<!tpu.dma_semaphore, #tpu.memory_space<semaphore_mem>>)
        %dma_wait3A_50 = arith.constant 0 : i32
        %dma_wait3A_51 = tpu.memref_slice %arg2[%multiple_of3A, %dma_wait3A_50] : memref<163840x32xf32, #tpu.memory_space<hbm>> -> memref<128x32xf32, #tpu.memory_space<hbm>>
        %dma_wait3A_52 = arith.constant 0 : i32
        %dma_wait3A_53 = tpu.memref_slice %arg2[%multiple_of3A, %dma_wait3A_52] : memref<163840x32xf32, #tpu.memory_space<hbm>> -> memref<128x32xf32, #tpu.memory_space<hbm>>
        tpu.wait_dma2 semaphore(%run_scoped3A : memref<!tpu.dma_semaphore, #tpu.memory_space<semaphore_mem>>) src(%dma_wait3A_53 : memref<128x32xf32, #tpu.memory_space<hbm>>) dst(%arg10 : memref<128x32xf32, #tpu.memory_space<vmem>>)
        tpu.yield
      }) : () -> ()
      %dma_start3A = arith.constant 0 : i32
      %dma_start3A_34 = arith.constant 0 : i32
      %dma_start3A_35 = tpu.memref_slice %arg3[%dma_start3A, %dma_start3A_34] : memref<10112x32xf32, #tpu.memory_space<hbm>> -> memref<10112x32xf32, #tpu.memory_space<hbm>>
      tpu.enqueue_indirect_dma source(%dma_start3A_35 : memref<10112x32xf32, #tpu.memory_space<hbm>>) target(%arg11 : memref<128x32xf32, #tpu.memory_space<vmem>>) offsets(%arg8 : memref<128xi32, #tpu.memory_space<vmem>>) semaphore(%arg16 : memref<!tpu.dma_semaphore, #tpu.memory_space<semaphore_mem>>)
      %dma_wait3A = arith.constant 0 : i32
      %dma_wait3A_36 = arith.constant 0 : i32
      %dma_wait3A_37 = tpu.memref_slice %arg3[%dma_wait3A, %dma_wait3A_36] : memref<10112x32xf32, #tpu.memory_space<hbm>> -> memref<10112x32xf32, #tpu.memory_space<hbm>>
      tpu.wait_indirect_dma semaphore(%arg16 : memref<!tpu.dma_semaphore, #tpu.memory_space<semaphore_mem>>) src(%dma_wait3A_37 : memref<10112x32xf32, #tpu.memory_space<hbm>>) dst(%arg11 : memref<128x32xf32, #tpu.memory_space<vmem>>)
      %scan3A_38 = arith.constant 0 : i32
      %scan3A_39 = arith.constant 0 : i32
      %scan3A_40 = arith.constant 128 : i32
      %scan3A_41 = arith.addi %scan3A_39, %scan3A_40 : i32
      %scan3A_42 = arith.constant 1 : i32
      %scan3A_43 = scf.for %scan3A_46 = %scan3A_39 to %scan3A_41 step %scan3A_42 iter_args(%scan3A_47 = %scan3A_38) -> (i32)  : i32 {
        %get3A = arith.index_cast %scan3A_46 : i32 to index
        %get3A_48 = arith.constant 0 : index
        %get3A_49 = tpu.vector_load %arg10[%get3A, %get3A_48] {strides = array<i32>} : memref<128x32xf32, #tpu.memory_space<vmem>>, vector<1x16xf32>,
        %get3A_50 = vector.shape_cast %get3A_49 : vector<1x16xf32> to vector<16xf32>
        %get3A_51 = arith.index_cast %scan3A_46 : i32 to index
        %get3A_52 = arith.constant 0 : index
        %get3A_53 = tpu.vector_load %arg11[%get3A_51, %get3A_52] {strides = array<i32>} : memref<128x32xf32, #tpu.memory_space<vmem>>, vector<1x16xf32>,
        %get3A_54 = vector.shape_cast %get3A_53 : vector<1x16xf32> to vector<16xf32>
        %add3A_55 = arith.addf %get3A_54, %get3A_50 : vector<16xf32>
        %max3A = arith.constant 0.000000e+00 : f32
        %max3A_56 = vector.broadcast %max3A : f32 to vector<16xf32>
        %max3A_57 = arith.maximumf %add3A_55, %max3A_56 : vector<16xf32>
        %add3A_58 = arith.constant 1.000000e-07 : f32
        %add3A_59 = vector.broadcast %add3A_58 : f32 to vector<16xf32>
        %add3A_60 = arith.addf %max3A_57, %add3A_59 : vector<16xf32>
        %swap3A = arith.index_cast %scan3A_46 : i32 to index
        %swap3A_61 = arith.constant 0 : index
        %swap3A_62 = tpu.vector_load %arg11[%swap3A, %swap3A_61] {strides = array<i32>} : memref<128x32xf32, #tpu.memory_space<vmem>>, vector<1x16xf32>,
        %swap3A_63 = vector.shape_cast %swap3A_62 : vector<1x16xf32> to vector<16xf32>
        %swap3A_64 = vector.shape_cast %add3A_60 : vector<16xf32> to vector<1x16xf32>
        tpu.vector_store %arg11[%swap3A, %swap3A_61], %swap3A_64 {strides = array<i32>} : memref<128x32xf32, #tpu.memory_space<vmem>>, vector<1x16xf32>,
        %max3A_65 = arith.constant 0.000000e+00 : f32
        %max3A_66 = vector.broadcast %max3A_65 : f32 to vector<16xf32>
        %max3A_67 = arith.maximumf %get3A_50, %max3A_66 : vector<16xf32>
        %add3A_68 = arith.constant 1.000000e-07 : f32
        %add3A_69 = vector.broadcast %add3A_68 : f32 to vector<16xf32>
        %add3A_70 = arith.addf %max3A_67, %add3A_69 : vector<16xf32>
        %swap3A_71 = arith.index_cast %scan3A_46 : i32 to index
        %swap3A_72 = arith.constant 0 : index
        %swap3A_73 = tpu.vector_load %arg12[%swap3A_71, %swap3A_72] {strides = array<i32>} : memref<128x32xf32, #tpu.memory_space<vmem>>, vector<1x16xf32>,
        %swap3A_74 = vector.shape_cast %swap3A_73 : vector<1x16xf32> to vector<16xf32>
        %swap3A_75 = vector.shape_cast %add3A_70 : vector<16xf32> to vector<1x16xf32>
        tpu.vector_store %arg12[%swap3A_71, %swap3A_72], %swap3A_75 {strides = array<i32>} : memref<128x32xf32, #tpu.memory_space<vmem>>, vector<1x16xf32>,
        %get3A_76 = arith.index_cast %scan3A_46 : i32 to index
        %get3A_77 = arith.constant 16 : index
        %get3A_78 = tpu.vector_load %arg10[%get3A_76, %get3A_77] {strides = array<i32>} : memref<128x32xf32, #tpu.memory_space<vmem>>, vector<1x16xf32>,
        %get3A_79 = vector.shape_cast %get3A_78 : vector<1x16xf32> to vector<16xf32>
        %get3A_80 = arith.index_cast %scan3A_46 : i32 to index
        %get3A_81 = arith.constant 16 : index
        %get3A_82 = tpu.vector_load %arg11[%get3A_80, %get3A_81] {strides = array<i32>} : memref<128x32xf32, #tpu.memory_space<vmem>>, vector<1x16xf32>,
        %get3A_83 = vector.shape_cast %get3A_82 : vector<1x16xf32> to vector<16xf32>
        %add3A_84 = arith.addf %get3A_83, %get3A_79 : vector<16xf32>
        %max3A_85 = arith.constant 0.000000e+00 : f32
        %max3A_86 = vector.broadcast %max3A_85 : f32 to vector<16xf32>
        %max3A_87 = arith.maximumf %add3A_84, %max3A_86 : vector<16xf32>
        %add3A_88 = arith.constant 1.000000e-07 : f32
        %add3A_89 = vector.broadcast %add3A_88 : f32 to vector<16xf32>
        %add3A_90 = arith.addf %max3A_87, %add3A_89 : vector<16xf32>
        %swap3A_91 = arith.index_cast %scan3A_46 : i32 to index
        %swap3A_92 = arith.constant 16 : index
        %swap3A_93 = tpu.vector_load %arg11[%swap3A_91, %swap3A_92] {strides = array<i32>} : memref<128x32xf32, #tpu.memory_space<vmem>>, vector<1x16xf32>,
        %swap3A_94 = vector.shape_cast %swap3A_93 : vector<1x16xf32> to vector<16xf32>
        %swap3A_95 = vector.shape_cast %add3A_90 : vector<16xf32> to vector<1x16xf32>
        tpu.vector_store %arg11[%swap3A_91, %swap3A_92], %swap3A_95 {strides = array<i32>} : memref<128x32xf32, #tpu.memory_space<vmem>>, vector<1x16xf32>,
        %max3A_96 = arith.constant 0.000000e+00 : f32
        %max3A_97 = vector.broadcast %max3A_96 : f32 to vector<16xf32>
        %max3A_98 = arith.maximumf %get3A_79, %max3A_97 : vector<16xf32>
        %add3A_99 = arith.constant 1.000000e-07 : f32
        %add3A_100 = vector.broadcast %add3A_99 : f32 to vector<16xf32>
        %add3A_101 = arith.addf %max3A_98, %add3A_100 : vector<16xf32>
        %swap3A_102 = arith.index_cast %scan3A_46 : i32 to index
        %swap3A_103 = arith.constant 16 : index
        %swap3A_104 = tpu.vector_load %arg12[%swap3A_102, %swap3A_103] {strides = array<i32>} : memref<128x32xf32, #tpu.memory_space<vmem>>, vector<1x16xf32>,
        %swap3A_105 = vector.shape_cast %swap3A_104 : vector<1x16xf32> to vector<16xf32>
        %swap3A_106 = vector.shape_cast %add3A_101 : vector<16xf32> to vector<1x16xf32>
        tpu.vector_store %arg12[%swap3A_102, %swap3A_103], %swap3A_106 {strides = array<i32>} : memref<128x32xf32, #tpu.memory_space<vmem>>, vector<1x16xf32>,
        %scan3A_107 = arith.constant 0 : i32
        scf.yield %scan3A_107 : i32
      }
      %scan3A_44 = arith.constant 128 : i32
      "tpu.region"() ({
        %run_scoped3A = tpu.sem_alloc : memref<!tpu.dma_semaphore, #tpu.memory_space<semaphore_mem>>
        %dma_start3A_46 = arith.constant 0 : i32
        %dma_start3A_47 = arith.constant 0 : i32
        %dma_start3A_48 = tpu.memref_slice %arg14[%dma_start3A_46, %dma_start3A_47] : memref<10112x32xf32, #tpu.memory_space<vmem_shared>> -> memref<10112x32xf32, #tpu.memory_space<vmem_shared>>
        tpu.enqueue_indirect_dma source(%arg11 : memref<128x32xf32, #tpu.memory_space<vmem>>) target(%dma_start3A_48 : memref<10112x32xf32, #tpu.memory_space<vmem_shared>>) offsets(%arg9 : memref<128xi32, #tpu.memory_space<vmem>>) semaphore(%run_scoped3A : memref<!tpu.dma_semaphore, #tpu.memory_space<semaphore_mem>>) {add = true}
        %dma_wait3A_49 = arith.constant 0 : i32
        %dma_wait3A_50 = arith.constant 0 : i32
        %dma_wait3A_51 = tpu.memref_slice %arg14[%dma_wait3A_49, %dma_wait3A_50] : memref<10112x32xf32, #tpu.memory_space<vmem_shared>> -> memref<10112x32xf32, #tpu.memory_space<vmem_shared>>
        tpu.wait_indirect_dma semaphore(%run_scoped3A : memref<!tpu.dma_semaphore, #tpu.memory_space<semaphore_mem>>) src(%arg11 : memref<128x32xf32, #tpu.memory_space<vmem>>) dst(%dma_wait3A_51 : memref<10112x32xf32, #tpu.memory_space<vmem_shared>>)
        tpu.yield
      }) : () -> ()
      "tpu.region"() ({
        %run_scoped3A = tpu.sem_alloc : memref<!tpu.dma_semaphore, #tpu.memory_space<semaphore_mem>>
        %dma_start3A_46 = arith.constant 0 : i32
        %dma_start3A_47 = arith.constant 0 : i32
        %dma_start3A_48 = tpu.memref_slice %arg15[%dma_start3A_46, %dma_start3A_47] : memref<10112x32xf32, #tpu.memory_space<vmem_shared>> -> memref<10112x32xf32, #tpu.memory_space<vmem_shared>>
        tpu.enqueue_indirect_dma source(%arg12 : memref<128x32xf32, #tpu.memory_space<vmem>>) target(%dma_start3A_48 : memref<10112x32xf32, #tpu.memory_space<vmem_shared>>) offsets(%arg9 : memref<128xi32, #tpu.memory_space<vmem>>) semaphore(%run_scoped3A : memref<!tpu.dma_semaphore, #tpu.memory_space<semaphore_mem>>) {add = true}
        %dma_wait3A_49 = arith.constant 0 : i32
        %dma_wait3A_50 = arith.constant 0 : i32
        %dma_wait3A_51 = tpu.memref_slice %arg15[%dma_wait3A_49, %dma_wait3A_50] : memref<10112x32xf32, #tpu.memory_space<vmem_shared>> -> memref<10112x32xf32, #tpu.memory_space<vmem_shared>>
        tpu.wait_indirect_dma semaphore(%run_scoped3A : memref<!tpu.dma_semaphore, #tpu.memory_space<semaphore_mem>>) src(%arg12 : memref<128x32xf32, #tpu.memory_space<vmem>>) dst(%dma_wait3A_51 : memref<10112x32xf32, #tpu.memory_space<vmem_shared>>)
        tpu.yield
      }) : () -> ()
      %scan3A_45 = arith.constant 0 : i32
      scf.yield %scan3A_45 : i32
    }
    %scan3A_19 = arith.constant 40 : i32
    %barrier3A_20 = arith.constant 0 : index
    tpu.barrier barrier_id(%barrier3A_20)
    %mul3A_21 = arith.constant 632 : i32
    %mul3A_22 = arith.muli %arg1, %mul3A_21 : i32
    %mul3A_23 = arith.constant 632 : i32
    %mul3A_24 = arith.muli %arg1, %mul3A_23 : i32
    "tpu.region"() ({
      %run_scoped3A = tpu.sem_alloc : memref<!tpu.dma_semaphore, #tpu.memory_space<semaphore_mem>>
      %dma_start3A = arith.constant 0 : i32
      %dma_start3A_29 = tpu.memref_slice %arg6[%arg0, %mul3A_24, %dma_start3A] : memref<2x10112x32xf32, #tpu.memory_space<hbm>> -> memref<1x632x32xf32, #tpu.memory_space<hbm>>
      %dma_start3A_30 = tpu.memref_squeeze %dma_start3A_29 : memref<1x632x32xf32, #tpu.memory_space<hbm>> -> memref<632x32xf32, #tpu.memory_space<hbm>>
      %dma_start3A_31 = arith.constant 0 : i32
      %dma_start3A_32 = tpu.memref_slice %arg14[%mul3A_22, %dma_start3A_31] : memref<10112x32xf32, #tpu.memory_space<vmem_shared>> -> memref<632x32xf32, #tpu.memory_space<vmem_shared>>
      tpu.enqueue_dma source(%dma_start3A_32 : memref<632x32xf32, #tpu.memory_space<vmem_shared>>) target(%dma_start3A_30 : memref<632x32xf32, #tpu.memory_space<hbm>>) target_semaphore(%run_scoped3A : memref<!tpu.dma_semaphore, #tpu.memory_space<semaphore_mem>>)
      %dma_wait3A = arith.constant 0 : i32
      %dma_wait3A_33 = tpu.memref_slice %arg6[%arg0, %mul3A_24, %dma_wait3A] : memref<2x10112x32xf32, #tpu.memory_space<hbm>> -> memref<1x632x32xf32, #tpu.memory_space<hbm>>
      %dma_wait3A_34 = tpu.memref_squeeze %dma_wait3A_33 : memref<1x632x32xf32, #tpu.memory_space<hbm>> -> memref<632x32xf32, #tpu.memory_space<hbm>>
      %dma_wait3A_35 = arith.constant 0 : i32
      %dma_wait3A_36 = tpu.memref_slice %arg14[%mul3A_22, %dma_wait3A_35] : memref<10112x32xf32, #tpu.memory_space<vmem_shared>> -> memref<632x32xf32, #tpu.memory_space<vmem_shared>>
      tpu.wait_dma2 semaphore(%run_scoped3A : memref<!tpu.dma_semaphore, #tpu.memory_space<semaphore_mem>>) src(%dma_wait3A_36 : memref<632x32xf32, #tpu.memory_space<vmem_shared>>) dst(%dma_wait3A_34 : memref<632x32xf32, #tpu.memory_space<hbm>>)
      tpu.yield
    }) : () -> ()
    %mul3A_25 = arith.constant 632 : i32
    %mul3A_26 = arith.muli %arg1, %mul3A_25 : i32
    %mul3A_27 = arith.constant 632 : i32
    %mul3A_28 = arith.muli %arg1, %mul3A_27 : i32
    "tpu.region"() ({
      %run_scoped3A = tpu.sem_alloc : memref<!tpu.dma_semaphore, #tpu.memory_space<semaphore_mem>>
      %dma_start3A = arith.constant 0 : i32
      %dma_start3A_29 = tpu.memref_slice %arg7[%arg0, %mul3A_28, %dma_start3A] : memref<2x10112x32xf32, #tpu.memory_space<hbm>> -> memref<1x632x32xf32, #tpu.memory_space<hbm>>
      %dma_start3A_30 = tpu.memref_squeeze %dma_start3A_29 : memref<1x632x32xf32, #tpu.memory_space<hbm>> -> memref<632x32xf32, #tpu.memory_space<hbm>>
      %dma_start3A_31 = arith.constant 0 : i32
      %dma_start3A_32 = tpu.memref_slice %arg15[%mul3A_26, %dma_start3A_31] : memref<10112x32xf32, #tpu.memory_space<vmem_shared>> -> memref<632x32xf32, #tpu.memory_space<vmem_shared>>
      tpu.enqueue_dma source(%dma_start3A_32 : memref<632x32xf32, #tpu.memory_space<vmem_shared>>) target(%dma_start3A_30 : memref<632x32xf32, #tpu.memory_space<hbm>>) target_semaphore(%run_scoped3A : memref<!tpu.dma_semaphore, #tpu.memory_space<semaphore_mem>>)
      %dma_wait3A = arith.constant 0 : i32
      %dma_wait3A_33 = tpu.memref_slice %arg7[%arg0, %mul3A_28, %dma_wait3A] : memref<2x10112x32xf32, #tpu.memory_space<hbm>> -> memref<1x632x32xf32, #tpu.memory_space<hbm>>
      %dma_wait3A_34 = tpu.memref_squeeze %dma_wait3A_33 : memref<1x632x32xf32, #tpu.memory_space<hbm>> -> memref<632x32xf32, #tpu.memory_space<hbm>>
      %dma_wait3A_35 = arith.constant 0 : i32
      %dma_wait3A_36 = tpu.memref_slice %arg15[%mul3A_26, %dma_wait3A_35] : memref<10112x32xf32, #tpu.memory_space<vmem_shared>> -> memref<632x32xf32, #tpu.memory_space<vmem_shared>>
      tpu.wait_dma2 semaphore(%run_scoped3A : memref<!tpu.dma_semaphore, #tpu.memory_space<semaphore_mem>>) src(%dma_wait3A_36 : memref<632x32xf32, #tpu.memory_space<vmem_shared>>) dst(%dma_wait3A_34 : memref<632x32xf32, #tpu.memory_space<hbm>>)
      tpu.yield
    }) : () -> ()
    return
  }
}

#map = affine_map<(d0, d1) -> (0, 0)>
#map1 = affine_map<(d0, d1) -> (0)>
#map2 = affine_map<(d0, d1) -> (0, 0, 0)>
module attributes {stable_mosaic.version = 14 : i64} {
  func.func @_sc_messages(%arg0: i32, %arg1: i32, %arg2: memref<163840x32xf32, #tpu.memory_space<hbm>>, %arg3: memref<10112x32xf32, #tpu.memory_space<hbm>>, %arg4: memref<163840xi32, #tpu.memory_space<hbm>>, %arg5: memref<163840xi32, #tpu.memory_space<hbm>>, %arg6: memref<2x10112x32xf32, #tpu.memory_space<hbm>>, %arg7: memref<2x10112x32xf32, #tpu.memory_space<hbm>>, %arg8: memref<128xi32, #tpu.memory_space<vmem>>, %arg9: memref<128xi32, #tpu.memory_space<vmem>>, %arg10: memref<128x32xf32, #tpu.memory_space<vmem>>, %arg11: memref<128x32xf32, #tpu.memory_space<vmem>>, %arg12: memref<128x32xf32, #tpu.memory_space<vmem>>, %arg13: memref<632x32xf32, #tpu.memory_space<vmem>>, %arg14: memref<10112x32xf32, #tpu.memory_space<vmem_shared>>, %arg15: memref<10112x32xf32, #tpu.memory_space<vmem_shared>>, %arg16: memref<!tpu.dma_semaphore, #tpu.memory_space<semaphore_mem>>) attributes {dimension_semantics = [#tpu.dimension_semantics<core_parallel>, #tpu.dimension_semantics<subcore_parallel>], iteration_bounds = array<i64: 2, 16>, scalar_prefetch = 0 : i64, scratch_operands = 9 : i64, tpu.core_type = #tpu.core_type<sc_vector_subcore>, window_params = [{transform_indices = #map}, {transform_indices = #map}, {transform_indices = #map1}, {transform_indices = #map1}, {transform_indices = #map2}, {transform_indices = #map2}]} {
    %mul3A = arith.constant 16 : i32
    %mul3A_0 = arith.muli %arg0, %mul3A : i32
    %add3A = arith.addi %mul3A_0, %arg1 : i32
    %scan3A = arith.constant 0 : i32
    %scan3A_1 = arith.constant 0 : i32
    %scan3A_2 = arith.constant 632 : i32
    %scan3A_3 = arith.addi %scan3A_1, %scan3A_2 : i32
    %scan3A_4 = arith.constant 1 : i32
    %scan3A_5 = scf.for %scan3A_29 = %scan3A_1 to %scan3A_3 step %scan3A_4 iter_args(%scan3A_30 = %scan3A) -> (i32)  : i32 {
      %broadcast_in_dim3A = arith.constant 0.000000e+00 : f32
      %broadcast_in_dim3A_31 = vector.broadcast %broadcast_in_dim3A : f32 to vector<16xf32>
      %swap3A = arith.index_cast %scan3A_29 : i32 to index
      %swap3A_32 = arith.constant 0 : index
      %swap3A_33 = tpu.vector_load %arg13[%swap3A, %swap3A_32] {strides = array<i32>} : memref<632x32xf32, #tpu.memory_space<vmem>>, vector<1x16xf32>,
      %swap3A_34 = vector.shape_cast %swap3A_33 : vector<1x16xf32> to vector<16xf32>
      %swap3A_35 = vector.shape_cast %broadcast_in_dim3A_31 : vector<16xf32> to vector<1x16xf32>
      tpu.vector_store %arg13[%swap3A, %swap3A_32], %swap3A_35 {strides = array<i32>} : memref<632x32xf32, #tpu.memory_space<vmem>>, vector<1x16xf32>,
      %swap3A_36 = arith.index_cast %scan3A_29 : i32 to index
      %swap3A_37 = arith.constant 16 : index
      %swap3A_38 = tpu.vector_load %arg13[%swap3A_36, %swap3A_37] {strides = array<i32>} : memref<632x32xf32, #tpu.memory_space<vmem>>, vector<1x16xf32>,
      %swap3A_39 = vector.shape_cast %swap3A_38 : vector<1x16xf32> to vector<16xf32>
      %swap3A_40 = vector.shape_cast %broadcast_in_dim3A_31 : vector<16xf32> to vector<1x16xf32>
      tpu.vector_store %arg13[%swap3A_36, %swap3A_37], %swap3A_40 {strides = array<i32>} : memref<632x32xf32, #tpu.memory_space<vmem>>, vector<1x16xf32>,
      %scan3A_41 = arith.constant 0 : i32
      scf.yield %scan3A_41 : i32
    }
    %scan3A_6 = arith.constant 632 : i32
    %mul3A_7 = arith.constant 632 : i32
    %mul3A_8 = arith.muli %arg1, %mul3A_7 : i32
    "tpu.region"() ({
      %run_scoped3A = tpu.sem_alloc : memref<!tpu.dma_semaphore, #tpu.memory_space<semaphore_mem>>
      %dma_start3A = arith.constant 0 : i32
      %dma_start3A_29 = tpu.memref_slice %arg14[%mul3A_8, %dma_start3A] : memref<10112x32xf32, #tpu.memory_space<vmem_shared>> -> memref<632x32xf32, #tpu.memory_space<vmem_shared>>
      %dma_start3A_30 = arith.constant 0 : i32
      %dma_start3A_31 = tpu.memref_slice %arg14[%mul3A_8, %dma_start3A_30] : memref<10112x32xf32, #tpu.memory_space<vmem_shared>> -> memref<632x32xf32, #tpu.memory_space<vmem_shared>>
      tpu.enqueue_dma source(%arg13 : memref<632x32xf32, #tpu.memory_space<vmem>>) target(%dma_start3A_31 : memref<632x32xf32, #tpu.memory_space<vmem_shared>>) target_semaphore(%run_scoped3A : memref<!tpu.dma_semaphore, #tpu.memory_space<semaphore_mem>>)
      %dma_wait3A = arith.constant 0 : i32
      %dma_wait3A_32 = tpu.memref_slice %arg14[%mul3A_8, %dma_wait3A] : memref<10112x32xf32, #tpu.memory_space<vmem_shared>> -> memref<632x32xf32, #tpu.memory_space<vmem_shared>>
      %dma_wait3A_33 = arith.constant 0 : i32
      %dma_wait3A_34 = tpu.memref_slice %arg14[%mul3A_8, %dma_wait3A_33] : memref<10112x32xf32, #tpu.memory_space<vmem_shared>> -> memref<632x32xf32, #tpu.memory_space<vmem_shared>>
      tpu.wait_dma2 semaphore(%run_scoped3A : memref<!tpu.dma_semaphore, #tpu.memory_space<semaphore_mem>>) src(%arg13 : memref<632x32xf32, #tpu.memory_space<vmem>>) dst(%dma_wait3A_34 : memref<632x32xf32, #tpu.memory_space<vmem_shared>>)
      tpu.yield
    }) : () -> ()
    %mul3A_9 = arith.constant 632 : i32
    %mul3A_10 = arith.muli %arg1, %mul3A_9 : i32
    "tpu.region"() ({
      %run_scoped3A = tpu.sem_alloc : memref<!tpu.dma_semaphore, #tpu.memory_space<semaphore_mem>>
      %dma_start3A = arith.constant 0 : i32
      %dma_start3A_29 = tpu.memref_slice %arg15[%mul3A_10, %dma_start3A] : memref<10112x32xf32, #tpu.memory_space<vmem_shared>> -> memref<632x32xf32, #tpu.memory_space<vmem_shared>>
      %dma_start3A_30 = arith.constant 0 : i32
      %dma_start3A_31 = tpu.memref_slice %arg15[%mul3A_10, %dma_start3A_30] : memref<10112x32xf32, #tpu.memory_space<vmem_shared>> -> memref<632x32xf32, #tpu.memory_space<vmem_shared>>
      tpu.enqueue_dma source(%arg13 : memref<632x32xf32, #tpu.memory_space<vmem>>) target(%dma_start3A_31 : memref<632x32xf32, #tpu.memory_space<vmem_shared>>) target_semaphore(%run_scoped3A : memref<!tpu.dma_semaphore, #tpu.memory_space<semaphore_mem>>)
      %dma_wait3A = arith.constant 0 : i32
      %dma_wait3A_32 = tpu.memref_slice %arg15[%mul3A_10, %dma_wait3A] : memref<10112x32xf32, #tpu.memory_space<vmem_shared>> -> memref<632x32xf32, #tpu.memory_space<vmem_shared>>
      %dma_wait3A_33 = arith.constant 0 : i32
      %dma_wait3A_34 = tpu.memref_slice %arg15[%mul3A_10, %dma_wait3A_33] : memref<10112x32xf32, #tpu.memory_space<vmem_shared>> -> memref<632x32xf32, #tpu.memory_space<vmem_shared>>
      tpu.wait_dma2 semaphore(%run_scoped3A : memref<!tpu.dma_semaphore, #tpu.memory_space<semaphore_mem>>) src(%arg13 : memref<632x32xf32, #tpu.memory_space<vmem>>) dst(%dma_wait3A_34 : memref<632x32xf32, #tpu.memory_space<vmem_shared>>)
      tpu.yield
    }) : () -> ()
    %barrier3A = arith.constant 0 : index
    tpu.barrier barrier_id(%barrier3A)
    %mul3A_11 = arith.constant 5120 : i32
    %mul3A_12 = arith.muli %add3A, %mul3A_11 : i32
    %scan3A_13 = arith.constant 0 : i32
    %scan3A_14 = arith.constant 0 : i32
    %scan3A_15 = arith.constant 40 : i32
    %scan3A_16 = arith.addi %scan3A_14, %scan3A_15 : i32
    %scan3A_17 = arith.constant 1 : i32
    %scan3A_18 = scf.for %scan3A_29 = %scan3A_14 to %scan3A_16 step %scan3A_17 iter_args(%scan3A_30 = %scan3A_13) -> (i32)  : i32 {
      %mul3A_31 = arith.constant 128 : i32
      %mul3A_32 = arith.muli %scan3A_29, %mul3A_31 : i32
      %add3A_33 = arith.addi %mul3A_12, %mul3A_32 : i32
      %multiple_of3A = tpu.assume_multiple %add3A_33, 128 : i32
      "tpu.region"() ({
        %run_scoped3A = tpu.sem_alloc : memref<!tpu.dma_semaphore, #tpu.memory_space<semaphore_mem>>
        %dma_start3A_46 = tpu.memref_slice %arg4[%multiple_of3A] : memref<163840xi32, #tpu.memory_space<hbm>> -> memref<128xi32, #tpu.memory_space<hbm>>
        %dma_start3A_47 = tpu.memref_slice %arg4[%multiple_of3A] : memref<163840xi32, #tpu.memory_space<hbm>> -> memref<128xi32, #tpu.memory_space<hbm>>
        tpu.enqueue_dma source(%dma_start3A_47 : memref<128xi32, #tpu.memory_space<hbm>>) target(%arg8 : memref<128xi32, #tpu.memory_space<vmem>>) target_semaphore(%run_scoped3A : memref<!tpu.dma_semaphore, #tpu.memory_space<semaphore_mem>>)
        %dma_wait3A_48 = tpu.memref_slice %arg4[%multiple_of3A] : memref<163840xi32, #tpu.memory_space<hbm>> -> memref<128xi32, #tpu.memory_space<hbm>>
        %dma_wait3A_49 = tpu.memref_slice %arg4[%multiple_of3A] : memref<163840xi32, #tpu.memory_space<hbm>> -> memref<128xi32, #tpu.memory_space<hbm>>
        tpu.wait_dma2 semaphore(%run_scoped3A : memref<!tpu.dma_semaphore, #tpu.memory_space<semaphore_mem>>) src(%dma_wait3A_49 : memref<128xi32, #tpu.memory_space<hbm>>) dst(%arg8 : memref<128xi32, #tpu.memory_space<vmem>>)
        tpu.yield
      }) : () -> ()
      "tpu.region"() ({
        %run_scoped3A = tpu.sem_alloc : memref<!tpu.dma_semaphore, #tpu.memory_space<semaphore_mem>>
        %dma_start3A_46 = tpu.memref_slice %arg5[%multiple_of3A] : memref<163840xi32, #tpu.memory_space<hbm>> -> memref<128xi32, #tpu.memory_space<hbm>>
        %dma_start3A_47 = tpu.memref_slice %arg5[%multiple_of3A] : memref<163840xi32, #tpu.memory_space<hbm>> -> memref<128xi32, #tpu.memory_space<hbm>>
        tpu.enqueue_dma source(%dma_start3A_47 : memref<128xi32, #tpu.memory_space<hbm>>) target(%arg9 : memref<128xi32, #tpu.memory_space<vmem>>) target_semaphore(%run_scoped3A : memref<!tpu.dma_semaphore, #tpu.memory_space<semaphore_mem>>)
        %dma_wait3A_48 = tpu.memref_slice %arg5[%multiple_of3A] : memref<163840xi32, #tpu.memory_space<hbm>> -> memref<128xi32, #tpu.memory_space<hbm>>
        %dma_wait3A_49 = tpu.memref_slice %arg5[%multiple_of3A] : memref<163840xi32, #tpu.memory_space<hbm>> -> memref<128xi32, #tpu.memory_space<hbm>>
        tpu.wait_dma2 semaphore(%run_scoped3A : memref<!tpu.dma_semaphore, #tpu.memory_space<semaphore_mem>>) src(%dma_wait3A_49 : memref<128xi32, #tpu.memory_space<hbm>>) dst(%arg9 : memref<128xi32, #tpu.memory_space<vmem>>)
        tpu.yield
      }) : () -> ()
      "tpu.region"() ({
        %run_scoped3A = tpu.sem_alloc : memref<!tpu.dma_semaphore, #tpu.memory_space<semaphore_mem>>
        %dma_start3A_46 = arith.constant 0 : i32
        %dma_start3A_47 = tpu.memref_slice %arg2[%multiple_of3A, %dma_start3A_46] : memref<163840x32xf32, #tpu.memory_space<hbm>> -> memref<128x32xf32, #tpu.memory_space<hbm>>
        %dma_start3A_48 = arith.constant 0 : i32
        %dma_start3A_49 = tpu.memref_slice %arg2[%multiple_of3A, %dma_start3A_48] : memref<163840x32xf32, #tpu.memory_space<hbm>> -> memref<128x32xf32, #tpu.memory_space<hbm>>
        tpu.enqueue_dma source(%dma_start3A_49 : memref<128x32xf32, #tpu.memory_space<hbm>>) target(%arg10 : memref<128x32xf32, #tpu.memory_space<vmem>>) target_semaphore(%run_scoped3A : memref<!tpu.dma_semaphore, #tpu.memory_space<semaphore_mem>>)
        %dma_wait3A_50 = arith.constant 0 : i32
        %dma_wait3A_51 = tpu.memref_slice %arg2[%multiple_of3A, %dma_wait3A_50] : memref<163840x32xf32, #tpu.memory_space<hbm>> -> memref<128x32xf32, #tpu.memory_space<hbm>>
        %dma_wait3A_52 = arith.constant 0 : i32
        %dma_wait3A_53 = tpu.memref_slice %arg2[%multiple_of3A, %dma_wait3A_52] : memref<163840x32xf32, #tpu.memory_space<hbm>> -> memref<128x32xf32, #tpu.memory_space<hbm>>
        tpu.wait_dma2 semaphore(%run_scoped3A : memref<!tpu.dma_semaphore, #tpu.memory_space<semaphore_mem>>) src(%dma_wait3A_53 : memref<128x32xf32, #tpu.memory_space<hbm>>) dst(%arg10 : memref<128x32xf32, #tpu.memory_space<vmem>>)
        tpu.yield
      }) : () -> ()
      %dma_start3A = arith.constant 0 : i32
      %dma_start3A_34 = arith.constant 0 : i32
      %dma_start3A_35 = tpu.memref_slice %arg3[%dma_start3A, %dma_start3A_34] : memref<10112x32xf32, #tpu.memory_space<hbm>> -> memref<10112x32xf32, #tpu.memory_space<hbm>>
      tpu.enqueue_indirect_dma source(%dma_start3A_35 : memref<10112x32xf32, #tpu.memory_space<hbm>>) target(%arg11 : memref<128x32xf32, #tpu.memory_space<vmem>>) offsets(%arg8 : memref<128xi32, #tpu.memory_space<vmem>>) semaphore(%arg16 : memref<!tpu.dma_semaphore, #tpu.memory_space<semaphore_mem>>)
      %dma_wait3A = arith.constant 0 : i32
      %dma_wait3A_36 = arith.constant 0 : i32
      %dma_wait3A_37 = tpu.memref_slice %arg3[%dma_wait3A, %dma_wait3A_36] : memref<10112x32xf32, #tpu.memory_space<hbm>> -> memref<10112x32xf32, #tpu.memory_space<hbm>>
      tpu.wait_indirect_dma semaphore(%arg16 : memref<!tpu.dma_semaphore, #tpu.memory_space<semaphore_mem>>) src(%dma_wait3A_37 : memref<10112x32xf32, #tpu.memory_space<hbm>>) dst(%arg11 : memref<128x32xf32, #tpu.memory_space<vmem>>)
      %scan3A_38 = arith.constant 0 : i32
      %scan3A_39 = arith.constant 0 : i32
      %scan3A_40 = arith.constant 128 : i32
      %scan3A_41 = arith.addi %scan3A_39, %scan3A_40 : i32
      %scan3A_42 = arith.constant 1 : i32
      %scan3A_43 = scf.for %scan3A_46 = %scan3A_39 to %scan3A_41 step %scan3A_42 iter_args(%scan3A_47 = %scan3A_38) -> (i32)  : i32 {
        %get3A = arith.index_cast %scan3A_46 : i32 to index
        %get3A_48 = arith.constant 0 : index
        %get3A_49 = tpu.vector_load %arg10[%get3A, %get3A_48] {strides = array<i32>} : memref<128x32xf32, #tpu.memory_space<vmem>>, vector<1x16xf32>,
        %get3A_50 = vector.shape_cast %get3A_49 : vector<1x16xf32> to vector<16xf32>
        %get3A_51 = arith.index_cast %scan3A_46 : i32 to index
        %get3A_52 = arith.constant 0 : index
        %get3A_53 = tpu.vector_load %arg11[%get3A_51, %get3A_52] {strides = array<i32>} : memref<128x32xf32, #tpu.memory_space<vmem>>, vector<1x16xf32>,
        %get3A_54 = vector.shape_cast %get3A_53 : vector<1x16xf32> to vector<16xf32>
        %add3A_55 = arith.addf %get3A_54, %get3A_50 : vector<16xf32>
        %max3A = arith.constant 0.000000e+00 : f32
        %max3A_56 = vector.broadcast %max3A : f32 to vector<16xf32>
        %max3A_57 = arith.maximumf %add3A_55, %max3A_56 : vector<16xf32>
        %add3A_58 = arith.constant 1.000000e-07 : f32
        %add3A_59 = vector.broadcast %add3A_58 : f32 to vector<16xf32>
        %add3A_60 = arith.addf %max3A_57, %add3A_59 : vector<16xf32>
        %swap3A = arith.index_cast %scan3A_46 : i32 to index
        %swap3A_61 = arith.constant 0 : index
        %swap3A_62 = tpu.vector_load %arg11[%swap3A, %swap3A_61] {strides = array<i32>} : memref<128x32xf32, #tpu.memory_space<vmem>>, vector<1x16xf32>,
        %swap3A_63 = vector.shape_cast %swap3A_62 : vector<1x16xf32> to vector<16xf32>
        %swap3A_64 = vector.shape_cast %add3A_60 : vector<16xf32> to vector<1x16xf32>
        tpu.vector_store %arg11[%swap3A, %swap3A_61], %swap3A_64 {strides = array<i32>} : memref<128x32xf32, #tpu.memory_space<vmem>>, vector<1x16xf32>,
        %max3A_65 = arith.constant 0.000000e+00 : f32
        %max3A_66 = vector.broadcast %max3A_65 : f32 to vector<16xf32>
        %max3A_67 = arith.maximumf %get3A_50, %max3A_66 : vector<16xf32>
        %add3A_68 = arith.constant 1.000000e-07 : f32
        %add3A_69 = vector.broadcast %add3A_68 : f32 to vector<16xf32>
        %add3A_70 = arith.addf %max3A_67, %add3A_69 : vector<16xf32>
        %swap3A_71 = arith.index_cast %scan3A_46 : i32 to index
        %swap3A_72 = arith.constant 0 : index
        %swap3A_73 = tpu.vector_load %arg12[%swap3A_71, %swap3A_72] {strides = array<i32>} : memref<128x32xf32, #tpu.memory_space<vmem>>, vector<1x16xf32>,
        %swap3A_74 = vector.shape_cast %swap3A_73 : vector<1x16xf32> to vector<16xf32>
        %swap3A_75 = vector.shape_cast %add3A_70 : vector<16xf32> to vector<1x16xf32>
        tpu.vector_store %arg12[%swap3A_71, %swap3A_72], %swap3A_75 {strides = array<i32>} : memref<128x32xf32, #tpu.memory_space<vmem>>, vector<1x16xf32>,
        %get3A_76 = arith.index_cast %scan3A_46 : i32 to index
        %get3A_77 = arith.constant 16 : index
        %get3A_78 = tpu.vector_load %arg10[%get3A_76, %get3A_77] {strides = array<i32>} : memref<128x32xf32, #tpu.memory_space<vmem>>, vector<1x16xf32>,
        %get3A_79 = vector.shape_cast %get3A_78 : vector<1x16xf32> to vector<16xf32>
        %get3A_80 = arith.index_cast %scan3A_46 : i32 to index
        %get3A_81 = arith.constant 16 : index
        %get3A_82 = tpu.vector_load %arg11[%get3A_80, %get3A_81] {strides = array<i32>} : memref<128x32xf32, #tpu.memory_space<vmem>>, vector<1x16xf32>,
        %get3A_83 = vector.shape_cast %get3A_82 : vector<1x16xf32> to vector<16xf32>
        %add3A_84 = arith.addf %get3A_83, %get3A_79 : vector<16xf32>
        %max3A_85 = arith.constant 0.000000e+00 : f32
        %max3A_86 = vector.broadcast %max3A_85 : f32 to vector<16xf32>
        %max3A_87 = arith.maximumf %add3A_84, %max3A_86 : vector<16xf32>
        %add3A_88 = arith.constant 1.000000e-07 : f32
        %add3A_89 = vector.broadcast %add3A_88 : f32 to vector<16xf32>
        %add3A_90 = arith.addf %max3A_87, %add3A_89 : vector<16xf32>
        %swap3A_91 = arith.index_cast %scan3A_46 : i32 to index
        %swap3A_92 = arith.constant 16 : index
        %swap3A_93 = tpu.vector_load %arg11[%swap3A_91, %swap3A_92] {strides = array<i32>} : memref<128x32xf32, #tpu.memory_space<vmem>>, vector<1x16xf32>,
        %swap3A_94 = vector.shape_cast %swap3A_93 : vector<1x16xf32> to vector<16xf32>
        %swap3A_95 = vector.shape_cast %add3A_90 : vector<16xf32> to vector<1x16xf32>
        tpu.vector_store %arg11[%swap3A_91, %swap3A_92], %swap3A_95 {strides = array<i32>} : memref<128x32xf32, #tpu.memory_space<vmem>>, vector<1x16xf32>,
        %max3A_96 = arith.constant 0.000000e+00 : f32
        %max3A_97 = vector.broadcast %max3A_96 : f32 to vector<16xf32>
        %max3A_98 = arith.maximumf %get3A_79, %max3A_97 : vector<16xf32>
        %add3A_99 = arith.constant 1.000000e-07 : f32
        %add3A_100 = vector.broadcast %add3A_99 : f32 to vector<16xf32>
        %add3A_101 = arith.addf %max3A_98, %add3A_100 : vector<16xf32>
        %swap3A_102 = arith.index_cast %scan3A_46 : i32 to index
        %swap3A_103 = arith.constant 16 : index
        %swap3A_104 = tpu.vector_load %arg12[%swap3A_102, %swap3A_103] {strides = array<i32>} : memref<128x32xf32, #tpu.memory_space<vmem>>, vector<1x16xf32>,
        %swap3A_105 = vector.shape_cast %swap3A_104 : vector<1x16xf32> to vector<16xf32>
        %swap3A_106 = vector.shape_cast %add3A_101 : vector<16xf32> to vector<1x16xf32>
        tpu.vector_store %arg12[%swap3A_102, %swap3A_103], %swap3A_106 {strides = array<i32>} : memref<128x32xf32, #tpu.memory_space<vmem>>, vector<1x16xf32>,
        %scan3A_107 = arith.constant 0 : i32
        scf.yield %scan3A_107 : i32
      }
      %scan3A_44 = arith.constant 128 : i32
      "tpu.region"() ({
        %run_scoped3A = tpu.sem_alloc : memref<!tpu.dma_semaphore, #tpu.memory_space<semaphore_mem>>
        %dma_start3A_46 = arith.constant 0 : i32
        %dma_start3A_47 = arith.constant 0 : i32
        %dma_start3A_48 = tpu.memref_slice %arg14[%dma_start3A_46, %dma_start3A_47] : memref<10112x32xf32, #tpu.memory_space<vmem_shared>> -> memref<10112x32xf32, #tpu.memory_space<vmem_shared>>
        tpu.enqueue_indirect_dma source(%arg11 : memref<128x32xf32, #tpu.memory_space<vmem>>) target(%dma_start3A_48 : memref<10112x32xf32, #tpu.memory_space<vmem_shared>>) offsets(%arg9 : memref<128xi32, #tpu.memory_space<vmem>>) semaphore(%run_scoped3A : memref<!tpu.dma_semaphore, #tpu.memory_space<semaphore_mem>>) {add = true}
        %dma_wait3A_49 = arith.constant 0 : i32
        %dma_wait3A_50 = arith.constant 0 : i32
        %dma_wait3A_51 = tpu.memref_slice %arg14[%dma_wait3A_49, %dma_wait3A_50] : memref<10112x32xf32, #tpu.memory_space<vmem_shared>> -> memref<10112x32xf32, #tpu.memory_space<vmem_shared>>
        tpu.wait_indirect_dma semaphore(%run_scoped3A : memref<!tpu.dma_semaphore, #tpu.memory_space<semaphore_mem>>) src(%arg11 : memref<128x32xf32, #tpu.memory_space<vmem>>) dst(%dma_wait3A_51 : memref<10112x32xf32, #tpu.memory_space<vmem_shared>>)
        tpu.yield
      }) : () -> ()
      "tpu.region"() ({
        %run_scoped3A = tpu.sem_alloc : memref<!tpu.dma_semaphore, #tpu.memory_space<semaphore_mem>>
        %dma_start3A_46 = arith.constant 0 : i32
        %dma_start3A_47 = arith.constant 0 : i32
        %dma_start3A_48 = tpu.memref_slice %arg15[%dma_start3A_46, %dma_start3A_47] : memref<10112x32xf32, #tpu.memory_space<vmem_shared>> -> memref<10112x32xf32, #tpu.memory_space<vmem_shared>>
        tpu.enqueue_indirect_dma source(%arg12 : memref<128x32xf32, #tpu.memory_space<vmem>>) target(%dma_start3A_48 : memref<10112x32xf32, #tpu.memory_space<vmem_shared>>) offsets(%arg9 : memref<128xi32, #tpu.memory_space<vmem>>) semaphore(%run_scoped3A : memref<!tpu.dma_semaphore, #tpu.memory_space<semaphore_mem>>) {add = true}
        %dma_wait3A_49 = arith.constant 0 : i32
        %dma_wait3A_50 = arith.constant 0 : i32
        %dma_wait3A_51 = tpu.memref_slice %arg15[%dma_wait3A_49, %dma_wait3A_50] : memref<10112x32xf32, #tpu.memory_space<vmem_shared>> -> memref<10112x32xf32, #tpu.memory_space<vmem_shared>>
        tpu.wait_indirect_dma semaphore(%run_scoped3A : memref<!tpu.dma_semaphore, #tpu.memory_space<semaphore_mem>>) src(%arg12 : memref<128x32xf32, #tpu.memory_space<vmem>>) dst(%dma_wait3A_51 : memref<10112x32xf32, #tpu.memory_space<vmem_shared>>)
        tpu.yield
      }) : () -> ()
      %scan3A_45 = arith.constant 0 : i32
      scf.yield %scan3A_45 : i32
    }
    %scan3A_19 = arith.constant 40 : i32
    %barrier3A_20 = arith.constant 0 : index
    tpu.barrier barrier_id(%barrier3A_20)
    %mul3A_21 = arith.constant 632 : i32
    %mul3A_22 = arith.muli %arg1, %mul3A_21 : i32
    %mul3A_23 = arith.constant 632 : i32
    %mul3A_24 = arith.muli %arg1, %mul3A_23 : i32
    "tpu.region"() ({
      %run_scoped3A = tpu.sem_alloc : memref<!tpu.dma_semaphore, #tpu.memory_space<semaphore_mem>>
      %dma_start3A = arith.constant 0 : i32
      %dma_start3A_29 = tpu.memref_slice %arg6[%arg0, %mul3A_24, %dma_start3A] : memref<2x10112x32xf32, #tpu.memory_space<hbm>> -> memref<1x632x32xf32, #tpu.memory_space<hbm>>
      %dma_start3A_30 = tpu.memref_squeeze %dma_start3A_29 : memref<1x632x32xf32, #tpu.memory_space<hbm>> -> memref<632x32xf32, #tpu.memory_space<hbm>>
      %dma_start3A_31 = arith.constant 0 : i32
      %dma_start3A_32 = tpu.memref_slice %arg14[%mul3A_22, %dma_start3A_31] : memref<10112x32xf32, #tpu.memory_space<vmem_shared>> -> memref<632x32xf32, #tpu.memory_space<vmem_shared>>
      tpu.enqueue_dma source(%dma_start3A_32 : memref<632x32xf32, #tpu.memory_space<vmem_shared>>) target(%dma_start3A_30 : memref<632x32xf32, #tpu.memory_space<hbm>>) target_semaphore(%run_scoped3A : memref<!tpu.dma_semaphore, #tpu.memory_space<semaphore_mem>>)
      %dma_wait3A = arith.constant 0 : i32
      %dma_wait3A_33 = tpu.memref_slice %arg6[%arg0, %mul3A_24, %dma_wait3A] : memref<2x10112x32xf32, #tpu.memory_space<hbm>> -> memref<1x632x32xf32, #tpu.memory_space<hbm>>
      %dma_wait3A_34 = tpu.memref_squeeze %dma_wait3A_33 : memref<1x632x32xf32, #tpu.memory_space<hbm>> -> memref<632x32xf32, #tpu.memory_space<hbm>>
      %dma_wait3A_35 = arith.constant 0 : i32
      %dma_wait3A_36 = tpu.memref_slice %arg14[%mul3A_22, %dma_wait3A_35] : memref<10112x32xf32, #tpu.memory_space<vmem_shared>> -> memref<632x32xf32, #tpu.memory_space<vmem_shared>>
      tpu.wait_dma2 semaphore(%run_scoped3A : memref<!tpu.dma_semaphore, #tpu.memory_space<semaphore_mem>>) src(%dma_wait3A_36 : memref<632x32xf32, #tpu.memory_space<vmem_shared>>) dst(%dma_wait3A_34 : memref<632x32xf32, #tpu.memory_space<hbm>>)
      tpu.yield
    }) : () -> ()
    %mul3A_25 = arith.constant 632 : i32
    %mul3A_26 = arith.muli %arg1, %mul3A_25 : i32
    %mul3A_27 = arith.constant 632 : i32
    %mul3A_28 = arith.muli %arg1, %mul3A_27 : i32
    "tpu.region"() ({
      %run_scoped3A = tpu.sem_alloc : memref<!tpu.dma_semaphore, #tpu.memory_space<semaphore_mem>>
      %dma_start3A = arith.constant 0 : i32
      %dma_start3A_29 = tpu.memref_slice %arg7[%arg0, %mul3A_28, %dma_start3A] : memref<2x10112x32xf32, #tpu.memory_space<hbm>> -> memref<1x632x32xf32, #tpu.memory_space<hbm>>
      %dma_start3A_30 = tpu.memref_squeeze %dma_start3A_29 : memref<1x632x32xf32, #tpu.memory_space<hbm>> -> memref<632x32xf32, #tpu.memory_space<hbm>>
      %dma_start3A_31 = arith.constant 0 : i32
      %dma_start3A_32 = tpu.memref_slice %arg15[%mul3A_26, %dma_start3A_31] : memref<10112x32xf32, #tpu.memory_space<vmem_shared>> -> memref<632x32xf32, #tpu.memory_space<vmem_shared>>
      tpu.enqueue_dma source(%dma_start3A_32 : memref<632x32xf32, #tpu.memory_space<vmem_shared>>) target(%dma_start3A_30 : memref<632x32xf32, #tpu.memory_space<hbm>>) target_semaphore(%run_scoped3A : memref<!tpu.dma_semaphore, #tpu.memory_space<semaphore_mem>>)
      %dma_wait3A = arith.constant 0 : i32
      %dma_wait3A_33 = tpu.memref_slice %arg7[%arg0, %mul3A_28, %dma_wait3A] : memref<2x10112x32xf32, #tpu.memory_space<hbm>> -> memref<1x632x32xf32, #tpu.memory_space<hbm>>
      %dma_wait3A_34 = tpu.memref_squeeze %dma_wait3A_33 : memref<1x632x32xf32, #tpu.memory_space<hbm>> -> memref<632x32xf32, #tpu.memory_space<hbm>>
      %dma_wait3A_35 = arith.constant 0 : i32
      %dma_wait3A_36 = tpu.memref_slice %arg15[%mul3A_26, %dma_wait3A_35] : memref<10112x32xf32, #tpu.memory_space<vmem_shared>> -> memref<632x32xf32, #tpu.memory_space<vmem_shared>>
      tpu.wait_dma2 semaphore(%run_scoped3A : memref<!tpu.dma_semaphore, #tpu.memory_space<semaphore_mem>>) src(%dma_wait3A_36 : memref<632x32xf32, #tpu.memory_space<vmem_shared>>) dst(%dma_wait3A_34 : memref<632x32xf32, #tpu.memory_space<hbm>>)
      tpu.yield
    }) : () -> ()
    return
  }
}

#map = affine_map<(d0, d1) -> (0, 0)>
#map1 = affine_map<(d0, d1) -> (0)>
module attributes {stable_mosaic.version = 14 : i64} {
  func.func @_sc_gather(%arg0: i32, %arg1: i32, %arg2: memref<10112x32xf32, #tpu.memory_space<hbm>>, %arg3: memref<163840xi32, #tpu.memory_space<hbm>>, %arg4: memref<163840x32xf32, #tpu.memory_space<hbm>>, %arg5: memref<128xi32, #tpu.memory_space<vmem>>, %arg6: memref<128x32xf32, #tpu.memory_space<vmem>>, %arg7: memref<!tpu.dma_semaphore, #tpu.memory_space<semaphore_mem>>) attributes {dimension_semantics = [#tpu.dimension_semantics<core_parallel>, #tpu.dimension_semantics<subcore_parallel>], iteration_bounds = array<i64: 2, 16>, scalar_prefetch = 0 : i64, scratch_operands = 3 : i64, tpu.core_type = #tpu.core_type<sc_vector_subcore>, window_params = [{transform_indices = #map}, {transform_indices = #map1}, {transform_indices = #map}]} {
    %mul3A = arith.constant 16 : i32
    %mul3A_0 = arith.muli %arg0, %mul3A : i32
    %add3A = arith.addi %mul3A_0, %arg1 : i32
    %mul3A_1 = arith.constant 5120 : i32
    %mul3A_2 = arith.muli %add3A, %mul3A_1 : i32
    %scan3A = arith.constant 0 : i32
    %scan3A_3 = arith.constant 0 : i32
    %scan3A_4 = arith.constant 40 : i32
    %scan3A_5 = arith.addi %scan3A_3, %scan3A_4 : i32
    %scan3A_6 = arith.constant 1 : i32
    %scan3A_7 = scf.for %scan3A_9 = %scan3A_3 to %scan3A_5 step %scan3A_6 iter_args(%scan3A_10 = %scan3A) -> (i32)  : i32 {
      %mul3A_11 = arith.constant 128 : i32
      %mul3A_12 = arith.muli %scan3A_9, %mul3A_11 : i32
      %add3A_13 = arith.addi %mul3A_2, %mul3A_12 : i32
      %multiple_of3A = tpu.assume_multiple %add3A_13, 128 : i32
      "tpu.region"() ({
        %run_scoped3A = tpu.sem_alloc : memref<!tpu.dma_semaphore, #tpu.memory_space<semaphore_mem>>
        %dma_start3A_19 = tpu.memref_slice %arg3[%multiple_of3A] : memref<163840xi32, #tpu.memory_space<hbm>> -> memref<128xi32, #tpu.memory_space<hbm>>
        %dma_start3A_20 = tpu.memref_slice %arg3[%multiple_of3A] : memref<163840xi32, #tpu.memory_space<hbm>> -> memref<128xi32, #tpu.memory_space<hbm>>
        tpu.enqueue_dma source(%dma_start3A_20 : memref<128xi32, #tpu.memory_space<hbm>>) target(%arg5 : memref<128xi32, #tpu.memory_space<vmem>>) target_semaphore(%run_scoped3A : memref<!tpu.dma_semaphore, #tpu.memory_space<semaphore_mem>>)
        %dma_wait3A_21 = tpu.memref_slice %arg3[%multiple_of3A] : memref<163840xi32, #tpu.memory_space<hbm>> -> memref<128xi32, #tpu.memory_space<hbm>>
        %dma_wait3A_22 = tpu.memref_slice %arg3[%multiple_of3A] : memref<163840xi32, #tpu.memory_space<hbm>> -> memref<128xi32, #tpu.memory_space<hbm>>
        tpu.wait_dma2 semaphore(%run_scoped3A : memref<!tpu.dma_semaphore, #tpu.memory_space<semaphore_mem>>) src(%dma_wait3A_22 : memref<128xi32, #tpu.memory_space<hbm>>) dst(%arg5 : memref<128xi32, #tpu.memory_space<vmem>>)
        tpu.yield
      }) : () -> ()
      %dma_start3A = arith.constant 0 : i32
      %dma_start3A_14 = arith.constant 0 : i32
      %dma_start3A_15 = tpu.memref_slice %arg2[%dma_start3A, %dma_start3A_14] : memref<10112x32xf32, #tpu.memory_space<hbm>> -> memref<10112x32xf32, #tpu.memory_space<hbm>>
      tpu.enqueue_indirect_dma source(%dma_start3A_15 : memref<10112x32xf32, #tpu.memory_space<hbm>>) target(%arg6 : memref<128x32xf32, #tpu.memory_space<vmem>>) offsets(%arg5 : memref<128xi32, #tpu.memory_space<vmem>>) semaphore(%arg7 : memref<!tpu.dma_semaphore, #tpu.memory_space<semaphore_mem>>)
      %dma_wait3A = arith.constant 0 : i32
      %dma_wait3A_16 = arith.constant 0 : i32
      %dma_wait3A_17 = tpu.memref_slice %arg2[%dma_wait3A, %dma_wait3A_16] : memref<10112x32xf32, #tpu.memory_space<hbm>> -> memref<10112x32xf32, #tpu.memory_space<hbm>>
      tpu.wait_indirect_dma semaphore(%arg7 : memref<!tpu.dma_semaphore, #tpu.memory_space<semaphore_mem>>) src(%dma_wait3A_17 : memref<10112x32xf32, #tpu.memory_space<hbm>>) dst(%arg6 : memref<128x32xf32, #tpu.memory_space<vmem>>)
      "tpu.region"() ({
        %run_scoped3A = tpu.sem_alloc : memref<!tpu.dma_semaphore, #tpu.memory_space<semaphore_mem>>
        %dma_start3A_19 = arith.constant 0 : i32
        %dma_start3A_20 = tpu.memref_slice %arg4[%multiple_of3A, %dma_start3A_19] : memref<163840x32xf32, #tpu.memory_space<hbm>> -> memref<128x32xf32, #tpu.memory_space<hbm>>
        %dma_start3A_21 = arith.constant 0 : i32
        %dma_start3A_22 = tpu.memref_slice %arg4[%multiple_of3A, %dma_start3A_21] : memref<163840x32xf32, #tpu.memory_space<hbm>> -> memref<128x32xf32, #tpu.memory_space<hbm>>
        tpu.enqueue_dma source(%arg6 : memref<128x32xf32, #tpu.memory_space<vmem>>) target(%dma_start3A_22 : memref<128x32xf32, #tpu.memory_space<hbm>>) target_semaphore(%run_scoped3A : memref<!tpu.dma_semaphore, #tpu.memory_space<semaphore_mem>>)
        %dma_wait3A_23 = arith.constant 0 : i32
        %dma_wait3A_24 = tpu.memref_slice %arg4[%multiple_of3A, %dma_wait3A_23] : memref<163840x32xf32, #tpu.memory_space<hbm>> -> memref<128x32xf32, #tpu.memory_space<hbm>>
        %dma_wait3A_25 = arith.constant 0 : i32
        %dma_wait3A_26 = tpu.memref_slice %arg4[%multiple_of3A, %dma_wait3A_25] : memref<163840x32xf32, #tpu.memory_space<hbm>> -> memref<128x32xf32, #tpu.memory_space<hbm>>
        tpu.wait_dma2 semaphore(%run_scoped3A : memref<!tpu.dma_semaphore, #tpu.memory_space<semaphore_mem>>) src(%arg6 : memref<128x32xf32, #tpu.memory_space<vmem>>) dst(%dma_wait3A_26 : memref<128x32xf32, #tpu.memory_space<hbm>>)
        tpu.yield
      }) : () -> ()
      %scan3A_18 = arith.constant 0 : i32
      scf.yield %scan3A_18 : i32
    }
    %scan3A_8 = arith.constant 40 : i32
    return
  }
}

#map = affine_map<(d0, d1) -> (0, 0)>
#map1 = affine_map<(d0, d1) -> (0)>
#map2 = affine_map<(d0, d1) -> (0, 0, 0)>
module attributes {stable_mosaic.version = 14 : i64} {
  func.func @_sc_messages(%arg0: i32, %arg1: i32, %arg2: memref<163840x32xf32, #tpu.memory_space<hbm>>, %arg3: memref<10112x32xf32, #tpu.memory_space<hbm>>, %arg4: memref<163840xi32, #tpu.memory_space<hbm>>, %arg5: memref<163840xi32, #tpu.memory_space<hbm>>, %arg6: memref<2x10112x32xf32, #tpu.memory_space<hbm>>, %arg7: memref<2x10112x32xf32, #tpu.memory_space<hbm>>, %arg8: memref<128xi32, #tpu.memory_space<vmem>>, %arg9: memref<128xi32, #tpu.memory_space<vmem>>, %arg10: memref<128x32xf32, #tpu.memory_space<vmem>>, %arg11: memref<128x32xf32, #tpu.memory_space<vmem>>, %arg12: memref<128x32xf32, #tpu.memory_space<vmem>>, %arg13: memref<632x32xf32, #tpu.memory_space<vmem>>, %arg14: memref<10112x32xf32, #tpu.memory_space<vmem_shared>>, %arg15: memref<10112x32xf32, #tpu.memory_space<vmem_shared>>, %arg16: memref<!tpu.dma_semaphore, #tpu.memory_space<semaphore_mem>>) attributes {dimension_semantics = [#tpu.dimension_semantics<core_parallel>, #tpu.dimension_semantics<subcore_parallel>], iteration_bounds = array<i64: 2, 16>, scalar_prefetch = 0 : i64, scratch_operands = 9 : i64, tpu.core_type = #tpu.core_type<sc_vector_subcore>, window_params = [{transform_indices = #map}, {transform_indices = #map}, {transform_indices = #map1}, {transform_indices = #map1}, {transform_indices = #map2}, {transform_indices = #map2}]} {
    %mul3A = arith.constant 16 : i32
    %mul3A_0 = arith.muli %arg0, %mul3A : i32
    %add3A = arith.addi %mul3A_0, %arg1 : i32
    %scan3A = arith.constant 0 : i32
    %scan3A_1 = arith.constant 0 : i32
    %scan3A_2 = arith.constant 632 : i32
    %scan3A_3 = arith.addi %scan3A_1, %scan3A_2 : i32
    %scan3A_4 = arith.constant 1 : i32
    %scan3A_5 = scf.for %scan3A_29 = %scan3A_1 to %scan3A_3 step %scan3A_4 iter_args(%scan3A_30 = %scan3A) -> (i32)  : i32 {
      %broadcast_in_dim3A = arith.constant 0.000000e+00 : f32
      %broadcast_in_dim3A_31 = vector.broadcast %broadcast_in_dim3A : f32 to vector<16xf32>
      %swap3A = arith.index_cast %scan3A_29 : i32 to index
      %swap3A_32 = arith.constant 0 : index
      %swap3A_33 = tpu.vector_load %arg13[%swap3A, %swap3A_32] {strides = array<i32>} : memref<632x32xf32, #tpu.memory_space<vmem>>, vector<1x16xf32>,
      %swap3A_34 = vector.shape_cast %swap3A_33 : vector<1x16xf32> to vector<16xf32>
      %swap3A_35 = vector.shape_cast %broadcast_in_dim3A_31 : vector<16xf32> to vector<1x16xf32>
      tpu.vector_store %arg13[%swap3A, %swap3A_32], %swap3A_35 {strides = array<i32>} : memref<632x32xf32, #tpu.memory_space<vmem>>, vector<1x16xf32>,
      %swap3A_36 = arith.index_cast %scan3A_29 : i32 to index
      %swap3A_37 = arith.constant 16 : index
      %swap3A_38 = tpu.vector_load %arg13[%swap3A_36, %swap3A_37] {strides = array<i32>} : memref<632x32xf32, #tpu.memory_space<vmem>>, vector<1x16xf32>,
      %swap3A_39 = vector.shape_cast %swap3A_38 : vector<1x16xf32> to vector<16xf32>
      %swap3A_40 = vector.shape_cast %broadcast_in_dim3A_31 : vector<16xf32> to vector<1x16xf32>
      tpu.vector_store %arg13[%swap3A_36, %swap3A_37], %swap3A_40 {strides = array<i32>} : memref<632x32xf32, #tpu.memory_space<vmem>>, vector<1x16xf32>,
      %scan3A_41 = arith.constant 0 : i32
      scf.yield %scan3A_41 : i32
    }
    %scan3A_6 = arith.constant 632 : i32
    %mul3A_7 = arith.constant 632 : i32
    %mul3A_8 = arith.muli %arg1, %mul3A_7 : i32
    "tpu.region"() ({
      %run_scoped3A = tpu.sem_alloc : memref<!tpu.dma_semaphore, #tpu.memory_space<semaphore_mem>>
      %dma_start3A = arith.constant 0 : i32
      %dma_start3A_29 = tpu.memref_slice %arg14[%mul3A_8, %dma_start3A] : memref<10112x32xf32, #tpu.memory_space<vmem_shared>> -> memref<632x32xf32, #tpu.memory_space<vmem_shared>>
      %dma_start3A_30 = arith.constant 0 : i32
      %dma_start3A_31 = tpu.memref_slice %arg14[%mul3A_8, %dma_start3A_30] : memref<10112x32xf32, #tpu.memory_space<vmem_shared>> -> memref<632x32xf32, #tpu.memory_space<vmem_shared>>
      tpu.enqueue_dma source(%arg13 : memref<632x32xf32, #tpu.memory_space<vmem>>) target(%dma_start3A_31 : memref<632x32xf32, #tpu.memory_space<vmem_shared>>) target_semaphore(%run_scoped3A : memref<!tpu.dma_semaphore, #tpu.memory_space<semaphore_mem>>)
      %dma_wait3A = arith.constant 0 : i32
      %dma_wait3A_32 = tpu.memref_slice %arg14[%mul3A_8, %dma_wait3A] : memref<10112x32xf32, #tpu.memory_space<vmem_shared>> -> memref<632x32xf32, #tpu.memory_space<vmem_shared>>
      %dma_wait3A_33 = arith.constant 0 : i32
      %dma_wait3A_34 = tpu.memref_slice %arg14[%mul3A_8, %dma_wait3A_33] : memref<10112x32xf32, #tpu.memory_space<vmem_shared>> -> memref<632x32xf32, #tpu.memory_space<vmem_shared>>
      tpu.wait_dma2 semaphore(%run_scoped3A : memref<!tpu.dma_semaphore, #tpu.memory_space<semaphore_mem>>) src(%arg13 : memref<632x32xf32, #tpu.memory_space<vmem>>) dst(%dma_wait3A_34 : memref<632x32xf32, #tpu.memory_space<vmem_shared>>)
      tpu.yield
    }) : () -> ()
    %mul3A_9 = arith.constant 632 : i32
    %mul3A_10 = arith.muli %arg1, %mul3A_9 : i32
    "tpu.region"() ({
      %run_scoped3A = tpu.sem_alloc : memref<!tpu.dma_semaphore, #tpu.memory_space<semaphore_mem>>
      %dma_start3A = arith.constant 0 : i32
      %dma_start3A_29 = tpu.memref_slice %arg15[%mul3A_10, %dma_start3A] : memref<10112x32xf32, #tpu.memory_space<vmem_shared>> -> memref<632x32xf32, #tpu.memory_space<vmem_shared>>
      %dma_start3A_30 = arith.constant 0 : i32
      %dma_start3A_31 = tpu.memref_slice %arg15[%mul3A_10, %dma_start3A_30] : memref<10112x32xf32, #tpu.memory_space<vmem_shared>> -> memref<632x32xf32, #tpu.memory_space<vmem_shared>>
      tpu.enqueue_dma source(%arg13 : memref<632x32xf32, #tpu.memory_space<vmem>>) target(%dma_start3A_31 : memref<632x32xf32, #tpu.memory_space<vmem_shared>>) target_semaphore(%run_scoped3A : memref<!tpu.dma_semaphore, #tpu.memory_space<semaphore_mem>>)
      %dma_wait3A = arith.constant 0 : i32
      %dma_wait3A_32 = tpu.memref_slice %arg15[%mul3A_10, %dma_wait3A] : memref<10112x32xf32, #tpu.memory_space<vmem_shared>> -> memref<632x32xf32, #tpu.memory_space<vmem_shared>>
      %dma_wait3A_33 = arith.constant 0 : i32
      %dma_wait3A_34 = tpu.memref_slice %arg15[%mul3A_10, %dma_wait3A_33] : memref<10112x32xf32, #tpu.memory_space<vmem_shared>> -> memref<632x32xf32, #tpu.memory_space<vmem_shared>>
      tpu.wait_dma2 semaphore(%run_scoped3A : memref<!tpu.dma_semaphore, #tpu.memory_space<semaphore_mem>>) src(%arg13 : memref<632x32xf32, #tpu.memory_space<vmem>>) dst(%dma_wait3A_34 : memref<632x32xf32, #tpu.memory_space<vmem_shared>>)
      tpu.yield
    }) : () -> ()
    %barrier3A = arith.constant 0 : index
    tpu.barrier barrier_id(%barrier3A)
    %mul3A_11 = arith.constant 5120 : i32
    %mul3A_12 = arith.muli %add3A, %mul3A_11 : i32
    %scan3A_13 = arith.constant 0 : i32
    %scan3A_14 = arith.constant 0 : i32
    %scan3A_15 = arith.constant 40 : i32
    %scan3A_16 = arith.addi %scan3A_14, %scan3A_15 : i32
    %scan3A_17 = arith.constant 1 : i32
    %scan3A_18 = scf.for %scan3A_29 = %scan3A_14 to %scan3A_16 step %scan3A_17 iter_args(%scan3A_30 = %scan3A_13) -> (i32)  : i32 {
      %mul3A_31 = arith.constant 128 : i32
      %mul3A_32 = arith.muli %scan3A_29, %mul3A_31 : i32
      %add3A_33 = arith.addi %mul3A_12, %mul3A_32 : i32
      %multiple_of3A = tpu.assume_multiple %add3A_33, 128 : i32
      "tpu.region"() ({
        %run_scoped3A = tpu.sem_alloc : memref<!tpu.dma_semaphore, #tpu.memory_space<semaphore_mem>>
        %dma_start3A_46 = tpu.memref_slice %arg4[%multiple_of3A] : memref<163840xi32, #tpu.memory_space<hbm>> -> memref<128xi32, #tpu.memory_space<hbm>>
        %dma_start3A_47 = tpu.memref_slice %arg4[%multiple_of3A] : memref<163840xi32, #tpu.memory_space<hbm>> -> memref<128xi32, #tpu.memory_space<hbm>>
        tpu.enqueue_dma source(%dma_start3A_47 : memref<128xi32, #tpu.memory_space<hbm>>) target(%arg8 : memref<128xi32, #tpu.memory_space<vmem>>) target_semaphore(%run_scoped3A : memref<!tpu.dma_semaphore, #tpu.memory_space<semaphore_mem>>)
        %dma_wait3A_48 = tpu.memref_slice %arg4[%multiple_of3A] : memref<163840xi32, #tpu.memory_space<hbm>> -> memref<128xi32, #tpu.memory_space<hbm>>
        %dma_wait3A_49 = tpu.memref_slice %arg4[%multiple_of3A] : memref<163840xi32, #tpu.memory_space<hbm>> -> memref<128xi32, #tpu.memory_space<hbm>>
        tpu.wait_dma2 semaphore(%run_scoped3A : memref<!tpu.dma_semaphore, #tpu.memory_space<semaphore_mem>>) src(%dma_wait3A_49 : memref<128xi32, #tpu.memory_space<hbm>>) dst(%arg8 : memref<128xi32, #tpu.memory_space<vmem>>)
        tpu.yield
      }) : () -> ()
      "tpu.region"() ({
        %run_scoped3A = tpu.sem_alloc : memref<!tpu.dma_semaphore, #tpu.memory_space<semaphore_mem>>
        %dma_start3A_46 = tpu.memref_slice %arg5[%multiple_of3A] : memref<163840xi32, #tpu.memory_space<hbm>> -> memref<128xi32, #tpu.memory_space<hbm>>
        %dma_start3A_47 = tpu.memref_slice %arg5[%multiple_of3A] : memref<163840xi32, #tpu.memory_space<hbm>> -> memref<128xi32, #tpu.memory_space<hbm>>
        tpu.enqueue_dma source(%dma_start3A_47 : memref<128xi32, #tpu.memory_space<hbm>>) target(%arg9 : memref<128xi32, #tpu.memory_space<vmem>>) target_semaphore(%run_scoped3A : memref<!tpu.dma_semaphore, #tpu.memory_space<semaphore_mem>>)
        %dma_wait3A_48 = tpu.memref_slice %arg5[%multiple_of3A] : memref<163840xi32, #tpu.memory_space<hbm>> -> memref<128xi32, #tpu.memory_space<hbm>>
        %dma_wait3A_49 = tpu.memref_slice %arg5[%multiple_of3A] : memref<163840xi32, #tpu.memory_space<hbm>> -> memref<128xi32, #tpu.memory_space<hbm>>
        tpu.wait_dma2 semaphore(%run_scoped3A : memref<!tpu.dma_semaphore, #tpu.memory_space<semaphore_mem>>) src(%dma_wait3A_49 : memref<128xi32, #tpu.memory_space<hbm>>) dst(%arg9 : memref<128xi32, #tpu.memory_space<vmem>>)
        tpu.yield
      }) : () -> ()
      "tpu.region"() ({
        %run_scoped3A = tpu.sem_alloc : memref<!tpu.dma_semaphore, #tpu.memory_space<semaphore_mem>>
        %dma_start3A_46 = arith.constant 0 : i32
        %dma_start3A_47 = tpu.memref_slice %arg2[%multiple_of3A, %dma_start3A_46] : memref<163840x32xf32, #tpu.memory_space<hbm>> -> memref<128x32xf32, #tpu.memory_space<hbm>>
        %dma_start3A_48 = arith.constant 0 : i32
        %dma_start3A_49 = tpu.memref_slice %arg2[%multiple_of3A, %dma_start3A_48] : memref<163840x32xf32, #tpu.memory_space<hbm>> -> memref<128x32xf32, #tpu.memory_space<hbm>>
        tpu.enqueue_dma source(%dma_start3A_49 : memref<128x32xf32, #tpu.memory_space<hbm>>) target(%arg10 : memref<128x32xf32, #tpu.memory_space<vmem>>) target_semaphore(%run_scoped3A : memref<!tpu.dma_semaphore, #tpu.memory_space<semaphore_mem>>)
        %dma_wait3A_50 = arith.constant 0 : i32
        %dma_wait3A_51 = tpu.memref_slice %arg2[%multiple_of3A, %dma_wait3A_50] : memref<163840x32xf32, #tpu.memory_space<hbm>> -> memref<128x32xf32, #tpu.memory_space<hbm>>
        %dma_wait3A_52 = arith.constant 0 : i32
        %dma_wait3A_53 = tpu.memref_slice %arg2[%multiple_of3A, %dma_wait3A_52] : memref<163840x32xf32, #tpu.memory_space<hbm>> -> memref<128x32xf32, #tpu.memory_space<hbm>>
        tpu.wait_dma2 semaphore(%run_scoped3A : memref<!tpu.dma_semaphore, #tpu.memory_space<semaphore_mem>>) src(%dma_wait3A_53 : memref<128x32xf32, #tpu.memory_space<hbm>>) dst(%arg10 : memref<128x32xf32, #tpu.memory_space<vmem>>)
        tpu.yield
      }) : () -> ()
      %dma_start3A = arith.constant 0 : i32
      %dma_start3A_34 = arith.constant 0 : i32
      %dma_start3A_35 = tpu.memref_slice %arg3[%dma_start3A, %dma_start3A_34] : memref<10112x32xf32, #tpu.memory_space<hbm>> -> memref<10112x32xf32, #tpu.memory_space<hbm>>
      tpu.enqueue_indirect_dma source(%dma_start3A_35 : memref<10112x32xf32, #tpu.memory_space<hbm>>) target(%arg11 : memref<128x32xf32, #tpu.memory_space<vmem>>) offsets(%arg8 : memref<128xi32, #tpu.memory_space<vmem>>) semaphore(%arg16 : memref<!tpu.dma_semaphore, #tpu.memory_space<semaphore_mem>>)
      %dma_wait3A = arith.constant 0 : i32
      %dma_wait3A_36 = arith.constant 0 : i32
      %dma_wait3A_37 = tpu.memref_slice %arg3[%dma_wait3A, %dma_wait3A_36] : memref<10112x32xf32, #tpu.memory_space<hbm>> -> memref<10112x32xf32, #tpu.memory_space<hbm>>
      tpu.wait_indirect_dma semaphore(%arg16 : memref<!tpu.dma_semaphore, #tpu.memory_space<semaphore_mem>>) src(%dma_wait3A_37 : memref<10112x32xf32, #tpu.memory_space<hbm>>) dst(%arg11 : memref<128x32xf32, #tpu.memory_space<vmem>>)
      %scan3A_38 = arith.constant 0 : i32
      %scan3A_39 = arith.constant 0 : i32
      %scan3A_40 = arith.constant 128 : i32
      %scan3A_41 = arith.addi %scan3A_39, %scan3A_40 : i32
      %scan3A_42 = arith.constant 1 : i32
      %scan3A_43 = scf.for %scan3A_46 = %scan3A_39 to %scan3A_41 step %scan3A_42 iter_args(%scan3A_47 = %scan3A_38) -> (i32)  : i32 {
        %get3A = arith.index_cast %scan3A_46 : i32 to index
        %get3A_48 = arith.constant 0 : index
        %get3A_49 = tpu.vector_load %arg10[%get3A, %get3A_48] {strides = array<i32>} : memref<128x32xf32, #tpu.memory_space<vmem>>, vector<1x16xf32>,
        %get3A_50 = vector.shape_cast %get3A_49 : vector<1x16xf32> to vector<16xf32>
        %get3A_51 = arith.index_cast %scan3A_46 : i32 to index
        %get3A_52 = arith.constant 0 : index
        %get3A_53 = tpu.vector_load %arg11[%get3A_51, %get3A_52] {strides = array<i32>} : memref<128x32xf32, #tpu.memory_space<vmem>>, vector<1x16xf32>,
        %get3A_54 = vector.shape_cast %get3A_53 : vector<1x16xf32> to vector<16xf32>
        %add3A_55 = arith.addf %get3A_54, %get3A_50 : vector<16xf32>
        %max3A = arith.constant 0.000000e+00 : f32
        %max3A_56 = vector.broadcast %max3A : f32 to vector<16xf32>
        %max3A_57 = arith.maximumf %add3A_55, %max3A_56 : vector<16xf32>
        %add3A_58 = arith.constant 1.000000e-07 : f32
        %add3A_59 = vector.broadcast %add3A_58 : f32 to vector<16xf32>
        %add3A_60 = arith.addf %max3A_57, %add3A_59 : vector<16xf32>
        %swap3A = arith.index_cast %scan3A_46 : i32 to index
        %swap3A_61 = arith.constant 0 : index
        %swap3A_62 = tpu.vector_load %arg11[%swap3A, %swap3A_61] {strides = array<i32>} : memref<128x32xf32, #tpu.memory_space<vmem>>, vector<1x16xf32>,
        %swap3A_63 = vector.shape_cast %swap3A_62 : vector<1x16xf32> to vector<16xf32>
        %swap3A_64 = vector.shape_cast %add3A_60 : vector<16xf32> to vector<1x16xf32>
        tpu.vector_store %arg11[%swap3A, %swap3A_61], %swap3A_64 {strides = array<i32>} : memref<128x32xf32, #tpu.memory_space<vmem>>, vector<1x16xf32>,
        %max3A_65 = arith.constant 0.000000e+00 : f32
        %max3A_66 = vector.broadcast %max3A_65 : f32 to vector<16xf32>
        %max3A_67 = arith.maximumf %get3A_50, %max3A_66 : vector<16xf32>
        %add3A_68 = arith.constant 1.000000e-07 : f32
        %add3A_69 = vector.broadcast %add3A_68 : f32 to vector<16xf32>
        %add3A_70 = arith.addf %max3A_67, %add3A_69 : vector<16xf32>
        %swap3A_71 = arith.index_cast %scan3A_46 : i32 to index
        %swap3A_72 = arith.constant 0 : index
        %swap3A_73 = tpu.vector_load %arg12[%swap3A_71, %swap3A_72] {strides = array<i32>} : memref<128x32xf32, #tpu.memory_space<vmem>>, vector<1x16xf32>,
        %swap3A_74 = vector.shape_cast %swap3A_73 : vector<1x16xf32> to vector<16xf32>
        %swap3A_75 = vector.shape_cast %add3A_70 : vector<16xf32> to vector<1x16xf32>
        tpu.vector_store %arg12[%swap3A_71, %swap3A_72], %swap3A_75 {strides = array<i32>} : memref<128x32xf32, #tpu.memory_space<vmem>>, vector<1x16xf32>,
        %get3A_76 = arith.index_cast %scan3A_46 : i32 to index
        %get3A_77 = arith.constant 16 : index
        %get3A_78 = tpu.vector_load %arg10[%get3A_76, %get3A_77] {strides = array<i32>} : memref<128x32xf32, #tpu.memory_space<vmem>>, vector<1x16xf32>,
        %get3A_79 = vector.shape_cast %get3A_78 : vector<1x16xf32> to vector<16xf32>
        %get3A_80 = arith.index_cast %scan3A_46 : i32 to index
        %get3A_81 = arith.constant 16 : index
        %get3A_82 = tpu.vector_load %arg11[%get3A_80, %get3A_81] {strides = array<i32>} : memref<128x32xf32, #tpu.memory_space<vmem>>, vector<1x16xf32>,
        %get3A_83 = vector.shape_cast %get3A_82 : vector<1x16xf32> to vector<16xf32>
        %add3A_84 = arith.addf %get3A_83, %get3A_79 : vector<16xf32>
        %max3A_85 = arith.constant 0.000000e+00 : f32
        %max3A_86 = vector.broadcast %max3A_85 : f32 to vector<16xf32>
        %max3A_87 = arith.maximumf %add3A_84, %max3A_86 : vector<16xf32>
        %add3A_88 = arith.constant 1.000000e-07 : f32
        %add3A_89 = vector.broadcast %add3A_88 : f32 to vector<16xf32>
        %add3A_90 = arith.addf %max3A_87, %add3A_89 : vector<16xf32>
        %swap3A_91 = arith.index_cast %scan3A_46 : i32 to index
        %swap3A_92 = arith.constant 16 : index
        %swap3A_93 = tpu.vector_load %arg11[%swap3A_91, %swap3A_92] {strides = array<i32>} : memref<128x32xf32, #tpu.memory_space<vmem>>, vector<1x16xf32>,
        %swap3A_94 = vector.shape_cast %swap3A_93 : vector<1x16xf32> to vector<16xf32>
        %swap3A_95 = vector.shape_cast %add3A_90 : vector<16xf32> to vector<1x16xf32>
        tpu.vector_store %arg11[%swap3A_91, %swap3A_92], %swap3A_95 {strides = array<i32>} : memref<128x32xf32, #tpu.memory_space<vmem>>, vector<1x16xf32>,
        %max3A_96 = arith.constant 0.000000e+00 : f32
        %max3A_97 = vector.broadcast %max3A_96 : f32 to vector<16xf32>
        %max3A_98 = arith.maximumf %get3A_79, %max3A_97 : vector<16xf32>
        %add3A_99 = arith.constant 1.000000e-07 : f32
        %add3A_100 = vector.broadcast %add3A_99 : f32 to vector<16xf32>
        %add3A_101 = arith.addf %max3A_98, %add3A_100 : vector<16xf32>
        %swap3A_102 = arith.index_cast %scan3A_46 : i32 to index
        %swap3A_103 = arith.constant 16 : index
        %swap3A_104 = tpu.vector_load %arg12[%swap3A_102, %swap3A_103] {strides = array<i32>} : memref<128x32xf32, #tpu.memory_space<vmem>>, vector<1x16xf32>,
        %swap3A_105 = vector.shape_cast %swap3A_104 : vector<1x16xf32> to vector<16xf32>
        %swap3A_106 = vector.shape_cast %add3A_101 : vector<16xf32> to vector<1x16xf32>
        tpu.vector_store %arg12[%swap3A_102, %swap3A_103], %swap3A_106 {strides = array<i32>} : memref<128x32xf32, #tpu.memory_space<vmem>>, vector<1x16xf32>,
        %scan3A_107 = arith.constant 0 : i32
        scf.yield %scan3A_107 : i32
      }
      %scan3A_44 = arith.constant 128 : i32
      "tpu.region"() ({
        %run_scoped3A = tpu.sem_alloc : memref<!tpu.dma_semaphore, #tpu.memory_space<semaphore_mem>>
        %dma_start3A_46 = arith.constant 0 : i32
        %dma_start3A_47 = arith.constant 0 : i32
        %dma_start3A_48 = tpu.memref_slice %arg14[%dma_start3A_46, %dma_start3A_47] : memref<10112x32xf32, #tpu.memory_space<vmem_shared>> -> memref<10112x32xf32, #tpu.memory_space<vmem_shared>>
        tpu.enqueue_indirect_dma source(%arg11 : memref<128x32xf32, #tpu.memory_space<vmem>>) target(%dma_start3A_48 : memref<10112x32xf32, #tpu.memory_space<vmem_shared>>) offsets(%arg9 : memref<128xi32, #tpu.memory_space<vmem>>) semaphore(%run_scoped3A : memref<!tpu.dma_semaphore, #tpu.memory_space<semaphore_mem>>) {add = true}
        %dma_wait3A_49 = arith.constant 0 : i32
        %dma_wait3A_50 = arith.constant 0 : i32
        %dma_wait3A_51 = tpu.memref_slice %arg14[%dma_wait3A_49, %dma_wait3A_50] : memref<10112x32xf32, #tpu.memory_space<vmem_shared>> -> memref<10112x32xf32, #tpu.memory_space<vmem_shared>>
        tpu.wait_indirect_dma semaphore(%run_scoped3A : memref<!tpu.dma_semaphore, #tpu.memory_space<semaphore_mem>>) src(%arg11 : memref<128x32xf32, #tpu.memory_space<vmem>>) dst(%dma_wait3A_51 : memref<10112x32xf32, #tpu.memory_space<vmem_shared>>)
        tpu.yield
      }) : () -> ()
      "tpu.region"() ({
        %run_scoped3A = tpu.sem_alloc : memref<!tpu.dma_semaphore, #tpu.memory_space<semaphore_mem>>
        %dma_start3A_46 = arith.constant 0 : i32
        %dma_start3A_47 = arith.constant 0 : i32
        %dma_start3A_48 = tpu.memref_slice %arg15[%dma_start3A_46, %dma_start3A_47] : memref<10112x32xf32, #tpu.memory_space<vmem_shared>> -> memref<10112x32xf32, #tpu.memory_space<vmem_shared>>
        tpu.enqueue_indirect_dma source(%arg12 : memref<128x32xf32, #tpu.memory_space<vmem>>) target(%dma_start3A_48 : memref<10112x32xf32, #tpu.memory_space<vmem_shared>>) offsets(%arg9 : memref<128xi32, #tpu.memory_space<vmem>>) semaphore(%run_scoped3A : memref<!tpu.dma_semaphore, #tpu.memory_space<semaphore_mem>>) {add = true}
        %dma_wait3A_49 = arith.constant 0 : i32
        %dma_wait3A_50 = arith.constant 0 : i32
        %dma_wait3A_51 = tpu.memref_slice %arg15[%dma_wait3A_49, %dma_wait3A_50] : memref<10112x32xf32, #tpu.memory_space<vmem_shared>> -> memref<10112x32xf32, #tpu.memory_space<vmem_shared>>
        tpu.wait_indirect_dma semaphore(%run_scoped3A : memref<!tpu.dma_semaphore, #tpu.memory_space<semaphore_mem>>) src(%arg12 : memref<128x32xf32, #tpu.memory_space<vmem>>) dst(%dma_wait3A_51 : memref<10112x32xf32, #tpu.memory_space<vmem_shared>>)
        tpu.yield
      }) : () -> ()
      %scan3A_45 = arith.constant 0 : i32
      scf.yield %scan3A_45 : i32
    }
    %scan3A_19 = arith.constant 40 : i32
    %barrier3A_20 = arith.constant 0 : index
    tpu.barrier barrier_id(%barrier3A_20)
    %mul3A_21 = arith.constant 632 : i32
    %mul3A_22 = arith.muli %arg1, %mul3A_21 : i32
    %mul3A_23 = arith.constant 632 : i32
    %mul3A_24 = arith.muli %arg1, %mul3A_23 : i32
    "tpu.region"() ({
      %run_scoped3A = tpu.sem_alloc : memref<!tpu.dma_semaphore, #tpu.memory_space<semaphore_mem>>
      %dma_start3A = arith.constant 0 : i32
      %dma_start3A_29 = tpu.memref_slice %arg6[%arg0, %mul3A_24, %dma_start3A] : memref<2x10112x32xf32, #tpu.memory_space<hbm>> -> memref<1x632x32xf32, #tpu.memory_space<hbm>>
      %dma_start3A_30 = tpu.memref_squeeze %dma_start3A_29 : memref<1x632x32xf32, #tpu.memory_space<hbm>> -> memref<632x32xf32, #tpu.memory_space<hbm>>
      %dma_start3A_31 = arith.constant 0 : i32
      %dma_start3A_32 = tpu.memref_slice %arg14[%mul3A_22, %dma_start3A_31] : memref<10112x32xf32, #tpu.memory_space<vmem_shared>> -> memref<632x32xf32, #tpu.memory_space<vmem_shared>>
      tpu.enqueue_dma source(%dma_start3A_32 : memref<632x32xf32, #tpu.memory_space<vmem_shared>>) target(%dma_start3A_30 : memref<632x32xf32, #tpu.memory_space<hbm>>) target_semaphore(%run_scoped3A : memref<!tpu.dma_semaphore, #tpu.memory_space<semaphore_mem>>)
      %dma_wait3A = arith.constant 0 : i32
      %dma_wait3A_33 = tpu.memref_slice %arg6[%arg0, %mul3A_24, %dma_wait3A] : memref<2x10112x32xf32, #tpu.memory_space<hbm>> -> memref<1x632x32xf32, #tpu.memory_space<hbm>>
      %dma_wait3A_34 = tpu.memref_squeeze %dma_wait3A_33 : memref<1x632x32xf32, #tpu.memory_space<hbm>> -> memref<632x32xf32, #tpu.memory_space<hbm>>
      %dma_wait3A_35 = arith.constant 0 : i32
      %dma_wait3A_36 = tpu.memref_slice %arg14[%mul3A_22, %dma_wait3A_35] : memref<10112x32xf32, #tpu.memory_space<vmem_shared>> -> memref<632x32xf32, #tpu.memory_space<vmem_shared>>
      tpu.wait_dma2 semaphore(%run_scoped3A : memref<!tpu.dma_semaphore, #tpu.memory_space<semaphore_mem>>) src(%dma_wait3A_36 : memref<632x32xf32, #tpu.memory_space<vmem_shared>>) dst(%dma_wait3A_34 : memref<632x32xf32, #tpu.memory_space<hbm>>)
      tpu.yield
    }) : () -> ()
    %mul3A_25 = arith.constant 632 : i32
    %mul3A_26 = arith.muli %arg1, %mul3A_25 : i32
    %mul3A_27 = arith.constant 632 : i32
    %mul3A_28 = arith.muli %arg1, %mul3A_27 : i32
    "tpu.region"() ({
      %run_scoped3A = tpu.sem_alloc : memref<!tpu.dma_semaphore, #tpu.memory_space<semaphore_mem>>
      %dma_start3A = arith.constant 0 : i32
      %dma_start3A_29 = tpu.memref_slice %arg7[%arg0, %mul3A_28, %dma_start3A] : memref<2x10112x32xf32, #tpu.memory_space<hbm>> -> memref<1x632x32xf32, #tpu.memory_space<hbm>>
      %dma_start3A_30 = tpu.memref_squeeze %dma_start3A_29 : memref<1x632x32xf32, #tpu.memory_space<hbm>> -> memref<632x32xf32, #tpu.memory_space<hbm>>
      %dma_start3A_31 = arith.constant 0 : i32
      %dma_start3A_32 = tpu.memref_slice %arg15[%mul3A_26, %dma_start3A_31] : memref<10112x32xf32, #tpu.memory_space<vmem_shared>> -> memref<632x32xf32, #tpu.memory_space<vmem_shared>>
      tpu.enqueue_dma source(%dma_start3A_32 : memref<632x32xf32, #tpu.memory_space<vmem_shared>>) target(%dma_start3A_30 : memref<632x32xf32, #tpu.memory_space<hbm>>) target_semaphore(%run_scoped3A : memref<!tpu.dma_semaphore, #tpu.memory_space<semaphore_mem>>)
      %dma_wait3A = arith.constant 0 : i32
      %dma_wait3A_33 = tpu.memref_slice %arg7[%arg0, %mul3A_28, %dma_wait3A] : memref<2x10112x32xf32, #tpu.memory_space<hbm>> -> memref<1x632x32xf32, #tpu.memory_space<hbm>>
      %dma_wait3A_34 = tpu.memref_squeeze %dma_wait3A_33 : memref<1x632x32xf32, #tpu.memory_space<hbm>> -> memref<632x32xf32, #tpu.memory_space<hbm>>
      %dma_wait3A_35 = arith.constant 0 : i32
      %dma_wait3A_36 = tpu.memref_slice %arg15[%mul3A_26, %dma_wait3A_35] : memref<10112x32xf32, #tpu.memory_space<vmem_shared>> -> memref<632x32xf32, #tpu.memory_space<vmem_shared>>
      tpu.wait_dma2 semaphore(%run_scoped3A : memref<!tpu.dma_semaphore, #tpu.memory_space<semaphore_mem>>) src(%dma_wait3A_36 : memref<632x32xf32, #tpu.memory_space<vmem_shared>>) dst(%dma_wait3A_34 : memref<632x32xf32, #tpu.memory_space<hbm>>)
      tpu.yield
    }) : () -> ()
    return
  }
}

#map = affine_map<(d0, d1) -> (0, 0)>
#map1 = affine_map<(d0, d1) -> (0)>
module attributes {stable_mosaic.version = 14 : i64} {
  func.func @_sc_gather(%arg0: i32, %arg1: i32, %arg2: memref<10112x32xf32, #tpu.memory_space<hbm>>, %arg3: memref<163840xi32, #tpu.memory_space<hbm>>, %arg4: memref<163840x32xf32, #tpu.memory_space<hbm>>, %arg5: memref<128xi32, #tpu.memory_space<vmem>>, %arg6: memref<128x32xf32, #tpu.memory_space<vmem>>, %arg7: memref<!tpu.dma_semaphore, #tpu.memory_space<semaphore_mem>>) attributes {dimension_semantics = [#tpu.dimension_semantics<core_parallel>, #tpu.dimension_semantics<subcore_parallel>], iteration_bounds = array<i64: 2, 16>, scalar_prefetch = 0 : i64, scratch_operands = 3 : i64, tpu.core_type = #tpu.core_type<sc_vector_subcore>, window_params = [{transform_indices = #map}, {transform_indices = #map1}, {transform_indices = #map}]} {
    %mul3A = arith.constant 16 : i32
    %mul3A_0 = arith.muli %arg0, %mul3A : i32
    %add3A = arith.addi %mul3A_0, %arg1 : i32
    %mul3A_1 = arith.constant 5120 : i32
    %mul3A_2 = arith.muli %add3A, %mul3A_1 : i32
    %scan3A = arith.constant 0 : i32
    %scan3A_3 = arith.constant 0 : i32
    %scan3A_4 = arith.constant 40 : i32
    %scan3A_5 = arith.addi %scan3A_3, %scan3A_4 : i32
    %scan3A_6 = arith.constant 1 : i32
    %scan3A_7 = scf.for %scan3A_9 = %scan3A_3 to %scan3A_5 step %scan3A_6 iter_args(%scan3A_10 = %scan3A) -> (i32)  : i32 {
      %mul3A_11 = arith.constant 128 : i32
      %mul3A_12 = arith.muli %scan3A_9, %mul3A_11 : i32
      %add3A_13 = arith.addi %mul3A_2, %mul3A_12 : i32
      %multiple_of3A = tpu.assume_multiple %add3A_13, 128 : i32
      "tpu.region"() ({
        %run_scoped3A = tpu.sem_alloc : memref<!tpu.dma_semaphore, #tpu.memory_space<semaphore_mem>>
        %dma_start3A_19 = tpu.memref_slice %arg3[%multiple_of3A] : memref<163840xi32, #tpu.memory_space<hbm>> -> memref<128xi32, #tpu.memory_space<hbm>>
        %dma_start3A_20 = tpu.memref_slice %arg3[%multiple_of3A] : memref<163840xi32, #tpu.memory_space<hbm>> -> memref<128xi32, #tpu.memory_space<hbm>>
        tpu.enqueue_dma source(%dma_start3A_20 : memref<128xi32, #tpu.memory_space<hbm>>) target(%arg5 : memref<128xi32, #tpu.memory_space<vmem>>) target_semaphore(%run_scoped3A : memref<!tpu.dma_semaphore, #tpu.memory_space<semaphore_mem>>)
        %dma_wait3A_21 = tpu.memref_slice %arg3[%multiple_of3A] : memref<163840xi32, #tpu.memory_space<hbm>> -> memref<128xi32, #tpu.memory_space<hbm>>
        %dma_wait3A_22 = tpu.memref_slice %arg3[%multiple_of3A] : memref<163840xi32, #tpu.memory_space<hbm>> -> memref<128xi32, #tpu.memory_space<hbm>>
        tpu.wait_dma2 semaphore(%run_scoped3A : memref<!tpu.dma_semaphore, #tpu.memory_space<semaphore_mem>>) src(%dma_wait3A_22 : memref<128xi32, #tpu.memory_space<hbm>>) dst(%arg5 : memref<128xi32, #tpu.memory_space<vmem>>)
        tpu.yield
      }) : () -> ()
      %dma_start3A = arith.constant 0 : i32
      %dma_start3A_14 = arith.constant 0 : i32
      %dma_start3A_15 = tpu.memref_slice %arg2[%dma_start3A, %dma_start3A_14] : memref<10112x32xf32, #tpu.memory_space<hbm>> -> memref<10112x32xf32, #tpu.memory_space<hbm>>
      tpu.enqueue_indirect_dma source(%dma_start3A_15 : memref<10112x32xf32, #tpu.memory_space<hbm>>) target(%arg6 : memref<128x32xf32, #tpu.memory_space<vmem>>) offsets(%arg5 : memref<128xi32, #tpu.memory_space<vmem>>) semaphore(%arg7 : memref<!tpu.dma_semaphore, #tpu.memory_space<semaphore_mem>>)
      %dma_wait3A = arith.constant 0 : i32
      %dma_wait3A_16 = arith.constant 0 : i32
      %dma_wait3A_17 = tpu.memref_slice %arg2[%dma_wait3A, %dma_wait3A_16] : memref<10112x32xf32, #tpu.memory_space<hbm>> -> memref<10112x32xf32, #tpu.memory_space<hbm>>
      tpu.wait_indirect_dma semaphore(%arg7 : memref<!tpu.dma_semaphore, #tpu.memory_space<semaphore_mem>>) src(%dma_wait3A_17 : memref<10112x32xf32, #tpu.memory_space<hbm>>) dst(%arg6 : memref<128x32xf32, #tpu.memory_space<vmem>>)
      "tpu.region"() ({
        %run_scoped3A = tpu.sem_alloc : memref<!tpu.dma_semaphore, #tpu.memory_space<semaphore_mem>>
        %dma_start3A_19 = arith.constant 0 : i32
        %dma_start3A_20 = tpu.memref_slice %arg4[%multiple_of3A, %dma_start3A_19] : memref<163840x32xf32, #tpu.memory_space<hbm>> -> memref<128x32xf32, #tpu.memory_space<hbm>>
        %dma_start3A_21 = arith.constant 0 : i32
        %dma_start3A_22 = tpu.memref_slice %arg4[%multiple_of3A, %dma_start3A_21] : memref<163840x32xf32, #tpu.memory_space<hbm>> -> memref<128x32xf32, #tpu.memory_space<hbm>>
        tpu.enqueue_dma source(%arg6 : memref<128x32xf32, #tpu.memory_space<vmem>>) target(%dma_start3A_22 : memref<128x32xf32, #tpu.memory_space<hbm>>) target_semaphore(%run_scoped3A : memref<!tpu.dma_semaphore, #tpu.memory_space<semaphore_mem>>)
        %dma_wait3A_23 = arith.constant 0 : i32
        %dma_wait3A_24 = tpu.memref_slice %arg4[%multiple_of3A, %dma_wait3A_23] : memref<163840x32xf32, #tpu.memory_space<hbm>> -> memref<128x32xf32, #tpu.memory_space<hbm>>
        %dma_wait3A_25 = arith.constant 0 : i32
        %dma_wait3A_26 = tpu.memref_slice %arg4[%multiple_of3A, %dma_wait3A_25] : memref<163840x32xf32, #tpu.memory_space<hbm>> -> memref<128x32xf32, #tpu.memory_space<hbm>>
        tpu.wait_dma2 semaphore(%run_scoped3A : memref<!tpu.dma_semaphore, #tpu.memory_space<semaphore_mem>>) src(%arg6 : memref<128x32xf32, #tpu.memory_space<vmem>>) dst(%dma_wait3A_26 : memref<128x32xf32, #tpu.memory_space<hbm>>)
        tpu.yield
      }) : () -> ()
      %scan3A_18 = arith.constant 0 : i32
      scf.yield %scan3A_18 : i32
    }
    %scan3A_8 = arith.constant 40 : i32
    return
  }
}

#map = affine_map<(d0, d1) -> (0, 0)>
#map1 = affine_map<(d0, d1) -> (0)>
module attributes {stable_mosaic.version = 14 : i64} {
  func.func @_sc_gather(%arg0: i32, %arg1: i32, %arg2: memref<163840x32xf32, #tpu.memory_space<hbm>>, %arg3: memref<163840xi32, #tpu.memory_space<hbm>>, %arg4: memref<163840x32xf32, #tpu.memory_space<hbm>>, %arg5: memref<128xi32, #tpu.memory_space<vmem>>, %arg6: memref<128x32xf32, #tpu.memory_space<vmem>>, %arg7: memref<!tpu.dma_semaphore, #tpu.memory_space<semaphore_mem>>) attributes {dimension_semantics = [#tpu.dimension_semantics<core_parallel>, #tpu.dimension_semantics<subcore_parallel>], iteration_bounds = array<i64: 2, 16>, scalar_prefetch = 0 : i64, scratch_operands = 3 : i64, tpu.core_type = #tpu.core_type<sc_vector_subcore>, window_params = [{transform_indices = #map}, {transform_indices = #map1}, {transform_indices = #map}]} {
    %mul3A = arith.constant 16 : i32
    %mul3A_0 = arith.muli %arg0, %mul3A : i32
    %add3A = arith.addi %mul3A_0, %arg1 : i32
    %mul3A_1 = arith.constant 5120 : i32
    %mul3A_2 = arith.muli %add3A, %mul3A_1 : i32
    %scan3A = arith.constant 0 : i32
    %scan3A_3 = arith.constant 0 : i32
    %scan3A_4 = arith.constant 40 : i32
    %scan3A_5 = arith.addi %scan3A_3, %scan3A_4 : i32
    %scan3A_6 = arith.constant 1 : i32
    %scan3A_7 = scf.for %scan3A_9 = %scan3A_3 to %scan3A_5 step %scan3A_6 iter_args(%scan3A_10 = %scan3A) -> (i32)  : i32 {
      %mul3A_11 = arith.constant 128 : i32
      %mul3A_12 = arith.muli %scan3A_9, %mul3A_11 : i32
      %add3A_13 = arith.addi %mul3A_2, %mul3A_12 : i32
      %multiple_of3A = tpu.assume_multiple %add3A_13, 128 : i32
      "tpu.region"() ({
        %run_scoped3A = tpu.sem_alloc : memref<!tpu.dma_semaphore, #tpu.memory_space<semaphore_mem>>
        %dma_start3A_19 = tpu.memref_slice %arg3[%multiple_of3A] : memref<163840xi32, #tpu.memory_space<hbm>> -> memref<128xi32, #tpu.memory_space<hbm>>
        %dma_start3A_20 = tpu.memref_slice %arg3[%multiple_of3A] : memref<163840xi32, #tpu.memory_space<hbm>> -> memref<128xi32, #tpu.memory_space<hbm>>
        tpu.enqueue_dma source(%dma_start3A_20 : memref<128xi32, #tpu.memory_space<hbm>>) target(%arg5 : memref<128xi32, #tpu.memory_space<vmem>>) target_semaphore(%run_scoped3A : memref<!tpu.dma_semaphore, #tpu.memory_space<semaphore_mem>>)
        %dma_wait3A_21 = tpu.memref_slice %arg3[%multiple_of3A] : memref<163840xi32, #tpu.memory_space<hbm>> -> memref<128xi32, #tpu.memory_space<hbm>>
        %dma_wait3A_22 = tpu.memref_slice %arg3[%multiple_of3A] : memref<163840xi32, #tpu.memory_space<hbm>> -> memref<128xi32, #tpu.memory_space<hbm>>
        tpu.wait_dma2 semaphore(%run_scoped3A : memref<!tpu.dma_semaphore, #tpu.memory_space<semaphore_mem>>) src(%dma_wait3A_22 : memref<128xi32, #tpu.memory_space<hbm>>) dst(%arg5 : memref<128xi32, #tpu.memory_space<vmem>>)
        tpu.yield
      }) : () -> ()
      %dma_start3A = arith.constant 0 : i32
      %dma_start3A_14 = arith.constant 0 : i32
      %dma_start3A_15 = tpu.memref_slice %arg2[%dma_start3A, %dma_start3A_14] : memref<163840x32xf32, #tpu.memory_space<hbm>> -> memref<163840x32xf32, #tpu.memory_space<hbm>>
      tpu.enqueue_indirect_dma source(%dma_start3A_15 : memref<163840x32xf32, #tpu.memory_space<hbm>>) target(%arg6 : memref<128x32xf32, #tpu.memory_space<vmem>>) offsets(%arg5 : memref<128xi32, #tpu.memory_space<vmem>>) semaphore(%arg7 : memref<!tpu.dma_semaphore, #tpu.memory_space<semaphore_mem>>)
      %dma_wait3A = arith.constant 0 : i32
      %dma_wait3A_16 = arith.constant 0 : i32
      %dma_wait3A_17 = tpu.memref_slice %arg2[%dma_wait3A, %dma_wait3A_16] : memref<163840x32xf32, #tpu.memory_space<hbm>> -> memref<163840x32xf32, #tpu.memory_space<hbm>>
      tpu.wait_indirect_dma semaphore(%arg7 : memref<!tpu.dma_semaphore, #tpu.memory_space<semaphore_mem>>) src(%dma_wait3A_17 : memref<163840x32xf32, #tpu.memory_space<hbm>>) dst(%arg6 : memref<128x32xf32, #tpu.memory_space<vmem>>)
      "tpu.region"() ({
        %run_scoped3A = tpu.sem_alloc : memref<!tpu.dma_semaphore, #tpu.memory_space<semaphore_mem>>
        %dma_start3A_19 = arith.constant 0 : i32
        %dma_start3A_20 = tpu.memref_slice %arg4[%multiple_of3A, %dma_start3A_19] : memref<163840x32xf32, #tpu.memory_space<hbm>> -> memref<128x32xf32, #tpu.memory_space<hbm>>
        %dma_start3A_21 = arith.constant 0 : i32
        %dma_start3A_22 = tpu.memref_slice %arg4[%multiple_of3A, %dma_start3A_21] : memref<163840x32xf32, #tpu.memory_space<hbm>> -> memref<128x32xf32, #tpu.memory_space<hbm>>
        tpu.enqueue_dma source(%arg6 : memref<128x32xf32, #tpu.memory_space<vmem>>) target(%dma_start3A_22 : memref<128x32xf32, #tpu.memory_space<hbm>>) target_semaphore(%run_scoped3A : memref<!tpu.dma_semaphore, #tpu.memory_space<semaphore_mem>>)
        %dma_wait3A_23 = arith.constant 0 : i32
        %dma_wait3A_24 = tpu.memref_slice %arg4[%multiple_of3A, %dma_wait3A_23] : memref<163840x32xf32, #tpu.memory_space<hbm>> -> memref<128x32xf32, #tpu.memory_space<hbm>>
        %dma_wait3A_25 = arith.constant 0 : i32
        %dma_wait3A_26 = tpu.memref_slice %arg4[%multiple_of3A, %dma_wait3A_25] : memref<163840x32xf32, #tpu.memory_space<hbm>> -> memref<128x32xf32, #tpu.memory_space<hbm>>
        tpu.wait_dma2 semaphore(%run_scoped3A : memref<!tpu.dma_semaphore, #tpu.memory_space<semaphore_mem>>) src(%arg6 : memref<128x32xf32, #tpu.memory_space<vmem>>) dst(%dma_wait3A_26 : memref<128x32xf32, #tpu.memory_space<hbm>>)
        tpu.yield
      }) : () -> ()
      %scan3A_18 = arith.constant 0 : i32
      scf.yield %scan3A_18 : i32
    }
    %scan3A_8 = arith.constant 40 : i32
    return
  }
}

module attributes {stable_mosaic.version = 14 : i64} {
  func.func @_dense_mlp_kernel(%arg0: memref<10000x128xf32, #tpu.memory_space<vmem>>, %arg1: memref<128x128xf32, #tpu.memory_space<vmem>>, %arg2: memref<1x128xf32, #tpu.memory_space<vmem>>, %arg3: memref<1x128xf32, #tpu.memory_space<vmem>>, %arg4: memref<1x128xf32, #tpu.memory_space<vmem>>, %arg5: memref<128x32xf32, #tpu.memory_space<vmem>>, %arg6: memref<1x32xf32, #tpu.memory_space<vmem>>, %arg7: memref<10000x32xf32, #tpu.memory_space<vmem>>) attributes {dimension_semantics = [], scalar_prefetch = 0 : i64, scratch_operands = 0 : i64, tpu.core_type = #tpu.core_type<tc>} {
    %get3A = arith.constant 0 : index
    %get3A_0 = arith.constant 0 : index
    %get3A_1 = vector.load %arg0[%get3A, %get3A_0] : memref<10000x128xf32, #tpu.memory_space<vmem>>, vector<10000x128xf32>
    %get3A_2 = arith.constant 0 : index
    %get3A_3 = arith.constant 0 : index
    %get3A_4 = vector.load %arg1[%get3A_2, %get3A_3] : memref<128x128xf32, #tpu.memory_space<vmem>>, vector<128x128xf32>
    %dot_general3A = arith.constant dense<0.000000e+00> : vector<10000x128xf32>
    %dot_general3A_5 = tpu.matmul %get3A_1, %get3A_4, %dot_general3A {dimension_numbers = #tpu.dot_dimension_numbers<[1], [0], [0], [1], [0, 0, 1, 1], [], []>, precision = #tpu.contract_precision<fp32>, transpose_lhs_hint = false} : vector<10000x128xf32>, vector<128x128xf32>, vector<10000x128xf32> -> vector<10000x128xf32>
    %get3A_6 = arith.constant 0 : index
    %get3A_7 = arith.constant 0 : index
    %get3A_8 = vector.load %arg2[%get3A_6, %get3A_7] : memref<1x128xf32, #tpu.memory_space<vmem>>, vector<1x128xf32>
    %add3A = vector.broadcast %get3A_8 : vector<1x128xf32> to vector<10000x128xf32>
    %add3A_9 = arith.addf %dot_general3A_5, %add3A : vector<10000x128xf32>
    %reduce_sum3A = arith.constant dense<0.000000e+00> : vector<128xf32>
    %reduce_sum3A_10 = vector.multi_reduction <add>, %add3A_9, %reduce_sum3A [0] : vector<10000x128xf32> to vector<128xf32>
    %broadcast_in_dim3A = vector.shape_cast %reduce_sum3A_10 : vector<128xf32> to vector<1x128xf32>
    %div3A = arith.constant 1.000000e+04 : f32
    %div3A_11 = vector.broadcast %div3A : f32 to vector<1x128xf32>
    %div3A_12 = arith.divf %broadcast_in_dim3A, %div3A_11 : vector<1x128xf32>
    %sub3A = vector.broadcast %div3A_12 : vector<1x128xf32> to vector<10000x128xf32>
    %sub3A_13 = arith.subf %add3A_9, %sub3A : vector<10000x128xf32>
    %sub3A_14 = vector.broadcast %div3A_12 : vector<1x128xf32> to vector<10000x128xf32>
    %sub3A_15 = arith.subf %add3A_9, %sub3A_14 : vector<10000x128xf32>
    %mul3A = arith.mulf %sub3A_13, %sub3A_15 : vector<10000x128xf32>
    %reduce_sum3A_16 = arith.constant dense<0.000000e+00> : vector<128xf32>
    %reduce_sum3A_17 = vector.multi_reduction <add>, %mul3A, %reduce_sum3A_16 [0] : vector<10000x128xf32> to vector<128xf32>
    %broadcast_in_dim3A_18 = vector.shape_cast %reduce_sum3A_17 : vector<128xf32> to vector<1x128xf32>
    %div3A_19 = arith.constant 1.000000e+04 : f32
    %div3A_20 = vector.broadcast %div3A_19 : f32 to vector<1x128xf32>
    %div3A_21 = arith.divf %broadcast_in_dim3A_18, %div3A_20 : vector<1x128xf32>
    %sub3A_22 = vector.broadcast %div3A_12 : vector<1x128xf32> to vector<10000x128xf32>
    %sub3A_23 = arith.subf %add3A_9, %sub3A_22 : vector<10000x128xf32>
    %add3A_24 = arith.constant 9.99999974E-6 : f32
    %add3A_25 = vector.broadcast %add3A_24 : f32 to vector<1x128xf32>
    %add3A_26 = arith.addf %div3A_21, %add3A_25 : vector<1x128xf32>
    %rsqrt3A = math.rsqrt %add3A_26 : vector<1x128xf32>
    %mul3A_27 = vector.broadcast %rsqrt3A : vector<1x128xf32> to vector<10000x128xf32>
    %mul3A_28 = arith.mulf %sub3A_23, %mul3A_27 : vector<10000x128xf32>
    %get3A_29 = arith.constant 0 : index
    %get3A_30 = arith.constant 0 : index
    %get3A_31 = vector.load %arg3[%get3A_29, %get3A_30] : memref<1x128xf32, #tpu.memory_space<vmem>>, vector<1x128xf32>
    %mul3A_32 = vector.broadcast %get3A_31 : vector<1x128xf32> to vector<10000x128xf32>
    %mul3A_33 = arith.mulf %mul3A_28, %mul3A_32 : vector<10000x128xf32>
    %get3A_34 = arith.constant 0 : index
    %get3A_35 = arith.constant 0 : index
    %get3A_36 = vector.load %arg4[%get3A_34, %get3A_35] : memref<1x128xf32, #tpu.memory_space<vmem>>, vector<1x128xf32>
    %add3A_37 = vector.broadcast %get3A_36 : vector<1x128xf32> to vector<10000x128xf32>
    %add3A_38 = arith.addf %mul3A_33, %add3A_37 : vector<10000x128xf32>
    %max3A = arith.constant 0.000000e+00 : f32
    %max3A_39 = vector.broadcast %max3A : f32 to vector<10000x128xf32>
    %max3A_40 = arith.maximumf %add3A_38, %max3A_39 : vector<10000x128xf32>
    %get3A_41 = arith.constant 0 : index
    %get3A_42 = arith.constant 0 : index
    %get3A_43 = vector.load %arg5[%get3A_41, %get3A_42] : memref<128x32xf32, #tpu.memory_space<vmem>>, vector<128x32xf32>
    %dot_general3A_44 = arith.constant dense<0.000000e+00> : vector<10000x32xf32>
    %dot_general3A_45 = tpu.matmul %max3A_40, %get3A_43, %dot_general3A_44 {dimension_numbers = #tpu.dot_dimension_numbers<[1], [0], [0], [1], [0, 0, 1, 1], [], []>, precision = #tpu.contract_precision<fp32>, transpose_lhs_hint = false} : vector<10000x128xf32>, vector<128x32xf32>, vector<10000x32xf32> -> vector<10000x32xf32>
    %get3A_46 = arith.constant 0 : index
    %get3A_47 = arith.constant 0 : index
    %get3A_48 = vector.load %arg6[%get3A_46, %get3A_47] : memref<1x32xf32, #tpu.memory_space<vmem>>, vector<1x32xf32>
    %add3A_49 = vector.broadcast %get3A_48 : vector<1x32xf32> to vector<10000x32xf32>
    %add3A_50 = arith.addf %dot_general3A_45, %add3A_49 : vector<10000x32xf32>
    %swap3A = arith.constant 0 : index
    %swap3A_51 = arith.constant 0 : index
    %swap3A_52 = vector.load %arg7[%swap3A, %swap3A_51] : memref<10000x32xf32, #tpu.memory_space<vmem>>, vector<10000x32xf32>
    tpu.vector_store %arg7[%swap3A, %swap3A_51], %add3A_50 {strides = array<i32>} : memref<10000x32xf32, #tpu.memory_space<vmem>>, vector<10000x32xf32>,
    return
  }
}

module attributes {stable_mosaic.version = 14 : i64} {
  func.func @_stats_kernel(%arg0: i32, %arg1: memref<1024x16xf32, #tpu.memory_space<vmem>>, %arg2: memref<16x128xf32, #tpu.memory_space<vmem>>, %arg3: memref<1x128xf32, #tpu.memory_space<vmem>>, %arg4: memref<1x128xf32, #tpu.memory_space<vmem>>, %arg5: memref<1x128xf32, #tpu.memory_space<vmem>>, %arg6: memref<1x128xf32, #tpu.memory_space<vmem>>) attributes {dimension_semantics = [#tpu.dimension_semantics<arbitrary>], iteration_bounds = array<i64: 160>, scalar_prefetch = 0 : i64, scratch_operands = 0 : i64, tpu.core_type = #tpu.core_type<tc>, window_params = [{transform_indices = @transform_0, window_bounds = array<i64: 1024, 16>}, {pipeline_mode = #tpu.pipeline_mode<synchronous>, transform_indices = @transform_1, window_bounds = array<i64: 16, 128>}, {pipeline_mode = #tpu.pipeline_mode<synchronous>, transform_indices = @transform_2, window_bounds = array<i64: 1, 128>}, {pipeline_mode = #tpu.pipeline_mode<synchronous>, transform_indices = @transform_3, window_bounds = array<i64: 1, 128>}, {pipeline_mode = #tpu.pipeline_mode<synchronous>, transform_indices = @transform_4, window_bounds = array<i64: 1, 128>}, {pipeline_mode = #tpu.pipeline_mode<synchronous>, transform_indices = @transform_5, window_bounds = array<i64: 1, 128>}]} {
    %get3A = arith.constant 0 : index
    %get3A_0 = arith.constant 0 : index
    %get3A_1 = vector.load %arg1[%get3A, %get3A_0] : memref<1024x16xf32, #tpu.memory_space<vmem>>, vector<1024x16xf32>
    %get3A_2 = arith.constant 0 : index
    %get3A_3 = arith.constant 0 : index
    %get3A_4 = vector.load %arg2[%get3A_2, %get3A_3] : memref<16x128xf32, #tpu.memory_space<vmem>>, vector<16x128xf32>
    %dot_general3A = arith.constant dense<0.000000e+00> : vector<1024x128xf32>
    %dot_general3A_5 = tpu.matmul %get3A_1, %get3A_4, %dot_general3A {dimension_numbers = #tpu.dot_dimension_numbers<[1], [0], [0], [1], [0, 0, 1, 1], [], []>, precision = #tpu.contract_precision<fp32>, transpose_lhs_hint = false} : vector<1024x16xf32>, vector<16x128xf32>, vector<1024x128xf32> -> vector<1024x128xf32>
    %get3A_6 = arith.constant 0 : index
    %get3A_7 = arith.constant 0 : index
    %get3A_8 = vector.load %arg3[%get3A_6, %get3A_7] : memref<1x128xf32, #tpu.memory_space<vmem>>, vector<1x128xf32>
    %add3A = vector.broadcast %get3A_8 : vector<1x128xf32> to vector<1024x128xf32>
    %add3A_9 = arith.addf %dot_general3A_5, %add3A : vector<1024x128xf32>
    %eq3A = arith.constant 0 : i32
    %eq3A_10 = arith.cmpi eq, %arg0, %eq3A : i32
    %convert_element_type3A = arith.extui %eq3A_10 : i1 to i32
    %cond3A = arith.constant 0 : i32
    %cond3A_11 = arith.cmpi ne, %convert_element_type3A, %cond3A : i32
    scf.if %cond3A_11 {
      %reduce_sum3A_42 = arith.constant dense<0.000000e+00> : vector<128xf32>
      %reduce_sum3A_43 = vector.multi_reduction <add>, %add3A_9, %reduce_sum3A_42 [0] : vector<1024x128xf32> to vector<128xf32>
      %broadcast_in_dim3A_44 = vector.shape_cast %reduce_sum3A_43 : vector<128xf32> to vector<1x128xf32>
      %div3A = arith.constant 1.024000e+03 : f32
      %div3A_45 = vector.broadcast %div3A : f32 to vector<1x128xf32>
      %div3A_46 = arith.divf %broadcast_in_dim3A_44, %div3A_45 : vector<1x128xf32>
      %swap3A_47 = arith.constant 0 : index
      %swap3A_48 = arith.constant 0 : index
      %swap3A_49 = vector.load %arg6[%swap3A_47, %swap3A_48] : memref<1x128xf32, #tpu.memory_space<vmem>>, vector<1x128xf32>
      tpu.vector_store %arg6[%swap3A_47, %swap3A_48], %div3A_46 {strides = array<i32>} : memref<1x128xf32, #tpu.memory_space<vmem>>, vector<1x128xf32>,
      %broadcast_in_dim3A_50 = arith.constant 0.000000e+00 : f32
      %broadcast_in_dim3A_51 = vector.broadcast %broadcast_in_dim3A_50 : f32 to vector<1x128xf32>
      %swap3A_52 = arith.constant 0 : index
      %swap3A_53 = arith.constant 0 : index
      %swap3A_54 = vector.load %arg4[%swap3A_52, %swap3A_53] : memref<1x128xf32, #tpu.memory_space<vmem>>, vector<1x128xf32>
      tpu.vector_store %arg4[%swap3A_52, %swap3A_53], %broadcast_in_dim3A_51 {strides = array<i32>} : memref<1x128xf32, #tpu.memory_space<vmem>>, vector<1x128xf32>,
      %broadcast_in_dim3A_55 = arith.constant 0.000000e+00 : f32
      %broadcast_in_dim3A_56 = vector.broadcast %broadcast_in_dim3A_55 : f32 to vector<1x128xf32>
      %swap3A_57 = arith.constant 0 : index
      %swap3A_58 = arith.constant 0 : index
      %swap3A_59 = vector.load %arg5[%swap3A_57, %swap3A_58] : memref<1x128xf32, #tpu.memory_space<vmem>>, vector<1x128xf32>
      tpu.vector_store %arg5[%swap3A_57, %swap3A_58], %broadcast_in_dim3A_56 {strides = array<i32>} : memref<1x128xf32, #tpu.memory_space<vmem>>, vector<1x128xf32>,
    } else {
    }
    %mul3A = arith.constant 1024 : i32
    %mul3A_12 = arith.muli %arg0, %mul3A : i32
    %iota3A = tpu.iota {dimensions = array<i32: 0>} : vector<1024x1xi32>
    %add3A_13 = vector.broadcast %mul3A_12 : i32 to vector<1024x1xi32>
    %add3A_14 = arith.addi %add3A_13, %iota3A : vector<1024x1xi32>
    %lt3A = arith.constant 160000 : i32
    %lt3A_15 = vector.broadcast %lt3A : i32 to vector<1024x1xi32>
    %lt3A_16 = arith.cmpi slt, %add3A_14, %lt3A_15 : vector<1024x1xi32>
    %get3A_17 = arith.constant 0 : index
    %get3A_18 = arith.constant 0 : index
    %get3A_19 = vector.load %arg6[%get3A_17, %get3A_18] : memref<1x128xf32, #tpu.memory_space<vmem>>, vector<1x128xf32>
    %sub3A = vector.broadcast %get3A_19 : vector<1x128xf32> to vector<1024x128xf32>
    %sub3A_20 = arith.subf %add3A_9, %sub3A : vector<1024x128xf32>
    %jit3A = arith.constant 0.000000e+00 : f32
    %broadcast_in_dim3A = vector.shape_cast %lt3A_16 : vector<1024x1xi1> to vector<1024x1xi1>
    %broadcast_in_dim3A_21 = vector.broadcast %broadcast_in_dim3A : vector<1024x1xi1> to vector<1024x128xi1>
    %broadcast_in_dim3A_22 = vector.broadcast %jit3A : f32 to vector<1024x128xf32>
    %select_n3A = arith.select %broadcast_in_dim3A_21, %sub3A_20, %broadcast_in_dim3A_22 : vector<1024x128xi1>, vector<1024x128xf32>
    %get3A_23 = arith.constant 0 : index
    %get3A_24 = arith.constant 0 : index
    %get3A_25 = vector.load %arg4[%get3A_23, %get3A_24] : memref<1x128xf32, #tpu.memory_space<vmem>>, vector<1x128xf32>
    %reduce_sum3A = arith.constant dense<0.000000e+00> : vector<128xf32>
    %reduce_sum3A_26 = vector.multi_reduction <add>, %select_n3A, %reduce_sum3A [0] : vector<1024x128xf32> to vector<128xf32>
    %broadcast_in_dim3A_27 = vector.shape_cast %reduce_sum3A_26 : vector<128xf32> to vector<1x128xf32>
    %add3A_28 = arith.addf %get3A_25, %broadcast_in_dim3A_27 : vector<1x128xf32>
    %swap3A = arith.constant 0 : index
    %swap3A_29 = arith.constant 0 : index
    %swap3A_30 = vector.load %arg4[%swap3A, %swap3A_29] : memref<1x128xf32, #tpu.memory_space<vmem>>, vector<1x128xf32>
    tpu.vector_store %arg4[%swap3A, %swap3A_29], %add3A_28 {strides = array<i32>} : memref<1x128xf32, #tpu.memory_space<vmem>>, vector<1x128xf32>,
    %get3A_31 = arith.constant 0 : index
    %get3A_32 = arith.constant 0 : index
    %get3A_33 = vector.load %arg5[%get3A_31, %get3A_32] : memref<1x128xf32, #tpu.memory_space<vmem>>, vector<1x128xf32>
    %mul3A_34 = arith.mulf %select_n3A, %select_n3A : vector<1024x128xf32>
    %reduce_sum3A_35 = arith.constant dense<0.000000e+00> : vector<128xf32>
    %reduce_sum3A_36 = vector.multi_reduction <add>, %mul3A_34, %reduce_sum3A_35 [0] : vector<1024x128xf32> to vector<128xf32>
    %broadcast_in_dim3A_37 = vector.shape_cast %reduce_sum3A_36 : vector<128xf32> to vector<1x128xf32>
    %add3A_38 = arith.addf %get3A_33, %broadcast_in_dim3A_37 : vector<1x128xf32>
    %swap3A_39 = arith.constant 0 : index
    %swap3A_40 = arith.constant 0 : index
    %swap3A_41 = vector.load %arg5[%swap3A_39, %swap3A_40] : memref<1x128xf32, #tpu.memory_space<vmem>>, vector<1x128xf32>
    tpu.vector_store %arg5[%swap3A_39, %swap3A_40], %add3A_38 {strides = array<i32>} : memref<1x128xf32, #tpu.memory_space<vmem>>, vector<1x128xf32>,
    return
  }
  func.func @transform_0(%arg0: i32) -> (i32, i32) {
    %c0_i32 = arith.constant 0 : i32
    %c0_i32_0 = arith.constant 0 : i32
    return %arg0, %c0_i32 : i32, i32
  }
  func.func @transform_1(%arg0: i32) -> (i32, i32) {
    %c0_i32 = arith.constant 0 : i32
    %c0_i32_0 = arith.constant 0 : i32
    %c0_i32_1 = arith.constant 0 : i32
    return %c0_i32, %c0_i32_0 : i32, i32
  }
  func.func @transform_2(%arg0: i32) -> (i32, i32) {
    %c0_i32 = arith.constant 0 : i32
    %c0_i32_0 = arith.constant 0 : i32
    %c0_i32_1 = arith.constant 0 : i32
    return %c0_i32, %c0_i32_0 : i32, i32
  }
  func.func @transform_3(%arg0: i32) -> (i32, i32) {
    %c0_i32 = arith.constant 0 : i32
    %c0_i32_0 = arith.constant 0 : i32
    %c0_i32_1 = arith.constant 0 : i32
    return %c0_i32, %c0_i32_0 : i32, i32
  }
  func.func @transform_4(%arg0: i32) -> (i32, i32) {
    %c0_i32 = arith.constant 0 : i32
    %c0_i32_0 = arith.constant 0 : i32
    %c0_i32_1 = arith.constant 0 : i32
    return %c0_i32, %c0_i32_0 : i32, i32
  }
  func.func @transform_5(%arg0: i32) -> (i32, i32) {
    %c0_i32 = arith.constant 0 : i32
    %c0_i32_0 = arith.constant 0 : i32
    %c0_i32_1 = arith.constant 0 : i32
    return %c0_i32, %c0_i32_0 : i32, i32
  }
}

module attributes {stable_mosaic.version = 14 : i64} {
  func.func @_apply_kernel(%arg0: i32, %arg1: memref<1024x16xf32, #tpu.memory_space<vmem>>, %arg2: memref<16x128xf32, #tpu.memory_space<vmem>>, %arg3: memref<1x128xf32, #tpu.memory_space<vmem>>, %arg4: memref<1x128xf32, #tpu.memory_space<vmem>>, %arg5: memref<1x128xf32, #tpu.memory_space<vmem>>, %arg6: memref<128x32xf32, #tpu.memory_space<vmem>>, %arg7: memref<1x32xf32, #tpu.memory_space<vmem>>, %arg8: memref<1x128xf32, #tpu.memory_space<vmem>>, %arg9: memref<1x128xf32, #tpu.memory_space<vmem>>, %arg10: memref<1x128xf32, #tpu.memory_space<vmem>>, %arg11: memref<1024x32xf32, #tpu.memory_space<vmem>>) attributes {dimension_semantics = [#tpu.dimension_semantics<arbitrary>], iteration_bounds = array<i64: 160>, scalar_prefetch = 0 : i64, scratch_operands = 0 : i64, tpu.core_type = #tpu.core_type<tc>, window_params = [{transform_indices = @transform_0, window_bounds = array<i64: 1024, 16>}, {pipeline_mode = #tpu.pipeline_mode<synchronous>, transform_indices = @transform_1, window_bounds = array<i64: 16, 128>}, {pipeline_mode = #tpu.pipeline_mode<synchronous>, transform_indices = @transform_2, window_bounds = array<i64: 1, 128>}, {pipeline_mode = #tpu.pipeline_mode<synchronous>, transform_indices = @transform_3, window_bounds = array<i64: 1, 128>}, {pipeline_mode = #tpu.pipeline_mode<synchronous>, transform_indices = @transform_4, window_bounds = array<i64: 1, 128>}, {pipeline_mode = #tpu.pipeline_mode<synchronous>, transform_indices = @transform_5, window_bounds = array<i64: 128, 32>}, {pipeline_mode = #tpu.pipeline_mode<synchronous>, transform_indices = @transform_6, window_bounds = array<i64: 1, 32>}, {pipeline_mode = #tpu.pipeline_mode<synchronous>, transform_indices = @transform_7, window_bounds = array<i64: 1, 128>}, {pipeline_mode = #tpu.pipeline_mode<synchronous>, transform_indices = @transform_8, window_bounds = array<i64: 1, 128>}, {pipeline_mode = #tpu.pipeline_mode<synchronous>, transform_indices = @transform_9, window_bounds = array<i64: 1, 128>}, {transform_indices = @transform_10, window_bounds = array<i64: 1024, 32>}]} {
    %get3A = arith.constant 0 : index
    %get3A_0 = arith.constant 0 : index
    %get3A_1 = vector.load %arg1[%get3A, %get3A_0] : memref<1024x16xf32, #tpu.memory_space<vmem>>, vector<1024x16xf32>
    %get3A_2 = arith.constant 0 : index
    %get3A_3 = arith.constant 0 : index
    %get3A_4 = vector.load %arg2[%get3A_2, %get3A_3] : memref<16x128xf32, #tpu.memory_space<vmem>>, vector<16x128xf32>
    %dot_general3A = arith.constant dense<0.000000e+00> : vector<1024x128xf32>
    %dot_general3A_5 = tpu.matmul %get3A_1, %get3A_4, %dot_general3A {dimension_numbers = #tpu.dot_dimension_numbers<[1], [0], [0], [1], [0, 0, 1, 1], [], []>, precision = #tpu.contract_precision<fp32>, transpose_lhs_hint = false} : vector<1024x16xf32>, vector<16x128xf32>, vector<1024x128xf32> -> vector<1024x128xf32>
    %get3A_6 = arith.constant 0 : index
    %get3A_7 = arith.constant 0 : index
    %get3A_8 = vector.load %arg3[%get3A_6, %get3A_7] : memref<1x128xf32, #tpu.memory_space<vmem>>, vector<1x128xf32>
    %add3A = vector.broadcast %get3A_8 : vector<1x128xf32> to vector<1024x128xf32>
    %add3A_9 = arith.addf %dot_general3A_5, %add3A : vector<1024x128xf32>
    %get3A_10 = arith.constant 0 : index
    %get3A_11 = arith.constant 0 : index
    %get3A_12 = vector.load %arg8[%get3A_10, %get3A_11] : memref<1x128xf32, #tpu.memory_space<vmem>>, vector<1x128xf32>
    %mul3A = arith.constant 6.250000e-06 : f32
    %mul3A_13 = vector.broadcast %mul3A : f32 to vector<1x128xf32>
    %mul3A_14 = arith.mulf %get3A_12, %mul3A_13 : vector<1x128xf32>
    %get3A_15 = arith.constant 0 : index
    %get3A_16 = arith.constant 0 : index
    %get3A_17 = vector.load %arg10[%get3A_15, %get3A_16] : memref<1x128xf32, #tpu.memory_space<vmem>>, vector<1x128xf32>
    %add3A_18 = arith.addf %get3A_17, %mul3A_14 : vector<1x128xf32>
    %get3A_19 = arith.constant 0 : index
    %get3A_20 = arith.constant 0 : index
    %get3A_21 = vector.load %arg9[%get3A_19, %get3A_20] : memref<1x128xf32, #tpu.memory_space<vmem>>, vector<1x128xf32>
    %mul3A_22 = arith.constant 6.250000e-06 : f32
    %mul3A_23 = vector.broadcast %mul3A_22 : f32 to vector<1x128xf32>
    %mul3A_24 = arith.mulf %get3A_21, %mul3A_23 : vector<1x128xf32>
    %mul3A_25 = arith.mulf %mul3A_14, %mul3A_14 : vector<1x128xf32>
    %sub3A = arith.subf %mul3A_24, %mul3A_25 : vector<1x128xf32>
    %sub3A_26 = vector.broadcast %add3A_18 : vector<1x128xf32> to vector<1024x128xf32>
    %sub3A_27 = arith.subf %add3A_9, %sub3A_26 : vector<1024x128xf32>
    %add3A_28 = arith.constant 9.99999974E-6 : f32
    %add3A_29 = vector.broadcast %add3A_28 : f32 to vector<1x128xf32>
    %add3A_30 = arith.addf %sub3A, %add3A_29 : vector<1x128xf32>
    %rsqrt3A = math.rsqrt %add3A_30 : vector<1x128xf32>
    %mul3A_31 = vector.broadcast %rsqrt3A : vector<1x128xf32> to vector<1024x128xf32>
    %mul3A_32 = arith.mulf %sub3A_27, %mul3A_31 : vector<1024x128xf32>
    %get3A_33 = arith.constant 0 : index
    %get3A_34 = arith.constant 0 : index
    %get3A_35 = vector.load %arg4[%get3A_33, %get3A_34] : memref<1x128xf32, #tpu.memory_space<vmem>>, vector<1x128xf32>
    %mul3A_36 = vector.broadcast %get3A_35 : vector<1x128xf32> to vector<1024x128xf32>
    %mul3A_37 = arith.mulf %mul3A_32, %mul3A_36 : vector<1024x128xf32>
    %get3A_38 = arith.constant 0 : index
    %get3A_39 = arith.constant 0 : index
    %get3A_40 = vector.load %arg5[%get3A_38, %get3A_39] : memref<1x128xf32, #tpu.memory_space<vmem>>, vector<1x128xf32>
    %add3A_41 = vector.broadcast %get3A_40 : vector<1x128xf32> to vector<1024x128xf32>
    %add3A_42 = arith.addf %mul3A_37, %add3A_41 : vector<1024x128xf32>
    %max3A = arith.constant 0.000000e+00 : f32
    %max3A_43 = vector.broadcast %max3A : f32 to vector<1024x128xf32>
    %max3A_44 = arith.maximumf %add3A_42, %max3A_43 : vector<1024x128xf32>
    %get3A_45 = arith.constant 0 : index
    %get3A_46 = arith.constant 0 : index
    %get3A_47 = vector.load %arg6[%get3A_45, %get3A_46] : memref<128x32xf32, #tpu.memory_space<vmem>>, vector<128x32xf32>
    %dot_general3A_48 = arith.constant dense<0.000000e+00> : vector<1024x32xf32>
    %dot_general3A_49 = tpu.matmul %max3A_44, %get3A_47, %dot_general3A_48 {dimension_numbers = #tpu.dot_dimension_numbers<[1], [0], [0], [1], [0, 0, 1, 1], [], []>, precision = #tpu.contract_precision<fp32>, transpose_lhs_hint = false} : vector<1024x128xf32>, vector<128x32xf32>, vector<1024x32xf32> -> vector<1024x32xf32>
    %get3A_50 = arith.constant 0 : index
    %get3A_51 = arith.constant 0 : index
    %get3A_52 = vector.load %arg7[%get3A_50, %get3A_51] : memref<1x32xf32, #tpu.memory_space<vmem>>, vector<1x32xf32>
    %add3A_53 = vector.broadcast %get3A_52 : vector<1x32xf32> to vector<1024x32xf32>
    %add3A_54 = arith.addf %dot_general3A_49, %add3A_53 : vector<1024x32xf32>
    %swap3A = arith.constant 0 : index
    %swap3A_55 = arith.constant 0 : index
    %swap3A_56 = vector.load %arg11[%swap3A, %swap3A_55] : memref<1024x32xf32, #tpu.memory_space<vmem>>, vector<1024x32xf32>
    tpu.vector_store %arg11[%swap3A, %swap3A_55], %add3A_54 {strides = array<i32>} : memref<1024x32xf32, #tpu.memory_space<vmem>>, vector<1024x32xf32>,
    return
  }
  func.func @transform_0(%arg0: i32) -> (i32, i32) {
    %c0_i32 = arith.constant 0 : i32
    %c0_i32_0 = arith.constant 0 : i32
    return %arg0, %c0_i32 : i32, i32
  }
  func.func @transform_1(%arg0: i32) -> (i32, i32) {
    %c0_i32 = arith.constant 0 : i32
    %c0_i32_0 = arith.constant 0 : i32
    %c0_i32_1 = arith.constant 0 : i32
    return %c0_i32, %c0_i32_0 : i32, i32
  }
  func.func @transform_2(%arg0: i32) -> (i32, i32) {
    %c0_i32 = arith.constant 0 : i32
    %c0_i32_0 = arith.constant 0 : i32
    %c0_i32_1 = arith.constant 0 : i32
    return %c0_i32, %c0_i32_0 : i32, i32
  }
  func.func @transform_3(%arg0: i32) -> (i32, i32) {
    %c0_i32 = arith.constant 0 : i32
    %c0_i32_0 = arith.constant 0 : i32
    %c0_i32_1 = arith.constant 0 : i32
    return %c0_i32, %c0_i32_0 : i32, i32
  }
  func.func @transform_4(%arg0: i32) -> (i32, i32) {
    %c0_i32 = arith.constant 0 : i32
    %c0_i32_0 = arith.constant 0 : i32
    %c0_i32_1 = arith.constant 0 : i32
    return %c0_i32, %c0_i32_0 : i32, i32
  }
  func.func @transform_5(%arg0: i32) -> (i32, i32) {
    %c0_i32 = arith.constant 0 : i32
    %c0_i32_0 = arith.constant 0 : i32
    %c0_i32_1 = arith.constant 0 : i32
    return %c0_i32, %c0_i32_0 : i32, i32
  }
  func.func @transform_6(%arg0: i32) -> (i32, i32) {
    %c0_i32 = arith.constant 0 : i32
    %c0_i32_0 = arith.constant 0 : i32
    %c0_i32_1 = arith.constant 0 : i32
    return %c0_i32, %c0_i32_0 : i32, i32
  }
  func.func @transform_7(%arg0: i32) -> (i32, i32) {
    %c0_i32 = arith.constant 0 : i32
    %c0_i32_0 = arith.constant 0 : i32
    %c0_i32_1 = arith.constant 0 : i32
    return %c0_i32, %c0_i32_0 : i32, i32
  }
  func.func @transform_8(%arg0: i32) -> (i32, i32) {
    %c0_i32 = arith.constant 0 : i32
    %c0_i32_0 = arith.constant 0 : i32
    %c0_i32_1 = arith.constant 0 : i32
    return %c0_i32, %c0_i32_0 : i32, i32
  }
  func.func @transform_9(%arg0: i32) -> (i32, i32) {
    %c0_i32 = arith.constant 0 : i32
    %c0_i32_0 = arith.constant 0 : i32
    %c0_i32_1 = arith.constant 0 : i32
    return %c0_i32, %c0_i32_0 : i32, i32
  }
  func.func @transform_10(%arg0: i32) -> (i32, i32) {
    %c0_i32 = arith.constant 0 : i32
    %c0_i32_0 = arith.constant 0 : i32
    return %arg0, %c0_i32 : i32, i32
  }
}

module attributes {stable_mosaic.version = 14 : i64} {
  func.func @_node_update_kernel(%arg0: i32, %arg1: memref<1264x32xf32, #tpu.memory_space<vmem>>, %arg2: memref<2x1264x32xf32, #tpu.memory_space<vmem>>, %arg3: memref<2x1264x32xf32, #tpu.memory_space<vmem>>, %arg4: memref<32x32xf32, #tpu.memory_space<vmem>>, %arg5: memref<1x32xf32, #tpu.memory_space<vmem>>, %arg6: memref<32x32xf32, #tpu.memory_space<vmem>>, %arg7: memref<1264x32xf32, #tpu.memory_space<vmem>>, %arg8: memref<1264x32xf32, #tpu.memory_space<vmem>>) attributes {dimension_semantics = [#tpu.dimension_semantics<arbitrary>], iteration_bounds = array<i64: 8>, scalar_prefetch = 0 : i64, scratch_operands = 0 : i64, tpu.core_type = #tpu.core_type<tc>, window_params = [{transform_indices = @transform_0, window_bounds = array<i64: 1264, 32>}, {transform_indices = @transform_1, window_bounds = array<i64: 2, 1264, 32>}, {transform_indices = @transform_2, window_bounds = array<i64: 2, 1264, 32>}, {pipeline_mode = #tpu.pipeline_mode<synchronous>, transform_indices = @transform_3, window_bounds = array<i64: 32, 32>}, {pipeline_mode = #tpu.pipeline_mode<synchronous>, transform_indices = @transform_4, window_bounds = array<i64: 1, 32>}, {pipeline_mode = #tpu.pipeline_mode<synchronous>, transform_indices = @transform_5, window_bounds = array<i64: 32, 32>}, {transform_indices = @transform_6, window_bounds = array<i64: 1264, 32>}, {transform_indices = @transform_7, window_bounds = array<i64: 1264, 32>}]} {
    %get3A = arith.constant 0 : index
    %get3A_0 = arith.constant 0 : index
    %get3A_1 = arith.constant 0 : index
    %get3A_2 = vector.load %arg2[%get3A, %get3A_0, %get3A_1] : memref<2x1264x32xf32, #tpu.memory_space<vmem>>, vector<1x1264x32xf32>
    %get3A_3 = vector.shape_cast %get3A_2 : vector<1x1264x32xf32> to vector<1264x32xf32>
    %get3A_4 = arith.constant 1 : index
    %get3A_5 = arith.constant 0 : index
    %get3A_6 = arith.constant 0 : index
    %get3A_7 = vector.load %arg2[%get3A_4, %get3A_5, %get3A_6] : memref<2x1264x32xf32, #tpu.memory_space<vmem>>, vector<1x1264x32xf32>
    %get3A_8 = vector.shape_cast %get3A_7 : vector<1x1264x32xf32> to vector<1264x32xf32>
    %add3A = arith.addf %get3A_3, %get3A_8 : vector<1264x32xf32>
    %get3A_9 = arith.constant 0 : index
    %get3A_10 = arith.constant 0 : index
    %get3A_11 = vector.load %arg1[%get3A_9, %get3A_10] : memref<1264x32xf32, #tpu.memory_space<vmem>>, vector<1264x32xf32>
    %get3A_12 = arith.constant 0 : index
    %get3A_13 = arith.constant 0 : index
    %get3A_14 = vector.load %arg1[%get3A_12, %get3A_13] : memref<1264x32xf32, #tpu.memory_space<vmem>>, vector<1264x32xf32>
    %add3A_15 = arith.addf %get3A_14, %add3A : vector<1264x32xf32>
    %get3A_16 = arith.constant 0 : index
    %get3A_17 = arith.constant 0 : index
    %get3A_18 = vector.load %arg4[%get3A_16, %get3A_17] : memref<32x32xf32, #tpu.memory_space<vmem>>, vector<32x32xf32>
    %dot_general3A = arith.constant dense<0.000000e+00> : vector<1264x32xf32>
    %dot_general3A_19 = tpu.matmul %add3A_15, %get3A_18, %dot_general3A {dimension_numbers = #tpu.dot_dimension_numbers<[1], [0], [0], [1], [0, 0, 1, 1], [], []>, precision = #tpu.contract_precision<fp32>, transpose_lhs_hint = false} : vector<1264x32xf32>, vector<32x32xf32>, vector<1264x32xf32> -> vector<1264x32xf32>
    %get3A_20 = arith.constant 0 : index
    %get3A_21 = arith.constant 0 : index
    %get3A_22 = vector.load %arg5[%get3A_20, %get3A_21] : memref<1x32xf32, #tpu.memory_space<vmem>>, vector<1x32xf32>
    %add3A_23 = vector.broadcast %get3A_22 : vector<1x32xf32> to vector<1264x32xf32>
    %add3A_24 = arith.addf %dot_general3A_19, %add3A_23 : vector<1264x32xf32>
    %max3A = arith.constant 0.000000e+00 : f32
    %max3A_25 = vector.broadcast %max3A : f32 to vector<1264x32xf32>
    %max3A_26 = arith.maximumf %add3A_24, %max3A_25 : vector<1264x32xf32>
    %add3A_27 = arith.addf %get3A_11, %max3A_26 : vector<1264x32xf32>
    %swap3A = arith.constant 0 : index
    %swap3A_28 = arith.constant 0 : index
    %swap3A_29 = vector.load %arg7[%swap3A, %swap3A_28] : memref<1264x32xf32, #tpu.memory_space<vmem>>, vector<1264x32xf32>
    tpu.vector_store %arg7[%swap3A, %swap3A_28], %add3A_27 {strides = array<i32>} : memref<1264x32xf32, #tpu.memory_space<vmem>>, vector<1264x32xf32>,
    %get3A_30 = arith.constant 0 : index
    %get3A_31 = arith.constant 0 : index
    %get3A_32 = arith.constant 0 : index
    %get3A_33 = vector.load %arg3[%get3A_30, %get3A_31, %get3A_32] : memref<2x1264x32xf32, #tpu.memory_space<vmem>>, vector<1x1264x32xf32>
    %get3A_34 = vector.shape_cast %get3A_33 : vector<1x1264x32xf32> to vector<1264x32xf32>
    %get3A_35 = arith.constant 1 : index
    %get3A_36 = arith.constant 0 : index
    %get3A_37 = arith.constant 0 : index
    %get3A_38 = vector.load %arg3[%get3A_35, %get3A_36, %get3A_37] : memref<2x1264x32xf32, #tpu.memory_space<vmem>>, vector<1x1264x32xf32>
    %get3A_39 = vector.shape_cast %get3A_38 : vector<1x1264x32xf32> to vector<1264x32xf32>
    %add3A_40 = arith.addf %get3A_34, %get3A_39 : vector<1264x32xf32>
    %get3A_41 = arith.constant 0 : index
    %get3A_42 = arith.constant 0 : index
    %get3A_43 = vector.load %arg6[%get3A_41, %get3A_42] : memref<32x32xf32, #tpu.memory_space<vmem>>, vector<32x32xf32>
    %dot_general3A_44 = arith.constant dense<0.000000e+00> : vector<1264x32xf32>
    %dot_general3A_45 = tpu.matmul %add3A_40, %get3A_43, %dot_general3A_44 {dimension_numbers = #tpu.dot_dimension_numbers<[1], [0], [0], [1], [0, 0, 1, 1], [], []>, precision = #tpu.contract_precision<fp32>, transpose_lhs_hint = false} : vector<1264x32xf32>, vector<32x32xf32>, vector<1264x32xf32> -> vector<1264x32xf32>
    %swap3A_46 = arith.constant 0 : index
    %swap3A_47 = arith.constant 0 : index
    %swap3A_48 = vector.load %arg8[%swap3A_46, %swap3A_47] : memref<1264x32xf32, #tpu.memory_space<vmem>>, vector<1264x32xf32>
    tpu.vector_store %arg8[%swap3A_46, %swap3A_47], %dot_general3A_45 {strides = array<i32>} : memref<1264x32xf32, #tpu.memory_space<vmem>>, vector<1264x32xf32>,
    return
  }
  func.func @transform_0(%arg0: i32) -> (i32, i32) {
    %c0_i32 = arith.constant 0 : i32
    %c0_i32_0 = arith.constant 0 : i32
    return %arg0, %c0_i32 : i32, i32
  }
  func.func @transform_1(%arg0: i32) -> (i32, i32, i32) {
    %c0_i32 = arith.constant 0 : i32
    %c0_i32_0 = arith.constant 0 : i32
    %c0_i32_1 = arith.constant 0 : i32
    return %c0_i32, %arg0, %c0_i32_0 : i32, i32, i32
  }
  func.func @transform_2(%arg0: i32) -> (i32, i32, i32) {
    %c0_i32 = arith.constant 0 : i32
    %c0_i32_0 = arith.constant 0 : i32
    %c0_i32_1 = arith.constant 0 : i32
    return %c0_i32, %arg0, %c0_i32_0 : i32, i32, i32
  }
  func.func @transform_3(%arg0: i32) -> (i32, i32) {
    %c0_i32 = arith.constant 0 : i32
    %c0_i32_0 = arith.constant 0 : i32
    %c0_i32_1 = arith.constant 0 : i32
    return %c0_i32, %c0_i32_0 : i32, i32
  }
  func.func @transform_4(%arg0: i32) -> (i32, i32) {
    %c0_i32 = arith.constant 0 : i32
    %c0_i32_0 = arith.constant 0 : i32
    %c0_i32_1 = arith.constant 0 : i32
    return %c0_i32, %c0_i32_0 : i32, i32
  }
  func.func @transform_5(%arg0: i32) -> (i32, i32) {
    %c0_i32 = arith.constant 0 : i32
    %c0_i32_0 = arith.constant 0 : i32
    %c0_i32_1 = arith.constant 0 : i32
    return %c0_i32, %c0_i32_0 : i32, i32
  }
  func.func @transform_6(%arg0: i32) -> (i32, i32) {
    %c0_i32 = arith.constant 0 : i32
    %c0_i32_0 = arith.constant 0 : i32
    return %arg0, %c0_i32 : i32, i32
  }
  func.func @transform_7(%arg0: i32) -> (i32, i32) {
    %c0_i32 = arith.constant 0 : i32
    %c0_i32_0 = arith.constant 0 : i32
    return %arg0, %c0_i32 : i32, i32
  }
}

module attributes {stable_mosaic.version = 14 : i64} {
  func.func @_edge_update_kernel(%arg0: i32, %arg1: memref<1024x32xf32, #tpu.memory_space<vmem>>, %arg2: memref<1024x32xf32, #tpu.memory_space<vmem>>, %arg3: memref<32x32xf32, #tpu.memory_space<vmem>>, %arg4: memref<1x32xf32, #tpu.memory_space<vmem>>, %arg5: memref<1024x32xf32, #tpu.memory_space<vmem>>) attributes {dimension_semantics = [#tpu.dimension_semantics<arbitrary>], iteration_bounds = array<i64: 160>, scalar_prefetch = 0 : i64, scratch_operands = 0 : i64, tpu.core_type = #tpu.core_type<tc>, window_params = [{transform_indices = @transform_0, window_bounds = array<i64: 1024, 32>}, {transform_indices = @transform_1, window_bounds = array<i64: 1024, 32>}, {pipeline_mode = #tpu.pipeline_mode<synchronous>, transform_indices = @transform_2, window_bounds = array<i64: 32, 32>}, {pipeline_mode = #tpu.pipeline_mode<synchronous>, transform_indices = @transform_3, window_bounds = array<i64: 1, 32>}, {transform_indices = @transform_4, window_bounds = array<i64: 1024, 32>}]} {
    %get3A = arith.constant 0 : index
    %get3A_0 = arith.constant 0 : index
    %get3A_1 = vector.load %arg1[%get3A, %get3A_0] : memref<1024x32xf32, #tpu.memory_space<vmem>>, vector<1024x32xf32>
    %get3A_2 = arith.constant 0 : index
    %get3A_3 = arith.constant 0 : index
    %get3A_4 = vector.load %arg1[%get3A_2, %get3A_3] : memref<1024x32xf32, #tpu.memory_space<vmem>>, vector<1024x32xf32>
    %get3A_5 = arith.constant 0 : index
    %get3A_6 = arith.constant 0 : index
    %get3A_7 = vector.load %arg3[%get3A_5, %get3A_6] : memref<32x32xf32, #tpu.memory_space<vmem>>, vector<32x32xf32>
    %dot_general3A = arith.constant dense<0.000000e+00> : vector<1024x32xf32>
    %dot_general3A_8 = tpu.matmul %get3A_4, %get3A_7, %dot_general3A {dimension_numbers = #tpu.dot_dimension_numbers<[1], [0], [0], [1], [0, 0, 1, 1], [], []>, precision = #tpu.contract_precision<fp32>, transpose_lhs_hint = false} : vector<1024x32xf32>, vector<32x32xf32>, vector<1024x32xf32> -> vector<1024x32xf32>
    %get3A_9 = arith.constant 0 : index
    %get3A_10 = arith.constant 0 : index
    %get3A_11 = vector.load %arg2[%get3A_9, %get3A_10] : memref<1024x32xf32, #tpu.memory_space<vmem>>, vector<1024x32xf32>
    %add3A = arith.addf %dot_general3A_8, %get3A_11 : vector<1024x32xf32>
    %get3A_12 = arith.constant 0 : index
    %get3A_13 = arith.constant 0 : index
    %get3A_14 = vector.load %arg4[%get3A_12, %get3A_13] : memref<1x32xf32, #tpu.memory_space<vmem>>, vector<1x32xf32>
    %add3A_15 = vector.broadcast %get3A_14 : vector<1x32xf32> to vector<1024x32xf32>
    %add3A_16 = arith.addf %add3A, %add3A_15 : vector<1024x32xf32>
    %max3A = arith.constant 0.000000e+00 : f32
    %max3A_17 = vector.broadcast %max3A : f32 to vector<1024x32xf32>
    %max3A_18 = arith.maximumf %add3A_16, %max3A_17 : vector<1024x32xf32>
    %add3A_19 = arith.addf %get3A_1, %max3A_18 : vector<1024x32xf32>
    %swap3A = arith.constant 0 : index
    %swap3A_20 = arith.constant 0 : index
    %swap3A_21 = vector.load %arg5[%swap3A, %swap3A_20] : memref<1024x32xf32, #tpu.memory_space<vmem>>, vector<1024x32xf32>
    tpu.vector_store %arg5[%swap3A, %swap3A_20], %add3A_19 {strides = array<i32>} : memref<1024x32xf32, #tpu.memory_space<vmem>>, vector<1024x32xf32>,
    return
  }
  func.func @transform_0(%arg0: i32) -> (i32, i32) {
    %c0_i32 = arith.constant 0 : i32
    %c0_i32_0 = arith.constant 0 : i32
    return %arg0, %c0_i32 : i32, i32
  }
  func.func @transform_1(%arg0: i32) -> (i32, i32) {
    %c0_i32 = arith.constant 0 : i32
    %c0_i32_0 = arith.constant 0 : i32
    return %arg0, %c0_i32 : i32, i32
  }
  func.func @transform_2(%arg0: i32) -> (i32, i32) {
    %c0_i32 = arith.constant 0 : i32
    %c0_i32_0 = arith.constant 0 : i32
    %c0_i32_1 = arith.constant 0 : i32
    return %c0_i32, %c0_i32_0 : i32, i32
  }
  func.func @transform_3(%arg0: i32) -> (i32, i32) {
    %c0_i32 = arith.constant 0 : i32
    %c0_i32_0 = arith.constant 0 : i32
    %c0_i32_1 = arith.constant 0 : i32
    return %c0_i32, %c0_i32_0 : i32, i32
  }
  func.func @transform_4(%arg0: i32) -> (i32, i32) {
    %c0_i32 = arith.constant 0 : i32
    %c0_i32_0 = arith.constant 0 : i32
    return %arg0, %c0_i32 : i32, i32
  }
}

module attributes {stable_mosaic.version = 14 : i64} {
  func.func @_dense_mlp_kernel(%arg0: memref<10000x32xf32, #tpu.memory_space<vmem>>, %arg1: memref<32x128xf32, #tpu.memory_space<vmem>>, %arg2: memref<1x128xf32, #tpu.memory_space<vmem>>, %arg3: memref<1x128xf32, #tpu.memory_space<vmem>>, %arg4: memref<1x128xf32, #tpu.memory_space<vmem>>, %arg5: memref<128x2xf32, #tpu.memory_space<vmem>>, %arg6: memref<1x2xf32, #tpu.memory_space<vmem>>, %arg7: memref<10000x2xf32, #tpu.memory_space<vmem>>) attributes {dimension_semantics = [], scalar_prefetch = 0 : i64, scratch_operands = 0 : i64, tpu.core_type = #tpu.core_type<tc>} {
    %get3A = arith.constant 0 : index
    %get3A_0 = arith.constant 0 : index
    %get3A_1 = vector.load %arg0[%get3A, %get3A_0] : memref<10000x32xf32, #tpu.memory_space<vmem>>, vector<10000x32xf32>
    %get3A_2 = arith.constant 0 : index
    %get3A_3 = arith.constant 0 : index
    %get3A_4 = vector.load %arg1[%get3A_2, %get3A_3] : memref<32x128xf32, #tpu.memory_space<vmem>>, vector<32x128xf32>
    %dot_general3A = arith.constant dense<0.000000e+00> : vector<10000x128xf32>
    %dot_general3A_5 = tpu.matmul %get3A_1, %get3A_4, %dot_general3A {dimension_numbers = #tpu.dot_dimension_numbers<[1], [0], [0], [1], [0, 0, 1, 1], [], []>, precision = #tpu.contract_precision<fp32>, transpose_lhs_hint = false} : vector<10000x32xf32>, vector<32x128xf32>, vector<10000x128xf32> -> vector<10000x128xf32>
    %get3A_6 = arith.constant 0 : index
    %get3A_7 = arith.constant 0 : index
    %get3A_8 = vector.load %arg2[%get3A_6, %get3A_7] : memref<1x128xf32, #tpu.memory_space<vmem>>, vector<1x128xf32>
    %add3A = vector.broadcast %get3A_8 : vector<1x128xf32> to vector<10000x128xf32>
    %add3A_9 = arith.addf %dot_general3A_5, %add3A : vector<10000x128xf32>
    %reduce_sum3A = arith.constant dense<0.000000e+00> : vector<128xf32>
    %reduce_sum3A_10 = vector.multi_reduction <add>, %add3A_9, %reduce_sum3A [0] : vector<10000x128xf32> to vector<128xf32>
    %broadcast_in_dim3A = vector.shape_cast %reduce_sum3A_10 : vector<128xf32> to vector<1x128xf32>
    %div3A = arith.constant 1.000000e+04 : f32
    %div3A_11 = vector.broadcast %div3A : f32 to vector<1x128xf32>
    %div3A_12 = arith.divf %broadcast_in_dim3A, %div3A_11 : vector<1x128xf32>
    %sub3A = vector.broadcast %div3A_12 : vector<1x128xf32> to vector<10000x128xf32>
    %sub3A_13 = arith.subf %add3A_9, %sub3A : vector<10000x128xf32>
    %sub3A_14 = vector.broadcast %div3A_12 : vector<1x128xf32> to vector<10000x128xf32>
    %sub3A_15 = arith.subf %add3A_9, %sub3A_14 : vector<10000x128xf32>
    %mul3A = arith.mulf %sub3A_13, %sub3A_15 : vector<10000x128xf32>
    %reduce_sum3A_16 = arith.constant dense<0.000000e+00> : vector<128xf32>
    %reduce_sum3A_17 = vector.multi_reduction <add>, %mul3A, %reduce_sum3A_16 [0] : vector<10000x128xf32> to vector<128xf32>
    %broadcast_in_dim3A_18 = vector.shape_cast %reduce_sum3A_17 : vector<128xf32> to vector<1x128xf32>
    %div3A_19 = arith.constant 1.000000e+04 : f32
    %div3A_20 = vector.broadcast %div3A_19 : f32 to vector<1x128xf32>
    %div3A_21 = arith.divf %broadcast_in_dim3A_18, %div3A_20 : vector<1x128xf32>
    %sub3A_22 = vector.broadcast %div3A_12 : vector<1x128xf32> to vector<10000x128xf32>
    %sub3A_23 = arith.subf %add3A_9, %sub3A_22 : vector<10000x128xf32>
    %add3A_24 = arith.constant 9.99999974E-6 : f32
    %add3A_25 = vector.broadcast %add3A_24 : f32 to vector<1x128xf32>
    %add3A_26 = arith.addf %div3A_21, %add3A_25 : vector<1x128xf32>
    %rsqrt3A = math.rsqrt %add3A_26 : vector<1x128xf32>
    %mul3A_27 = vector.broadcast %rsqrt3A : vector<1x128xf32> to vector<10000x128xf32>
    %mul3A_28 = arith.mulf %sub3A_23, %mul3A_27 : vector<10000x128xf32>
    %get3A_29 = arith.constant 0 : index
    %get3A_30 = arith.constant 0 : index
    %get3A_31 = vector.load %arg3[%get3A_29, %get3A_30] : memref<1x128xf32, #tpu.memory_space<vmem>>, vector<1x128xf32>
    %mul3A_32 = vector.broadcast %get3A_31 : vector<1x128xf32> to vector<10000x128xf32>
    %mul3A_33 = arith.mulf %mul3A_28, %mul3A_32 : vector<10000x128xf32>
    %get3A_34 = arith.constant 0 : index
    %get3A_35 = arith.constant 0 : index
    %get3A_36 = vector.load %arg4[%get3A_34, %get3A_35] : memref<1x128xf32, #tpu.memory_space<vmem>>, vector<1x128xf32>
    %add3A_37 = vector.broadcast %get3A_36 : vector<1x128xf32> to vector<10000x128xf32>
    %add3A_38 = arith.addf %mul3A_33, %add3A_37 : vector<10000x128xf32>
    %max3A = arith.constant 0.000000e+00 : f32
    %max3A_39 = vector.broadcast %max3A : f32 to vector<10000x128xf32>
    %max3A_40 = arith.maximumf %add3A_38, %max3A_39 : vector<10000x128xf32>
    %get3A_41 = arith.constant 0 : index
    %get3A_42 = arith.constant 0 : index
    %get3A_43 = vector.load %arg5[%get3A_41, %get3A_42] : memref<128x2xf32, #tpu.memory_space<vmem>>, vector<128x2xf32>
    %dot_general3A_44 = arith.constant dense<0.000000e+00> : vector<10000x2xf32>
    %dot_general3A_45 = tpu.matmul %max3A_40, %get3A_43, %dot_general3A_44 {dimension_numbers = #tpu.dot_dimension_numbers<[1], [0], [0], [1], [0, 0, 1, 1], [], []>, precision = #tpu.contract_precision<fp32>, transpose_lhs_hint = false} : vector<10000x128xf32>, vector<128x2xf32>, vector<10000x2xf32> -> vector<10000x2xf32>
    %get3A_46 = arith.constant 0 : index
    %get3A_47 = arith.constant 0 : index
    %get3A_48 = vector.load %arg6[%get3A_46, %get3A_47] : memref<1x2xf32, #tpu.memory_space<vmem>>, vector<1x2xf32>
    %add3A_49 = vector.broadcast %get3A_48 : vector<1x2xf32> to vector<10000x2xf32>
    %add3A_50 = arith.addf %dot_general3A_45, %add3A_49 : vector<10000x2xf32>
    %swap3A = arith.constant 0 : index
    %swap3A_51 = arith.constant 0 : index
    %swap3A_52 = vector.load %arg7[%swap3A, %swap3A_51] : memref<10000x2xf32, #tpu.memory_space<vmem>>, vector<10000x2xf32>
    tpu.vector_store %arg7[%swap3A, %swap3A_51], %add3A_50 {strides = array<i32>} : memref<10000x2xf32, #tpu.memory_space<vmem>>, vector<10000x2xf32>,
    return
  }
}

module attributes {stable_mosaic.version = 14 : i64} {
  func.func @_stats_kernel(%arg0: i32, %arg1: memref<1024x32xf32, #tpu.memory_space<vmem>>, %arg2: memref<32x128xf32, #tpu.memory_space<vmem>>, %arg3: memref<1x128xf32, #tpu.memory_space<vmem>>, %arg4: memref<1x128xf32, #tpu.memory_space<vmem>>, %arg5: memref<1x128xf32, #tpu.memory_space<vmem>>, %arg6: memref<1x128xf32, #tpu.memory_space<vmem>>) attributes {dimension_semantics = [#tpu.dimension_semantics<arbitrary>], iteration_bounds = array<i64: 160>, scalar_prefetch = 0 : i64, scratch_operands = 0 : i64, tpu.core_type = #tpu.core_type<tc>, window_params = [{transform_indices = @transform_0, window_bounds = array<i64: 1024, 32>}, {pipeline_mode = #tpu.pipeline_mode<synchronous>, transform_indices = @transform_1, window_bounds = array<i64: 32, 128>}, {pipeline_mode = #tpu.pipeline_mode<synchronous>, transform_indices = @transform_2, window_bounds = array<i64: 1, 128>}, {pipeline_mode = #tpu.pipeline_mode<synchronous>, transform_indices = @transform_3, window_bounds = array<i64: 1, 128>}, {pipeline_mode = #tpu.pipeline_mode<synchronous>, transform_indices = @transform_4, window_bounds = array<i64: 1, 128>}, {pipeline_mode = #tpu.pipeline_mode<synchronous>, transform_indices = @transform_5, window_bounds = array<i64: 1, 128>}]} {
    %get3A = arith.constant 0 : index
    %get3A_0 = arith.constant 0 : index
    %get3A_1 = vector.load %arg1[%get3A, %get3A_0] : memref<1024x32xf32, #tpu.memory_space<vmem>>, vector<1024x32xf32>
    %get3A_2 = arith.constant 0 : index
    %get3A_3 = arith.constant 0 : index
    %get3A_4 = vector.load %arg2[%get3A_2, %get3A_3] : memref<32x128xf32, #tpu.memory_space<vmem>>, vector<32x128xf32>
    %dot_general3A = arith.constant dense<0.000000e+00> : vector<1024x128xf32>
    %dot_general3A_5 = tpu.matmul %get3A_1, %get3A_4, %dot_general3A {dimension_numbers = #tpu.dot_dimension_numbers<[1], [0], [0], [1], [0, 0, 1, 1], [], []>, precision = #tpu.contract_precision<fp32>, transpose_lhs_hint = false} : vector<1024x32xf32>, vector<32x128xf32>, vector<1024x128xf32> -> vector<1024x128xf32>
    %get3A_6 = arith.constant 0 : index
    %get3A_7 = arith.constant 0 : index
    %get3A_8 = vector.load %arg3[%get3A_6, %get3A_7] : memref<1x128xf32, #tpu.memory_space<vmem>>, vector<1x128xf32>
    %add3A = vector.broadcast %get3A_8 : vector<1x128xf32> to vector<1024x128xf32>
    %add3A_9 = arith.addf %dot_general3A_5, %add3A : vector<1024x128xf32>
    %eq3A = arith.constant 0 : i32
    %eq3A_10 = arith.cmpi eq, %arg0, %eq3A : i32
    %convert_element_type3A = arith.extui %eq3A_10 : i1 to i32
    %cond3A = arith.constant 0 : i32
    %cond3A_11 = arith.cmpi ne, %convert_element_type3A, %cond3A : i32
    scf.if %cond3A_11 {
      %reduce_sum3A_42 = arith.constant dense<0.000000e+00> : vector<128xf32>
      %reduce_sum3A_43 = vector.multi_reduction <add>, %add3A_9, %reduce_sum3A_42 [0] : vector<1024x128xf32> to vector<128xf32>
      %broadcast_in_dim3A_44 = vector.shape_cast %reduce_sum3A_43 : vector<128xf32> to vector<1x128xf32>
      %div3A = arith.constant 1.024000e+03 : f32
      %div3A_45 = vector.broadcast %div3A : f32 to vector<1x128xf32>
      %div3A_46 = arith.divf %broadcast_in_dim3A_44, %div3A_45 : vector<1x128xf32>
      %swap3A_47 = arith.constant 0 : index
      %swap3A_48 = arith.constant 0 : index
      %swap3A_49 = vector.load %arg6[%swap3A_47, %swap3A_48] : memref<1x128xf32, #tpu.memory_space<vmem>>, vector<1x128xf32>
      tpu.vector_store %arg6[%swap3A_47, %swap3A_48], %div3A_46 {strides = array<i32>} : memref<1x128xf32, #tpu.memory_space<vmem>>, vector<1x128xf32>,
      %broadcast_in_dim3A_50 = arith.constant 0.000000e+00 : f32
      %broadcast_in_dim3A_51 = vector.broadcast %broadcast_in_dim3A_50 : f32 to vector<1x128xf32>
      %swap3A_52 = arith.constant 0 : index
      %swap3A_53 = arith.constant 0 : index
      %swap3A_54 = vector.load %arg4[%swap3A_52, %swap3A_53] : memref<1x128xf32, #tpu.memory_space<vmem>>, vector<1x128xf32>
      tpu.vector_store %arg4[%swap3A_52, %swap3A_53], %broadcast_in_dim3A_51 {strides = array<i32>} : memref<1x128xf32, #tpu.memory_space<vmem>>, vector<1x128xf32>,
      %broadcast_in_dim3A_55 = arith.constant 0.000000e+00 : f32
      %broadcast_in_dim3A_56 = vector.broadcast %broadcast_in_dim3A_55 : f32 to vector<1x128xf32>
      %swap3A_57 = arith.constant 0 : index
      %swap3A_58 = arith.constant 0 : index
      %swap3A_59 = vector.load %arg5[%swap3A_57, %swap3A_58] : memref<1x128xf32, #tpu.memory_space<vmem>>, vector<1x128xf32>
      tpu.vector_store %arg5[%swap3A_57, %swap3A_58], %broadcast_in_dim3A_56 {strides = array<i32>} : memref<1x128xf32, #tpu.memory_space<vmem>>, vector<1x128xf32>,
    } else {
    }
    %mul3A = arith.constant 1024 : i32
    %mul3A_12 = arith.muli %arg0, %mul3A : i32
    %iota3A = tpu.iota {dimensions = array<i32: 0>} : vector<1024x1xi32>
    %add3A_13 = vector.broadcast %mul3A_12 : i32 to vector<1024x1xi32>
    %add3A_14 = arith.addi %add3A_13, %iota3A : vector<1024x1xi32>
    %lt3A = arith.constant 160000 : i32
    %lt3A_15 = vector.broadcast %lt3A : i32 to vector<1024x1xi32>
    %lt3A_16 = arith.cmpi slt, %add3A_14, %lt3A_15 : vector<1024x1xi32>
    %get3A_17 = arith.constant 0 : index
    %get3A_18 = arith.constant 0 : index
    %get3A_19 = vector.load %arg6[%get3A_17, %get3A_18] : memref<1x128xf32, #tpu.memory_space<vmem>>, vector<1x128xf32>
    %sub3A = vector.broadcast %get3A_19 : vector<1x128xf32> to vector<1024x128xf32>
    %sub3A_20 = arith.subf %add3A_9, %sub3A : vector<1024x128xf32>
    %jit3A = arith.constant 0.000000e+00 : f32
    %broadcast_in_dim3A = vector.shape_cast %lt3A_16 : vector<1024x1xi1> to vector<1024x1xi1>
    %broadcast_in_dim3A_21 = vector.broadcast %broadcast_in_dim3A : vector<1024x1xi1> to vector<1024x128xi1>
    %broadcast_in_dim3A_22 = vector.broadcast %jit3A : f32 to vector<1024x128xf32>
    %select_n3A = arith.select %broadcast_in_dim3A_21, %sub3A_20, %broadcast_in_dim3A_22 : vector<1024x128xi1>, vector<1024x128xf32>
    %get3A_23 = arith.constant 0 : index
    %get3A_24 = arith.constant 0 : index
    %get3A_25 = vector.load %arg4[%get3A_23, %get3A_24] : memref<1x128xf32, #tpu.memory_space<vmem>>, vector<1x128xf32>
    %reduce_sum3A = arith.constant dense<0.000000e+00> : vector<128xf32>
    %reduce_sum3A_26 = vector.multi_reduction <add>, %select_n3A, %reduce_sum3A [0] : vector<1024x128xf32> to vector<128xf32>
    %broadcast_in_dim3A_27 = vector.shape_cast %reduce_sum3A_26 : vector<128xf32> to vector<1x128xf32>
    %add3A_28 = arith.addf %get3A_25, %broadcast_in_dim3A_27 : vector<1x128xf32>
    %swap3A = arith.constant 0 : index
    %swap3A_29 = arith.constant 0 : index
    %swap3A_30 = vector.load %arg4[%swap3A, %swap3A_29] : memref<1x128xf32, #tpu.memory_space<vmem>>, vector<1x128xf32>
    tpu.vector_store %arg4[%swap3A, %swap3A_29], %add3A_28 {strides = array<i32>} : memref<1x128xf32, #tpu.memory_space<vmem>>, vector<1x128xf32>,
    %get3A_31 = arith.constant 0 : index
    %get3A_32 = arith.constant 0 : index
    %get3A_33 = vector.load %arg5[%get3A_31, %get3A_32] : memref<1x128xf32, #tpu.memory_space<vmem>>, vector<1x128xf32>
    %mul3A_34 = arith.mulf %select_n3A, %select_n3A : vector<1024x128xf32>
    %reduce_sum3A_35 = arith.constant dense<0.000000e+00> : vector<128xf32>
    %reduce_sum3A_36 = vector.multi_reduction <add>, %mul3A_34, %reduce_sum3A_35 [0] : vector<1024x128xf32> to vector<128xf32>
    %broadcast_in_dim3A_37 = vector.shape_cast %reduce_sum3A_36 : vector<128xf32> to vector<1x128xf32>
    %add3A_38 = arith.addf %get3A_33, %broadcast_in_dim3A_37 : vector<1x128xf32>
    %swap3A_39 = arith.constant 0 : index
    %swap3A_40 = arith.constant 0 : index
    %swap3A_41 = vector.load %arg5[%swap3A_39, %swap3A_40] : memref<1x128xf32, #tpu.memory_space<vmem>>, vector<1x128xf32>
    tpu.vector_store %arg5[%swap3A_39, %swap3A_40], %add3A_38 {strides = array<i32>} : memref<1x128xf32, #tpu.memory_space<vmem>>, vector<1x128xf32>,
    return
  }
  func.func @transform_0(%arg0: i32) -> (i32, i32) {
    %c0_i32 = arith.constant 0 : i32
    %c0_i32_0 = arith.constant 0 : i32
    return %arg0, %c0_i32 : i32, i32
  }
  func.func @transform_1(%arg0: i32) -> (i32, i32) {
    %c0_i32 = arith.constant 0 : i32
    %c0_i32_0 = arith.constant 0 : i32
    %c0_i32_1 = arith.constant 0 : i32
    return %c0_i32, %c0_i32_0 : i32, i32
  }
  func.func @transform_2(%arg0: i32) -> (i32, i32) {
    %c0_i32 = arith.constant 0 : i32
    %c0_i32_0 = arith.constant 0 : i32
    %c0_i32_1 = arith.constant 0 : i32
    return %c0_i32, %c0_i32_0 : i32, i32
  }
  func.func @transform_3(%arg0: i32) -> (i32, i32) {
    %c0_i32 = arith.constant 0 : i32
    %c0_i32_0 = arith.constant 0 : i32
    %c0_i32_1 = arith.constant 0 : i32
    return %c0_i32, %c0_i32_0 : i32, i32
  }
  func.func @transform_4(%arg0: i32) -> (i32, i32) {
    %c0_i32 = arith.constant 0 : i32
    %c0_i32_0 = arith.constant 0 : i32
    %c0_i32_1 = arith.constant 0 : i32
    return %c0_i32, %c0_i32_0 : i32, i32
  }
  func.func @transform_5(%arg0: i32) -> (i32, i32) {
    %c0_i32 = arith.constant 0 : i32
    %c0_i32_0 = arith.constant 0 : i32
    %c0_i32_1 = arith.constant 0 : i32
    return %c0_i32, %c0_i32_0 : i32, i32
  }
}

module attributes {stable_mosaic.version = 14 : i64} {
  func.func @_apply_kernel(%arg0: i32, %arg1: memref<1024x32xf32, #tpu.memory_space<vmem>>, %arg2: memref<32x128xf32, #tpu.memory_space<vmem>>, %arg3: memref<1x128xf32, #tpu.memory_space<vmem>>, %arg4: memref<1x128xf32, #tpu.memory_space<vmem>>, %arg5: memref<1x128xf32, #tpu.memory_space<vmem>>, %arg6: memref<128x2xf32, #tpu.memory_space<vmem>>, %arg7: memref<1x2xf32, #tpu.memory_space<vmem>>, %arg8: memref<1x128xf32, #tpu.memory_space<vmem>>, %arg9: memref<1x128xf32, #tpu.memory_space<vmem>>, %arg10: memref<1x128xf32, #tpu.memory_space<vmem>>, %arg11: memref<1024x2xf32, #tpu.memory_space<vmem>>) attributes {dimension_semantics = [#tpu.dimension_semantics<arbitrary>], iteration_bounds = array<i64: 160>, scalar_prefetch = 0 : i64, scratch_operands = 0 : i64, tpu.core_type = #tpu.core_type<tc>, window_params = [{transform_indices = @transform_0, window_bounds = array<i64: 1024, 32>}, {pipeline_mode = #tpu.pipeline_mode<synchronous>, transform_indices = @transform_1, window_bounds = array<i64: 32, 128>}, {pipeline_mode = #tpu.pipeline_mode<synchronous>, transform_indices = @transform_2, window_bounds = array<i64: 1, 128>}, {pipeline_mode = #tpu.pipeline_mode<synchronous>, transform_indices = @transform_3, window_bounds = array<i64: 1, 128>}, {pipeline_mode = #tpu.pipeline_mode<synchronous>, transform_indices = @transform_4, window_bounds = array<i64: 1, 128>}, {pipeline_mode = #tpu.pipeline_mode<synchronous>, transform_indices = @transform_5, window_bounds = array<i64: 128, 2>}, {pipeline_mode = #tpu.pipeline_mode<synchronous>, transform_indices = @transform_6, window_bounds = array<i64: 1, 2>}, {pipeline_mode = #tpu.pipeline_mode<synchronous>, transform_indices = @transform_7, window_bounds = array<i64: 1, 128>}, {pipeline_mode = #tpu.pipeline_mode<synchronous>, transform_indices = @transform_8, window_bounds = array<i64: 1, 128>}, {pipeline_mode = #tpu.pipeline_mode<synchronous>, transform_indices = @transform_9, window_bounds = array<i64: 1, 128>}, {transform_indices = @transform_10, window_bounds = array<i64: 1024, 2>}]} {
    %get3A = arith.constant 0 : index
    %get3A_0 = arith.constant 0 : index
    %get3A_1 = vector.load %arg1[%get3A, %get3A_0] : memref<1024x32xf32, #tpu.memory_space<vmem>>, vector<1024x32xf32>
    %get3A_2 = arith.constant 0 : index
    %get3A_3 = arith.constant 0 : index
    %get3A_4 = vector.load %arg2[%get3A_2, %get3A_3] : memref<32x128xf32, #tpu.memory_space<vmem>>, vector<32x128xf32>
    %dot_general3A = arith.constant dense<0.000000e+00> : vector<1024x128xf32>
    %dot_general3A_5 = tpu.matmul %get3A_1, %get3A_4, %dot_general3A {dimension_numbers = #tpu.dot_dimension_numbers<[1], [0], [0], [1], [0, 0, 1, 1], [], []>, precision = #tpu.contract_precision<fp32>, transpose_lhs_hint = false} : vector<1024x32xf32>, vector<32x128xf32>, vector<1024x128xf32> -> vector<1024x128xf32>
    %get3A_6 = arith.constant 0 : index
    %get3A_7 = arith.constant 0 : index
    %get3A_8 = vector.load %arg3[%get3A_6, %get3A_7] : memref<1x128xf32, #tpu.memory_space<vmem>>, vector<1x128xf32>
    %add3A = vector.broadcast %get3A_8 : vector<1x128xf32> to vector<1024x128xf32>
    %add3A_9 = arith.addf %dot_general3A_5, %add3A : vector<1024x128xf32>
    %get3A_10 = arith.constant 0 : index
    %get3A_11 = arith.constant 0 : index
    %get3A_12 = vector.load %arg8[%get3A_10, %get3A_11] : memref<1x128xf32, #tpu.memory_space<vmem>>, vector<1x128xf32>
    %mul3A = arith.constant 6.250000e-06 : f32
    %mul3A_13 = vector.broadcast %mul3A : f32 to vector<1x128xf32>
    %mul3A_14 = arith.mulf %get3A_12, %mul3A_13 : vector<1x128xf32>
    %get3A_15 = arith.constant 0 : index
    %get3A_16 = arith.constant 0 : index
    %get3A_17 = vector.load %arg10[%get3A_15, %get3A_16] : memref<1x128xf32, #tpu.memory_space<vmem>>, vector<1x128xf32>
    %add3A_18 = arith.addf %get3A_17, %mul3A_14 : vector<1x128xf32>
    %get3A_19 = arith.constant 0 : index
    %get3A_20 = arith.constant 0 : index
    %get3A_21 = vector.load %arg9[%get3A_19, %get3A_20] : memref<1x128xf32, #tpu.memory_space<vmem>>, vector<1x128xf32>
    %mul3A_22 = arith.constant 6.250000e-06 : f32
    %mul3A_23 = vector.broadcast %mul3A_22 : f32 to vector<1x128xf32>
    %mul3A_24 = arith.mulf %get3A_21, %mul3A_23 : vector<1x128xf32>
    %mul3A_25 = arith.mulf %mul3A_14, %mul3A_14 : vector<1x128xf32>
    %sub3A = arith.subf %mul3A_24, %mul3A_25 : vector<1x128xf32>
    %sub3A_26 = vector.broadcast %add3A_18 : vector<1x128xf32> to vector<1024x128xf32>
    %sub3A_27 = arith.subf %add3A_9, %sub3A_26 : vector<1024x128xf32>
    %add3A_28 = arith.constant 9.99999974E-6 : f32
    %add3A_29 = vector.broadcast %add3A_28 : f32 to vector<1x128xf32>
    %add3A_30 = arith.addf %sub3A, %add3A_29 : vector<1x128xf32>
    %rsqrt3A = math.rsqrt %add3A_30 : vector<1x128xf32>
    %mul3A_31 = vector.broadcast %rsqrt3A : vector<1x128xf32> to vector<1024x128xf32>
    %mul3A_32 = arith.mulf %sub3A_27, %mul3A_31 : vector<1024x128xf32>
    %get3A_33 = arith.constant 0 : index
    %get3A_34 = arith.constant 0 : index
    %get3A_35 = vector.load %arg4[%get3A_33, %get3A_34] : memref<1x128xf32, #tpu.memory_space<vmem>>, vector<1x128xf32>
    %mul3A_36 = vector.broadcast %get3A_35 : vector<1x128xf32> to vector<1024x128xf32>
    %mul3A_37 = arith.mulf %mul3A_32, %mul3A_36 : vector<1024x128xf32>
    %get3A_38 = arith.constant 0 : index
    %get3A_39 = arith.constant 0 : index
    %get3A_40 = vector.load %arg5[%get3A_38, %get3A_39] : memref<1x128xf32, #tpu.memory_space<vmem>>, vector<1x128xf32>
    %add3A_41 = vector.broadcast %get3A_40 : vector<1x128xf32> to vector<1024x128xf32>
    %add3A_42 = arith.addf %mul3A_37, %add3A_41 : vector<1024x128xf32>
    %max3A = arith.constant 0.000000e+00 : f32
    %max3A_43 = vector.broadcast %max3A : f32 to vector<1024x128xf32>
    %max3A_44 = arith.maximumf %add3A_42, %max3A_43 : vector<1024x128xf32>
    %get3A_45 = arith.constant 0 : index
    %get3A_46 = arith.constant 0 : index
    %get3A_47 = vector.load %arg6[%get3A_45, %get3A_46] : memref<128x2xf32, #tpu.memory_space<vmem>>, vector<128x2xf32>
    %dot_general3A_48 = arith.constant dense<0.000000e+00> : vector<1024x2xf32>
    %dot_general3A_49 = tpu.matmul %max3A_44, %get3A_47, %dot_general3A_48 {dimension_numbers = #tpu.dot_dimension_numbers<[1], [0], [0], [1], [0, 0, 1, 1], [], []>, precision = #tpu.contract_precision<fp32>, transpose_lhs_hint = false} : vector<1024x128xf32>, vector<128x2xf32>, vector<1024x2xf32> -> vector<1024x2xf32>
    %get3A_50 = arith.constant 0 : index
    %get3A_51 = arith.constant 0 : index
    %get3A_52 = vector.load %arg7[%get3A_50, %get3A_51] : memref<1x2xf32, #tpu.memory_space<vmem>>, vector<1x2xf32>
    %add3A_53 = vector.broadcast %get3A_52 : vector<1x2xf32> to vector<1024x2xf32>
    %add3A_54 = arith.addf %dot_general3A_49, %add3A_53 : vector<1024x2xf32>
    %swap3A = arith.constant 0 : index
    %swap3A_55 = arith.constant 0 : index
    %swap3A_56 = vector.load %arg11[%swap3A, %swap3A_55] : memref<1024x2xf32, #tpu.memory_space<vmem>>, vector<1024x2xf32>
    tpu.vector_store %arg11[%swap3A, %swap3A_55], %add3A_54 {strides = array<i32>} : memref<1024x2xf32, #tpu.memory_space<vmem>>, vector<1024x2xf32>,
    return
  }
  func.func @transform_0(%arg0: i32) -> (i32, i32) {
    %c0_i32 = arith.constant 0 : i32
    %c0_i32_0 = arith.constant 0 : i32
    return %arg0, %c0_i32 : i32, i32
  }
  func.func @transform_1(%arg0: i32) -> (i32, i32) {
    %c0_i32 = arith.constant 0 : i32
    %c0_i32_0 = arith.constant 0 : i32
    %c0_i32_1 = arith.constant 0 : i32
    return %c0_i32, %c0_i32_0 : i32, i32
  }
  func.func @transform_2(%arg0: i32) -> (i32, i32) {
    %c0_i32 = arith.constant 0 : i32
    %c0_i32_0 = arith.constant 0 : i32
    %c0_i32_1 = arith.constant 0 : i32
    return %c0_i32, %c0_i32_0 : i32, i32
  }
  func.func @transform_3(%arg0: i32) -> (i32, i32) {
    %c0_i32 = arith.constant 0 : i32
    %c0_i32_0 = arith.constant 0 : i32
    %c0_i32_1 = arith.constant 0 : i32
    return %c0_i32, %c0_i32_0 : i32, i32
  }
  func.func @transform_4(%arg0: i32) -> (i32, i32) {
    %c0_i32 = arith.constant 0 : i32
    %c0_i32_0 = arith.constant 0 : i32
    %c0_i32_1 = arith.constant 0 : i32
    return %c0_i32, %c0_i32_0 : i32, i32
  }
  func.func @transform_5(%arg0: i32) -> (i32, i32) {
    %c0_i32 = arith.constant 0 : i32
    %c0_i32_0 = arith.constant 0 : i32
    %c0_i32_1 = arith.constant 0 : i32
    return %c0_i32, %c0_i32_0 : i32, i32
  }
  func.func @transform_6(%arg0: i32) -> (i32, i32) {
    %c0_i32 = arith.constant 0 : i32
    %c0_i32_0 = arith.constant 0 : i32
    %c0_i32_1 = arith.constant 0 : i32
    return %c0_i32, %c0_i32_0 : i32, i32
  }
  func.func @transform_7(%arg0: i32) -> (i32, i32) {
    %c0_i32 = arith.constant 0 : i32
    %c0_i32_0 = arith.constant 0 : i32
    %c0_i32_1 = arith.constant 0 : i32
    return %c0_i32, %c0_i32_0 : i32, i32
  }
  func.func @transform_8(%arg0: i32) -> (i32, i32) {
    %c0_i32 = arith.constant 0 : i32
    %c0_i32_0 = arith.constant 0 : i32
    %c0_i32_1 = arith.constant 0 : i32
    return %c0_i32, %c0_i32_0 : i32, i32
  }
  func.func @transform_9(%arg0: i32) -> (i32, i32) {
    %c0_i32 = arith.constant 0 : i32
    %c0_i32_0 = arith.constant 0 : i32
    %c0_i32_1 = arith.constant 0 : i32
    return %c0_i32, %c0_i32_0 : i32, i32
  }
  func.func @transform_10(%arg0: i32) -> (i32, i32) {
    %c0_i32 = arith.constant 0 : i32
    %c0_i32_0 = arith.constant 0 : i32
    return %arg0, %c0_i32 : i32, i32
  }
}

</mosaic_0001>

<sc_bundles>
// kernel: kernel.25.cloned.1.call-start
scs
__scs_entry_jumppad:
0x0: {  	(pc) =	sbr.rel $0x88, $3  }
0x1: {  	(tag) =	ssettag $0x0;
	lr =	simm.s32 $0x1  }
0x2: {  	[smem:$0x3F82] =	sst lr;
	_ =	strace $0xD0000000  }
0x3: {  	_ = 	snop  }
0x4: {  	_ = 	snop  }
0x5: {  	_ = 	snop  }
0x6: {  	_ = 	snop  }
0x7: {  	_ = 	snop  }
__scs_overlays_trampoline_lowered:
0x8: {  	[smem:$0x3F91] =	sst s0  }
0x9: {  	[smem:$0x3F92] =	sst s1  }
0xa: {  	[smem:$0x3F93] =	sst s2  }
0xb: {  	[smem:$0x3F94] =	sst s3  }
0xc: {  	[smem:$0x3F95] =	sst s4  }
0xd: {  	[smem:$0x3F96] =	sst s5  }
0xe: {  	[smem:$0x3F97] =	sst s6  }
0xf: {  	[smem:$0x3F98] =	sst s7  }
0x10: {  	[smem:$0x3F99] =	sst s8  }
0x11: {  	[smem:$0x3F9A] =	sst s9;
	s0 =	simm.s32 @!p0 $0x0  }
0x12: {  	s1 =	sld [smem:$0x3F80];
	s0 =	simm.s32 @p0 $0x1  }
0x13: {  	[smem:$0x3F9B] =	sst s0;
	s0 =	simm.s32 @!p1 $0x0  }
0x14: {  	s2 =	sld [smem:$0x3F7F];
	s0 =	simm.s32 @p1 $0x1  }
0x15: {  	[smem:$0x3F9C] =	sst s0;
	s0 =	simm.s32 @!p2 $0x0  }
0x16: {  	s3 =	sld [smem:$0x3FDB];
	s0 =	simm.s32 @p2 $0x1  }
0x17: {  	s4 =	simm.s32 $0x1BF5;
	[smem:$0x3F9E] =	sst s0  }
0x18: {  	s0 =	sld [smem:$0x3F81];
	_ =	swait.ge [sflag:s4], $0x0  }
0x19: {  	s7 =	sld [smem:$0x3F82]  }
0x1a: {  	s8 =	sadd.s32 $0xFFFFE003, lr  }
0x1b: {  	s9 =	sadd.s32 $0xFFFFFEF7, lr;
	s5 =	simm.s32 $0xFFFFFFFF;
	p2 =	slt.u32 s8, $0xFFFFF086  }
0x1c: {  	p1 =	slt.u32 s9, $0xF7A;
	s5 =	simm.s32 @!p2 $0x0  }
0x1d: {  	s5 =	simm.s32 @p1 $0x1;
	p0 =	seq.s32 s7, s2  }
0x1e: {  	s7 =	smul.u32 @!p0 $0xF7A, s2;
	p2 =	seq.s32 @!p0 s5, $0x0  }
0x1f: {  	s9 =	smul.u32 $0xF7A, s1;
	s8 =	simm.s32 @!p0 $0x1BF5;
	p2 =	por !p2, p0  }
0x20: {  	[sflag:s8] =	ssyncset.s32 @!p0 $0xFFFFF086;
	s6 =	sadd.s32 @!p0 s3, s7;
	s7 =	simm.s32 @!p0 $0x108  }
0x21: {  	s3 =	sadd.s32 s3, s9;
	s6 =	sadd.s32 @!p0 $0x88, s6;
	s7 =	simm.s32 @p2 $0x1082  }
0x22: {  	[simem:s7], [sflag:s8] =	dma.local @!p0 [hbm:s6], $0xF7A  }
0x23: {  	s9 =	sor.u32 $0xD0000000, s2;
	s6 =	simm.s32 $0x108;
	_ =	swait.ge @!p0 [sflag:s8], $0x0  }
0x24: {  	s3 =	sadd.s32 $0x88, s3;
	s6 =	simm.s32 @!p1 $0x1082;
	[sflag:s4] =	ssyncset.s32 $0xFFFFF086  }
0x25: {  	[simem:s6], [sflag:s4] =	dma.local [hbm:s3], $0xF7A  }
0x26: {  	[smem:$0x3F82] =	sst s1;
	(tag) =	ssettag s2;
	_ =	strace s9  }
0x27: {  	s1 =	sld [smem:$0x3F92]  }
0x28: {  	s2 =	sld [smem:$0x3F93]  }
0x29: {  	s4 =	sld [smem:$0x3F95]  }
0x2a: {  	p0 =	seq.s32 s5, $0x0;
	s5 =	sld [smem:$0x3F96]  }
0x2b: {  	s6 =	sld [smem:$0x3F97]  }
0x2c: {  	s7 =	sld [smem:$0x3F98]  }
0x2d: {  	s3 =	simm.s32 $0x108;
	s8 =	sld [smem:$0x3F99]  }
0x2e: {  	s3 =	simm.s32 @!p0 $0x1082;
	s9 =	sld [smem:$0x3F9A]  }
0x2f: {  	lr =	sadd.s32 s0, s3;
	s0 =	sld [smem:$0x3F91]  }
0x30: {  	s3 =	sld [smem:$0x3F94]  }
0x31: {  	[smem:$0x3F9D] =	sst s10  }
0x32: {  	s10 =	sld [smem:$0x3F9B];
	_ =	sdelay $0x3  }
0x33: {  	p0 =	seq.s32 s10, $0x1;
	s10 =	sld [smem:$0x3F9D];
	_ =	sdelay $0x3  }
0x34: {  	[smem:$0x3F9D] =	sst s10  }
0x35: {  	s10 =	sld [smem:$0x3F9C];
	_ =	sdelay $0x3  }
0x36: {  	p1 =	seq.s32 s10, $0x1;
	s10 =	sld [smem:$0x3F9D];
	_ =	sdelay $0x3  }
0x37: {  	[smem:$0x3F9D] =	sst s10  }
0x38: {  	s10 =	sld [smem:$0x3F9E]  }
0x39: {  	_ = 	snop;
	(pc) =	sbr.ind lr, $3  }
0x3a: {  	_ = 	snop  }
0x3b: {  	_ = 	snop  }
0x3c: {  	p2 =	seq.s32 s10, $0x1;
	s10 =	sld [smem:$0x3F9D]  }
0x3d: {  	_ =	shalt  }
0x3e: {  	_ =	shalt  }
0x3f: {  	_ =	shalt  }
0x40: {  	_ =	shalt  }
0x41: {  	_ =	shalt  }
0x42: {  	_ =	shalt  }
0x43: {  	_ =	shalt  }
0x44: {  	_ =	shalt  }
0x45: {  	_ =	shalt  }
0x46: {  	_ =	shalt  }
0x47: {  	_ =	shalt  }
0x48: {  	_ =	shalt  }
0x49: {  	_ =	shalt  }
0x4a: {  	_ =	shalt  }
0x4b: {  	_ =	shalt  }
0x4c: {  	_ =	shalt  }
0x4d: {  	_ =	shalt  }
0x4e: {  	_ =	shalt  }
0x4f: {  	_ =	shalt  }
0x50: {  	_ =	shalt  }
0x51: {  	_ =	shalt  }
0x52: {  	_ =	shalt  }
0x53: {  	_ =	shalt  }
0x54: {  	_ =	shalt  }
0x55: {  	_ =	shalt  }
0x56: {  	_ =	shalt  }
0x57: {  	_ =	shalt  }
0x58: {  	_ =	shalt  }
0x59: {  	_ =	shalt  }
0x5a: {  	_ =	shalt  }
0x5b: {  	_ =	shalt  }
0x5c: {  	_ =	shalt  }
0x5d: {  	_ =	shalt  }
0x5e: {  	_ =	shalt  }
0x5f: {  	_ =	shalt  }
0x60: {  	_ =	shalt  }
0x61: {  	_ =	shalt  }
0x62: {  	_ =	shalt  }
0x63: {  	_ =	shalt  }
0x64: {  	_ =	shalt  }
0x65: {  	_ =	shalt  }
0x66: {  	_ =	shalt  }
0x67: {  	_ =	shalt  }
0x68: {  	_ =	shalt  }
0x69: {  	_ =	shalt  }
0x6a: {  	_ =	shalt  }
0x6b: {  	_ =	shalt  }
0x6c: {  	_ =	shalt  }
0x6d: {  	_ =	shalt  }
0x6e: {  	_ =	shalt  }
0x6f: {  	_ =	shalt  }
0x70: {  	_ =	shalt  }
0x71: {  	_ =	shalt  }
0x72: {  	_ =	shalt  }
0x73: {  	_ =	shalt  }
0x74: {  	_ =	shalt  }
0x75: {  	_ =	shalt  }
0x76: {  	_ =	shalt  }
0x77: {  	_ =	shalt  }
0x78: {  	_ =	shalt  }
0x79: {  	_ =	shalt  }
0x7a: {  	_ =	shalt  }
0x7b: {  	_ =	shalt  }
0x7c: {  	_ =	shalt  }
0x7d: {  	_ =	shalt  }
0x7e: {  	_ =	shalt  }
0x7f: {  	_ =	shalt  }
0x80: {  	_ =	shalt  }
0x81: {  	_ =	shalt  }
0x82: {  	_ =	shalt  }
0x83: {  	_ =	shalt  }
0x84: {  	_ =	shalt  }
0x85: {  	_ =	shalt  }
0x86: {  	_ =	shalt  }
0x87: {  	_ =	shalt  }
.Lfunc_end0:
.L_simem_size_0:
called_computation_lowered:
.L_overlay_start_0:
0x88: {  	s2 =	sld [smem:$0x3FD9]  }
0x89: {  	s3 =	sld [smem:$0x3FFE];
	_ =	sdelay $0x1  }
0x8a: {  	s1 =	srdreg.scid  }
0x8b: {  	s0 =	sand.u32 $0x1, s1  }
0x8c: {  	s14 =	sshll.u32 s0, $0xA;
	s2 =	sadd.s32 s3, s2  }
0x8d: {  	s2 =	sadd.s32 s2, s14  }
0x8e: {  	[smem:$0x3FA9] =	sst s2  }
0x8f: {  	_ = 	snop  }
0x90: {  	s2 =	sld [smem:$0x3FD0];
	_ =	sdelay $0x2  }
0x91: {  	s15 =	simm.s32 $0xA;
	s4 =	simm.s32 $0x10  }
0x92: {  	[smem:s4], [sflag:s15] =	dma.local [hbm:s2], $0x1  }
0x93: {  	_ =	swait.eq [sflag:s15], $0x1  }
0x94: {  	[sflag:s15] =	ssyncset.done $0x0  }
0x95: {  	[sflag:s15] =	ssyncadd.s32 $0xFFFFFFFF  }
0x96: {  	s16 =	sld [smem:$0x11];
	(tm) =	ssettm $0x1  }
0x97: {  	s17 =	sld [smem:$0x3FFB];
	_ =	sdelay $0x3  }
0x98: {  	_ =	strace s17  }
0x99: {  	s3 =	sld [smem:$0x3FFC];
	_ =	sdelay $0x3  }
0x9a: {  	_ =	strace s3  }
0x9b: {  	s3 =	sld [smem:$0x3FFD];
	_ =	sdelay $0x3  }
0x9c: {  	_ =	strace s3  }
0x9d: {  	_ =	strace $0x8FFFFFFF  }
0x9e: {  	s18 =	sld [smem:$0x3FDB];
	_ =	sdelay $0x1  }
0x9f: {  	s19 =	simm.s32 $_scs_section_size  }
0xa0: {  	s5 =	simm.s32 $_size__tile_overlayer_lowered;
	s6 =	simm.s32 $_tile_overlayer_lowered  }
0xa1: {  	s22 =	simm.s32 $0x1BFF;
	s21 =	sshll.u32 s6, $0x1;
	s3 =	sadd.s32 s19, s18  }
0xa2: {  	s7 =	simm.s32 $0x0;
	s20 =	sshll.u32 s5, $0x1;
	s5 =	sadd.s32 s21, s3  }
0xa3: {  	[timem:s7], [sflag:s22] =	dma.local [hbm:s5], s20  }
0xa4: {  	_ =	swait.ge [sflag:s22], s20  }
0xa5: {  	s4 =	ssub.s32 $0x0, s20;
	[sflag:s22] =	ssyncset.done $0x0  }
0xa6: {  	[sflag:s22] =	ssyncadd.s32 s4;
	_ =	sdelay $0x1  }
0xa7: {  	s23 =	simm.s32 $0x1B8B  }
0xa8: {  	_ =	swait.ge [sflag:s23], $0x1  }
0xa9: {  	[sflag:s23] =	ssyncset.done $0x0  }
0xaa: {  	s25 =	simm.s32 $0x1B8E;
	s24 =	sld [smem:$0x3FFE];
	[sflag:s23] =	ssyncadd.s32 $0xFFFFFFFF  }
0xab: {  	s26 =	simm.s32 $execute0_lowered;
	[smem:$0x3FD2] =	sst s25  }
0xac: {  	s5 =	sshll.u32 s26, $0x1;
	_ =	strace $0x80000046;
	[dreg:$0x1] =	wrdreg $0xFFFFFFFF  }
0xad: {  	s28 =	simm.s32 $_size_execute0_lowered;
	s3 =	sadd.s32 s3, s5;
	[dreg:$0x0] =	wrdreg $0x0  }
0xae: {  	s5 =	sshll.u32 s28, $0x1;
	[dreg:$0x2] =	wrdreg s3  }
0xaf: {  	[dreg:$0x3] =	wrdreg s5  }
0xb0: {  	[dreg:$0x4] =	wrdreg $0xC0  }
0xb1: {  	_ =	task [dreg:s7], $0x5FFFF  }
0xb2: {  	[dreg:$0x1] =	wrdreg $0xFFFFFFFF  }
0xb3: {  	[dreg:$0x0] =	wrdreg $0x60  }
0xb4: {  	[dreg:$0x2] =	wrdreg s24  }
0xb5: {  	[dreg:$0x3] =	wrdreg s16  }
0xb6: {  	[dreg:$0x4] =	wrdreg $0x80000  }
0xb7: {  	[dreg:$0x5] =	wrdreg $0xCF000  }
0xb8: {  	[dreg:$0x6] =	wrdreg $0x9  }
0xb9: {  	_ =	task.clear_ibuf [dreg:s7], $0x7FFFF;
	_ =	strace $0x90000046  }
0xba: {  	s29 =	simm.s32 $0x9;
	_ =	strace $0x80000048  }
0xbb: {  	_ =	swait.ge [sflag:s29], $0x1  }
0xbc: {  	[sflag:s29] =	ssyncadd.s32 $0xFFFFFFFF  }
0xbd: {  	_ =	strace $0x90000048  }
0xbe: {  	_ =	sfence  }
0xbf: {  	s30 =	sld [smem:$0x0];
	_ =	sdelay $0x2  }
0xc0: {  	s31 =	sshll.u32 s1, $0xD;
	s1 =	sshrl.u32 s1, $0x2  }
0xc1: {  	s3 =	sand.u32 $0x4000, s31;
	s1 =	sadd.s32 s1, s30  }
0xc2: {  	s0 =	sor.u32 s3, s0;
	s1 =	sshll.u32 s1, $0x11  }
0xc3: {  	s0 =	sor.u32 s1, s0  }
0xc4: {  	s0 =	sadd.s32 $0x8F2B, s0  }
0xc5: {  	[sflag:s0] =	ssyncadd.remote.s32 $0x1  }
0xc6: {  	_ =	sfence.sel $0xFFFF  }
0xc7: {  	[dreg:$0x0] =	wrdreg $0xFFFFFFFF;
	(pc) =	sbr.abs _section_cstart, $3  }
0xc8: {  	[dreg:$0x1] =	wrdreg $0xFFFFFFFF  }
0xc9: {  	_ =	task.clear_ibuf [dreg:s7], $0x2FFFF;
	_ =	strace $0x9FFFFFFF  }
0xca: {  	(tm) =	ssettm $0x7FFFFFFF  }
0xcb: {  	_ =	shalt  }
tec
execute0_lowered:
.L_overlay_start_1:
0x0: {  	(tag) =	ssettag $0x1  }
0x1: {  	s9 =	rddreg [dreg:$0x0]  }
0x2: {  	s1 =	rddreg [dreg:$0x1]  }
0x3: {  	s3 =	rddreg [dreg:$0x2]  }
0x4: {  	s4 =	rddreg [dreg:$0x3]  }
0x5: {  	s0 =	rddreg [dreg:$0x4]  }
0x6: {  	s6 =	srdreg.scid;
	s2 =	stileid.u32  }
0x7: {  	s5 =	simm.s32 $0x0;
	s16 =	simm.s32 $0x2;
	s17 =	simm.s32 $0x80  }
0x8: {  	s18 =	simm.s32 $0x100;
	s19 =	simm.s32 $0x1100;
	s20 =	simm.s32 $0x1  }
0x9: {  	s21 =	simm.s32 $0x2100;
	s10 =	sand.u32 $0x1, s6;
	s11 =	smul.u32 $0x4F00, s2  }
0xa: {  	[smem:$0x7FF] =	sst s5;
	s6 =	sadd.s32 $0xB800, s9;
	s8 =	smul.u32 $0x4F000, s10  }
0xb: {  	s7 =	sadd.s32 $0xAB800, s9;
	_ =	strace $0x80000047;
	s13 =	ssub.s32 $0x2, s10  }
0xc: {  	s10 =	sshll.u32 s10, $0x4;
	s30 =	sshrl.u32 s13, $0x1;
	s12 =	sadd.s32 s11, s8  }
0xd: {  	s31 =	sor.u32 s2, s10;
	s10 =	sadd.s32 s11, s4;
	s12 =	sshrl.u32 s12, $0x3  }
0xe: {  	s8 =	sadd.s32 $0xBF600, s9;
	s15 =	ssub.s32 s13, s30;
	s14 =	sadd.s32 s12, s9  }
0xf: {  	s9 =	sadd.s32 s11, s3;
	s11 =	smul.u32 $0x1400, s31;
	s12 =	sadd.s32 $0xC4600, s14  }
0x10: {  	v0 =	vimm.f32 $0.0e+00;
	s13 =	sadd.s32 $0xD8200, s14;
	s14 =	smax.u32 s15, $0x1;
	s15 =	simm.s32 $0x3100  }
.LBB2_1:
0x11: {  	s22 =	simm.s32 $0x80;
	s23 =	simm.s32 $0x0  }
.LBB2_2:
0x12: {  	p0 =	sne.s32 s22, $0x13B80;
	[tilespmem:s23+$0x3100] =	vst v0;
	s24 =	smov.u32 s22;
	s22 =	sadd.s32 $0x80, s22  }
.Ltmp0:
0x13: {  	[tilespmem:s23+$0x3110] =	vst v0;
	(pc) =	sbr.rel @p0 .LBB2_2-.Ltmp0, $2  }
0x14: {  	_ =	sdelay $0x2  }
0x15: {  	s23 =	sshra.s32 s24, $0x2  }
0x16: {  	[tilespmem:s23+$0x3100] =	vst v0  }
0x17: {  	[tilespmem:s23+$0x3110] =	vst v0  }
0x18: {  	[spmem:s9] =	stream.linear.scatter [tilespmem:s15], [sflag:$0x2], $0x4F00, $0x38;
	[tilespmem:$0x11E00] =	vst v63  }
0x19: {  	_ =	swait.ge [sflag:s16], $0x4F00  }
0x1a: {  	[sflag:s16] =	ssyncset.done $0x0  }
0x1b: {  	[sflag:s16] =	ssyncadd.s32 $0xFFFFB100  }
0x1c: {  	[spmem:s10] =	stream.linear.scatter [tilespmem:s15], [sflag:$0x2], $0x4F00, $0x38;
	[tilespmem:$0x11E00] =	vst v63  }
0x1d: {  	_ =	swait.ge [sflag:s16], $0x4F00  }
0x1e: {  	[sflag:s16] =	ssyncset.done $0x0  }
0x1f: {  	[sflag:s16] =	ssyncadd.s32 $0xFFFFB100  }
0x20: {  	s22 =	simm.s32 $0x0;
	s23 =	simm.s32 $0x0;
	[bflag:$0x0] =	sbarrier.arrive $0xFFFF  }
.LBB2_4:
0x21: {  	s24 =	sshll.u32 s23, $0x7  }
0x22: {  	s24 =	sadd.s32 s11, s24  }
0x23: {  	s25 =	sshrl.u32 s24, $0x3  }
0x24: {  	s26 =	sadd.s32 s1, s25  }
0x25: {  	[tilespmem:s22], [sflag:$0x2] =	stream.linear.gather [hbm4b:s26+s22], $0x80, $0x38;
	[tilespmem:$0x11E00] =	vst v63  }
0x26: {  	_ =	swait.ge [sflag:s16], $0x80  }
0x27: {  	[sflag:s16] =	ssyncset.done $0x0  }
0x28: {  	s25 =	sadd.s32 s8, s25;
	[sflag:s16] =	ssyncadd.s32 $0xFFFFFF80  }
0x29: {  	[tilespmem:s17], [sflag:$0x2] =	stream.linear.gather [hbm4b:s25+s22], $0x80, $0x38;
	[tilespmem:$0x11E00] =	vst v63  }
0x2a: {  	_ =	swait.ge [sflag:s16], $0x80  }
0x2b: {  	s24 =	sshll.u32 s24, $0x2;
	[sflag:s16] =	ssyncset.done $0x0  }
0x2c: {  	s24 =	sadd.s32 s6, s24;
	[sflag:s16] =	ssyncadd.s32 $0xFFFFFF80  }
0x2d: {  	[tilespmem:s18], [sflag:$0x2] =	stream.linear.gather [hbm4b:s24+s22], $0x1000, $0x38;
	[tilespmem:$0x11E00] =	vst v63  }
0x2e: {  	_ =	swait.ge [sflag:s16], $0x1000  }
0x2f: {  	[sflag:s16] =	ssyncset.done $0x0  }
0x30: {  	[sflag:s16] =	ssyncadd.s32 $0xFFFFF000  }
0x31: {  	[tilespmem:s19], [sflag:$0x1] =	stream.indirect.gather [hbm4b:s7+s17], $0x20, s22, s17, $0xb8;
	[tilespmem:$0x11E00] =	vst v63  }
0x32: {  	_ =	swait.ge [sflag:s20], $0x1000  }
0x33: {  	[sflag:s20] =	ssyncset.done $0x0  }
0x34: {  	s24 =	simm.s32 $0x0;
	[sflag:s20] =	ssyncadd.s32 $0xFFFFF000  }
0x35: {  	v2 =	vld [tilespmem:s24+$0x100]  }
0x36: {  	v1 =	vld [tilespmem:s24+$0x110]  }
0x37: {  	s25 =	simm.s32 $0x80;
	v3 =	vld [tilespmem:s24+$0x1100]  }
.LBB2_5:
0x38: {  	p0 =	sne.s32 s25, $0x3F80;
	v4 =	vld [tilespmem:s24+$0x1110];
	_ =	sdelay $0x1  }
0x39: {  	v5 =	vmax.f32 v2, $0.0e+00  }
0x3a: {  	v5 =	vadd.f32 $1.000000010e-07, v5;
	v6 =	vmax.f32 v1, $0.0e+00  }
0x3b: {  	v2 =	vadd.f32 v3, v2;
	v3 =	vadd.f32 $1.000000010e-07, v6  }
0x3c: {  	[tilespmem:s24+$0x2100] =	vst v5;
	v1 =	vadd.f32 v4, v1  }
.Ltmp1:
0x3d: {  	v2 =	vmax.f32 v2, $0.0e+00;
	[tilespmem:s24+$0x2110] =	vst v3;
	(pc) =	sbr.rel @p0 .LBB2_5-.Ltmp1, $4  }
0x3e: {  	s26 =	sshra.s32 s25, $0x2;
	v3 =	vadd.f32 $1.000000010e-07, v2;
	v1 =	vmax.f32 v1, $0.0e+00  }
0x3f: {  	v2 =	vld [tilespmem:s26+$0x100];
	v4 =	vadd.f32 $1.000000010e-07, v1  }
0x40: {  	v1 =	vld [tilespmem:s26+$0x110];
	[tilespmem:s24+$0x1100] =	vst v3  }
0x41: {  	s25 =	sadd.s32 $0x80, s25;
	v3 =	vld [tilespmem:s26+$0x1100];
	[tilespmem:s24+$0x1110] =	vst v4;
	s24 =	smov.u32 s26  }
0x42: {  	v4 =	vld [tilespmem:s24+$0x1110];
	_ =	sdelay $0x3  }
0x43: {  	v5 =	vmax.f32 v2, $0.0e+00;
	v2 =	vadd.f32 v3, v2  }
0x44: {  	v62 =	vmax.f32 v1, $0.0e+00;
	v3 =	vadd.f32 $1.000000010e-07, v5;
	v1 =	vadd.f32 v4, v1  }
0x45: {  	v63 =	vadd.f32 $1.000000010e-07, v62;
	v2 =	vmax.f32 v2, $0.0e+00  }
0x46: {  	[tilespmem:s24+$0x2100] =	vst v3;
	v2 =	vadd.f32 $1.000000010e-07, v2;
	v1 =	vmax.f32 v1, $0.0e+00  }
0x47: {  	[tilespmem:s24+$0x2110] =	vst v63;
	v1 =	vadd.f32 $1.000000010e-07, v1  }
0x48: {  	[tilespmem:s24+$0x1100] =	vst v2  }
0x49: {  	[tilespmem:s24+$0x1110] =	vst v1  }
0x4a: {  	[spmem:s3] =	stream.indirect.scatter.add.f32 [tilespmem:s19], [sflag:$0x2], $0x20, s17, s17, $0xb8;
	[tilespmem:$0x11E00] =	vst v63  }
0x4b: {  	s23 =	sadd.s32 $0x1, s23;
	_ =	swait.ge [sflag:s16], $0x1000  }
0x4c: {  	p0 =	sne.s32 s23, $0x28;
	[sflag:s16] =	ssyncset.done $0x0  }
.Ltmp2:
0x4d: {  	[sflag:s16] =	ssyncadd.s32 $0xFFFFF000;
	(pc) =	sbr.rel @p0 .LBB2_4-.Ltmp2, $4  }
0x4e: {  	[spmem:s4] =	stream.indirect.scatter.add.f32 [tilespmem:s21], [sflag:$0x2], $0x20, s17, s17, $0xb8;
	[tilespmem:$0x11E00] =	vst v63  }
0x4f: {  	_ =	swait.ge [sflag:s16], $0x1000  }
0x50: {  	[sflag:s16] =	ssyncset.done $0x0  }
0x51: {  	[sflag:s16] =	ssyncadd.s32 $0xFFFFF000  }
0x52: {  	s22 =	sshll.u32 s2, $0x6  }
0x53: {  	[bflag:$0x0] =	sbarrier.arrive $0xFFFF;
	s23 =	sshrl.u32 s9, $0x3;
	s22 =	sor.u32 $0x1C02, s22  }
0x54: {  	[hbm:s12], [sflag:s22] =	dma.local [spmem:s23], $0x9E0  }
0x55: {  	s5 =	sadd.s32 $0x1, s5;
	_ =	swait.ge [sflag:s16], $0x9E0  }
0x56: {  	p0 =	sne.s32 s5, s14;
	[sflag:s16] =	ssyncset.done $0x0  }
.Ltmp3:
0x57: {  	s31 =	sshrl.u32 s10, $0x3;
	[sflag:s16] =	ssyncadd.s32 $0xFFFFF620;
	(pc) =	sbr.rel @p0 .LBB2_1-.Ltmp3, $4  }
0x58: {  	[hbm:s13], [sflag:s22] =	dma.local [spmem:s31], $0x9E0  }
0x59: {  	_ =	swait.ge [sflag:s16], $0x9E0  }
0x5a: {  	[sflag:s16] =	ssyncset.done $0x0  }
0x5b: {  	[sflag:s16] =	ssyncadd.s32 $0xFFFFF620  }
0x5c: {  	_ =	sfence.sel $0x180000  }
0x5d: {  	[bflag:$0x0] =	sbarrier.arrive $0xFFFF  }
0x5e: {  	p0 =	sne.s32 s2, $0x0;
	_ =	strace $0x90000047  }
0x5f: {  	s0 =	sadd.s32 @!p0 $0x100000, s0;
	[bflag:$0x2] =	sbarrier.arrive $0xFFFF  }
0x60: {  	[sflag:s0] =	ssyncadd.tile.s32 @!p0 $0x1;
	_ =	shalt  }
.Lfunc_end2:
_tile_overlayer_lowered:
.L_overlay_start_2:
0x61: {  	(tag) =	ssettag $0x2  }
0x62: {  	s0 =	rddreg [dreg:$0x0];
	s2 =	stileid.u32  }
0x63: {  	s1 =	rddreg [dreg:$0x1];
	p0 =	sne.s32 s2, $0x0  }
0x64: {  	s3 =	rddreg [dreg:$0x2];
	[bflag:$0x3] =	sbarrier.arrive $0xFFFF;
	s2 =	simm.s32 @!p0 $0x1C02  }
0x65: {  	[timem:s3], [sflag:s2] =	dma.local @!p0 [hbm:s0], s1  }
0x66: {  	s0 =	simm.s32 @!p0 $0x2  }
0x67: {  	_ =	swait.ge @!p0 [sflag:s0], s1  }
0x68: {  	s1 =	ssub.s32 @!p0 $0x0, s1;
	[sflag:s0] =	ssyncset.done @!p0 $0x0  }
0x69: {  	[sflag:s0] =	ssyncadd.s32 @!p0 s1  }
0x6a: {  	[bflag:$0x3] =	sbarrier.arrive $0xFFFF  }
0x6b: {  	_ =	shalt  }

// kernel: kernel.28.cloned.1.call-start
scs
__scs_entry_jumppad:
0x0: {  	(pc) =	sbr.rel $0x88, $3  }
0x1: {  	(tag) =	ssettag $0x0;
	lr =	simm.s32 $0x1  }
0x2: {  	[smem:$0x3F82] =	sst lr;
	_ =	strace $0xD0000000  }
0x3: {  	_ = 	snop  }
0x4: {  	_ = 	snop  }
0x5: {  	_ = 	snop  }
0x6: {  	_ = 	snop  }
0x7: {  	_ = 	snop  }
__scs_overlays_trampoline_lowered:
0x8: {  	[smem:$0x3F91] =	sst s0  }
0x9: {  	[smem:$0x3F92] =	sst s1  }
0xa: {  	[smem:$0x3F93] =	sst s2  }
0xb: {  	[smem:$0x3F94] =	sst s3  }
0xc: {  	[smem:$0x3F95] =	sst s4  }
0xd: {  	[smem:$0x3F96] =	sst s5  }
0xe: {  	[smem:$0x3F97] =	sst s6  }
0xf: {  	[smem:$0x3F98] =	sst s7  }
0x10: {  	[smem:$0x3F99] =	sst s8  }
0x11: {  	[smem:$0x3F9A] =	sst s9;
	s0 =	simm.s32 @!p0 $0x0  }
0x12: {  	s1 =	sld [smem:$0x3F80];
	s0 =	simm.s32 @p0 $0x1  }
0x13: {  	[smem:$0x3F9B] =	sst s0;
	s0 =	simm.s32 @!p1 $0x0  }
0x14: {  	s2 =	sld [smem:$0x3F7F];
	s0 =	simm.s32 @p1 $0x1  }
0x15: {  	[smem:$0x3F9C] =	sst s0;
	s0 =	simm.s32 @!p2 $0x0  }
0x16: {  	s3 =	sld [smem:$0x3FDB];
	s0 =	simm.s32 @p2 $0x1  }
0x17: {  	s4 =	simm.s32 $0x1BF5;
	[smem:$0x3F9E] =	sst s0  }
0x18: {  	s0 =	sld [smem:$0x3F81];
	_ =	swait.ge [sflag:s4], $0x0  }
0x19: {  	s7 =	sld [smem:$0x3F82]  }
0x1a: {  	s8 =	sadd.s32 $0xFFFFE003, lr  }
0x1b: {  	s9 =	sadd.s32 $0xFFFFFEF7, lr;
	s5 =	simm.s32 $0xFFFFFFFF;
	p2 =	slt.u32 s8, $0xFFFFF086  }
0x1c: {  	p1 =	slt.u32 s9, $0xF7A;
	s5 =	simm.s32 @!p2 $0x0  }
0x1d: {  	s5 =	simm.s32 @p1 $0x1;
	p0 =	seq.s32 s7, s2  }
0x1e: {  	s7 =	smul.u32 @!p0 $0xF7A, s2;
	p2 =	seq.s32 @!p0 s5, $0x0  }
0x1f: {  	s9 =	smul.u32 $0xF7A, s1;
	s8 =	simm.s32 @!p0 $0x1BF5;
	p2 =	por !p2, p0  }
0x20: {  	[sflag:s8] =	ssyncset.s32 @!p0 $0xFFFFF086;
	s6 =	sadd.s32 @!p0 s3, s7;
	s7 =	simm.s32 @!p0 $0x108  }
0x21: {  	s3 =	sadd.s32 s3, s9;
	s6 =	sadd.s32 @!p0 $0x88, s6;
	s7 =	simm.s32 @p2 $0x1082  }
0x22: {  	[simem:s7], [sflag:s8] =	dma.local @!p0 [hbm:s6], $0xF7A  }
0x23: {  	s9 =	sor.u32 $0xD0000000, s2;
	s6 =	simm.s32 $0x108;
	_ =	swait.ge @!p0 [sflag:s8], $0x0  }
0x24: {  	s3 =	sadd.s32 $0x88, s3;
	s6 =	simm.s32 @!p1 $0x1082;
	[sflag:s4] =	ssyncset.s32 $0xFFFFF086  }
0x25: {  	[simem:s6], [sflag:s4] =	dma.local [hbm:s3], $0xF7A  }
0x26: {  	[smem:$0x3F82] =	sst s1;
	(tag) =	ssettag s2;
	_ =	strace s9  }
0x27: {  	s1 =	sld [smem:$0x3F92]  }
0x28: {  	s2 =	sld [smem:$0x3F93]  }
0x29: {  	s4 =	sld [smem:$0x3F95]  }
0x2a: {  	p0 =	seq.s32 s5, $0x0;
	s5 =	sld [smem:$0x3F96]  }
0x2b: {  	s6 =	sld [smem:$0x3F97]  }
0x2c: {  	s7 =	sld [smem:$0x3F98]  }
0x2d: {  	s3 =	simm.s32 $0x108;
	s8 =	sld [smem:$0x3F99]  }
0x2e: {  	s3 =	simm.s32 @!p0 $0x1082;
	s9 =	sld [smem:$0x3F9A]  }
0x2f: {  	lr =	sadd.s32 s0, s3;
	s0 =	sld [smem:$0x3F91]  }
0x30: {  	s3 =	sld [smem:$0x3F94]  }
0x31: {  	[smem:$0x3F9D] =	sst s10  }
0x32: {  	s10 =	sld [smem:$0x3F9B];
	_ =	sdelay $0x3  }
0x33: {  	p0 =	seq.s32 s10, $0x1;
	s10 =	sld [smem:$0x3F9D];
	_ =	sdelay $0x3  }
0x34: {  	[smem:$0x3F9D] =	sst s10  }
0x35: {  	s10 =	sld [smem:$0x3F9C];
	_ =	sdelay $0x3  }
0x36: {  	p1 =	seq.s32 s10, $0x1;
	s10 =	sld [smem:$0x3F9D];
	_ =	sdelay $0x3  }
0x37: {  	[smem:$0x3F9D] =	sst s10  }
0x38: {  	s10 =	sld [smem:$0x3F9E]  }
0x39: {  	_ = 	snop;
	(pc) =	sbr.ind lr, $3  }
0x3a: {  	_ = 	snop  }
0x3b: {  	_ = 	snop  }
0x3c: {  	p2 =	seq.s32 s10, $0x1;
	s10 =	sld [smem:$0x3F9D]  }
0x3d: {  	_ =	shalt  }
0x3e: {  	_ =	shalt  }
0x3f: {  	_ =	shalt  }
0x40: {  	_ =	shalt  }
0x41: {  	_ =	shalt  }
0x42: {  	_ =	shalt  }
0x43: {  	_ =	shalt  }
0x44: {  	_ =	shalt  }
0x45: {  	_ =	shalt  }
0x46: {  	_ =	shalt  }
0x47: {  	_ =	shalt  }
0x48: {  	_ =	shalt  }
0x49: {  	_ =	shalt  }
0x4a: {  	_ =	shalt  }
0x4b: {  	_ =	shalt  }
0x4c: {  	_ =	shalt  }
0x4d: {  	_ =	shalt  }
0x4e: {  	_ =	shalt  }
0x4f: {  	_ =	shalt  }
0x50: {  	_ =	shalt  }
0x51: {  	_ =	shalt  }
0x52: {  	_ =	shalt  }
0x53: {  	_ =	shalt  }
0x54: {  	_ =	shalt  }
0x55: {  	_ =	shalt  }
0x56: {  	_ =	shalt  }
0x57: {  	_ =	shalt  }
0x58: {  	_ =	shalt  }
0x59: {  	_ =	shalt  }
0x5a: {  	_ =	shalt  }
0x5b: {  	_ =	shalt  }
0x5c: {  	_ =	shalt  }
0x5d: {  	_ =	shalt  }
0x5e: {  	_ =	shalt  }
0x5f: {  	_ =	shalt  }
0x60: {  	_ =	shalt  }
0x61: {  	_ =	shalt  }
0x62: {  	_ =	shalt  }
0x63: {  	_ =	shalt  }
0x64: {  	_ =	shalt  }
0x65: {  	_ =	shalt  }
0x66: {  	_ =	shalt  }
0x67: {  	_ =	shalt  }
0x68: {  	_ =	shalt  }
0x69: {  	_ =	shalt  }
0x6a: {  	_ =	shalt  }
0x6b: {  	_ =	shalt  }
0x6c: {  	_ =	shalt  }
0x6d: {  	_ =	shalt  }
0x6e: {  	_ =	shalt  }
0x6f: {  	_ =	shalt  }
0x70: {  	_ =	shalt  }
0x71: {  	_ =	shalt  }
0x72: {  	_ =	shalt  }
0x73: {  	_ =	shalt  }
0x74: {  	_ =	shalt  }
0x75: {  	_ =	shalt  }
0x76: {  	_ =	shalt  }
0x77: {  	_ =	shalt  }
0x78: {  	_ =	shalt  }
0x79: {  	_ =	shalt  }
0x7a: {  	_ =	shalt  }
0x7b: {  	_ =	shalt  }
0x7c: {  	_ =	shalt  }
0x7d: {  	_ =	shalt  }
0x7e: {  	_ =	shalt  }
0x7f: {  	_ =	shalt  }
0x80: {  	_ =	shalt  }
0x81: {  	_ =	shalt  }
0x82: {  	_ =	shalt  }
0x83: {  	_ =	shalt  }
0x84: {  	_ =	shalt  }
0x85: {  	_ =	shalt  }
0x86: {  	_ =	shalt  }
0x87: {  	_ =	shalt  }
.Lfunc_end0:
.L_simem_size_0:
called_computation.1_lowered:
.L_overlay_start_0:
0x88: {  	s2 =	sld [smem:$0x3FD9]  }
0x89: {  	s3 =	sld [smem:$0x3FFE];
	_ =	sdelay $0x1  }
0x8a: {  	s1 =	srdreg.scid  }
0x8b: {  	s0 =	sand.u32 $0x1, s1  }
0x8c: {  	s14 =	sshll.u32 s0, $0xA;
	s2 =	sadd.s32 s3, s2  }
0x8d: {  	s2 =	sadd.s32 s2, s14  }
0x8e: {  	[smem:$0x3FA9] =	sst s2  }
0x8f: {  	_ = 	snop  }
0x90: {  	s2 =	sld [smem:$0x3FD0];
	_ =	sdelay $0x2  }
0x91: {  	s15 =	simm.s32 $0xA;
	s4 =	simm.s32 $0x10  }
0x92: {  	[smem:s4], [sflag:s15] =	dma.local [hbm:s2], $0x1  }
0x93: {  	_ =	swait.eq [sflag:s15], $0x1  }
0x94: {  	[sflag:s15] =	ssyncset.done $0x0  }
0x95: {  	[sflag:s15] =	ssyncadd.s32 $0xFFFFFFFF  }
0x96: {  	s16 =	sld [smem:$0x11];
	(tm) =	ssettm $0x1  }
0x97: {  	s17 =	sld [smem:$0x3FFB];
	_ =	sdelay $0x3  }
0x98: {  	_ =	strace s17  }
0x99: {  	s3 =	sld [smem:$0x3FFC];
	_ =	sdelay $0x3  }
0x9a: {  	_ =	strace s3  }
0x9b: {  	s3 =	sld [smem:$0x3FFD];
	_ =	sdelay $0x3  }
0x9c: {  	_ =	strace s3  }
0x9d: {  	_ =	strace $0x8FFFFFFF  }
0x9e: {  	s18 =	sld [smem:$0x3FDB];
	_ =	sdelay $0x1  }
0x9f: {  	s19 =	simm.s32 $_scs_section_size  }
0xa0: {  	s5 =	simm.s32 $_size__tile_overlayer_lowered;
	s6 =	simm.s32 $_tile_overlayer_lowered  }
0xa1: {  	s22 =	simm.s32 $0x1BFF;
	s21 =	sshll.u32 s6, $0x1;
	s3 =	sadd.s32 s19, s18  }
0xa2: {  	s7 =	simm.s32 $0x0;
	s20 =	sshll.u32 s5, $0x1;
	s5 =	sadd.s32 s21, s3  }
0xa3: {  	[timem:s7], [sflag:s22] =	dma.local [hbm:s5], s20  }
0xa4: {  	_ =	swait.ge [sflag:s22], s20  }
0xa5: {  	s4 =	ssub.s32 $0x0, s20;
	[sflag:s22] =	ssyncset.done $0x0  }
0xa6: {  	[sflag:s22] =	ssyncadd.s32 s4;
	_ =	sdelay $0x1  }
0xa7: {  	s23 =	simm.s32 $0x1B8B  }
0xa8: {  	_ =	swait.ge [sflag:s23], $0x1  }
0xa9: {  	[sflag:s23] =	ssyncset.done $0x0  }
0xaa: {  	s25 =	simm.s32 $0x1B8E;
	s24 =	sld [smem:$0x3FFE];
	[sflag:s23] =	ssyncadd.s32 $0xFFFFFFFF  }
0xab: {  	s26 =	simm.s32 $execute0_lowered;
	[smem:$0x3FD2] =	sst s25  }
0xac: {  	s5 =	sshll.u32 s26, $0x1;
	_ =	strace $0x80000049;
	[dreg:$0x1] =	wrdreg $0xFFFFFFFF  }
0xad: {  	s28 =	simm.s32 $_size_execute0_lowered;
	s3 =	sadd.s32 s3, s5;
	[dreg:$0x0] =	wrdreg $0x0  }
0xae: {  	s5 =	sshll.u32 s28, $0x1;
	[dreg:$0x2] =	wrdreg s3  }
0xaf: {  	[dreg:$0x3] =	wrdreg s5  }
0xb0: {  	[dreg:$0x4] =	wrdreg $0xC0  }
0xb1: {  	_ =	task [dreg:s7], $0x5FFFF  }
0xb2: {  	[dreg:$0x1] =	wrdreg $0xFFFFFFFF  }
0xb3: {  	[dreg:$0x0] =	wrdreg $0x60  }
0xb4: {  	[dreg:$0x2] =	wrdreg s24  }
0xb5: {  	[dreg:$0x3] =	wrdreg s16  }
0xb6: {  	[dreg:$0x4] =	wrdreg $0x9  }
0xb7: {  	_ =	task.clear_ibuf [dreg:s7], $0x5FFFF;
	_ =	strace $0x90000049  }
0xb8: {  	s29 =	simm.s32 $0x9;
	_ =	strace $0x8000004B  }
0xb9: {  	_ =	swait.ge [sflag:s29], $0x1  }
0xba: {  	[sflag:s29] =	ssyncadd.s32 $0xFFFFFFFF  }
0xbb: {  	_ =	strace $0x9000004B  }
0xbc: {  	_ =	sfence  }
0xbd: {  	s30 =	sld [smem:$0x0];
	_ =	sdelay $0x2  }
0xbe: {  	s31 =	sshll.u32 s1, $0xD;
	s1 =	sshrl.u32 s1, $0x2  }
0xbf: {  	s3 =	sand.u32 $0x4000, s31;
	s1 =	sadd.s32 s1, s30  }
0xc0: {  	s0 =	sor.u32 s3, s0;
	s1 =	sshll.u32 s1, $0x11  }
0xc1: {  	s0 =	sor.u32 s1, s0  }
0xc2: {  	s0 =	sadd.s32 $0x8F2B, s0  }
0xc3: {  	[sflag:s0] =	ssyncadd.remote.s32 $0x1  }
0xc4: {  	_ =	sfence.sel $0xFFFF  }
0xc5: {  	[dreg:$0x0] =	wrdreg $0xFFFFFFFF;
	(pc) =	sbr.abs _section_cstart, $3  }
0xc6: {  	[dreg:$0x1] =	wrdreg $0xFFFFFFFF  }
0xc7: {  	_ =	task.clear_ibuf [dreg:s7], $0x2FFFF;
	_ =	strace $0x9FFFFFFF  }
0xc8: {  	(tm) =	ssettm $0x7FFFFFFF  }
0xc9: {  	_ =	shalt  }
tec
execute0_lowered:
.L_overlay_start_1:
0x0: {  	(tag) =	ssettag $0x1  }
0x1: {  	s3 =	rddreg [dreg:$0x0]  }
0x2: {  	s6 =	rddreg [dreg:$0x1];
	s1 =	srdreg.scid  }
0x3: {  	s0 =	rddreg [dreg:$0x2];
	s2 =	simm.s32 $0x0;
	s4 =	sand.u32 $0x1, s1  }
0x4: {  	[smem:$0x7FF] =	sst s2;
	s5 =	smul.u32 $0x50000, s4  }
0x5: {  	s1 =	stileid.u32;
	s7 =	smul.u32 $0x14000, s4  }
0x6: {  	_ =	strace $0x8000004A;
	s4 =	ssub.s32 $0x2, s4;
	s8 =	smul.u32 $0x1400, s1  }
0x7: {  	s10 =	smul.u32 $0x5000, s1;
	s9 =	sshrl.u32 s4, $0x1;
	s5 =	sadd.s32 s5, s3  }
0x8: {  	s3 =	sadd.s32 $0xB800, s3;
	s4 =	ssub.s32 s4, s9;
	s7 =	sadd.s32 s8, s7  }
0x9: {  	s8 =	simm.s32 $0x80;
	s9 =	simm.s32 $0x1;
	s4 =	smax.u32 s4, $0x1  }
0xa: {  	s5 =	sadd.s32 s10, s5;
	s7 =	sshrl.u32 s7, $0x3;
	s10 =	simm.s32 $0x0  }
0xb: {  	s5 =	sadd.s32 $0x15600, s5;
	s6 =	sadd.s32 s7, s6;
	s7 =	simm.s32 $0x2  }
.LBB2_1:
0xc: {  	s11 =	sadd.s32 $0x0, s6  }
0xd: {  	[tilespmem:s2], [sflag:$0x2] =	stream.linear.gather [hbm4b:s11+s2], $0x80, $0x38;
	[tilespmem:$0x1080] =	vst v63  }
0xe: {  	_ =	swait.ge [sflag:s7], $0x80  }
0xf: {  	[sflag:s7] =	ssyncset.done $0x0  }
0x10: {  	[sflag:s7] =	ssyncadd.s32 $0xFFFFFF80  }
0x11: {  	[tilespmem:s8], [sflag:$0x1] =	stream.indirect.gather [hbm4b:s3+s8], $0x20, s2, s8, $0xb8;
	[tilespmem:$0x1080] =	vst v63  }
0x12: {  	_ =	swait.ge [sflag:s9], $0x1000  }
0x13: {  	[sflag:s9] =	ssyncset.done $0x0  }
0x14: {  	[sflag:s9] =	ssyncadd.s32 $0xFFFFF000  }
0x15: {  	[hbm4b:s5+s2] =	stream.linear.scatter [tilespmem:s8], [sflag:$0x2], $0x1000, $0x38;
	[tilespmem:$0x1080] =	vst v63  }
0x16: {  	s12 =	simm.s32 $0x10;
	_ =	swait.ge [sflag:s7], $0x1000  }
0x17: {  	s13 =	simm.s32 $0x20;
	s11 =	sadd.s32 $0x200, s5;
	[sflag:s7] =	ssyncset.done $0x0  }
.LBB2_2:
0x18: {  	s14 =	sadd.s32 s12, s6  }
0x19: {  	[sflag:s7] =	ssyncadd.s32 $0xFFFFF000;
	s12 =	smov.u32 s13;
	s15 =	sadd.s32 $0x10, s13  }
0x1a: {  	[tilespmem:s2], [sflag:$0x2] =	stream.linear.gather [hbm4b:s14+s2], $0x80, $0x38;
	[tilespmem:$0x1080] =	vst v63  }
0x1b: {  	p0 =	sne.s32 s13, $0x270;
	_ =	swait.ge [sflag:s7], $0x80  }
0x1c: {  	[sflag:s7] =	ssyncset.done $0x0  }
0x1d: {  	[sflag:s7] =	ssyncadd.s32 $0xFFFFFF80  }
0x1e: {  	[tilespmem:s8], [sflag:$0x1] =	stream.indirect.gather [hbm4b:s3+s8], $0x20, s2, s8, $0xb8;
	[tilespmem:$0x1080] =	vst v63  }
0x1f: {  	_ =	swait.ge [sflag:s9], $0x1000  }
.Ltmp0:
0x20: {  	[sflag:s9] =	ssyncset.done $0x0;
	(pc) =	sbr.rel @p0 .LBB2_2-.Ltmp0, $4  }
0x21: {  	[sflag:s9] =	ssyncadd.s32 $0xFFFFF000  }
0x22: {  	[hbm4b:s11+s2] =	stream.linear.scatter [tilespmem:s8], [sflag:$0x2], $0x1000, $0x38;
	[tilespmem:$0x1080] =	vst v63  }
0x23: {  	_ =	swait.ge [sflag:s7], $0x1000  }
0x24: {  	s13 =	smov.u32 s15;
	s11 =	sadd.s32 $0x200, s11;
	[sflag:s7] =	ssyncset.done $0x0  }
0x25: {  	s12 =	sadd.s32 s12, s6;
	[sflag:s7] =	ssyncadd.s32 $0xFFFFF000  }
0x26: {  	[tilespmem:s2], [sflag:$0x2] =	stream.linear.gather [hbm4b:s12+s2], $0x80, $0x38;
	[tilespmem:$0x1080] =	vst v63  }
0x27: {  	_ =	swait.ge [sflag:s7], $0x80  }
0x28: {  	[sflag:s7] =	ssyncset.done $0x0  }
0x29: {  	[sflag:s7] =	ssyncadd.s32 $0xFFFFFF80  }
0x2a: {  	[tilespmem:s8], [sflag:$0x1] =	stream.indirect.gather [hbm4b:s3+s8], $0x20, s2, s8, $0xb8;
	[tilespmem:$0x1080] =	vst v63  }
0x2b: {  	s10 =	sadd.s32 $0x1, s10;
	_ =	swait.ge [sflag:s9], $0x1000  }
0x2c: {  	p0 =	sne.s32 s10, s4;
	[sflag:s9] =	ssyncset.done $0x0  }
.Ltmp1:
0x2d: {  	[sflag:s9] =	ssyncadd.s32 $0xFFFFF000;
	(pc) =	sbr.rel @p0 .LBB2_1-.Ltmp1, $4  }
0x2e: {  	[hbm4b:s11+s2] =	stream.linear.scatter [tilespmem:s8], [sflag:$0x2], $0x1000, $0x38;
	[tilespmem:$0x1080] =	vst v63  }
0x2f: {  	_ =	swait.ge [sflag:s7], $0x1000  }
0x30: {  	[sflag:s7] =	ssyncset.done $0x0  }
0x31: {  	[sflag:s7] =	ssyncadd.s32 $0xFFFFF000  }
0x32: {  	_ =	sfence.sel $0x180000  }
0x33: {  	[bflag:$0x0] =	sbarrier.arrive $0xFFFF  }
0x34: {  	p0 =	sne.s32 s1, $0x0;
	_ =	strace $0x9000004A  }
0x35: {  	s0 =	sadd.s32 @!p0 $0x100000, s0;
	[bflag:$0x2] =	sbarrier.arrive $0xFFFF  }
0x36: {  	[sflag:s0] =	ssyncadd.tile.s32 @!p0 $0x1;
	_ =	shalt  }
.Lfunc_end2:
_tile_overlayer_lowered:
.L_overlay_start_2:
0x37: {  	(tag) =	ssettag $0x2  }
0x38: {  	s0 =	rddreg [dreg:$0x0];
	s2 =	stileid.u32  }
0x39: {  	s1 =	rddreg [dreg:$0x1];
	p0 =	sne.s32 s2, $0x0  }
0x3a: {  	s3 =	rddreg [dreg:$0x2];
	[bflag:$0x3] =	sbarrier.arrive $0xFFFF;
	s2 =	simm.s32 @!p0 $0x1C02  }
0x3b: {  	[timem:s3], [sflag:s2] =	dma.local @!p0 [hbm:s0], s1  }
0x3c: {  	s0 =	simm.s32 @!p0 $0x2  }
0x3d: {  	_ =	swait.ge @!p0 [sflag:s0], s1  }
0x3e: {  	s1 =	ssub.s32 @!p0 $0x0, s1;
	[sflag:s0] =	ssyncset.done @!p0 $0x0  }
0x3f: {  	[sflag:s0] =	ssyncadd.s32 @!p0 s1  }
0x40: {  	[bflag:$0x3] =	sbarrier.arrive $0xFFFF  }
0x41: {  	_ =	shalt  }

// kernel: kernel.31.cloned.1.call-start
scs
__scs_entry_jumppad:
0x0: {  	(pc) =	sbr.rel $0x88, $3  }
0x1: {  	(tag) =	ssettag $0x0;
	lr =	simm.s32 $0x1  }
0x2: {  	[smem:$0x3F82] =	sst lr;
	_ =	strace $0xD0000000  }
0x3: {  	_ = 	snop  }
0x4: {  	_ = 	snop  }
0x5: {  	_ = 	snop  }
0x6: {  	_ = 	snop  }
0x7: {  	_ = 	snop  }
__scs_overlays_trampoline_lowered:
0x8: {  	[smem:$0x3F91] =	sst s0  }
0x9: {  	[smem:$0x3F92] =	sst s1  }
0xa: {  	[smem:$0x3F93] =	sst s2  }
0xb: {  	[smem:$0x3F94] =	sst s3  }
0xc: {  	[smem:$0x3F95] =	sst s4  }
0xd: {  	[smem:$0x3F96] =	sst s5  }
0xe: {  	[smem:$0x3F97] =	sst s6  }
0xf: {  	[smem:$0x3F98] =	sst s7  }
0x10: {  	[smem:$0x3F99] =	sst s8  }
0x11: {  	[smem:$0x3F9A] =	sst s9;
	s0 =	simm.s32 @!p0 $0x0  }
0x12: {  	s1 =	sld [smem:$0x3F80];
	s0 =	simm.s32 @p0 $0x1  }
0x13: {  	[smem:$0x3F9B] =	sst s0;
	s0 =	simm.s32 @!p1 $0x0  }
0x14: {  	s2 =	sld [smem:$0x3F7F];
	s0 =	simm.s32 @p1 $0x1  }
0x15: {  	[smem:$0x3F9C] =	sst s0;
	s0 =	simm.s32 @!p2 $0x0  }
0x16: {  	s3 =	sld [smem:$0x3FDB];
	s0 =	simm.s32 @p2 $0x1  }
0x17: {  	s4 =	simm.s32 $0x1BF5;
	[smem:$0x3F9E] =	sst s0  }
0x18: {  	s0 =	sld [smem:$0x3F81];
	_ =	swait.ge [sflag:s4], $0x0  }
0x19: {  	s7 =	sld [smem:$0x3F82]  }
0x1a: {  	s8 =	sadd.s32 $0xFFFFE003, lr  }
0x1b: {  	s9 =	sadd.s32 $0xFFFFFEF7, lr;
	s5 =	simm.s32 $0xFFFFFFFF;
	p2 =	slt.u32 s8, $0xFFFFF086  }
0x1c: {  	p1 =	slt.u32 s9, $0xF7A;
	s5 =	simm.s32 @!p2 $0x0  }
0x1d: {  	s5 =	simm.s32 @p1 $0x1;
	p0 =	seq.s32 s7, s2  }
0x1e: {  	s7 =	smul.u32 @!p0 $0xF7A, s2;
	p2 =	seq.s32 @!p0 s5, $0x0  }
0x1f: {  	s9 =	smul.u32 $0xF7A, s1;
	s8 =	simm.s32 @!p0 $0x1BF5;
	p2 =	por !p2, p0  }
0x20: {  	[sflag:s8] =	ssyncset.s32 @!p0 $0xFFFFF086;
	s6 =	sadd.s32 @!p0 s3, s7;
	s7 =	simm.s32 @!p0 $0x108  }
0x21: {  	s3 =	sadd.s32 s3, s9;
	s6 =	sadd.s32 @!p0 $0x88, s6;
	s7 =	simm.s32 @p2 $0x1082  }
0x22: {  	[simem:s7], [sflag:s8] =	dma.local @!p0 [hbm:s6], $0xF7A  }
0x23: {  	s9 =	sor.u32 $0xD0000000, s2;
	s6 =	simm.s32 $0x108;
	_ =	swait.ge @!p0 [sflag:s8], $0x0  }
0x24: {  	s3 =	sadd.s32 $0x88, s3;
	s6 =	simm.s32 @!p1 $0x1082;
	[sflag:s4] =	ssyncset.s32 $0xFFFFF086  }
0x25: {  	[simem:s6], [sflag:s4] =	dma.local [hbm:s3], $0xF7A  }
0x26: {  	[smem:$0x3F82] =	sst s1;
	(tag) =	ssettag s2;
	_ =	strace s9  }
0x27: {  	s1 =	sld [smem:$0x3F92]  }
0x28: {  	s2 =	sld [smem:$0x3F93]  }
0x29: {  	s4 =	sld [smem:$0x3F95]  }
0x2a: {  	p0 =	seq.s32 s5, $0x0;
	s5 =	sld [smem:$0x3F96]  }
0x2b: {  	s6 =	sld [smem:$0x3F97]  }
0x2c: {  	s7 =	sld [smem:$0x3F98]  }
0x2d: {  	s3 =	simm.s32 $0x108;
	s8 =	sld [smem:$0x3F99]  }
0x2e: {  	s3 =	simm.s32 @!p0 $0x1082;
	s9 =	sld [smem:$0x3F9A]  }
0x2f: {  	lr =	sadd.s32 s0, s3;
	s0 =	sld [smem:$0x3F91]  }
0x30: {  	s3 =	sld [smem:$0x3F94]  }
0x31: {  	[smem:$0x3F9D] =	sst s10  }
0x32: {  	s10 =	sld [smem:$0x3F9B];
	_ =	sdelay $0x3  }
0x33: {  	p0 =	seq.s32 s10, $0x1;
	s10 =	sld [smem:$0x3F9D];
	_ =	sdelay $0x3  }
0x34: {  	[smem:$0x3F9D] =	sst s10  }
0x35: {  	s10 =	sld [smem:$0x3F9C];
	_ =	sdelay $0x3  }
0x36: {  	p1 =	seq.s32 s10, $0x1;
	s10 =	sld [smem:$0x3F9D];
	_ =	sdelay $0x3  }
0x37: {  	[smem:$0x3F9D] =	sst s10  }
0x38: {  	s10 =	sld [smem:$0x3F9E]  }
0x39: {  	_ = 	snop;
	(pc) =	sbr.ind lr, $3  }
0x3a: {  	_ = 	snop  }
0x3b: {  	_ = 	snop  }
0x3c: {  	p2 =	seq.s32 s10, $0x1;
	s10 =	sld [smem:$0x3F9D]  }
0x3d: {  	_ =	shalt  }
0x3e: {  	_ =	shalt  }
0x3f: {  	_ =	shalt  }
0x40: {  	_ =	shalt  }
0x41: {  	_ =	shalt  }
0x42: {  	_ =	shalt  }
0x43: {  	_ =	shalt  }
0x44: {  	_ =	shalt  }
0x45: {  	_ =	shalt  }
0x46: {  	_ =	shalt  }
0x47: {  	_ =	shalt  }
0x48: {  	_ =	shalt  }
0x49: {  	_ =	shalt  }
0x4a: {  	_ =	shalt  }
0x4b: {  	_ =	shalt  }
0x4c: {  	_ =	shalt  }
0x4d: {  	_ =	shalt  }
0x4e: {  	_ =	shalt  }
0x4f: {  	_ =	shalt  }
0x50: {  	_ =	shalt  }
0x51: {  	_ =	shalt  }
0x52: {  	_ =	shalt  }
0x53: {  	_ =	shalt  }
0x54: {  	_ =	shalt  }
0x55: {  	_ =	shalt  }
0x56: {  	_ =	shalt  }
0x57: {  	_ =	shalt  }
0x58: {  	_ =	shalt  }
0x59: {  	_ =	shalt  }
0x5a: {  	_ =	shalt  }
0x5b: {  	_ =	shalt  }
0x5c: {  	_ =	shalt  }
0x5d: {  	_ =	shalt  }
0x5e: {  	_ =	shalt  }
0x5f: {  	_ =	shalt  }
0x60: {  	_ =	shalt  }
0x61: {  	_ =	shalt  }
0x62: {  	_ =	shalt  }
0x63: {  	_ =	shalt  }
0x64: {  	_ =	shalt  }
0x65: {  	_ =	shalt  }
0x66: {  	_ =	shalt  }
0x67: {  	_ =	shalt  }
0x68: {  	_ =	shalt  }
0x69: {  	_ =	shalt  }
0x6a: {  	_ =	shalt  }
0x6b: {  	_ =	shalt  }
0x6c: {  	_ =	shalt  }
0x6d: {  	_ =	shalt  }
0x6e: {  	_ =	shalt  }
0x6f: {  	_ =	shalt  }
0x70: {  	_ =	shalt  }
0x71: {  	_ =	shalt  }
0x72: {  	_ =	shalt  }
0x73: {  	_ =	shalt  }
0x74: {  	_ =	shalt  }
0x75: {  	_ =	shalt  }
0x76: {  	_ =	shalt  }
0x77: {  	_ =	shalt  }
0x78: {  	_ =	shalt  }
0x79: {  	_ =	shalt  }
0x7a: {  	_ =	shalt  }
0x7b: {  	_ =	shalt  }
0x7c: {  	_ =	shalt  }
0x7d: {  	_ =	shalt  }
0x7e: {  	_ =	shalt  }
0x7f: {  	_ =	shalt  }
0x80: {  	_ =	shalt  }
0x81: {  	_ =	shalt  }
0x82: {  	_ =	shalt  }
0x83: {  	_ =	shalt  }
0x84: {  	_ =	shalt  }
0x85: {  	_ =	shalt  }
0x86: {  	_ =	shalt  }
0x87: {  	_ =	shalt  }
.Lfunc_end0:
.L_simem_size_0:
called_computation.2_lowered:
.L_overlay_start_0:
0x88: {  	s2 =	sld [smem:$0x3FD9]  }
0x89: {  	s3 =	sld [smem:$0x3FFE];
	_ =	sdelay $0x1  }
0x8a: {  	s1 =	srdreg.scid  }
0x8b: {  	s0 =	sand.u32 $0x1, s1  }
0x8c: {  	s14 =	sshll.u32 s0, $0xA;
	s2 =	sadd.s32 s3, s2  }
0x8d: {  	s2 =	sadd.s32 s2, s14  }
0x8e: {  	[smem:$0x3FA9] =	sst s2  }
0x8f: {  	_ = 	snop  }
0x90: {  	s2 =	sld [smem:$0x3FD0];
	_ =	sdelay $0x2  }
0x91: {  	s15 =	simm.s32 $0xA;
	s4 =	simm.s32 $0x10  }
0x92: {  	[smem:s4], [sflag:s15] =	dma.local [hbm:s2], $0x1  }
0x93: {  	_ =	swait.eq [sflag:s15], $0x1  }
0x94: {  	[sflag:s15] =	ssyncset.done $0x0  }
0x95: {  	[sflag:s15] =	ssyncadd.s32 $0xFFFFFFFF  }
0x96: {  	s16 =	sld [smem:$0x11];
	(tm) =	ssettm $0x1  }
0x97: {  	s17 =	sld [smem:$0x3FFB];
	_ =	sdelay $0x3  }
0x98: {  	_ =	strace s17  }
0x99: {  	s3 =	sld [smem:$0x3FFC];
	_ =	sdelay $0x3  }
0x9a: {  	_ =	strace s3  }
0x9b: {  	s3 =	sld [smem:$0x3FFD];
	_ =	sdelay $0x3  }
0x9c: {  	_ =	strace s3  }
0x9d: {  	_ =	strace $0x8FFFFFFF  }
0x9e: {  	s18 =	sld [smem:$0x3FDB];
	_ =	sdelay $0x1  }
0x9f: {  	s19 =	simm.s32 $_scs_section_size  }
0xa0: {  	s5 =	simm.s32 $_size__tile_overlayer_lowered;
	s6 =	simm.s32 $_tile_overlayer_lowered  }
0xa1: {  	s22 =	simm.s32 $0x1BFF;
	s21 =	sshll.u32 s6, $0x1;
	s3 =	sadd.s32 s19, s18  }
0xa2: {  	s7 =	simm.s32 $0x0;
	s20 =	sshll.u32 s5, $0x1;
	s5 =	sadd.s32 s21, s3  }
0xa3: {  	[timem:s7], [sflag:s22] =	dma.local [hbm:s5], s20  }
0xa4: {  	_ =	swait.ge [sflag:s22], s20  }
0xa5: {  	s4 =	ssub.s32 $0x0, s20;
	[sflag:s22] =	ssyncset.done $0x0  }
0xa6: {  	[sflag:s22] =	ssyncadd.s32 s4;
	_ =	sdelay $0x1  }
0xa7: {  	s23 =	simm.s32 $0x1B8B  }
0xa8: {  	_ =	swait.ge [sflag:s23], $0x1  }
0xa9: {  	[sflag:s23] =	ssyncset.done $0x0  }
0xaa: {  	s25 =	simm.s32 $0x1B8E;
	s24 =	sld [smem:$0x3FFE];
	[sflag:s23] =	ssyncadd.s32 $0xFFFFFFFF  }
0xab: {  	s26 =	simm.s32 $execute0_lowered;
	[smem:$0x3FD2] =	sst s25  }
0xac: {  	s5 =	sshll.u32 s26, $0x1;
	_ =	strace $0x8000004C;
	[dreg:$0x1] =	wrdreg $0xFFFFFFFF  }
0xad: {  	s28 =	simm.s32 $_size_execute0_lowered;
	s3 =	sadd.s32 s3, s5;
	[dreg:$0x0] =	wrdreg $0x0  }
0xae: {  	s5 =	sshll.u32 s28, $0x1;
	[dreg:$0x2] =	wrdreg s3  }
0xaf: {  	[dreg:$0x3] =	wrdreg s5  }
0xb0: {  	[dreg:$0x4] =	wrdreg $0xC0  }
0xb1: {  	_ =	task [dreg:s7], $0x5FFFF  }
0xb2: {  	[dreg:$0x1] =	wrdreg $0xFFFFFFFF  }
0xb3: {  	[dreg:$0x0] =	wrdreg $0x60  }
0xb4: {  	[dreg:$0x2] =	wrdreg s24  }
0xb5: {  	[dreg:$0x3] =	wrdreg s16  }
0xb6: {  	[dreg:$0x4] =	wrdreg $0x80000  }
0xb7: {  	[dreg:$0x5] =	wrdreg $0xCF000  }
0xb8: {  	[dreg:$0x6] =	wrdreg $0x9  }
0xb9: {  	_ =	task.clear_ibuf [dreg:s7], $0x7FFFF;
	_ =	strace $0x9000004C  }
0xba: {  	s29 =	simm.s32 $0x9;
	_ =	strace $0x8000004E  }
0xbb: {  	_ =	swait.ge [sflag:s29], $0x1  }
0xbc: {  	[sflag:s29] =	ssyncadd.s32 $0xFFFFFFFF  }
0xbd: {  	_ =	strace $0x9000004E  }
0xbe: {  	_ =	sfence  }
0xbf: {  	s30 =	sld [smem:$0x0];
	_ =	sdelay $0x2  }
0xc0: {  	s31 =	sshll.u32 s1, $0xD;
	s1 =	sshrl.u32 s1, $0x2  }
0xc1: {  	s3 =	sand.u32 $0x4000, s31;
	s1 =	sadd.s32 s1, s30  }
0xc2: {  	s0 =	sor.u32 s3, s0;
	s1 =	sshll.u32 s1, $0x11  }
0xc3: {  	s0 =	sor.u32 s1, s0  }
0xc4: {  	s0 =	sadd.s32 $0x8F2B, s0  }
0xc5: {  	[sflag:s0] =	ssyncadd.remote.s32 $0x1  }
0xc6: {  	_ =	sfence.sel $0xFFFF  }
0xc7: {  	[dreg:$0x0] =	wrdreg $0xFFFFFFFF;
	(pc) =	sbr.abs _section_cstart, $3  }
0xc8: {  	[dreg:$0x1] =	wrdreg $0xFFFFFFFF  }
0xc9: {  	_ =	task.clear_ibuf [dreg:s7], $0x2FFFF;
	_ =	strace $0x9FFFFFFF  }
0xca: {  	(tm) =	ssettm $0x7FFFFFFF  }
0xcb: {  	_ =	shalt  }
tec
execute0_lowered:
.L_overlay_start_1:
0x0: {  	(tag) =	ssettag $0x1  }
0x1: {  	s9 =	rddreg [dreg:$0x0]  }
0x2: {  	s1 =	rddreg [dreg:$0x1]  }
0x3: {  	s3 =	rddreg [dreg:$0x2]  }
0x4: {  	s4 =	rddreg [dreg:$0x3]  }
0x5: {  	s0 =	rddreg [dreg:$0x4]  }
0x6: {  	s6 =	srdreg.scid;
	s2 =	stileid.u32  }
0x7: {  	s5 =	simm.s32 $0x0;
	s16 =	simm.s32 $0x2;
	s17 =	simm.s32 $0x80  }
0x8: {  	s18 =	simm.s32 $0x100;
	s19 =	simm.s32 $0x1100;
	s20 =	simm.s32 $0x1  }
0x9: {  	s21 =	simm.s32 $0x2100;
	s10 =	sand.u32 $0x1, s6;
	s11 =	smul.u32 $0x4F00, s2  }
0xa: {  	[smem:$0x7FF] =	sst s5;
	s6 =	sadd.s32 $0xB800, s9;
	s8 =	smul.u32 $0x4F000, s10  }
0xb: {  	s7 =	sadd.s32 $0xED400, s9;
	_ =	strace $0x8000004D;
	s13 =	ssub.s32 $0x2, s10  }
0xc: {  	s10 =	sshll.u32 s10, $0x4;
	s30 =	sshrl.u32 s13, $0x1;
	s12 =	sadd.s32 s11, s8  }
0xd: {  	s31 =	sor.u32 s2, s10;
	s10 =	sadd.s32 s11, s4;
	s12 =	sshrl.u32 s12, $0x3  }
0xe: {  	s8 =	sadd.s32 $0xBF600, s9;
	s15 =	ssub.s32 s13, s30;
	s14 =	sadd.s32 s12, s9  }
0xf: {  	s9 =	sadd.s32 s11, s3;
	s11 =	smul.u32 $0x1400, s31;
	s12 =	sadd.s32 $0xF7200, s14  }
0x10: {  	v0 =	vimm.f32 $0.0e+00;
	s13 =	sadd.s32 $0x10AE00, s14;
	s14 =	smax.u32 s15, $0x1;
	s15 =	simm.s32 $0x3100  }
.LBB2_1:
0x11: {  	s22 =	simm.s32 $0x80;
	s23 =	simm.s32 $0x0  }
.LBB2_2:
0x12: {  	p0 =	sne.s32 s22, $0x13B80;
	[tilespmem:s23+$0x3100] =	vst v0;
	s24 =	smov.u32 s22;
	s22 =	sadd.s32 $0x80, s22  }
.Ltmp0:
0x13: {  	[tilespmem:s23+$0x3110] =	vst v0;
	(pc) =	sbr.rel @p0 .LBB2_2-.Ltmp0, $2  }
0x14: {  	_ =	sdelay $0x2  }
0x15: {  	s23 =	sshra.s32 s24, $0x2  }
0x16: {  	[tilespmem:s23+$0x3100] =	vst v0  }
0x17: {  	[tilespmem:s23+$0x3110] =	vst v0  }
0x18: {  	[spmem:s9] =	stream.linear.scatter [tilespmem:s15], [sflag:$0x2], $0x4F00, $0x38;
	[tilespmem:$0x11E00] =	vst v63  }
0x19: {  	_ =	swait.ge [sflag:s16], $0x4F00  }
0x1a: {  	[sflag:s16] =	ssyncset.done $0x0  }
0x1b: {  	[sflag:s16] =	ssyncadd.s32 $0xFFFFB100  }
0x1c: {  	[spmem:s10] =	stream.linear.scatter [tilespmem:s15], [sflag:$0x2], $0x4F00, $0x38;
	[tilespmem:$0x11E00] =	vst v63  }
0x1d: {  	_ =	swait.ge [sflag:s16], $0x4F00  }
0x1e: {  	[sflag:s16] =	ssyncset.done $0x0  }
0x1f: {  	[sflag:s16] =	ssyncadd.s32 $0xFFFFB100  }
0x20: {  	s22 =	simm.s32 $0x0;
	s23 =	simm.s32 $0x0;
	[bflag:$0x0] =	sbarrier.arrive $0xFFFF  }
.LBB2_4:
0x21: {  	s24 =	sshll.u32 s23, $0x7  }
0x22: {  	s24 =	sadd.s32 s11, s24  }
0x23: {  	s25 =	sshrl.u32 s24, $0x3  }
0x24: {  	s26 =	sadd.s32 s1, s25  }
0x25: {  	[tilespmem:s22], [sflag:$0x2] =	stream.linear.gather [hbm4b:s26+s22], $0x80, $0x38;
	[tilespmem:$0x11E00] =	vst v63  }
0x26: {  	_ =	swait.ge [sflag:s16], $0x80  }
0x27: {  	[sflag:s16] =	ssyncset.done $0x0  }
0x28: {  	s25 =	sadd.s32 s8, s25;
	[sflag:s16] =	ssyncadd.s32 $0xFFFFFF80  }
0x29: {  	[tilespmem:s17], [sflag:$0x2] =	stream.linear.gather [hbm4b:s25+s22], $0x80, $0x38;
	[tilespmem:$0x11E00] =	vst v63  }
0x2a: {  	_ =	swait.ge [sflag:s16], $0x80  }
0x2b: {  	s24 =	sshll.u32 s24, $0x2;
	[sflag:s16] =	ssyncset.done $0x0  }
0x2c: {  	s24 =	sadd.s32 s6, s24;
	[sflag:s16] =	ssyncadd.s32 $0xFFFFFF80  }
0x2d: {  	[tilespmem:s18], [sflag:$0x2] =	stream.linear.gather [hbm4b:s24+s22], $0x1000, $0x38;
	[tilespmem:$0x11E00] =	vst v63  }
0x2e: {  	_ =	swait.ge [sflag:s16], $0x1000  }
0x2f: {  	[sflag:s16] =	ssyncset.done $0x0  }
0x30: {  	[sflag:s16] =	ssyncadd.s32 $0xFFFFF000  }
0x31: {  	[tilespmem:s19], [sflag:$0x1] =	stream.indirect.gather [hbm4b:s7+s17], $0x20, s22, s17, $0xb8;
	[tilespmem:$0x11E00] =	vst v63  }
0x32: {  	_ =	swait.ge [sflag:s20], $0x1000  }
0x33: {  	[sflag:s20] =	ssyncset.done $0x0  }
0x34: {  	s24 =	simm.s32 $0x0;
	[sflag:s20] =	ssyncadd.s32 $0xFFFFF000  }
0x35: {  	v2 =	vld [tilespmem:s24+$0x100]  }
0x36: {  	v1 =	vld [tilespmem:s24+$0x110]  }
0x37: {  	s25 =	simm.s32 $0x80;
	v3 =	vld [tilespmem:s24+$0x1100]  }
.LBB2_5:
0x38: {  	p0 =	sne.s32 s25, $0x3F80;
	v4 =	vld [tilespmem:s24+$0x1110];
	_ =	sdelay $0x1  }
0x39: {  	v5 =	vmax.f32 v2, $0.0e+00  }
0x3a: {  	v5 =	vadd.f32 $1.000000010e-07, v5;
	v6 =	vmax.f32 v1, $0.0e+00  }
0x3b: {  	v2 =	vadd.f32 v3, v2;
	v3 =	vadd.f32 $1.000000010e-07, v6  }
0x3c: {  	[tilespmem:s24+$0x2100] =	vst v5;
	v1 =	vadd.f32 v4, v1  }
.Ltmp1:
0x3d: {  	v2 =	vmax.f32 v2, $0.0e+00;
	[tilespmem:s24+$0x2110] =	vst v3;
	(pc) =	sbr.rel @p0 .LBB2_5-.Ltmp1, $4  }
0x3e: {  	s26 =	sshra.s32 s25, $0x2;
	v3 =	vadd.f32 $1.000000010e-07, v2;
	v1 =	vmax.f32 v1, $0.0e+00  }
0x3f: {  	v2 =	vld [tilespmem:s26+$0x100];
	v4 =	vadd.f32 $1.000000010e-07, v1  }
0x40: {  	v1 =	vld [tilespmem:s26+$0x110];
	[tilespmem:s24+$0x1100] =	vst v3  }
0x41: {  	s25 =	sadd.s32 $0x80, s25;
	v3 =	vld [tilespmem:s26+$0x1100];
	[tilespmem:s24+$0x1110] =	vst v4;
	s24 =	smov.u32 s26  }
0x42: {  	v4 =	vld [tilespmem:s24+$0x1110];
	_ =	sdelay $0x3  }
0x43: {  	v5 =	vmax.f32 v2, $0.0e+00;
	v2 =	vadd.f32 v3, v2  }
0x44: {  	v62 =	vmax.f32 v1, $0.0e+00;
	v3 =	vadd.f32 $1.000000010e-07, v5;
	v1 =	vadd.f32 v4, v1  }
0x45: {  	v63 =	vadd.f32 $1.000000010e-07, v62;
	v2 =	vmax.f32 v2, $0.0e+00  }
0x46: {  	[tilespmem:s24+$0x2100] =	vst v3;
	v2 =	vadd.f32 $1.000000010e-07, v2;
	v1 =	vmax.f32 v1, $0.0e+00  }
0x47: {  	[tilespmem:s24+$0x2110] =	vst v63;
	v1 =	vadd.f32 $1.000000010e-07, v1  }
0x48: {  	[tilespmem:s24+$0x1100] =	vst v2  }
0x49: {  	[tilespmem:s24+$0x1110] =	vst v1  }
0x4a: {  	[spmem:s3] =	stream.indirect.scatter.add.f32 [tilespmem:s19], [sflag:$0x2], $0x20, s17, s17, $0xb8;
	[tilespmem:$0x11E00] =	vst v63  }
0x4b: {  	s23 =	sadd.s32 $0x1, s23;
	_ =	swait.ge [sflag:s16], $0x1000  }
0x4c: {  	p0 =	sne.s32 s23, $0x28;
	[sflag:s16] =	ssyncset.done $0x0  }
.Ltmp2:
0x4d: {  	[sflag:s16] =	ssyncadd.s32 $0xFFFFF000;
	(pc) =	sbr.rel @p0 .LBB2_4-.Ltmp2, $4  }
0x4e: {  	[spmem:s4] =	stream.indirect.scatter.add.f32 [tilespmem:s21], [sflag:$0x2], $0x20, s17, s17, $0xb8;
	[tilespmem:$0x11E00] =	vst v63  }
0x4f: {  	_ =	swait.ge [sflag:s16], $0x1000  }
0x50: {  	[sflag:s16] =	ssyncset.done $0x0  }
0x51: {  	[sflag:s16] =	ssyncadd.s32 $0xFFFFF000  }
0x52: {  	s22 =	sshll.u32 s2, $0x6  }
0x53: {  	[bflag:$0x0] =	sbarrier.arrive $0xFFFF;
	s23 =	sshrl.u32 s9, $0x3;
	s22 =	sor.u32 $0x1C02, s22  }
0x54: {  	[hbm:s12], [sflag:s22] =	dma.local [spmem:s23], $0x9E0  }
0x55: {  	s5 =	sadd.s32 $0x1, s5;
	_ =	swait.ge [sflag:s16], $0x9E0  }
0x56: {  	p0 =	sne.s32 s5, s14;
	[sflag:s16] =	ssyncset.done $0x0  }
.Ltmp3:
0x57: {  	s31 =	sshrl.u32 s10, $0x3;
	[sflag:s16] =	ssyncadd.s32 $0xFFFFF620;
	(pc) =	sbr.rel @p0 .LBB2_1-.Ltmp3, $4  }
0x58: {  	[hbm:s13], [sflag:s22] =	dma.local [spmem:s31], $0x9E0  }
0x59: {  	_ =	swait.ge [sflag:s16], $0x9E0  }
0x5a: {  	[sflag:s16] =	ssyncset.done $0x0  }
0x5b: {  	[sflag:s16] =	ssyncadd.s32 $0xFFFFF620  }
0x5c: {  	_ =	sfence.sel $0x180000  }
0x5d: {  	[bflag:$0x0] =	sbarrier.arrive $0xFFFF  }
0x5e: {  	p0 =	sne.s32 s2, $0x0;
	_ =	strace $0x9000004D  }
0x5f: {  	s0 =	sadd.s32 @!p0 $0x100000, s0;
	[bflag:$0x2] =	sbarrier.arrive $0xFFFF  }
0x60: {  	[sflag:s0] =	ssyncadd.tile.s32 @!p0 $0x1;
	_ =	shalt  }
.Lfunc_end2:
_tile_overlayer_lowered:
.L_overlay_start_2:
0x61: {  	(tag) =	ssettag $0x2  }
0x62: {  	s0 =	rddreg [dreg:$0x0];
	s2 =	stileid.u32  }
0x63: {  	s1 =	rddreg [dreg:$0x1];
	p0 =	sne.s32 s2, $0x0  }
0x64: {  	s3 =	rddreg [dreg:$0x2];
	[bflag:$0x3] =	sbarrier.arrive $0xFFFF;
	s2 =	simm.s32 @!p0 $0x1C02  }
0x65: {  	[timem:s3], [sflag:s2] =	dma.local @!p0 [hbm:s0], s1  }
0x66: {  	s0 =	simm.s32 @!p0 $0x2  }
0x67: {  	_ =	swait.ge @!p0 [sflag:s0], s1  }
0x68: {  	s1 =	ssub.s32 @!p0 $0x0, s1;
	[sflag:s0] =	ssyncset.done @!p0 $0x0  }
0x69: {  	[sflag:s0] =	ssyncadd.s32 @!p0 s1  }
0x6a: {  	[bflag:$0x3] =	sbarrier.arrive $0xFFFF  }
0x6b: {  	_ =	shalt  }

// kernel: kernel.34.cloned.1.call-start
scs
__scs_entry_jumppad:
0x0: {  	(pc) =	sbr.rel $0x88, $3  }
0x1: {  	(tag) =	ssettag $0x0;
	lr =	simm.s32 $0x1  }
0x2: {  	[smem:$0x3F82] =	sst lr;
	_ =	strace $0xD0000000  }
0x3: {  	_ = 	snop  }
0x4: {  	_ = 	snop  }
0x5: {  	_ = 	snop  }
0x6: {  	_ = 	snop  }
0x7: {  	_ = 	snop  }
__scs_overlays_trampoline_lowered:
0x8: {  	[smem:$0x3F91] =	sst s0  }
0x9: {  	[smem:$0x3F92] =	sst s1  }
0xa: {  	[smem:$0x3F93] =	sst s2  }
0xb: {  	[smem:$0x3F94] =	sst s3  }
0xc: {  	[smem:$0x3F95] =	sst s4  }
0xd: {  	[smem:$0x3F96] =	sst s5  }
0xe: {  	[smem:$0x3F97] =	sst s6  }
0xf: {  	[smem:$0x3F98] =	sst s7  }
0x10: {  	[smem:$0x3F99] =	sst s8  }
0x11: {  	[smem:$0x3F9A] =	sst s9;
	s0 =	simm.s32 @!p0 $0x0  }
0x12: {  	s1 =	sld [smem:$0x3F80];
	s0 =	simm.s32 @p0 $0x1  }
0x13: {  	[smem:$0x3F9B] =	sst s0;
	s0 =	simm.s32 @!p1 $0x0  }
0x14: {  	s2 =	sld [smem:$0x3F7F];
	s0 =	simm.s32 @p1 $0x1  }
0x15: {  	[smem:$0x3F9C] =	sst s0;
	s0 =	simm.s32 @!p2 $0x0  }
0x16: {  	s3 =	sld [smem:$0x3FDB];
	s0 =	simm.s32 @p2 $0x1  }
0x17: {  	s4 =	simm.s32 $0x1BF5;
	[smem:$0x3F9E] =	sst s0  }
0x18: {  	s0 =	sld [smem:$0x3F81];
	_ =	swait.ge [sflag:s4], $0x0  }
0x19: {  	s7 =	sld [smem:$0x3F82]  }
0x1a: {  	s8 =	sadd.s32 $0xFFFFE003, lr  }
0x1b: {  	s9 =	sadd.s32 $0xFFFFFEF7, lr;
	s5 =	simm.s32 $0xFFFFFFFF;
	p2 =	slt.u32 s8, $0xFFFFF086  }
0x1c: {  	p1 =	slt.u32 s9, $0xF7A;
	s5 =	simm.s32 @!p2 $0x0  }
0x1d: {  	s5 =	simm.s32 @p1 $0x1;
	p0 =	seq.s32 s7, s2  }
0x1e: {  	s7 =	smul.u32 @!p0 $0xF7A, s2;
	p2 =	seq.s32 @!p0 s5, $0x0  }
0x1f: {  	s9 =	smul.u32 $0xF7A, s1;
	s8 =	simm.s32 @!p0 $0x1BF5;
	p2 =	por !p2, p0  }
0x20: {  	[sflag:s8] =	ssyncset.s32 @!p0 $0xFFFFF086;
	s6 =	sadd.s32 @!p0 s3, s7;
	s7 =	simm.s32 @!p0 $0x108  }
0x21: {  	s3 =	sadd.s32 s3, s9;
	s6 =	sadd.s32 @!p0 $0x88, s6;
	s7 =	simm.s32 @p2 $0x1082  }
0x22: {  	[simem:s7], [sflag:s8] =	dma.local @!p0 [hbm:s6], $0xF7A  }
0x23: {  	s9 =	sor.u32 $0xD0000000, s2;
	s6 =	simm.s32 $0x108;
	_ =	swait.ge @!p0 [sflag:s8], $0x0  }
0x24: {  	s3 =	sadd.s32 $0x88, s3;
	s6 =	simm.s32 @!p1 $0x1082;
	[sflag:s4] =	ssyncset.s32 $0xFFFFF086  }
0x25: {  	[simem:s6], [sflag:s4] =	dma.local [hbm:s3], $0xF7A  }
0x26: {  	[smem:$0x3F82] =	sst s1;
	(tag) =	ssettag s2;
	_ =	strace s9  }
0x27: {  	s1 =	sld [smem:$0x3F92]  }
0x28: {  	s2 =	sld [smem:$0x3F93]  }
0x29: {  	s4 =	sld [smem:$0x3F95]  }
0x2a: {  	p0 =	seq.s32 s5, $0x0;
	s5 =	sld [smem:$0x3F96]  }
0x2b: {  	s6 =	sld [smem:$0x3F97]  }
0x2c: {  	s7 =	sld [smem:$0x3F98]  }
0x2d: {  	s3 =	simm.s32 $0x108;
	s8 =	sld [smem:$0x3F99]  }
0x2e: {  	s3 =	simm.s32 @!p0 $0x1082;
	s9 =	sld [smem:$0x3F9A]  }
0x2f: {  	lr =	sadd.s32 s0, s3;
	s0 =	sld [smem:$0x3F91]  }
0x30: {  	s3 =	sld [smem:$0x3F94]  }
0x31: {  	[smem:$0x3F9D] =	sst s10  }
0x32: {  	s10 =	sld [smem:$0x3F9B];
	_ =	sdelay $0x3  }
0x33: {  	p0 =	seq.s32 s10, $0x1;
	s10 =	sld [smem:$0x3F9D];
	_ =	sdelay $0x3  }
0x34: {  	[smem:$0x3F9D] =	sst s10  }
0x35: {  	s10 =	sld [smem:$0x3F9C];
	_ =	sdelay $0x3  }
0x36: {  	p1 =	seq.s32 s10, $0x1;
	s10 =	sld [smem:$0x3F9D];
	_ =	sdelay $0x3  }
0x37: {  	[smem:$0x3F9D] =	sst s10  }
0x38: {  	s10 =	sld [smem:$0x3F9E]  }
0x39: {  	_ = 	snop;
	(pc) =	sbr.ind lr, $3  }
0x3a: {  	_ = 	snop  }
0x3b: {  	_ = 	snop  }
0x3c: {  	p2 =	seq.s32 s10, $0x1;
	s10 =	sld [smem:$0x3F9D]  }
0x3d: {  	_ =	shalt  }
0x3e: {  	_ =	shalt  }
0x3f: {  	_ =	shalt  }
0x40: {  	_ =	shalt  }
0x41: {  	_ =	shalt  }
0x42: {  	_ =	shalt  }
0x43: {  	_ =	shalt  }
0x44: {  	_ =	shalt  }
0x45: {  	_ =	shalt  }
0x46: {  	_ =	shalt  }
0x47: {  	_ =	shalt  }
0x48: {  	_ =	shalt  }
0x49: {  	_ =	shalt  }
0x4a: {  	_ =	shalt  }
0x4b: {  	_ =	shalt  }
0x4c: {  	_ =	shalt  }
0x4d: {  	_ =	shalt  }
0x4e: {  	_ =	shalt  }
0x4f: {  	_ =	shalt  }
0x50: {  	_ =	shalt  }
0x51: {  	_ =	shalt  }
0x52: {  	_ =	shalt  }
0x53: {  	_ =	shalt  }
0x54: {  	_ =	shalt  }
0x55: {  	_ =	shalt  }
0x56: {  	_ =	shalt  }
0x57: {  	_ =	shalt  }
0x58: {  	_ =	shalt  }
0x59: {  	_ =	shalt  }
0x5a: {  	_ =	shalt  }
0x5b: {  	_ =	shalt  }
0x5c: {  	_ =	shalt  }
0x5d: {  	_ =	shalt  }
0x5e: {  	_ =	shalt  }
0x5f: {  	_ =	shalt  }
0x60: {  	_ =	shalt  }
0x61: {  	_ =	shalt  }
0x62: {  	_ =	shalt  }
0x63: {  	_ =	shalt  }
0x64: {  	_ =	shalt  }
0x65: {  	_ =	shalt  }
0x66: {  	_ =	shalt  }
0x67: {  	_ =	shalt  }
0x68: {  	_ =	shalt  }
0x69: {  	_ =	shalt  }
0x6a: {  	_ =	shalt  }
0x6b: {  	_ =	shalt  }
0x6c: {  	_ =	shalt  }
0x6d: {  	_ =	shalt  }
0x6e: {  	_ =	shalt  }
0x6f: {  	_ =	shalt  }
0x70: {  	_ =	shalt  }
0x71: {  	_ =	shalt  }
0x72: {  	_ =	shalt  }
0x73: {  	_ =	shalt  }
0x74: {  	_ =	shalt  }
0x75: {  	_ =	shalt  }
0x76: {  	_ =	shalt  }
0x77: {  	_ =	shalt  }
0x78: {  	_ =	shalt  }
0x79: {  	_ =	shalt  }
0x7a: {  	_ =	shalt  }
0x7b: {  	_ =	shalt  }
0x7c: {  	_ =	shalt  }
0x7d: {  	_ =	shalt  }
0x7e: {  	_ =	shalt  }
0x7f: {  	_ =	shalt  }
0x80: {  	_ =	shalt  }
0x81: {  	_ =	shalt  }
0x82: {  	_ =	shalt  }
0x83: {  	_ =	shalt  }
0x84: {  	_ =	shalt  }
0x85: {  	_ =	shalt  }
0x86: {  	_ =	shalt  }
0x87: {  	_ =	shalt  }
.Lfunc_end0:
.L_simem_size_0:
called_computation.3_lowered:
.L_overlay_start_0:
0x88: {  	s2 =	sld [smem:$0x3FD9]  }
0x89: {  	s3 =	sld [smem:$0x3FFE];
	_ =	sdelay $0x1  }
0x8a: {  	s1 =	srdreg.scid  }
0x8b: {  	s0 =	sand.u32 $0x1, s1  }
0x8c: {  	s14 =	sshll.u32 s0, $0xA;
	s2 =	sadd.s32 s3, s2  }
0x8d: {  	s2 =	sadd.s32 s2, s14  }
0x8e: {  	[smem:$0x3FA9] =	sst s2  }
0x8f: {  	_ = 	snop  }
0x90: {  	s2 =	sld [smem:$0x3FD0];
	_ =	sdelay $0x2  }
0x91: {  	s15 =	simm.s32 $0xA;
	s4 =	simm.s32 $0x10  }
0x92: {  	[smem:s4], [sflag:s15] =	dma.local [hbm:s2], $0x1  }
0x93: {  	_ =	swait.eq [sflag:s15], $0x1  }
0x94: {  	[sflag:s15] =	ssyncset.done $0x0  }
0x95: {  	[sflag:s15] =	ssyncadd.s32 $0xFFFFFFFF  }
0x96: {  	s16 =	sld [smem:$0x11];
	(tm) =	ssettm $0x1  }
0x97: {  	s17 =	sld [smem:$0x3FFB];
	_ =	sdelay $0x3  }
0x98: {  	_ =	strace s17  }
0x99: {  	s3 =	sld [smem:$0x3FFC];
	_ =	sdelay $0x3  }
0x9a: {  	_ =	strace s3  }
0x9b: {  	s3 =	sld [smem:$0x3FFD];
	_ =	sdelay $0x3  }
0x9c: {  	_ =	strace s3  }
0x9d: {  	_ =	strace $0x8FFFFFFF  }
0x9e: {  	s18 =	sld [smem:$0x3FDB];
	_ =	sdelay $0x1  }
0x9f: {  	s19 =	simm.s32 $_scs_section_size  }
0xa0: {  	s5 =	simm.s32 $_size__tile_overlayer_lowered;
	s6 =	simm.s32 $_tile_overlayer_lowered  }
0xa1: {  	s22 =	simm.s32 $0x1BFF;
	s21 =	sshll.u32 s6, $0x1;
	s3 =	sadd.s32 s19, s18  }
0xa2: {  	s7 =	simm.s32 $0x0;
	s20 =	sshll.u32 s5, $0x1;
	s5 =	sadd.s32 s21, s3  }
0xa3: {  	[timem:s7], [sflag:s22] =	dma.local [hbm:s5], s20  }
0xa4: {  	_ =	swait.ge [sflag:s22], s20  }
0xa5: {  	s4 =	ssub.s32 $0x0, s20;
	[sflag:s22] =	ssyncset.done $0x0  }
0xa6: {  	[sflag:s22] =	ssyncadd.s32 s4;
	_ =	sdelay $0x1  }
0xa7: {  	s23 =	simm.s32 $0x1B8B  }
0xa8: {  	_ =	swait.ge [sflag:s23], $0x1  }
0xa9: {  	[sflag:s23] =	ssyncset.done $0x0  }
0xaa: {  	s25 =	simm.s32 $0x1B8E;
	s24 =	sld [smem:$0x3FFE];
	[sflag:s23] =	ssyncadd.s32 $0xFFFFFFFF  }
0xab: {  	s26 =	simm.s32 $execute0_lowered;
	[smem:$0x3FD2] =	sst s25  }
0xac: {  	s5 =	sshll.u32 s26, $0x1;
	_ =	strace $0x8000004F;
	[dreg:$0x1] =	wrdreg $0xFFFFFFFF  }
0xad: {  	s28 =	simm.s32 $_size_execute0_lowered;
	s3 =	sadd.s32 s3, s5;
	[dreg:$0x0] =	wrdreg $0x0  }
0xae: {  	s5 =	sshll.u32 s28, $0x1;
	[dreg:$0x2] =	wrdreg s3  }
0xaf: {  	[dreg:$0x3] =	wrdreg s5  }
0xb0: {  	[dreg:$0x4] =	wrdreg $0xC0  }
0xb1: {  	_ =	task [dreg:s7], $0x5FFFF  }
0xb2: {  	[dreg:$0x1] =	wrdreg $0xFFFFFFFF  }
0xb3: {  	[dreg:$0x0] =	wrdreg $0x60  }
0xb4: {  	[dreg:$0x2] =	wrdreg s24  }
0xb5: {  	[dreg:$0x3] =	wrdreg s16  }
0xb6: {  	[dreg:$0x4] =	wrdreg $0x9  }
0xb7: {  	_ =	task.clear_ibuf [dreg:s7], $0x5FFFF;
	_ =	strace $0x9000004F  }
0xb8: {  	s29 =	simm.s32 $0x9;
	_ =	strace $0x80000051  }
0xb9: {  	_ =	swait.ge [sflag:s29], $0x1  }
0xba: {  	[sflag:s29] =	ssyncadd.s32 $0xFFFFFFFF  }
0xbb: {  	_ =	strace $0x90000051  }
0xbc: {  	_ =	sfence  }
0xbd: {  	s30 =	sld [smem:$0x0];
	_ =	sdelay $0x2  }
0xbe: {  	s31 =	sshll.u32 s1, $0xD;
	s1 =	sshrl.u32 s1, $0x2  }
0xbf: {  	s3 =	sand.u32 $0x4000, s31;
	s1 =	sadd.s32 s1, s30  }
0xc0: {  	s0 =	sor.u32 s3, s0;
	s1 =	sshll.u32 s1, $0x11  }
0xc1: {  	s0 =	sor.u32 s1, s0  }
0xc2: {  	s0 =	sadd.s32 $0x8F2B, s0  }
0xc3: {  	[sflag:s0] =	ssyncadd.remote.s32 $0x1  }
0xc4: {  	_ =	sfence.sel $0xFFFF  }
0xc5: {  	[dreg:$0x0] =	wrdreg $0xFFFFFFFF;
	(pc) =	sbr.abs _section_cstart, $3  }
0xc6: {  	[dreg:$0x1] =	wrdreg $0xFFFFFFFF  }
0xc7: {  	_ =	task.clear_ibuf [dreg:s7], $0x2FFFF;
	_ =	strace $0x9FFFFFFF  }
0xc8: {  	(tm) =	ssettm $0x7FFFFFFF  }
0xc9: {  	_ =	shalt  }
tec
execute0_lowered:
.L_overlay_start_1:
0x0: {  	(tag) =	ssettag $0x1  }
0x1: {  	s3 =	rddreg [dreg:$0x0]  }
0x2: {  	s6 =	rddreg [dreg:$0x1];
	s1 =	srdreg.scid  }
0x3: {  	s0 =	rddreg [dreg:$0x2];
	s2 =	simm.s32 $0x0;
	s4 =	sand.u32 $0x1, s1  }
0x4: {  	[smem:$0x7FF] =	sst s2;
	s5 =	smul.u32 $0x50000, s4  }
0x5: {  	s1 =	stileid.u32;
	s7 =	smul.u32 $0x14000, s4  }
0x6: {  	_ =	strace $0x80000050;
	s4 =	ssub.s32 $0x2, s4;
	s8 =	smul.u32 $0x1400, s1  }
0x7: {  	s10 =	smul.u32 $0x5000, s1;
	s9 =	sshrl.u32 s4, $0x1;
	s5 =	sadd.s32 s5, s3  }
0x8: {  	s3 =	sadd.s32 $0xB800, s3;
	s4 =	ssub.s32 s4, s9;
	s7 =	sadd.s32 s8, s7  }
0x9: {  	s8 =	simm.s32 $0x80;
	s9 =	simm.s32 $0x1;
	s4 =	smax.u32 s4, $0x1  }
0xa: {  	s5 =	sadd.s32 s10, s5;
	s7 =	sshrl.u32 s7, $0x3;
	s10 =	simm.s32 $0x0  }
0xb: {  	s5 =	sadd.s32 $0x15600, s5;
	s6 =	sadd.s32 s7, s6;
	s7 =	simm.s32 $0x2  }
.LBB2_1:
0xc: {  	s11 =	sadd.s32 $0x0, s6  }
0xd: {  	[tilespmem:s2], [sflag:$0x2] =	stream.linear.gather [hbm4b:s11+s2], $0x80, $0x38;
	[tilespmem:$0x1080] =	vst v63  }
0xe: {  	_ =	swait.ge [sflag:s7], $0x80  }
0xf: {  	[sflag:s7] =	ssyncset.done $0x0  }
0x10: {  	[sflag:s7] =	ssyncadd.s32 $0xFFFFFF80  }
0x11: {  	[tilespmem:s8], [sflag:$0x1] =	stream.indirect.gather [hbm4b:s3+s8], $0x20, s2, s8, $0xb8;
	[tilespmem:$0x1080] =	vst v63  }
0x12: {  	_ =	swait.ge [sflag:s9], $0x1000  }
0x13: {  	[sflag:s9] =	ssyncset.done $0x0  }
0x14: {  	[sflag:s9] =	ssyncadd.s32 $0xFFFFF000  }
0x15: {  	[hbm4b:s5+s2] =	stream.linear.scatter [tilespmem:s8], [sflag:$0x2], $0x1000, $0x38;
	[tilespmem:$0x1080] =	vst v63  }
0x16: {  	s12 =	simm.s32 $0x10;
	_ =	swait.ge [sflag:s7], $0x1000  }
0x17: {  	s13 =	simm.s32 $0x20;
	s11 =	sadd.s32 $0x200, s5;
	[sflag:s7] =	ssyncset.done $0x0  }
.LBB2_2:
0x18: {  	s14 =	sadd.s32 s12, s6  }
0x19: {  	[sflag:s7] =	ssyncadd.s32 $0xFFFFF000;
	s12 =	smov.u32 s13;
	s15 =	sadd.s32 $0x10, s13  }
0x1a: {  	[tilespmem:s2], [sflag:$0x2] =	stream.linear.gather [hbm4b:s14+s2], $0x80, $0x38;
	[tilespmem:$0x1080] =	vst v63  }
0x1b: {  	p0 =	sne.s32 s13, $0x270;
	_ =	swait.ge [sflag:s7], $0x80  }
0x1c: {  	[sflag:s7] =	ssyncset.done $0x0  }
0x1d: {  	[sflag:s7] =	ssyncadd.s32 $0xFFFFFF80  }
0x1e: {  	[tilespmem:s8], [sflag:$0x1] =	stream.indirect.gather [hbm4b:s3+s8], $0x20, s2, s8, $0xb8;
	[tilespmem:$0x1080] =	vst v63  }
0x1f: {  	_ =	swait.ge [sflag:s9], $0x1000  }
.Ltmp0:
0x20: {  	[sflag:s9] =	ssyncset.done $0x0;
	(pc) =	sbr.rel @p0 .LBB2_2-.Ltmp0, $4  }
0x21: {  	[sflag:s9] =	ssyncadd.s32 $0xFFFFF000  }
0x22: {  	[hbm4b:s11+s2] =	stream.linear.scatter [tilespmem:s8], [sflag:$0x2], $0x1000, $0x38;
	[tilespmem:$0x1080] =	vst v63  }
0x23: {  	_ =	swait.ge [sflag:s7], $0x1000  }
0x24: {  	s13 =	smov.u32 s15;
	s11 =	sadd.s32 $0x200, s11;
	[sflag:s7] =	ssyncset.done $0x0  }
0x25: {  	s12 =	sadd.s32 s12, s6;
	[sflag:s7] =	ssyncadd.s32 $0xFFFFF000  }
0x26: {  	[tilespmem:s2], [sflag:$0x2] =	stream.linear.gather [hbm4b:s12+s2], $0x80, $0x38;
	[tilespmem:$0x1080] =	vst v63  }
0x27: {  	_ =	swait.ge [sflag:s7], $0x80  }
0x28: {  	[sflag:s7] =	ssyncset.done $0x0  }
0x29: {  	[sflag:s7] =	ssyncadd.s32 $0xFFFFFF80  }
0x2a: {  	[tilespmem:s8], [sflag:$0x1] =	stream.indirect.gather [hbm4b:s3+s8], $0x20, s2, s8, $0xb8;
	[tilespmem:$0x1080] =	vst v63  }
0x2b: {  	s10 =	sadd.s32 $0x1, s10;
	_ =	swait.ge [sflag:s9], $0x1000  }
0x2c: {  	p0 =	sne.s32 s10, s4;
	[sflag:s9] =	ssyncset.done $0x0  }
.Ltmp1:
0x2d: {  	[sflag:s9] =	ssyncadd.s32 $0xFFFFF000;
	(pc) =	sbr.rel @p0 .LBB2_1-.Ltmp1, $4  }
0x2e: {  	[hbm4b:s11+s2] =	stream.linear.scatter [tilespmem:s8], [sflag:$0x2], $0x1000, $0x38;
	[tilespmem:$0x1080] =	vst v63  }
0x2f: {  	_ =	swait.ge [sflag:s7], $0x1000  }
0x30: {  	[sflag:s7] =	ssyncset.done $0x0  }
0x31: {  	[sflag:s7] =	ssyncadd.s32 $0xFFFFF000  }
0x32: {  	_ =	sfence.sel $0x180000  }
0x33: {  	[bflag:$0x0] =	sbarrier.arrive $0xFFFF  }
0x34: {  	p0 =	sne.s32 s1, $0x0;
	_ =	strace $0x90000050  }
0x35: {  	s0 =	sadd.s32 @!p0 $0x100000, s0;
	[bflag:$0x2] =	sbarrier.arrive $0xFFFF  }
0x36: {  	[sflag:s0] =	ssyncadd.tile.s32 @!p0 $0x1;
	_ =	shalt  }
.Lfunc_end2:
_tile_overlayer_lowered:
.L_overlay_start_2:
0x37: {  	(tag) =	ssettag $0x2  }
0x38: {  	s0 =	rddreg [dreg:$0x0];
	s2 =	stileid.u32  }
0x39: {  	s1 =	rddreg [dreg:$0x1];
	p0 =	sne.s32 s2, $0x0  }
0x3a: {  	s3 =	rddreg [dreg:$0x2];
	[bflag:$0x3] =	sbarrier.arrive $0xFFFF;
	s2 =	simm.s32 @!p0 $0x1C02  }
0x3b: {  	[timem:s3], [sflag:s2] =	dma.local @!p0 [hbm:s0], s1  }
0x3c: {  	s0 =	simm.s32 @!p0 $0x2  }
0x3d: {  	_ =	swait.ge @!p0 [sflag:s0], s1  }
0x3e: {  	s1 =	ssub.s32 @!p0 $0x0, s1;
	[sflag:s0] =	ssyncset.done @!p0 $0x0  }
0x3f: {  	[sflag:s0] =	ssyncadd.s32 @!p0 s1  }
0x40: {  	[bflag:$0x3] =	sbarrier.arrive $0xFFFF  }
0x41: {  	_ =	shalt  }

// kernel: kernel.37.cloned.1.call-start
scs
__scs_entry_jumppad:
0x0: {  	(pc) =	sbr.rel $0x88, $3  }
0x1: {  	(tag) =	ssettag $0x0;
	lr =	simm.s32 $0x1  }
0x2: {  	[smem:$0x3F82] =	sst lr;
	_ =	strace $0xD0000000  }
0x3: {  	_ = 	snop  }
0x4: {  	_ = 	snop  }
0x5: {  	_ = 	snop  }
0x6: {  	_ = 	snop  }
0x7: {  	_ = 	snop  }
__scs_overlays_trampoline_lowered:
0x8: {  	[smem:$0x3F91] =	sst s0  }
0x9: {  	[smem:$0x3F92] =	sst s1  }
0xa: {  	[smem:$0x3F93] =	sst s2  }
0xb: {  	[smem:$0x3F94] =	sst s3  }
0xc: {  	[smem:$0x3F95] =	sst s4  }
0xd: {  	[smem:$0x3F96] =	sst s5  }
0xe: {  	[smem:$0x3F97] =	sst s6  }
0xf: {  	[smem:$0x3F98] =	sst s7  }
0x10: {  	[smem:$0x3F99] =	sst s8  }
0x11: {  	[smem:$0x3F9A] =	sst s9;
	s0 =	simm.s32 @!p0 $0x0  }
0x12: {  	s1 =	sld [smem:$0x3F80];
	s0 =	simm.s32 @p0 $0x1  }
0x13: {  	[smem:$0x3F9B] =	sst s0;
	s0 =	simm.s32 @!p1 $0x0  }
0x14: {  	s2 =	sld [smem:$0x3F7F];
	s0 =	simm.s32 @p1 $0x1  }
0x15: {  	[smem:$0x3F9C] =	sst s0;
	s0 =	simm.s32 @!p2 $0x0  }
0x16: {  	s3 =	sld [smem:$0x3FDB];
	s0 =	simm.s32 @p2 $0x1  }
0x17: {  	s4 =	simm.s32 $0x1BF5;
	[smem:$0x3F9E] =	sst s0  }
0x18: {  	s0 =	sld [smem:$0x3F81];
	_ =	swait.ge [sflag:s4], $0x0  }
0x19: {  	s7 =	sld [smem:$0x3F82]  }
0x1a: {  	s8 =	sadd.s32 $0xFFFFE003, lr  }
0x1b: {  	s9 =	sadd.s32 $0xFFFFFEF7, lr;
	s5 =	simm.s32 $0xFFFFFFFF;
	p2 =	slt.u32 s8, $0xFFFFF086  }
0x1c: {  	p1 =	slt.u32 s9, $0xF7A;
	s5 =	simm.s32 @!p2 $0x0  }
0x1d: {  	s5 =	simm.s32 @p1 $0x1;
	p0 =	seq.s32 s7, s2  }
0x1e: {  	s7 =	smul.u32 @!p0 $0xF7A, s2;
	p2 =	seq.s32 @!p0 s5, $0x0  }
0x1f: {  	s9 =	smul.u32 $0xF7A, s1;
	s8 =	simm.s32 @!p0 $0x1BF5;
	p2 =	por !p2, p0  }
0x20: {  	[sflag:s8] =	ssyncset.s32 @!p0 $0xFFFFF086;
	s6 =	sadd.s32 @!p0 s3, s7;
	s7 =	simm.s32 @!p0 $0x108  }
0x21: {  	s3 =	sadd.s32 s3, s9;
	s6 =	sadd.s32 @!p0 $0x88, s6;
	s7 =	simm.s32 @p2 $0x1082  }
0x22: {  	[simem:s7], [sflag:s8] =	dma.local @!p0 [hbm:s6], $0xF7A  }
0x23: {  	s9 =	sor.u32 $0xD0000000, s2;
	s6 =	simm.s32 $0x108;
	_ =	swait.ge @!p0 [sflag:s8], $0x0  }
0x24: {  	s3 =	sadd.s32 $0x88, s3;
	s6 =	simm.s32 @!p1 $0x1082;
	[sflag:s4] =	ssyncset.s32 $0xFFFFF086  }
0x25: {  	[simem:s6], [sflag:s4] =	dma.local [hbm:s3], $0xF7A  }
0x26: {  	[smem:$0x3F82] =	sst s1;
	(tag) =	ssettag s2;
	_ =	strace s9  }
0x27: {  	s1 =	sld [smem:$0x3F92]  }
0x28: {  	s2 =	sld [smem:$0x3F93]  }
0x29: {  	s4 =	sld [smem:$0x3F95]  }
0x2a: {  	p0 =	seq.s32 s5, $0x0;
	s5 =	sld [smem:$0x3F96]  }
0x2b: {  	s6 =	sld [smem:$0x3F97]  }
0x2c: {  	s7 =	sld [smem:$0x3F98]  }
0x2d: {  	s3 =	simm.s32 $0x108;
	s8 =	sld [smem:$0x3F99]  }
0x2e: {  	s3 =	simm.s32 @!p0 $0x1082;
	s9 =	sld [smem:$0x3F9A]  }
0x2f: {  	lr =	sadd.s32 s0, s3;
	s0 =	sld [smem:$0x3F91]  }
0x30: {  	s3 =	sld [smem:$0x3F94]  }
0x31: {  	[smem:$0x3F9D] =	sst s10  }
0x32: {  	s10 =	sld [smem:$0x3F9B];
	_ =	sdelay $0x3  }
0x33: {  	p0 =	seq.s32 s10, $0x1;
	s10 =	sld [smem:$0x3F9D];
	_ =	sdelay $0x3  }
0x34: {  	[smem:$0x3F9D] =	sst s10  }
0x35: {  	s10 =	sld [smem:$0x3F9C];
	_ =	sdelay $0x3  }
0x36: {  	p1 =	seq.s32 s10, $0x1;
	s10 =	sld [smem:$0x3F9D];
	_ =	sdelay $0x3  }
0x37: {  	[smem:$0x3F9D] =	sst s10  }
0x38: {  	s10 =	sld [smem:$0x3F9E]  }
0x39: {  	_ = 	snop;
	(pc) =	sbr.ind lr, $3  }
0x3a: {  	_ = 	snop  }
0x3b: {  	_ = 	snop  }
0x3c: {  	p2 =	seq.s32 s10, $0x1;
	s10 =	sld [smem:$0x3F9D]  }
0x3d: {  	_ =	shalt  }
0x3e: {  	_ =	shalt  }
0x3f: {  	_ =	shalt  }
0x40: {  	_ =	shalt  }
0x41: {  	_ =	shalt  }
0x42: {  	_ =	shalt  }
0x43: {  	_ =	shalt  }
0x44: {  	_ =	shalt  }
0x45: {  	_ =	shalt  }
0x46: {  	_ =	shalt  }
0x47: {  	_ =	shalt  }
0x48: {  	_ =	shalt  }
0x49: {  	_ =	shalt  }
0x4a: {  	_ =	shalt  }
0x4b: {  	_ =	shalt  }
0x4c: {  	_ =	shalt  }
0x4d: {  	_ =	shalt  }
0x4e: {  	_ =	shalt  }
0x4f: {  	_ =	shalt  }
0x50: {  	_ =	shalt  }
0x51: {  	_ =	shalt  }
0x52: {  	_ =	shalt  }
0x53: {  	_ =	shalt  }
0x54: {  	_ =	shalt  }
0x55: {  	_ =	shalt  }
0x56: {  	_ =	shalt  }
0x57: {  	_ =	shalt  }
0x58: {  	_ =	shalt  }
0x59: {  	_ =	shalt  }
0x5a: {  	_ =	shalt  }
0x5b: {  	_ =	shalt  }
0x5c: {  	_ =	shalt  }
0x5d: {  	_ =	shalt  }
0x5e: {  	_ =	shalt  }
0x5f: {  	_ =	shalt  }
0x60: {  	_ =	shalt  }
0x61: {  	_ =	shalt  }
0x62: {  	_ =	shalt  }
0x63: {  	_ =	shalt  }
0x64: {  	_ =	shalt  }
0x65: {  	_ =	shalt  }
0x66: {  	_ =	shalt  }
0x67: {  	_ =	shalt  }
0x68: {  	_ =	shalt  }
0x69: {  	_ =	shalt  }
0x6a: {  	_ =	shalt  }
0x6b: {  	_ =	shalt  }
0x6c: {  	_ =	shalt  }
0x6d: {  	_ =	shalt  }
0x6e: {  	_ =	shalt  }
0x6f: {  	_ =	shalt  }
0x70: {  	_ =	shalt  }
0x71: {  	_ =	shalt  }
0x72: {  	_ =	shalt  }
0x73: {  	_ =	shalt  }
0x74: {  	_ =	shalt  }
0x75: {  	_ =	shalt  }
0x76: {  	_ =	shalt  }
0x77: {  	_ =	shalt  }
0x78: {  	_ =	shalt  }
0x79: {  	_ =	shalt  }
0x7a: {  	_ =	shalt  }
0x7b: {  	_ =	shalt  }
0x7c: {  	_ =	shalt  }
0x7d: {  	_ =	shalt  }
0x7e: {  	_ =	shalt  }
0x7f: {  	_ =	shalt  }
0x80: {  	_ =	shalt  }
0x81: {  	_ =	shalt  }
0x82: {  	_ =	shalt  }
0x83: {  	_ =	shalt  }
0x84: {  	_ =	shalt  }
0x85: {  	_ =	shalt  }
0x86: {  	_ =	shalt  }
0x87: {  	_ =	shalt  }
.Lfunc_end0:
.L_simem_size_0:
called_computation.4_lowered:
.L_overlay_start_0:
0x88: {  	s2 =	sld [smem:$0x3FD9]  }
0x89: {  	s3 =	sld [smem:$0x3FFE];
	_ =	sdelay $0x1  }
0x8a: {  	s1 =	srdreg.scid  }
0x8b: {  	s0 =	sand.u32 $0x1, s1  }
0x8c: {  	s14 =	sshll.u32 s0, $0xA;
	s2 =	sadd.s32 s3, s2  }
0x8d: {  	s2 =	sadd.s32 s2, s14  }
0x8e: {  	[smem:$0x3FA9] =	sst s2  }
0x8f: {  	_ = 	snop  }
0x90: {  	s2 =	sld [smem:$0x3FD0];
	_ =	sdelay $0x2  }
0x91: {  	s15 =	simm.s32 $0xA;
	s4 =	simm.s32 $0x10  }
0x92: {  	[smem:s4], [sflag:s15] =	dma.local [hbm:s2], $0x1  }
0x93: {  	_ =	swait.eq [sflag:s15], $0x1  }
0x94: {  	[sflag:s15] =	ssyncset.done $0x0  }
0x95: {  	[sflag:s15] =	ssyncadd.s32 $0xFFFFFFFF  }
0x96: {  	s16 =	sld [smem:$0x11];
	(tm) =	ssettm $0x1  }
0x97: {  	s17 =	sld [smem:$0x3FFB];
	_ =	sdelay $0x3  }
0x98: {  	_ =	strace s17  }
0x99: {  	s3 =	sld [smem:$0x3FFC];
	_ =	sdelay $0x3  }
0x9a: {  	_ =	strace s3  }
0x9b: {  	s3 =	sld [smem:$0x3FFD];
	_ =	sdelay $0x3  }
0x9c: {  	_ =	strace s3  }
0x9d: {  	_ =	strace $0x8FFFFFFF  }
0x9e: {  	s18 =	sld [smem:$0x3FDB];
	_ =	sdelay $0x1  }
0x9f: {  	s19 =	simm.s32 $_scs_section_size  }
0xa0: {  	s5 =	simm.s32 $_size__tile_overlayer_lowered;
	s6 =	simm.s32 $_tile_overlayer_lowered  }
0xa1: {  	s22 =	simm.s32 $0x1BFF;
	s21 =	sshll.u32 s6, $0x1;
	s3 =	sadd.s32 s19, s18  }
0xa2: {  	s7 =	simm.s32 $0x0;
	s20 =	sshll.u32 s5, $0x1;
	s5 =	sadd.s32 s21, s3  }
0xa3: {  	[timem:s7], [sflag:s22] =	dma.local [hbm:s5], s20  }
0xa4: {  	_ =	swait.ge [sflag:s22], s20  }
0xa5: {  	s4 =	ssub.s32 $0x0, s20;
	[sflag:s22] =	ssyncset.done $0x0  }
0xa6: {  	[sflag:s22] =	ssyncadd.s32 s4;
	_ =	sdelay $0x1  }
0xa7: {  	s23 =	simm.s32 $0x1B8B  }
0xa8: {  	_ =	swait.ge [sflag:s23], $0x1  }
0xa9: {  	[sflag:s23] =	ssyncset.done $0x0  }
0xaa: {  	s25 =	simm.s32 $0x1B8E;
	s24 =	sld [smem:$0x3FFE];
	[sflag:s23] =	ssyncadd.s32 $0xFFFFFFFF  }
0xab: {  	s26 =	simm.s32 $execute0_lowered;
	[smem:$0x3FD2] =	sst s25  }
0xac: {  	s5 =	sshll.u32 s26, $0x1;
	_ =	strace $0x80000052;
	[dreg:$0x1] =	wrdreg $0xFFFFFFFF  }
0xad: {  	s28 =	simm.s32 $_size_execute0_lowered;
	s3 =	sadd.s32 s3, s5;
	[dreg:$0x0] =	wrdreg $0x0  }
0xae: {  	s5 =	sshll.u32 s28, $0x1;
	[dreg:$0x2] =	wrdreg s3  }
0xaf: {  	[dreg:$0x3] =	wrdreg s5  }
0xb0: {  	[dreg:$0x4] =	wrdreg $0xC0  }
0xb1: {  	_ =	task [dreg:s7], $0x5FFFF  }
0xb2: {  	[dreg:$0x1] =	wrdreg $0xFFFFFFFF  }
0xb3: {  	[dreg:$0x0] =	wrdreg $0x60  }
0xb4: {  	[dreg:$0x2] =	wrdreg s24  }
0xb5: {  	[dreg:$0x3] =	wrdreg s16  }
0xb6: {  	[dreg:$0x4] =	wrdreg $0x80000  }
0xb7: {  	[dreg:$0x5] =	wrdreg $0xCF000  }
0xb8: {  	[dreg:$0x6] =	wrdreg $0x9  }
0xb9: {  	_ =	task.clear_ibuf [dreg:s7], $0x7FFFF;
	_ =	strace $0x90000052  }
0xba: {  	s29 =	simm.s32 $0x9;
	_ =	strace $0x80000054  }
0xbb: {  	_ =	swait.ge [sflag:s29], $0x1  }
0xbc: {  	[sflag:s29] =	ssyncadd.s32 $0xFFFFFFFF  }
0xbd: {  	_ =	strace $0x90000054  }
0xbe: {  	_ =	sfence  }
0xbf: {  	s30 =	sld [smem:$0x0];
	_ =	sdelay $0x2  }
0xc0: {  	s31 =	sshll.u32 s1, $0xD;
	s1 =	sshrl.u32 s1, $0x2  }
0xc1: {  	s3 =	sand.u32 $0x4000, s31;
	s1 =	sadd.s32 s1, s30  }
0xc2: {  	s0 =	sor.u32 s3, s0;
	s1 =	sshll.u32 s1, $0x11  }
0xc3: {  	s0 =	sor.u32 s1, s0  }
0xc4: {  	s0 =	sadd.s32 $0x8F2B, s0  }
0xc5: {  	[sflag:s0] =	ssyncadd.remote.s32 $0x1  }
0xc6: {  	_ =	sfence.sel $0xFFFF  }
0xc7: {  	[dreg:$0x0] =	wrdreg $0xFFFFFFFF;
	(pc) =	sbr.abs _section_cstart, $3  }
0xc8: {  	[dreg:$0x1] =	wrdreg $0xFFFFFFFF  }
0xc9: {  	_ =	task.clear_ibuf [dreg:s7], $0x2FFFF;
	_ =	strace $0x9FFFFFFF  }
0xca: {  	(tm) =	ssettm $0x7FFFFFFF  }
0xcb: {  	_ =	shalt  }
tec
execute0_lowered:
.L_overlay_start_1:
0x0: {  	(tag) =	ssettag $0x1  }
0x1: {  	s9 =	rddreg [dreg:$0x0]  }
0x2: {  	s1 =	rddreg [dreg:$0x1]  }
0x3: {  	s3 =	rddreg [dreg:$0x2]  }
0x4: {  	s4 =	rddreg [dreg:$0x3]  }
0x5: {  	s0 =	rddreg [dreg:$0x4]  }
0x6: {  	s6 =	srdreg.scid;
	s2 =	stileid.u32  }
0x7: {  	s5 =	simm.s32 $0x0;
	s16 =	simm.s32 $0x2;
	s17 =	simm.s32 $0x80  }
0x8: {  	s18 =	simm.s32 $0x100;
	s19 =	simm.s32 $0x1100;
	s20 =	simm.s32 $0x1  }
0x9: {  	s21 =	simm.s32 $0x2100;
	s10 =	sand.u32 $0x1, s6;
	s11 =	smul.u32 $0x4F00, s2  }
0xa: {  	[smem:$0x7FF] =	sst s5;
	s6 =	sadd.s32 $0xB800, s9;
	s8 =	smul.u32 $0x4F000, s10  }
0xb: {  	s7 =	sadd.s32 $0xED400, s9;
	_ =	strace $0x80000053;
	s13 =	ssub.s32 $0x2, s10  }
0xc: {  	s10 =	sshll.u32 s10, $0x4;
	s30 =	sshrl.u32 s13, $0x1;
	s12 =	sadd.s32 s11, s8  }
0xd: {  	s31 =	sor.u32 s2, s10;
	s10 =	sadd.s32 s11, s4;
	s12 =	sshrl.u32 s12, $0x3  }
0xe: {  	s8 =	sadd.s32 $0xBF600, s9;
	s15 =	ssub.s32 s13, s30;
	s14 =	sadd.s32 s12, s9  }
0xf: {  	s9 =	sadd.s32 s11, s3;
	s11 =	smul.u32 $0x1400, s31;
	s12 =	sadd.s32 $0xF7200, s14  }
0x10: {  	v0 =	vimm.f32 $0.0e+00;
	s13 =	sadd.s32 $0x10AE00, s14;
	s14 =	smax.u32 s15, $0x1;
	s15 =	simm.s32 $0x3100  }
.LBB2_1:
0x11: {  	s22 =	simm.s32 $0x80;
	s23 =	simm.s32 $0x0  }
.LBB2_2:
0x12: {  	p0 =	sne.s32 s22, $0x13B80;
	[tilespmem:s23+$0x3100] =	vst v0;
	s24 =	smov.u32 s22;
	s22 =	sadd.s32 $0x80, s22  }
.Ltmp0:
0x13: {  	[tilespmem:s23+$0x3110] =	vst v0;
	(pc) =	sbr.rel @p0 .LBB2_2-.Ltmp0, $2  }
0x14: {  	_ =	sdelay $0x2  }
0x15: {  	s23 =	sshra.s32 s24, $0x2  }
0x16: {  	[tilespmem:s23+$0x3100] =	vst v0  }
0x17: {  	[tilespmem:s23+$0x3110] =	vst v0  }
0x18: {  	[spmem:s9] =	stream.linear.scatter [tilespmem:s15], [sflag:$0x2], $0x4F00, $0x38;
	[tilespmem:$0x11E00] =	vst v63  }
0x19: {  	_ =	swait.ge [sflag:s16], $0x4F00  }
0x1a: {  	[sflag:s16] =	ssyncset.done $0x0  }
0x1b: {  	[sflag:s16] =	ssyncadd.s32 $0xFFFFB100  }
0x1c: {  	[spmem:s10] =	stream.linear.scatter [tilespmem:s15], [sflag:$0x2], $0x4F00, $0x38;
	[tilespmem:$0x11E00] =	vst v63  }
0x1d: {  	_ =	swait.ge [sflag:s16], $0x4F00  }
0x1e: {  	[sflag:s16] =	ssyncset.done $0x0  }
0x1f: {  	[sflag:s16] =	ssyncadd.s32 $0xFFFFB100  }
0x20: {  	s22 =	simm.s32 $0x0;
	s23 =	simm.s32 $0x0;
	[bflag:$0x0] =	sbarrier.arrive $0xFFFF  }
.LBB2_4:
0x21: {  	s24 =	sshll.u32 s23, $0x7  }
0x22: {  	s24 =	sadd.s32 s11, s24  }
0x23: {  	s25 =	sshrl.u32 s24, $0x3  }
0x24: {  	s26 =	sadd.s32 s1, s25  }
0x25: {  	[tilespmem:s22], [sflag:$0x2] =	stream.linear.gather [hbm4b:s26+s22], $0x80, $0x38;
	[tilespmem:$0x11E00] =	vst v63  }
0x26: {  	_ =	swait.ge [sflag:s16], $0x80  }
0x27: {  	[sflag:s16] =	ssyncset.done $0x0  }
0x28: {  	s25 =	sadd.s32 s8, s25;
	[sflag:s16] =	ssyncadd.s32 $0xFFFFFF80  }
0x29: {  	[tilespmem:s17], [sflag:$0x2] =	stream.linear.gather [hbm4b:s25+s22], $0x80, $0x38;
	[tilespmem:$0x11E00] =	vst v63  }
0x2a: {  	_ =	swait.ge [sflag:s16], $0x80  }
0x2b: {  	s24 =	sshll.u32 s24, $0x2;
	[sflag:s16] =	ssyncset.done $0x0  }
0x2c: {  	s24 =	sadd.s32 s6, s24;
	[sflag:s16] =	ssyncadd.s32 $0xFFFFFF80  }
0x2d: {  	[tilespmem:s18], [sflag:$0x2] =	stream.linear.gather [hbm4b:s24+s22], $0x1000, $0x38;
	[tilespmem:$0x11E00] =	vst v63  }
0x2e: {  	_ =	swait.ge [sflag:s16], $0x1000  }
0x2f: {  	[sflag:s16] =	ssyncset.done $0x0  }
0x30: {  	[sflag:s16] =	ssyncadd.s32 $0xFFFFF000  }
0x31: {  	[tilespmem:s19], [sflag:$0x1] =	stream.indirect.gather [hbm4b:s7+s17], $0x20, s22, s17, $0xb8;
	[tilespmem:$0x11E00] =	vst v63  }
0x32: {  	_ =	swait.ge [sflag:s20], $0x1000  }
0x33: {  	[sflag:s20] =	ssyncset.done $0x0  }
0x34: {  	s24 =	simm.s32 $0x0;
	[sflag:s20] =	ssyncadd.s32 $0xFFFFF000  }
0x35: {  	v2 =	vld [tilespmem:s24+$0x100]  }
0x36: {  	v1 =	vld [tilespmem:s24+$0x110]  }
0x37: {  	s25 =	simm.s32 $0x80;
	v3 =	vld [tilespmem:s24+$0x1100]  }
.LBB2_5:
0x38: {  	p0 =	sne.s32 s25, $0x3F80;
	v4 =	vld [tilespmem:s24+$0x1110];
	_ =	sdelay $0x1  }
0x39: {  	v5 =	vmax.f32 v2, $0.0e+00  }
0x3a: {  	v5 =	vadd.f32 $1.000000010e-07, v5;
	v6 =	vmax.f32 v1, $0.0e+00  }
0x3b: {  	v2 =	vadd.f32 v3, v2;
	v3 =	vadd.f32 $1.000000010e-07, v6  }
0x3c: {  	[tilespmem:s24+$0x2100] =	vst v5;
	v1 =	vadd.f32 v4, v1  }
.Ltmp1:
0x3d: {  	v2 =	vmax.f32 v2, $0.0e+00;
	[tilespmem:s24+$0x2110] =	vst v3;
	(pc) =	sbr.rel @p0 .LBB2_5-.Ltmp1, $4  }
0x3e: {  	s26 =	sshra.s32 s25, $0x2;
	v3 =	vadd.f32 $1.000000010e-07, v2;
	v1 =	vmax.f32 v1, $0.0e+00  }
0x3f: {  	v2 =	vld [tilespmem:s26+$0x100];
	v4 =	vadd.f32 $1.000000010e-07, v1  }
0x40: {  	v1 =	vld [tilespmem:s26+$0x110];
	[tilespmem:s24+$0x1100] =	vst v3  }
0x41: {  	s25 =	sadd.s32 $0x80, s25;
	v3 =	vld [tilespmem:s26+$0x1100];
	[tilespmem:s24+$0x1110] =	vst v4;
	s24 =	smov.u32 s26  }
0x42: {  	v4 =	vld [tilespmem:s24+$0x1110];
	_ =	sdelay $0x3  }
0x43: {  	v5 =	vmax.f32 v2, $0.0e+00;
	v2 =	vadd.f32 v3, v2  }
0x44: {  	v62 =	vmax.f32 v1, $0.0e+00;
	v3 =	vadd.f32 $1.000000010e-07, v5;
	v1 =	vadd.f32 v4, v1  }
0x45: {  	v63 =	vadd.f32 $1.000000010e-07, v62;
	v2 =	vmax.f32 v2, $0.0e+00  }
0x46: {  	[tilespmem:s24+$0x2100] =	vst v3;
	v2 =	vadd.f32 $1.000000010e-07, v2;
	v1 =	vmax.f32 v1, $0.0e+00  }
0x47: {  	[tilespmem:s24+$0x2110] =	vst v63;
	v1 =	vadd.f32 $1.000000010e-07, v1  }
0x48: {  	[tilespmem:s24+$0x1100] =	vst v2  }
0x49: {  	[tilespmem:s24+$0x1110] =	vst v1  }
0x4a: {  	[spmem:s3] =	stream.indirect.scatter.add.f32 [tilespmem:s19], [sflag:$0x2], $0x20, s17, s17, $0xb8;
	[tilespmem:$0x11E00] =	vst v63  }
0x4b: {  	s23 =	sadd.s32 $0x1, s23;
	_ =	swait.ge [sflag:s16], $0x1000  }
0x4c: {  	p0 =	sne.s32 s23, $0x28;
	[sflag:s16] =	ssyncset.done $0x0  }
.Ltmp2:
0x4d: {  	[sflag:s16] =	ssyncadd.s32 $0xFFFFF000;
	(pc) =	sbr.rel @p0 .LBB2_4-.Ltmp2, $4  }
0x4e: {  	[spmem:s4] =	stream.indirect.scatter.add.f32 [tilespmem:s21], [sflag:$0x2], $0x20, s17, s17, $0xb8;
	[tilespmem:$0x11E00] =	vst v63  }
0x4f: {  	_ =	swait.ge [sflag:s16], $0x1000  }
0x50: {  	[sflag:s16] =	ssyncset.done $0x0  }
0x51: {  	[sflag:s16] =	ssyncadd.s32 $0xFFFFF000  }
0x52: {  	s22 =	sshll.u32 s2, $0x6  }
0x53: {  	[bflag:$0x0] =	sbarrier.arrive $0xFFFF;
	s23 =	sshrl.u32 s9, $0x3;
	s22 =	sor.u32 $0x1C02, s22  }
0x54: {  	[hbm:s12], [sflag:s22] =	dma.local [spmem:s23], $0x9E0  }
0x55: {  	s5 =	sadd.s32 $0x1, s5;
	_ =	swait.ge [sflag:s16], $0x9E0  }
0x56: {  	p0 =	sne.s32 s5, s14;
	[sflag:s16] =	ssyncset.done $0x0  }
.Ltmp3:
0x57: {  	s31 =	sshrl.u32 s10, $0x3;
	[sflag:s16] =	ssyncadd.s32 $0xFFFFF620;
	(pc) =	sbr.rel @p0 .LBB2_1-.Ltmp3, $4  }
0x58: {  	[hbm:s13], [sflag:s22] =	dma.local [spmem:s31], $0x9E0  }
0x59: {  	_ =	swait.ge [sflag:s16], $0x9E0  }
0x5a: {  	[sflag:s16] =	ssyncset.done $0x0  }
0x5b: {  	[sflag:s16] =	ssyncadd.s32 $0xFFFFF620  }
0x5c: {  	_ =	sfence.sel $0x180000  }
0x5d: {  	[bflag:$0x0] =	sbarrier.arrive $0xFFFF  }
0x5e: {  	p0 =	sne.s32 s2, $0x0;
	_ =	strace $0x90000053  }
0x5f: {  	s0 =	sadd.s32 @!p0 $0x100000, s0;
	[bflag:$0x2] =	sbarrier.arrive $0xFFFF  }
0x60: {  	[sflag:s0] =	ssyncadd.tile.s32 @!p0 $0x1;
	_ =	shalt  }
.Lfunc_end2:
_tile_overlayer_lowered:
.L_overlay_start_2:
0x61: {  	(tag) =	ssettag $0x2  }
0x62: {  	s0 =	rddreg [dreg:$0x0];
	s2 =	stileid.u32  }
0x63: {  	s1 =	rddreg [dreg:$0x1];
	p0 =	sne.s32 s2, $0x0  }
0x64: {  	s3 =	rddreg [dreg:$0x2];
	[bflag:$0x3] =	sbarrier.arrive $0xFFFF;
	s2 =	simm.s32 @!p0 $0x1C02  }
0x65: {  	[timem:s3], [sflag:s2] =	dma.local @!p0 [hbm:s0], s1  }
0x66: {  	s0 =	simm.s32 @!p0 $0x2  }
0x67: {  	_ =	swait.ge @!p0 [sflag:s0], s1  }
0x68: {  	s1 =	ssub.s32 @!p0 $0x0, s1;
	[sflag:s0] =	ssyncset.done @!p0 $0x0  }
0x69: {  	[sflag:s0] =	ssyncadd.s32 @!p0 s1  }
0x6a: {  	[bflag:$0x3] =	sbarrier.arrive $0xFFFF  }
0x6b: {  	_ =	shalt  }

// kernel: kernel.40.cloned.1.call-start
scs
__scs_entry_jumppad:
0x0: {  	(pc) =	sbr.rel $0x88, $3  }
0x1: {  	(tag) =	ssettag $0x0;
	lr =	simm.s32 $0x1  }
0x2: {  	[smem:$0x3F82] =	sst lr;
	_ =	strace $0xD0000000  }
0x3: {  	_ = 	snop  }
0x4: {  	_ = 	snop  }
0x5: {  	_ = 	snop  }
0x6: {  	_ = 	snop  }
0x7: {  	_ = 	snop  }
__scs_overlays_trampoline_lowered:
0x8: {  	[smem:$0x3F91] =	sst s0  }
0x9: {  	[smem:$0x3F92] =	sst s1  }
0xa: {  	[smem:$0x3F93] =	sst s2  }
0xb: {  	[smem:$0x3F94] =	sst s3  }
0xc: {  	[smem:$0x3F95] =	sst s4  }
0xd: {  	[smem:$0x3F96] =	sst s5  }
0xe: {  	[smem:$0x3F97] =	sst s6  }
0xf: {  	[smem:$0x3F98] =	sst s7  }
0x10: {  	[smem:$0x3F99] =	sst s8  }
0x11: {  	[smem:$0x3F9A] =	sst s9;
	s0 =	simm.s32 @!p0 $0x0  }
0x12: {  	s1 =	sld [smem:$0x3F80];
	s0 =	simm.s32 @p0 $0x1  }
0x13: {  	[smem:$0x3F9B] =	sst s0;
	s0 =	simm.s32 @!p1 $0x0  }
0x14: {  	s2 =	sld [smem:$0x3F7F];
	s0 =	simm.s32 @p1 $0x1  }
0x15: {  	[smem:$0x3F9C] =	sst s0;
	s0 =	simm.s32 @!p2 $0x0  }
0x16: {  	s3 =	sld [smem:$0x3FDB];
	s0 =	simm.s32 @p2 $0x1  }
0x17: {  	s4 =	simm.s32 $0x1BF5;
	[smem:$0x3F9E] =	sst s0  }
0x18: {  	s0 =	sld [smem:$0x3F81];
	_ =	swait.ge [sflag:s4], $0x0  }
0x19: {  	s7 =	sld [smem:$0x3F82]  }
0x1a: {  	s8 =	sadd.s32 $0xFFFFE003, lr  }
0x1b: {  	s9 =	sadd.s32 $0xFFFFFEF7, lr;
	s5 =	simm.s32 $0xFFFFFFFF;
	p2 =	slt.u32 s8, $0xFFFFF086  }
0x1c: {  	p1 =	slt.u32 s9, $0xF7A;
	s5 =	simm.s32 @!p2 $0x0  }
0x1d: {  	s5 =	simm.s32 @p1 $0x1;
	p0 =	seq.s32 s7, s2  }
0x1e: {  	s7 =	smul.u32 @!p0 $0xF7A, s2;
	p2 =	seq.s32 @!p0 s5, $0x0  }
0x1f: {  	s9 =	smul.u32 $0xF7A, s1;
	s8 =	simm.s32 @!p0 $0x1BF5;
	p2 =	por !p2, p0  }
0x20: {  	[sflag:s8] =	ssyncset.s32 @!p0 $0xFFFFF086;
	s6 =	sadd.s32 @!p0 s3, s7;
	s7 =	simm.s32 @!p0 $0x108  }
0x21: {  	s3 =	sadd.s32 s3, s9;
	s6 =	sadd.s32 @!p0 $0x88, s6;
	s7 =	simm.s32 @p2 $0x1082  }
0x22: {  	[simem:s7], [sflag:s8] =	dma.local @!p0 [hbm:s6], $0xF7A  }
0x23: {  	s9 =	sor.u32 $0xD0000000, s2;
	s6 =	simm.s32 $0x108;
	_ =	swait.ge @!p0 [sflag:s8], $0x0  }
0x24: {  	s3 =	sadd.s32 $0x88, s3;
	s6 =	simm.s32 @!p1 $0x1082;
	[sflag:s4] =	ssyncset.s32 $0xFFFFF086  }
0x25: {  	[simem:s6], [sflag:s4] =	dma.local [hbm:s3], $0xF7A  }
0x26: {  	[smem:$0x3F82] =	sst s1;
	(tag) =	ssettag s2;
	_ =	strace s9  }
0x27: {  	s1 =	sld [smem:$0x3F92]  }
0x28: {  	s2 =	sld [smem:$0x3F93]  }
0x29: {  	s4 =	sld [smem:$0x3F95]  }
0x2a: {  	p0 =	seq.s32 s5, $0x0;
	s5 =	sld [smem:$0x3F96]  }
0x2b: {  	s6 =	sld [smem:$0x3F97]  }
0x2c: {  	s7 =	sld [smem:$0x3F98]  }
0x2d: {  	s3 =	simm.s32 $0x108;
	s8 =	sld [smem:$0x3F99]  }
0x2e: {  	s3 =	simm.s32 @!p0 $0x1082;
	s9 =	sld [smem:$0x3F9A]  }
0x2f: {  	lr =	sadd.s32 s0, s3;
	s0 =	sld [smem:$0x3F91]  }
0x30: {  	s3 =	sld [smem:$0x3F94]  }
0x31: {  	[smem:$0x3F9D] =	sst s10  }
0x32: {  	s10 =	sld [smem:$0x3F9B];
	_ =	sdelay $0x3  }
0x33: {  	p0 =	seq.s32 s10, $0x1;
	s10 =	sld [smem:$0x3F9D];
	_ =	sdelay $0x3  }
0x34: {  	[smem:$0x3F9D] =	sst s10  }
0x35: {  	s10 =	sld [smem:$0x3F9C];
	_ =	sdelay $0x3  }
0x36: {  	p1 =	seq.s32 s10, $0x1;
	s10 =	sld [smem:$0x3F9D];
	_ =	sdelay $0x3  }
0x37: {  	[smem:$0x3F9D] =	sst s10  }
0x38: {  	s10 =	sld [smem:$0x3F9E]  }
0x39: {  	_ = 	snop;
	(pc) =	sbr.ind lr, $3  }
0x3a: {  	_ = 	snop  }
0x3b: {  	_ = 	snop  }
0x3c: {  	p2 =	seq.s32 s10, $0x1;
	s10 =	sld [smem:$0x3F9D]  }
0x3d: {  	_ =	shalt  }
0x3e: {  	_ =	shalt  }
0x3f: {  	_ =	shalt  }
0x40: {  	_ =	shalt  }
0x41: {  	_ =	shalt  }
0x42: {  	_ =	shalt  }
0x43: {  	_ =	shalt  }
0x44: {  	_ =	shalt  }
0x45: {  	_ =	shalt  }
0x46: {  	_ =	shalt  }
0x47: {  	_ =	shalt  }
0x48: {  	_ =	shalt  }
0x49: {  	_ =	shalt  }
0x4a: {  	_ =	shalt  }
0x4b: {  	_ =	shalt  }
0x4c: {  	_ =	shalt  }
0x4d: {  	_ =	shalt  }
0x4e: {  	_ =	shalt  }
0x4f: {  	_ =	shalt  }
0x50: {  	_ =	shalt  }
0x51: {  	_ =	shalt  }
0x52: {  	_ =	shalt  }
0x53: {  	_ =	shalt  }
0x54: {  	_ =	shalt  }
0x55: {  	_ =	shalt  }
0x56: {  	_ =	shalt  }
0x57: {  	_ =	shalt  }
0x58: {  	_ =	shalt  }
0x59: {  	_ =	shalt  }
0x5a: {  	_ =	shalt  }
0x5b: {  	_ =	shalt  }
0x5c: {  	_ =	shalt  }
0x5d: {  	_ =	shalt  }
0x5e: {  	_ =	shalt  }
0x5f: {  	_ =	shalt  }
0x60: {  	_ =	shalt  }
0x61: {  	_ =	shalt  }
0x62: {  	_ =	shalt  }
0x63: {  	_ =	shalt  }
0x64: {  	_ =	shalt  }
0x65: {  	_ =	shalt  }
0x66: {  	_ =	shalt  }
0x67: {  	_ =	shalt  }
0x68: {  	_ =	shalt  }
0x69: {  	_ =	shalt  }
0x6a: {  	_ =	shalt  }
0x6b: {  	_ =	shalt  }
0x6c: {  	_ =	shalt  }
0x6d: {  	_ =	shalt  }
0x6e: {  	_ =	shalt  }
0x6f: {  	_ =	shalt  }
0x70: {  	_ =	shalt  }
0x71: {  	_ =	shalt  }
0x72: {  	_ =	shalt  }
0x73: {  	_ =	shalt  }
0x74: {  	_ =	shalt  }
0x75: {  	_ =	shalt  }
0x76: {  	_ =	shalt  }
0x77: {  	_ =	shalt  }
0x78: {  	_ =	shalt  }
0x79: {  	_ =	shalt  }
0x7a: {  	_ =	shalt  }
0x7b: {  	_ =	shalt  }
0x7c: {  	_ =	shalt  }
0x7d: {  	_ =	shalt  }
0x7e: {  	_ =	shalt  }
0x7f: {  	_ =	shalt  }
0x80: {  	_ =	shalt  }
0x81: {  	_ =	shalt  }
0x82: {  	_ =	shalt  }
0x83: {  	_ =	shalt  }
0x84: {  	_ =	shalt  }
0x85: {  	_ =	shalt  }
0x86: {  	_ =	shalt  }
0x87: {  	_ =	shalt  }
.Lfunc_end0:
.L_simem_size_0:
called_computation.5_lowered:
.L_overlay_start_0:
0x88: {  	s2 =	sld [smem:$0x3FD9]  }
0x89: {  	s3 =	sld [smem:$0x3FFE];
	_ =	sdelay $0x1  }
0x8a: {  	s1 =	srdreg.scid  }
0x8b: {  	s0 =	sand.u32 $0x1, s1  }
0x8c: {  	s14 =	sshll.u32 s0, $0xA;
	s2 =	sadd.s32 s3, s2  }
0x8d: {  	s2 =	sadd.s32 s2, s14  }
0x8e: {  	[smem:$0x3FA9] =	sst s2  }
0x8f: {  	_ = 	snop  }
0x90: {  	s2 =	sld [smem:$0x3FD0];
	_ =	sdelay $0x2  }
0x91: {  	s15 =	simm.s32 $0xA;
	s4 =	simm.s32 $0x10  }
0x92: {  	[smem:s4], [sflag:s15] =	dma.local [hbm:s2], $0x1  }
0x93: {  	_ =	swait.eq [sflag:s15], $0x1  }
0x94: {  	[sflag:s15] =	ssyncset.done $0x0  }
0x95: {  	[sflag:s15] =	ssyncadd.s32 $0xFFFFFFFF  }
0x96: {  	s16 =	sld [smem:$0x11];
	(tm) =	ssettm $0x1  }
0x97: {  	s17 =	sld [smem:$0x3FFB];
	_ =	sdelay $0x3  }
0x98: {  	_ =	strace s17  }
0x99: {  	s3 =	sld [smem:$0x3FFC];
	_ =	sdelay $0x3  }
0x9a: {  	_ =	strace s3  }
0x9b: {  	s3 =	sld [smem:$0x3FFD];
	_ =	sdelay $0x3  }
0x9c: {  	_ =	strace s3  }
0x9d: {  	_ =	strace $0x8FFFFFFF  }
0x9e: {  	s18 =	sld [smem:$0x3FDB];
	_ =	sdelay $0x1  }
0x9f: {  	s19 =	simm.s32 $_scs_section_size  }
0xa0: {  	s5 =	simm.s32 $_size__tile_overlayer_lowered;
	s6 =	simm.s32 $_tile_overlayer_lowered  }
0xa1: {  	s22 =	simm.s32 $0x1BFF;
	s21 =	sshll.u32 s6, $0x1;
	s3 =	sadd.s32 s19, s18  }
0xa2: {  	s7 =	simm.s32 $0x0;
	s20 =	sshll.u32 s5, $0x1;
	s5 =	sadd.s32 s21, s3  }
0xa3: {  	[timem:s7], [sflag:s22] =	dma.local [hbm:s5], s20  }
0xa4: {  	_ =	swait.ge [sflag:s22], s20  }
0xa5: {  	s4 =	ssub.s32 $0x0, s20;
	[sflag:s22] =	ssyncset.done $0x0  }
0xa6: {  	[sflag:s22] =	ssyncadd.s32 s4;
	_ =	sdelay $0x1  }
0xa7: {  	s23 =	simm.s32 $0x1B8B  }
0xa8: {  	_ =	swait.ge [sflag:s23], $0x1  }
0xa9: {  	[sflag:s23] =	ssyncset.done $0x0  }
0xaa: {  	s25 =	simm.s32 $0x1B8E;
	s24 =	sld [smem:$0x3FFE];
	[sflag:s23] =	ssyncadd.s32 $0xFFFFFFFF  }
0xab: {  	s26 =	simm.s32 $execute0_lowered;
	[smem:$0x3FD2] =	sst s25  }
0xac: {  	s5 =	sshll.u32 s26, $0x1;
	_ =	strace $0x80000055;
	[dreg:$0x1] =	wrdreg $0xFFFFFFFF  }
0xad: {  	s28 =	simm.s32 $_size_execute0_lowered;
	s3 =	sadd.s32 s3, s5;
	[dreg:$0x0] =	wrdreg $0x0  }
0xae: {  	s5 =	sshll.u32 s28, $0x1;
	[dreg:$0x2] =	wrdreg s3  }
0xaf: {  	[dreg:$0x3] =	wrdreg s5  }
0xb0: {  	[dreg:$0x4] =	wrdreg $0xC0  }
0xb1: {  	_ =	task [dreg:s7], $0x5FFFF  }
0xb2: {  	[dreg:$0x1] =	wrdreg $0xFFFFFFFF  }
0xb3: {  	[dreg:$0x0] =	wrdreg $0x60  }
0xb4: {  	[dreg:$0x2] =	wrdreg s24  }
0xb5: {  	[dreg:$0x3] =	wrdreg s16  }
0xb6: {  	[dreg:$0x4] =	wrdreg $0x9  }
0xb7: {  	_ =	task.clear_ibuf [dreg:s7], $0x5FFFF;
	_ =	strace $0x90000055  }
0xb8: {  	s29 =	simm.s32 $0x9;
	_ =	strace $0x80000057  }
0xb9: {  	_ =	swait.ge [sflag:s29], $0x1  }
0xba: {  	[sflag:s29] =	ssyncadd.s32 $0xFFFFFFFF  }
0xbb: {  	_ =	strace $0x90000057  }
0xbc: {  	_ =	sfence  }
0xbd: {  	s30 =	sld [smem:$0x0];
	_ =	sdelay $0x2  }
0xbe: {  	s31 =	sshll.u32 s1, $0xD;
	s1 =	sshrl.u32 s1, $0x2  }
0xbf: {  	s3 =	sand.u32 $0x4000, s31;
	s1 =	sadd.s32 s1, s30  }
0xc0: {  	s0 =	sor.u32 s3, s0;
	s1 =	sshll.u32 s1, $0x11  }
0xc1: {  	s0 =	sor.u32 s1, s0  }
0xc2: {  	s0 =	sadd.s32 $0x8F2B, s0  }
0xc3: {  	[sflag:s0] =	ssyncadd.remote.s32 $0x1  }
0xc4: {  	_ =	sfence.sel $0xFFFF  }
0xc5: {  	[dreg:$0x0] =	wrdreg $0xFFFFFFFF;
	(pc) =	sbr.abs _section_cstart, $3  }
0xc6: {  	[dreg:$0x1] =	wrdreg $0xFFFFFFFF  }
0xc7: {  	_ =	task.clear_ibuf [dreg:s7], $0x2FFFF;
	_ =	strace $0x9FFFFFFF  }
0xc8: {  	(tm) =	ssettm $0x7FFFFFFF  }
0xc9: {  	_ =	shalt  }
tec
execute0_lowered:
.L_overlay_start_1:
0x0: {  	(tag) =	ssettag $0x1  }
0x1: {  	s3 =	rddreg [dreg:$0x0]  }
0x2: {  	s6 =	rddreg [dreg:$0x1];
	s1 =	srdreg.scid  }
0x3: {  	s0 =	rddreg [dreg:$0x2];
	s2 =	simm.s32 $0x0;
	s4 =	sand.u32 $0x1, s1  }
0x4: {  	[smem:$0x7FF] =	sst s2;
	s5 =	smul.u32 $0x50000, s4  }
0x5: {  	s1 =	stileid.u32;
	s7 =	smul.u32 $0x14000, s4  }
0x6: {  	_ =	strace $0x80000056;
	s4 =	ssub.s32 $0x2, s4;
	s8 =	smul.u32 $0x1400, s1  }
0x7: {  	s10 =	smul.u32 $0x5000, s1;
	s9 =	sshrl.u32 s4, $0x1;
	s5 =	sadd.s32 s5, s3  }
0x8: {  	s3 =	sadd.s32 $0xB800, s3;
	s4 =	ssub.s32 s4, s9;
	s7 =	sadd.s32 s8, s7  }
0x9: {  	s8 =	simm.s32 $0x80;
	s9 =	simm.s32 $0x1;
	s4 =	smax.u32 s4, $0x1  }
0xa: {  	s5 =	sadd.s32 s10, s5;
	s7 =	sshrl.u32 s7, $0x3;
	s10 =	simm.s32 $0x0  }
0xb: {  	s5 =	sadd.s32 $0x15600, s5;
	s6 =	sadd.s32 s7, s6;
	s7 =	simm.s32 $0x2  }
.LBB2_1:
0xc: {  	s11 =	sadd.s32 $0x0, s6  }
0xd: {  	[tilespmem:s2], [sflag:$0x2] =	stream.linear.gather [hbm4b:s11+s2], $0x80, $0x38;
	[tilespmem:$0x1080] =	vst v63  }
0xe: {  	_ =	swait.ge [sflag:s7], $0x80  }
0xf: {  	[sflag:s7] =	ssyncset.done $0x0  }
0x10: {  	[sflag:s7] =	ssyncadd.s32 $0xFFFFFF80  }
0x11: {  	[tilespmem:s8], [sflag:$0x1] =	stream.indirect.gather [hbm4b:s3+s8], $0x20, s2, s8, $0xb8;
	[tilespmem:$0x1080] =	vst v63  }
0x12: {  	_ =	swait.ge [sflag:s9], $0x1000  }
0x13: {  	[sflag:s9] =	ssyncset.done $0x0  }
0x14: {  	[sflag:s9] =	ssyncadd.s32 $0xFFFFF000  }
0x15: {  	[hbm4b:s5+s2] =	stream.linear.scatter [tilespmem:s8], [sflag:$0x2], $0x1000, $0x38;
	[tilespmem:$0x1080] =	vst v63  }
0x16: {  	s12 =	simm.s32 $0x10;
	_ =	swait.ge [sflag:s7], $0x1000  }
0x17: {  	s13 =	simm.s32 $0x20;
	s11 =	sadd.s32 $0x200, s5;
	[sflag:s7] =	ssyncset.done $0x0  }
.LBB2_2:
0x18: {  	s14 =	sadd.s32 s12, s6  }
0x19: {  	[sflag:s7] =	ssyncadd.s32 $0xFFFFF000;
	s12 =	smov.u32 s13;
	s15 =	sadd.s32 $0x10, s13  }
0x1a: {  	[tilespmem:s2], [sflag:$0x2] =	stream.linear.gather [hbm4b:s14+s2], $0x80, $0x38;
	[tilespmem:$0x1080] =	vst v63  }
0x1b: {  	p0 =	sne.s32 s13, $0x270;
	_ =	swait.ge [sflag:s7], $0x80  }
0x1c: {  	[sflag:s7] =	ssyncset.done $0x0  }
0x1d: {  	[sflag:s7] =	ssyncadd.s32 $0xFFFFFF80  }
0x1e: {  	[tilespmem:s8], [sflag:$0x1] =	stream.indirect.gather [hbm4b:s3+s8], $0x20, s2, s8, $0xb8;
	[tilespmem:$0x1080] =	vst v63  }
0x1f: {  	_ =	swait.ge [sflag:s9], $0x1000  }
.Ltmp0:
0x20: {  	[sflag:s9] =	ssyncset.done $0x0;
	(pc) =	sbr.rel @p0 .LBB2_2-.Ltmp0, $4  }
0x21: {  	[sflag:s9] =	ssyncadd.s32 $0xFFFFF000  }
0x22: {  	[hbm4b:s11+s2] =	stream.linear.scatter [tilespmem:s8], [sflag:$0x2], $0x1000, $0x38;
	[tilespmem:$0x1080] =	vst v63  }
0x23: {  	_ =	swait.ge [sflag:s7], $0x1000  }
0x24: {  	s13 =	smov.u32 s15;
	s11 =	sadd.s32 $0x200, s11;
	[sflag:s7] =	ssyncset.done $0x0  }
0x25: {  	s12 =	sadd.s32 s12, s6;
	[sflag:s7] =	ssyncadd.s32 $0xFFFFF000  }
0x26: {  	[tilespmem:s2], [sflag:$0x2] =	stream.linear.gather [hbm4b:s12+s2], $0x80, $0x38;
	[tilespmem:$0x1080] =	vst v63  }
0x27: {  	_ =	swait.ge [sflag:s7], $0x80  }
0x28: {  	[sflag:s7] =	ssyncset.done $0x0  }
0x29: {  	[sflag:s7] =	ssyncadd.s32 $0xFFFFFF80  }
0x2a: {  	[tilespmem:s8], [sflag:$0x1] =	stream.indirect.gather [hbm4b:s3+s8], $0x20, s2, s8, $0xb8;
	[tilespmem:$0x1080] =	vst v63  }
0x2b: {  	s10 =	sadd.s32 $0x1, s10;
	_ =	swait.ge [sflag:s9], $0x1000  }
0x2c: {  	p0 =	sne.s32 s10, s4;
	[sflag:s9] =	ssyncset.done $0x0  }
.Ltmp1:
0x2d: {  	[sflag:s9] =	ssyncadd.s32 $0xFFFFF000;
	(pc) =	sbr.rel @p0 .LBB2_1-.Ltmp1, $4  }
0x2e: {  	[hbm4b:s11+s2] =	stream.linear.scatter [tilespmem:s8], [sflag:$0x2], $0x1000, $0x38;
	[tilespmem:$0x1080] =	vst v63  }
0x2f: {  	_ =	swait.ge [sflag:s7], $0x1000  }
0x30: {  	[sflag:s7] =	ssyncset.done $0x0  }
0x31: {  	[sflag:s7] =	ssyncadd.s32 $0xFFFFF000  }
0x32: {  	_ =	sfence.sel $0x180000  }
0x33: {  	[bflag:$0x0] =	sbarrier.arrive $0xFFFF  }
0x34: {  	p0 =	sne.s32 s1, $0x0;
	_ =	strace $0x90000056  }
0x35: {  	s0 =	sadd.s32 @!p0 $0x100000, s0;
	[bflag:$0x2] =	sbarrier.arrive $0xFFFF  }
0x36: {  	[sflag:s0] =	ssyncadd.tile.s32 @!p0 $0x1;
	_ =	shalt  }
.Lfunc_end2:
_tile_overlayer_lowered:
.L_overlay_start_2:
0x37: {  	(tag) =	ssettag $0x2  }
0x38: {  	s0 =	rddreg [dreg:$0x0];
	s2 =	stileid.u32  }
0x39: {  	s1 =	rddreg [dreg:$0x1];
	p0 =	sne.s32 s2, $0x0  }
0x3a: {  	s3 =	rddreg [dreg:$0x2];
	[bflag:$0x3] =	sbarrier.arrive $0xFFFF;
	s2 =	simm.s32 @!p0 $0x1C02  }
0x3b: {  	[timem:s3], [sflag:s2] =	dma.local @!p0 [hbm:s0], s1  }
0x3c: {  	s0 =	simm.s32 @!p0 $0x2  }
0x3d: {  	_ =	swait.ge @!p0 [sflag:s0], s1  }
0x3e: {  	s1 =	ssub.s32 @!p0 $0x0, s1;
	[sflag:s0] =	ssyncset.done @!p0 $0x0  }
0x3f: {  	[sflag:s0] =	ssyncadd.s32 @!p0 s1  }
0x40: {  	[bflag:$0x3] =	sbarrier.arrive $0xFFFF  }
0x41: {  	_ =	shalt  }

// kernel: kernel.43.cloned.1.call-start
scs
__scs_entry_jumppad:
0x0: {  	(pc) =	sbr.rel $0x88, $3  }
0x1: {  	(tag) =	ssettag $0x0;
	lr =	simm.s32 $0x1  }
0x2: {  	[smem:$0x3F82] =	sst lr;
	_ =	strace $0xD0000000  }
0x3: {  	_ = 	snop  }
0x4: {  	_ = 	snop  }
0x5: {  	_ = 	snop  }
0x6: {  	_ = 	snop  }
0x7: {  	_ = 	snop  }
__scs_overlays_trampoline_lowered:
0x8: {  	[smem:$0x3F91] =	sst s0  }
0x9: {  	[smem:$0x3F92] =	sst s1  }
0xa: {  	[smem:$0x3F93] =	sst s2  }
0xb: {  	[smem:$0x3F94] =	sst s3  }
0xc: {  	[smem:$0x3F95] =	sst s4  }
0xd: {  	[smem:$0x3F96] =	sst s5  }
0xe: {  	[smem:$0x3F97] =	sst s6  }
0xf: {  	[smem:$0x3F98] =	sst s7  }
0x10: {  	[smem:$0x3F99] =	sst s8  }
0x11: {  	[smem:$0x3F9A] =	sst s9;
	s0 =	simm.s32 @!p0 $0x0  }
0x12: {  	s1 =	sld [smem:$0x3F80];
	s0 =	simm.s32 @p0 $0x1  }
0x13: {  	[smem:$0x3F9B] =	sst s0;
	s0 =	simm.s32 @!p1 $0x0  }
0x14: {  	s2 =	sld [smem:$0x3F7F];
	s0 =	simm.s32 @p1 $0x1  }
0x15: {  	[smem:$0x3F9C] =	sst s0;
	s0 =	simm.s32 @!p2 $0x0  }
0x16: {  	s3 =	sld [smem:$0x3FDB];
	s0 =	simm.s32 @p2 $0x1  }
0x17: {  	s4 =	simm.s32 $0x1BF5;
	[smem:$0x3F9E] =	sst s0  }
0x18: {  	s0 =	sld [smem:$0x3F81];
	_ =	swait.ge [sflag:s4], $0x0  }
0x19: {  	s7 =	sld [smem:$0x3F82]  }
0x1a: {  	s8 =	sadd.s32 $0xFFFFE003, lr  }
0x1b: {  	s9 =	sadd.s32 $0xFFFFFEF7, lr;
	s5 =	simm.s32 $0xFFFFFFFF;
	p2 =	slt.u32 s8, $0xFFFFF086  }
0x1c: {  	p1 =	slt.u32 s9, $0xF7A;
	s5 =	simm.s32 @!p2 $0x0  }
0x1d: {  	s5 =	simm.s32 @p1 $0x1;
	p0 =	seq.s32 s7, s2  }
0x1e: {  	s7 =	smul.u32 @!p0 $0xF7A, s2;
	p2 =	seq.s32 @!p0 s5, $0x0  }
0x1f: {  	s9 =	smul.u32 $0xF7A, s1;
	s8 =	simm.s32 @!p0 $0x1BF5;
	p2 =	por !p2, p0  }
0x20: {  	[sflag:s8] =	ssyncset.s32 @!p0 $0xFFFFF086;
	s6 =	sadd.s32 @!p0 s3, s7;
	s7 =	simm.s32 @!p0 $0x108  }
0x21: {  	s3 =	sadd.s32 s3, s9;
	s6 =	sadd.s32 @!p0 $0x88, s6;
	s7 =	simm.s32 @p2 $0x1082  }
0x22: {  	[simem:s7], [sflag:s8] =	dma.local @!p0 [hbm:s6], $0xF7A  }
0x23: {  	s9 =	sor.u32 $0xD0000000, s2;
	s6 =	simm.s32 $0x108;
	_ =	swait.ge @!p0 [sflag:s8], $0x0  }
0x24: {  	s3 =	sadd.s32 $0x88, s3;
	s6 =	simm.s32 @!p1 $0x1082;
	[sflag:s4] =	ssyncset.s32 $0xFFFFF086  }
0x25: {  	[simem:s6], [sflag:s4] =	dma.local [hbm:s3], $0xF7A  }
0x26: {  	[smem:$0x3F82] =	sst s1;
	(tag) =	ssettag s2;
	_ =	strace s9  }
0x27: {  	s1 =	sld [smem:$0x3F92]  }
0x28: {  	s2 =	sld [smem:$0x3F93]  }
0x29: {  	s4 =	sld [smem:$0x3F95]  }
0x2a: {  	p0 =	seq.s32 s5, $0x0;
	s5 =	sld [smem:$0x3F96]  }
0x2b: {  	s6 =	sld [smem:$0x3F97]  }
0x2c: {  	s7 =	sld [smem:$0x3F98]  }
0x2d: {  	s3 =	simm.s32 $0x108;
	s8 =	sld [smem:$0x3F99]  }
0x2e: {  	s3 =	simm.s32 @!p0 $0x1082;
	s9 =	sld [smem:$0x3F9A]  }
0x2f: {  	lr =	sadd.s32 s0, s3;
	s0 =	sld [smem:$0x3F91]  }
0x30: {  	s3 =	sld [smem:$0x3F94]  }
0x31: {  	[smem:$0x3F9D] =	sst s10  }
0x32: {  	s10 =	sld [smem:$0x3F9B];
	_ =	sdelay $0x3  }
0x33: {  	p0 =	seq.s32 s10, $0x1;
	s10 =	sld [smem:$0x3F9D];
	_ =	sdelay $0x3  }
0x34: {  	[smem:$0x3F9D] =	sst s10  }
0x35: {  	s10 =	sld [smem:$0x3F9C];
	_ =	sdelay $0x3  }
0x36: {  	p1 =	seq.s32 s10, $0x1;
	s10 =	sld [smem:$0x3F9D];
	_ =	sdelay $0x3  }
0x37: {  	[smem:$0x3F9D] =	sst s10  }
0x38: {  	s10 =	sld [smem:$0x3F9E]  }
0x39: {  	_ = 	snop;
	(pc) =	sbr.ind lr, $3  }
0x3a: {  	_ = 	snop  }
0x3b: {  	_ = 	snop  }
0x3c: {  	p2 =	seq.s32 s10, $0x1;
	s10 =	sld [smem:$0x3F9D]  }
0x3d: {  	_ =	shalt  }
0x3e: {  	_ =	shalt  }
0x3f: {  	_ =	shalt  }
0x40: {  	_ =	shalt  }
0x41: {  	_ =	shalt  }
0x42: {  	_ =	shalt  }
0x43: {  	_ =	shalt  }
0x44: {  	_ =	shalt  }
0x45: {  	_ =	shalt  }
0x46: {  	_ =	shalt  }
0x47: {  	_ =	shalt  }
0x48: {  	_ =	shalt  }
0x49: {  	_ =	shalt  }
0x4a: {  	_ =	shalt  }
0x4b: {  	_ =	shalt  }
0x4c: {  	_ =	shalt  }
0x4d: {  	_ =	shalt  }
0x4e: {  	_ =	shalt  }
0x4f: {  	_ =	shalt  }
0x50: {  	_ =	shalt  }
0x51: {  	_ =	shalt  }
0x52: {  	_ =	shalt  }
0x53: {  	_ =	shalt  }
0x54: {  	_ =	shalt  }
0x55: {  	_ =	shalt  }
0x56: {  	_ =	shalt  }
0x57: {  	_ =	shalt  }
0x58: {  	_ =	shalt  }
0x59: {  	_ =	shalt  }
0x5a: {  	_ =	shalt  }
0x5b: {  	_ =	shalt  }
0x5c: {  	_ =	shalt  }
0x5d: {  	_ =	shalt  }
0x5e: {  	_ =	shalt  }
0x5f: {  	_ =	shalt  }
0x60: {  	_ =	shalt  }
0x61: {  	_ =	shalt  }
0x62: {  	_ =	shalt  }
0x63: {  	_ =	shalt  }
0x64: {  	_ =	shalt  }
0x65: {  	_ =	shalt  }
0x66: {  	_ =	shalt  }
0x67: {  	_ =	shalt  }
0x68: {  	_ =	shalt  }
0x69: {  	_ =	shalt  }
0x6a: {  	_ =	shalt  }
0x6b: {  	_ =	shalt  }
0x6c: {  	_ =	shalt  }
0x6d: {  	_ =	shalt  }
0x6e: {  	_ =	shalt  }
0x6f: {  	_ =	shalt  }
0x70: {  	_ =	shalt  }
0x71: {  	_ =	shalt  }
0x72: {  	_ =	shalt  }
0x73: {  	_ =	shalt  }
0x74: {  	_ =	shalt  }
0x75: {  	_ =	shalt  }
0x76: {  	_ =	shalt  }
0x77: {  	_ =	shalt  }
0x78: {  	_ =	shalt  }
0x79: {  	_ =	shalt  }
0x7a: {  	_ =	shalt  }
0x7b: {  	_ =	shalt  }
0x7c: {  	_ =	shalt  }
0x7d: {  	_ =	shalt  }
0x7e: {  	_ =	shalt  }
0x7f: {  	_ =	shalt  }
0x80: {  	_ =	shalt  }
0x81: {  	_ =	shalt  }
0x82: {  	_ =	shalt  }
0x83: {  	_ =	shalt  }
0x84: {  	_ =	shalt  }
0x85: {  	_ =	shalt  }
0x86: {  	_ =	shalt  }
0x87: {  	_ =	shalt  }
.Lfunc_end0:
.L_simem_size_0:
called_computation.6_lowered:
.L_overlay_start_0:
0x88: {  	s2 =	sld [smem:$0x3FD9]  }
0x89: {  	s3 =	sld [smem:$0x3FFE];
	_ =	sdelay $0x1  }
0x8a: {  	s1 =	srdreg.scid  }
0x8b: {  	s0 =	sand.u32 $0x1, s1  }
0x8c: {  	s14 =	sshll.u32 s0, $0xA;
	s2 =	sadd.s32 s3, s2  }
0x8d: {  	s2 =	sadd.s32 s2, s14  }
0x8e: {  	[smem:$0x3FA9] =	sst s2  }
0x8f: {  	_ = 	snop  }
0x90: {  	s2 =	sld [smem:$0x3FD0];
	_ =	sdelay $0x2  }
0x91: {  	s15 =	simm.s32 $0xA;
	s4 =	simm.s32 $0x10  }
0x92: {  	[smem:s4], [sflag:s15] =	dma.local [hbm:s2], $0x1  }
0x93: {  	_ =	swait.eq [sflag:s15], $0x1  }
0x94: {  	[sflag:s15] =	ssyncset.done $0x0  }
0x95: {  	[sflag:s15] =	ssyncadd.s32 $0xFFFFFFFF  }
0x96: {  	s16 =	sld [smem:$0x11];
	(tm) =	ssettm $0x1  }
0x97: {  	s17 =	sld [smem:$0x3FFB];
	_ =	sdelay $0x3  }
0x98: {  	_ =	strace s17  }
0x99: {  	s3 =	sld [smem:$0x3FFC];
	_ =	sdelay $0x3  }
0x9a: {  	_ =	strace s3  }
0x9b: {  	s3 =	sld [smem:$0x3FFD];
	_ =	sdelay $0x3  }
0x9c: {  	_ =	strace s3  }
0x9d: {  	_ =	strace $0x8FFFFFFF  }
0x9e: {  	s18 =	sld [smem:$0x3FDB];
	_ =	sdelay $0x1  }
0x9f: {  	s19 =	simm.s32 $_scs_section_size  }
0xa0: {  	s5 =	simm.s32 $_size__tile_overlayer_lowered;
	s6 =	simm.s32 $_tile_overlayer_lowered  }
0xa1: {  	s22 =	simm.s32 $0x1BFF;
	s21 =	sshll.u32 s6, $0x1;
	s3 =	sadd.s32 s19, s18  }
0xa2: {  	s7 =	simm.s32 $0x0;
	s20 =	sshll.u32 s5, $0x1;
	s5 =	sadd.s32 s21, s3  }
0xa3: {  	[timem:s7], [sflag:s22] =	dma.local [hbm:s5], s20  }
0xa4: {  	_ =	swait.ge [sflag:s22], s20  }
0xa5: {  	s4 =	ssub.s32 $0x0, s20;
	[sflag:s22] =	ssyncset.done $0x0  }
0xa6: {  	[sflag:s22] =	ssyncadd.s32 s4;
	_ =	sdelay $0x1  }
0xa7: {  	s23 =	simm.s32 $0x1B8B  }
0xa8: {  	_ =	swait.ge [sflag:s23], $0x1  }
0xa9: {  	[sflag:s23] =	ssyncset.done $0x0  }
0xaa: {  	s25 =	simm.s32 $0x1B8E;
	s24 =	sld [smem:$0x3FFE];
	[sflag:s23] =	ssyncadd.s32 $0xFFFFFFFF  }
0xab: {  	s26 =	simm.s32 $execute0_lowered;
	[smem:$0x3FD2] =	sst s25  }
0xac: {  	s5 =	sshll.u32 s26, $0x1;
	_ =	strace $0x80000058;
	[dreg:$0x1] =	wrdreg $0xFFFFFFFF  }
0xad: {  	s28 =	simm.s32 $_size_execute0_lowered;
	s3 =	sadd.s32 s3, s5;
	[dreg:$0x0] =	wrdreg $0x0  }
0xae: {  	s5 =	sshll.u32 s28, $0x1;
	[dreg:$0x2] =	wrdreg s3  }
0xaf: {  	[dreg:$0x3] =	wrdreg s5  }
0xb0: {  	[dreg:$0x4] =	wrdreg $0xC0  }
0xb1: {  	_ =	task [dreg:s7], $0x5FFFF  }
0xb2: {  	[dreg:$0x1] =	wrdreg $0xFFFFFFFF  }
0xb3: {  	[dreg:$0x0] =	wrdreg $0x60  }
0xb4: {  	[dreg:$0x2] =	wrdreg s24  }
0xb5: {  	[dreg:$0x3] =	wrdreg s16  }
0xb6: {  	[dreg:$0x4] =	wrdreg $0x80000  }
0xb7: {  	[dreg:$0x5] =	wrdreg $0xCF000  }
0xb8: {  	[dreg:$0x6] =	wrdreg $0x9  }
0xb9: {  	_ =	task.clear_ibuf [dreg:s7], $0x7FFFF;
	_ =	strace $0x90000058  }
0xba: {  	s29 =	simm.s32 $0x9;
	_ =	strace $0x8000005A  }
0xbb: {  	_ =	swait.ge [sflag:s29], $0x1  }
0xbc: {  	[sflag:s29] =	ssyncadd.s32 $0xFFFFFFFF  }
0xbd: {  	_ =	strace $0x9000005A  }
0xbe: {  	_ =	sfence  }
0xbf: {  	s30 =	sld [smem:$0x0];
	_ =	sdelay $0x2  }
0xc0: {  	s31 =	sshll.u32 s1, $0xD;
	s1 =	sshrl.u32 s1, $0x2  }
0xc1: {  	s3 =	sand.u32 $0x4000, s31;
	s1 =	sadd.s32 s1, s30  }
0xc2: {  	s0 =	sor.u32 s3, s0;
	s1 =	sshll.u32 s1, $0x11  }
0xc3: {  	s0 =	sor.u32 s1, s0  }
0xc4: {  	s0 =	sadd.s32 $0x8F2B, s0  }
0xc5: {  	[sflag:s0] =	ssyncadd.remote.s32 $0x1  }
0xc6: {  	_ =	sfence.sel $0xFFFF  }
0xc7: {  	[dreg:$0x0] =	wrdreg $0xFFFFFFFF;
	(pc) =	sbr.abs _section_cstart, $3  }
0xc8: {  	[dreg:$0x1] =	wrdreg $0xFFFFFFFF  }
0xc9: {  	_ =	task.clear_ibuf [dreg:s7], $0x2FFFF;
	_ =	strace $0x9FFFFFFF  }
0xca: {  	(tm) =	ssettm $0x7FFFFFFF  }
0xcb: {  	_ =	shalt  }
tec
execute0_lowered:
.L_overlay_start_1:
0x0: {  	(tag) =	ssettag $0x1  }
0x1: {  	s9 =	rddreg [dreg:$0x0]  }
0x2: {  	s1 =	rddreg [dreg:$0x1]  }
0x3: {  	s3 =	rddreg [dreg:$0x2]  }
0x4: {  	s4 =	rddreg [dreg:$0x3]  }
0x5: {  	s0 =	rddreg [dreg:$0x4]  }
0x6: {  	s6 =	srdreg.scid;
	s2 =	stileid.u32  }
0x7: {  	s5 =	simm.s32 $0x0;
	s16 =	simm.s32 $0x2;
	s17 =	simm.s32 $0x80  }
0x8: {  	s18 =	simm.s32 $0x100;
	s19 =	simm.s32 $0x1100;
	s20 =	simm.s32 $0x1  }
0x9: {  	s21 =	simm.s32 $0x2100;
	s10 =	sand.u32 $0x1, s6;
	s11 =	smul.u32 $0x4F00, s2  }
0xa: {  	[smem:$0x7FF] =	sst s5;
	s6 =	sadd.s32 $0xB800, s9;
	s8 =	smul.u32 $0x4F000, s10  }
0xb: {  	s7 =	sadd.s32 $0xED400, s9;
	_ =	strace $0x80000059;
	s13 =	ssub.s32 $0x2, s10  }
0xc: {  	s10 =	sshll.u32 s10, $0x4;
	s30 =	sshrl.u32 s13, $0x1;
	s12 =	sadd.s32 s11, s8  }
0xd: {  	s31 =	sor.u32 s2, s10;
	s10 =	sadd.s32 s11, s4;
	s12 =	sshrl.u32 s12, $0x3  }
0xe: {  	s8 =	sadd.s32 $0xBF600, s9;
	s15 =	ssub.s32 s13, s30;
	s14 =	sadd.s32 s12, s9  }
0xf: {  	s9 =	sadd.s32 s11, s3;
	s11 =	smul.u32 $0x1400, s31;
	s12 =	sadd.s32 $0xF7200, s14  }
0x10: {  	v0 =	vimm.f32 $0.0e+00;
	s13 =	sadd.s32 $0x10AE00, s14;
	s14 =	smax.u32 s15, $0x1;
	s15 =	simm.s32 $0x3100  }
.LBB2_1:
0x11: {  	s22 =	simm.s32 $0x80;
	s23 =	simm.s32 $0x0  }
.LBB2_2:
0x12: {  	p0 =	sne.s32 s22, $0x13B80;
	[tilespmem:s23+$0x3100] =	vst v0;
	s24 =	smov.u32 s22;
	s22 =	sadd.s32 $0x80, s22  }
.Ltmp0:
0x13: {  	[tilespmem:s23+$0x3110] =	vst v0;
	(pc) =	sbr.rel @p0 .LBB2_2-.Ltmp0, $2  }
0x14: {  	_ =	sdelay $0x2  }
0x15: {  	s23 =	sshra.s32 s24, $0x2  }
0x16: {  	[tilespmem:s23+$0x3100] =	vst v0  }
0x17: {  	[tilespmem:s23+$0x3110] =	vst v0  }
0x18: {  	[spmem:s9] =	stream.linear.scatter [tilespmem:s15], [sflag:$0x2], $0x4F00, $0x38;
	[tilespmem:$0x11E00] =	vst v63  }
0x19: {  	_ =	swait.ge [sflag:s16], $0x4F00  }
0x1a: {  	[sflag:s16] =	ssyncset.done $0x0  }
0x1b: {  	[sflag:s16] =	ssyncadd.s32 $0xFFFFB100  }
0x1c: {  	[spmem:s10] =	stream.linear.scatter [tilespmem:s15], [sflag:$0x2], $0x4F00, $0x38;
	[tilespmem:$0x11E00] =	vst v63  }
0x1d: {  	_ =	swait.ge [sflag:s16], $0x4F00  }
0x1e: {  	[sflag:s16] =	ssyncset.done $0x0  }
0x1f: {  	[sflag:s16] =	ssyncadd.s32 $0xFFFFB100  }
0x20: {  	s22 =	simm.s32 $0x0;
	s23 =	simm.s32 $0x0;
	[bflag:$0x0] =	sbarrier.arrive $0xFFFF  }
.LBB2_4:
0x21: {  	s24 =	sshll.u32 s23, $0x7  }
0x22: {  	s24 =	sadd.s32 s11, s24  }
0x23: {  	s25 =	sshrl.u32 s24, $0x3  }
0x24: {  	s26 =	sadd.s32 s1, s25  }
0x25: {  	[tilespmem:s22], [sflag:$0x2] =	stream.linear.gather [hbm4b:s26+s22], $0x80, $0x38;
	[tilespmem:$0x11E00] =	vst v63  }
0x26: {  	_ =	swait.ge [sflag:s16], $0x80  }
0x27: {  	[sflag:s16] =	ssyncset.done $0x0  }
0x28: {  	s25 =	sadd.s32 s8, s25;
	[sflag:s16] =	ssyncadd.s32 $0xFFFFFF80  }
0x29: {  	[tilespmem:s17], [sflag:$0x2] =	stream.linear.gather [hbm4b:s25+s22], $0x80, $0x38;
	[tilespmem:$0x11E00] =	vst v63  }
0x2a: {  	_ =	swait.ge [sflag:s16], $0x80  }
0x2b: {  	s24 =	sshll.u32 s24, $0x2;
	[sflag:s16] =	ssyncset.done $0x0  }
0x2c: {  	s24 =	sadd.s32 s6, s24;
	[sflag:s16] =	ssyncadd.s32 $0xFFFFFF80  }
0x2d: {  	[tilespmem:s18], [sflag:$0x2] =	stream.linear.gather [hbm4b:s24+s22], $0x1000, $0x38;
	[tilespmem:$0x11E00] =	vst v63  }
0x2e: {  	_ =	swait.ge [sflag:s16], $0x1000  }
0x2f: {  	[sflag:s16] =	ssyncset.done $0x0  }
0x30: {  	[sflag:s16] =	ssyncadd.s32 $0xFFFFF000  }
0x31: {  	[tilespmem:s19], [sflag:$0x1] =	stream.indirect.gather [hbm4b:s7+s17], $0x20, s22, s17, $0xb8;
	[tilespmem:$0x11E00] =	vst v63  }
0x32: {  	_ =	swait.ge [sflag:s20], $0x1000  }
0x33: {  	[sflag:s20] =	ssyncset.done $0x0  }
0x34: {  	s24 =	simm.s32 $0x0;
	[sflag:s20] =	ssyncadd.s32 $0xFFFFF000  }
0x35: {  	v2 =	vld [tilespmem:s24+$0x100]  }
0x36: {  	v1 =	vld [tilespmem:s24+$0x110]  }
0x37: {  	s25 =	simm.s32 $0x80;
	v3 =	vld [tilespmem:s24+$0x1100]  }
.LBB2_5:
0x38: {  	p0 =	sne.s32 s25, $0x3F80;
	v4 =	vld [tilespmem:s24+$0x1110];
	_ =	sdelay $0x1  }
0x39: {  	v5 =	vmax.f32 v2, $0.0e+00  }
0x3a: {  	v5 =	vadd.f32 $1.000000010e-07, v5;
	v6 =	vmax.f32 v1, $0.0e+00  }
0x3b: {  	v2 =	vadd.f32 v3, v2;
	v3 =	vadd.f32 $1.000000010e-07, v6  }
0x3c: {  	[tilespmem:s24+$0x2100] =	vst v5;
	v1 =	vadd.f32 v4, v1  }
.Ltmp1:
0x3d: {  	v2 =	vmax.f32 v2, $0.0e+00;
	[tilespmem:s24+$0x2110] =	vst v3;
	(pc) =	sbr.rel @p0 .LBB2_5-.Ltmp1, $4  }
0x3e: {  	s26 =	sshra.s32 s25, $0x2;
	v3 =	vadd.f32 $1.000000010e-07, v2;
	v1 =	vmax.f32 v1, $0.0e+00  }
0x3f: {  	v2 =	vld [tilespmem:s26+$0x100];
	v4 =	vadd.f32 $1.000000010e-07, v1  }
0x40: {  	v1 =	vld [tilespmem:s26+$0x110];
	[tilespmem:s24+$0x1100] =	vst v3  }
0x41: {  	s25 =	sadd.s32 $0x80, s25;
	v3 =	vld [tilespmem:s26+$0x1100];
	[tilespmem:s24+$0x1110] =	vst v4;
	s24 =	smov.u32 s26  }
0x42: {  	v4 =	vld [tilespmem:s24+$0x1110];
	_ =	sdelay $0x3  }
0x43: {  	v5 =	vmax.f32 v2, $0.0e+00;
	v2 =	vadd.f32 v3, v2  }
0x44: {  	v62 =	vmax.f32 v1, $0.0e+00;
	v3 =	vadd.f32 $1.000000010e-07, v5;
	v1 =	vadd.f32 v4, v1  }
0x45: {  	v63 =	vadd.f32 $1.000000010e-07, v62;
	v2 =	vmax.f32 v2, $0.0e+00  }
0x46: {  	[tilespmem:s24+$0x2100] =	vst v3;
	v2 =	vadd.f32 $1.000000010e-07, v2;
	v1 =	vmax.f32 v1, $0.0e+00  }
0x47: {  	[tilespmem:s24+$0x2110] =	vst v63;
	v1 =	vadd.f32 $1.000000010e-07, v1  }
0x48: {  	[tilespmem:s24+$0x1100] =	vst v2  }
0x49: {  	[tilespmem:s24+$0x1110] =	vst v1  }
0x4a: {  	[spmem:s3] =	stream.indirect.scatter.add.f32 [tilespmem:s19], [sflag:$0x2], $0x20, s17, s17, $0xb8;
	[tilespmem:$0x11E00] =	vst v63  }
0x4b: {  	s23 =	sadd.s32 $0x1, s23;
	_ =	swait.ge [sflag:s16], $0x1000  }
0x4c: {  	p0 =	sne.s32 s23, $0x28;
	[sflag:s16] =	ssyncset.done $0x0  }
.Ltmp2:
0x4d: {  	[sflag:s16] =	ssyncadd.s32 $0xFFFFF000;
	(pc) =	sbr.rel @p0 .LBB2_4-.Ltmp2, $4  }
0x4e: {  	[spmem:s4] =	stream.indirect.scatter.add.f32 [tilespmem:s21], [sflag:$0x2], $0x20, s17, s17, $0xb8;
	[tilespmem:$0x11E00] =	vst v63  }
0x4f: {  	_ =	swait.ge [sflag:s16], $0x1000  }
0x50: {  	[sflag:s16] =	ssyncset.done $0x0  }
0x51: {  	[sflag:s16] =	ssyncadd.s32 $0xFFFFF000  }
0x52: {  	s22 =	sshll.u32 s2, $0x6  }
0x53: {  	[bflag:$0x0] =	sbarrier.arrive $0xFFFF;
	s23 =	sshrl.u32 s9, $0x3;
	s22 =	sor.u32 $0x1C02, s22  }
0x54: {  	[hbm:s12], [sflag:s22] =	dma.local [spmem:s23], $0x9E0  }
0x55: {  	s5 =	sadd.s32 $0x1, s5;
	_ =	swait.ge [sflag:s16], $0x9E0  }
0x56: {  	p0 =	sne.s32 s5, s14;
	[sflag:s16] =	ssyncset.done $0x0  }
.Ltmp3:
0x57: {  	s31 =	sshrl.u32 s10, $0x3;
	[sflag:s16] =	ssyncadd.s32 $0xFFFFF620;
	(pc) =	sbr.rel @p0 .LBB2_1-.Ltmp3, $4  }
0x58: {  	[hbm:s13], [sflag:s22] =	dma.local [spmem:s31], $0x9E0  }
0x59: {  	_ =	swait.ge [sflag:s16], $0x9E0  }
0x5a: {  	[sflag:s16] =	ssyncset.done $0x0  }
0x5b: {  	[sflag:s16] =	ssyncadd.s32 $0xFFFFF620  }
0x5c: {  	_ =	sfence.sel $0x180000  }
0x5d: {  	[bflag:$0x0] =	sbarrier.arrive $0xFFFF  }
0x5e: {  	p0 =	sne.s32 s2, $0x0;
	_ =	strace $0x90000059  }
0x5f: {  	s0 =	sadd.s32 @!p0 $0x100000, s0;
	[bflag:$0x2] =	sbarrier.arrive $0xFFFF  }
0x60: {  	[sflag:s0] =	ssyncadd.tile.s32 @!p0 $0x1;
	_ =	shalt  }
.Lfunc_end2:
_tile_overlayer_lowered:
.L_overlay_start_2:
0x61: {  	(tag) =	ssettag $0x2  }
0x62: {  	s0 =	rddreg [dreg:$0x0];
	s2 =	stileid.u32  }
0x63: {  	s1 =	rddreg [dreg:$0x1];
	p0 =	sne.s32 s2, $0x0  }
0x64: {  	s3 =	rddreg [dreg:$0x2];
	[bflag:$0x3] =	sbarrier.arrive $0xFFFF;
	s2 =	simm.s32 @!p0 $0x1C02  }
0x65: {  	[timem:s3], [sflag:s2] =	dma.local @!p0 [hbm:s0], s1  }
0x66: {  	s0 =	simm.s32 @!p0 $0x2  }
0x67: {  	_ =	swait.ge @!p0 [sflag:s0], s1  }
0x68: {  	s1 =	ssub.s32 @!p0 $0x0, s1;
	[sflag:s0] =	ssyncset.done @!p0 $0x0  }
0x69: {  	[sflag:s0] =	ssyncadd.s32 @!p0 s1  }
0x6a: {  	[bflag:$0x3] =	sbarrier.arrive $0xFFFF  }
0x6b: {  	_ =	shalt  }

// kernel: kernel.46.cloned.1.call-start
scs
__scs_entry_jumppad:
0x0: {  	(pc) =	sbr.rel $0x88, $3  }
0x1: {  	(tag) =	ssettag $0x0;
	lr =	simm.s32 $0x1  }
0x2: {  	[smem:$0x3F82] =	sst lr;
	_ =	strace $0xD0000000  }
0x3: {  	_ = 	snop  }
0x4: {  	_ = 	snop  }
0x5: {  	_ = 	snop  }
0x6: {  	_ = 	snop  }
0x7: {  	_ = 	snop  }
__scs_overlays_trampoline_lowered:
0x8: {  	[smem:$0x3F91] =	sst s0  }
0x9: {  	[smem:$0x3F92] =	sst s1  }
0xa: {  	[smem:$0x3F93] =	sst s2  }
0xb: {  	[smem:$0x3F94] =	sst s3  }
0xc: {  	[smem:$0x3F95] =	sst s4  }
0xd: {  	[smem:$0x3F96] =	sst s5  }
0xe: {  	[smem:$0x3F97] =	sst s6  }
0xf: {  	[smem:$0x3F98] =	sst s7  }
0x10: {  	[smem:$0x3F99] =	sst s8  }
0x11: {  	[smem:$0x3F9A] =	sst s9;
	s0 =	simm.s32 @!p0 $0x0  }
0x12: {  	s1 =	sld [smem:$0x3F80];
	s0 =	simm.s32 @p0 $0x1  }
0x13: {  	[smem:$0x3F9B] =	sst s0;
	s0 =	simm.s32 @!p1 $0x0  }
0x14: {  	s2 =	sld [smem:$0x3F7F];
	s0 =	simm.s32 @p1 $0x1  }
0x15: {  	[smem:$0x3F9C] =	sst s0;
	s0 =	simm.s32 @!p2 $0x0  }
0x16: {  	s3 =	sld [smem:$0x3FDB];
	s0 =	simm.s32 @p2 $0x1  }
0x17: {  	s4 =	simm.s32 $0x1BF5;
	[smem:$0x3F9E] =	sst s0  }
0x18: {  	s0 =	sld [smem:$0x3F81];
	_ =	swait.ge [sflag:s4], $0x0  }
0x19: {  	s7 =	sld [smem:$0x3F82]  }
0x1a: {  	s8 =	sadd.s32 $0xFFFFE003, lr  }
0x1b: {  	s9 =	sadd.s32 $0xFFFFFEF7, lr;
	s5 =	simm.s32 $0xFFFFFFFF;
	p2 =	slt.u32 s8, $0xFFFFF086  }
0x1c: {  	p1 =	slt.u32 s9, $0xF7A;
	s5 =	simm.s32 @!p2 $0x0  }
0x1d: {  	s5 =	simm.s32 @p1 $0x1;
	p0 =	seq.s32 s7, s2  }
0x1e: {  	s7 =	smul.u32 @!p0 $0xF7A, s2;
	p2 =	seq.s32 @!p0 s5, $0x0  }
0x1f: {  	s9 =	smul.u32 $0xF7A, s1;
	s8 =	simm.s32 @!p0 $0x1BF5;
	p2 =	por !p2, p0  }
0x20: {  	[sflag:s8] =	ssyncset.s32 @!p0 $0xFFFFF086;
	s6 =	sadd.s32 @!p0 s3, s7;
	s7 =	simm.s32 @!p0 $0x108  }
0x21: {  	s3 =	sadd.s32 s3, s9;
	s6 =	sadd.s32 @!p0 $0x88, s6;
	s7 =	simm.s32 @p2 $0x1082  }
0x22: {  	[simem:s7], [sflag:s8] =	dma.local @!p0 [hbm:s6], $0xF7A  }
0x23: {  	s9 =	sor.u32 $0xD0000000, s2;
	s6 =	simm.s32 $0x108;
	_ =	swait.ge @!p0 [sflag:s8], $0x0  }
0x24: {  	s3 =	sadd.s32 $0x88, s3;
	s6 =	simm.s32 @!p1 $0x1082;
	[sflag:s4] =	ssyncset.s32 $0xFFFFF086  }
0x25: {  	[simem:s6], [sflag:s4] =	dma.local [hbm:s3], $0xF7A  }
0x26: {  	[smem:$0x3F82] =	sst s1;
	(tag) =	ssettag s2;
	_ =	strace s9  }
0x27: {  	s1 =	sld [smem:$0x3F92]  }
0x28: {  	s2 =	sld [smem:$0x3F93]  }
0x29: {  	s4 =	sld [smem:$0x3F95]  }
0x2a: {  	p0 =	seq.s32 s5, $0x0;
	s5 =	sld [smem:$0x3F96]  }
0x2b: {  	s6 =	sld [smem:$0x3F97]  }
0x2c: {  	s7 =	sld [smem:$0x3F98]  }
0x2d: {  	s3 =	simm.s32 $0x108;
	s8 =	sld [smem:$0x3F99]  }
0x2e: {  	s3 =	simm.s32 @!p0 $0x1082;
	s9 =	sld [smem:$0x3F9A]  }
0x2f: {  	lr =	sadd.s32 s0, s3;
	s0 =	sld [smem:$0x3F91]  }
0x30: {  	s3 =	sld [smem:$0x3F94]  }
0x31: {  	[smem:$0x3F9D] =	sst s10  }
0x32: {  	s10 =	sld [smem:$0x3F9B];
	_ =	sdelay $0x3  }
0x33: {  	p0 =	seq.s32 s10, $0x1;
	s10 =	sld [smem:$0x3F9D];
	_ =	sdelay $0x3  }
0x34: {  	[smem:$0x3F9D] =	sst s10  }
0x35: {  	s10 =	sld [smem:$0x3F9C];
	_ =	sdelay $0x3  }
0x36: {  	p1 =	seq.s32 s10, $0x1;
	s10 =	sld [smem:$0x3F9D];
	_ =	sdelay $0x3  }
0x37: {  	[smem:$0x3F9D] =	sst s10  }
0x38: {  	s10 =	sld [smem:$0x3F9E]  }
0x39: {  	_ = 	snop;
	(pc) =	sbr.ind lr, $3  }
0x3a: {  	_ = 	snop  }
0x3b: {  	_ = 	snop  }
0x3c: {  	p2 =	seq.s32 s10, $0x1;
	s10 =	sld [smem:$0x3F9D]  }
0x3d: {  	_ =	shalt  }
0x3e: {  	_ =	shalt  }
0x3f: {  	_ =	shalt  }
0x40: {  	_ =	shalt  }
0x41: {  	_ =	shalt  }
0x42: {  	_ =	shalt  }
0x43: {  	_ =	shalt  }
0x44: {  	_ =	shalt  }
0x45: {  	_ =	shalt  }
0x46: {  	_ =	shalt  }
0x47: {  	_ =	shalt  }
0x48: {  	_ =	shalt  }
0x49: {  	_ =	shalt  }
0x4a: {  	_ =	shalt  }
0x4b: {  	_ =	shalt  }
0x4c: {  	_ =	shalt  }
0x4d: {  	_ =	shalt  }
0x4e: {  	_ =	shalt  }
0x4f: {  	_ =	shalt  }
0x50: {  	_ =	shalt  }
0x51: {  	_ =	shalt  }
0x52: {  	_ =	shalt  }
0x53: {  	_ =	shalt  }
0x54: {  	_ =	shalt  }
0x55: {  	_ =	shalt  }
0x56: {  	_ =	shalt  }
0x57: {  	_ =	shalt  }
0x58: {  	_ =	shalt  }
0x59: {  	_ =	shalt  }
0x5a: {  	_ =	shalt  }
0x5b: {  	_ =	shalt  }
0x5c: {  	_ =	shalt  }
0x5d: {  	_ =	shalt  }
0x5e: {  	_ =	shalt  }
0x5f: {  	_ =	shalt  }
0x60: {  	_ =	shalt  }
0x61: {  	_ =	shalt  }
0x62: {  	_ =	shalt  }
0x63: {  	_ =	shalt  }
0x64: {  	_ =	shalt  }
0x65: {  	_ =	shalt  }
0x66: {  	_ =	shalt  }
0x67: {  	_ =	shalt  }
0x68: {  	_ =	shalt  }
0x69: {  	_ =	shalt  }
0x6a: {  	_ =	shalt  }
0x6b: {  	_ =	shalt  }
0x6c: {  	_ =	shalt  }
0x6d: {  	_ =	shalt  }
0x6e: {  	_ =	shalt  }
0x6f: {  	_ =	shalt  }
0x70: {  	_ =	shalt  }
0x71: {  	_ =	shalt  }
0x72: {  	_ =	shalt  }
0x73: {  	_ =	shalt  }
0x74: {  	_ =	shalt  }
0x75: {  	_ =	shalt  }
0x76: {  	_ =	shalt  }
0x77: {  	_ =	shalt  }
0x78: {  	_ =	shalt  }
0x79: {  	_ =	shalt  }
0x7a: {  	_ =	shalt  }
0x7b: {  	_ =	shalt  }
0x7c: {  	_ =	shalt  }
0x7d: {  	_ =	shalt  }
0x7e: {  	_ =	shalt  }
0x7f: {  	_ =	shalt  }
0x80: {  	_ =	shalt  }
0x81: {  	_ =	shalt  }
0x82: {  	_ =	shalt  }
0x83: {  	_ =	shalt  }
0x84: {  	_ =	shalt  }
0x85: {  	_ =	shalt  }
0x86: {  	_ =	shalt  }
0x87: {  	_ =	shalt  }
.Lfunc_end0:
.L_simem_size_0:
called_computation.7_lowered:
.L_overlay_start_0:
0x88: {  	s2 =	sld [smem:$0x3FD9]  }
0x89: {  	s3 =	sld [smem:$0x3FFE];
	_ =	sdelay $0x1  }
0x8a: {  	s1 =	srdreg.scid  }
0x8b: {  	s0 =	sand.u32 $0x1, s1  }
0x8c: {  	s14 =	sshll.u32 s0, $0xA;
	s2 =	sadd.s32 s3, s2  }
0x8d: {  	s2 =	sadd.s32 s2, s14  }
0x8e: {  	[smem:$0x3FA9] =	sst s2  }
0x8f: {  	_ = 	snop  }
0x90: {  	s2 =	sld [smem:$0x3FD0];
	_ =	sdelay $0x2  }
0x91: {  	s15 =	simm.s32 $0xA;
	s4 =	simm.s32 $0x10  }
0x92: {  	[smem:s4], [sflag:s15] =	dma.local [hbm:s2], $0x1  }
0x93: {  	_ =	swait.eq [sflag:s15], $0x1  }
0x94: {  	[sflag:s15] =	ssyncset.done $0x0  }
0x95: {  	[sflag:s15] =	ssyncadd.s32 $0xFFFFFFFF  }
0x96: {  	s16 =	sld [smem:$0x11];
	(tm) =	ssettm $0x1  }
0x97: {  	s17 =	sld [smem:$0x3FFB];
	_ =	sdelay $0x3  }
0x98: {  	_ =	strace s17  }
0x99: {  	s3 =	sld [smem:$0x3FFC];
	_ =	sdelay $0x3  }
0x9a: {  	_ =	strace s3  }
0x9b: {  	s3 =	sld [smem:$0x3FFD];
	_ =	sdelay $0x3  }
0x9c: {  	_ =	strace s3  }
0x9d: {  	_ =	strace $0x8FFFFFFF  }
0x9e: {  	s18 =	sld [smem:$0x3FDB];
	_ =	sdelay $0x1  }
0x9f: {  	s19 =	simm.s32 $_scs_section_size  }
0xa0: {  	s5 =	simm.s32 $_size__tile_overlayer_lowered;
	s6 =	simm.s32 $_tile_overlayer_lowered  }
0xa1: {  	s22 =	simm.s32 $0x1BFF;
	s21 =	sshll.u32 s6, $0x1;
	s3 =	sadd.s32 s19, s18  }
0xa2: {  	s7 =	simm.s32 $0x0;
	s20 =	sshll.u32 s5, $0x1;
	s5 =	sadd.s32 s21, s3  }
0xa3: {  	[timem:s7], [sflag:s22] =	dma.local [hbm:s5], s20  }
0xa4: {  	_ =	swait.ge [sflag:s22], s20  }
0xa5: {  	s4 =	ssub.s32 $0x0, s20;
	[sflag:s22] =	ssyncset.done $0x0  }
0xa6: {  	[sflag:s22] =	ssyncadd.s32 s4;
	_ =	sdelay $0x1  }
0xa7: {  	s23 =	simm.s32 $0x1B8B  }
0xa8: {  	_ =	swait.ge [sflag:s23], $0x1  }
0xa9: {  	[sflag:s23] =	ssyncset.done $0x0  }
0xaa: {  	s25 =	simm.s32 $0x1B8E;
	s24 =	sld [smem:$0x3FFE];
	[sflag:s23] =	ssyncadd.s32 $0xFFFFFFFF  }
0xab: {  	s26 =	simm.s32 $execute0_lowered;
	[smem:$0x3FD2] =	sst s25  }
0xac: {  	s5 =	sshll.u32 s26, $0x1;
	_ =	strace $0x8000005B;
	[dreg:$0x1] =	wrdreg $0xFFFFFFFF  }
0xad: {  	s28 =	simm.s32 $_size_execute0_lowered;
	s3 =	sadd.s32 s3, s5;
	[dreg:$0x0] =	wrdreg $0x0  }
0xae: {  	s5 =	sshll.u32 s28, $0x1;
	[dreg:$0x2] =	wrdreg s3  }
0xaf: {  	[dreg:$0x3] =	wrdreg s5  }
0xb0: {  	[dreg:$0x4] =	wrdreg $0xC0  }
0xb1: {  	_ =	task [dreg:s7], $0x5FFFF  }
0xb2: {  	[dreg:$0x1] =	wrdreg $0xFFFFFFFF  }
0xb3: {  	[dreg:$0x0] =	wrdreg $0x60  }
0xb4: {  	[dreg:$0x2] =	wrdreg s24  }
0xb5: {  	[dreg:$0x3] =	wrdreg s16  }
0xb6: {  	[dreg:$0x4] =	wrdreg $0x9  }
0xb7: {  	_ =	task.clear_ibuf [dreg:s7], $0x5FFFF;
	_ =	strace $0x9000005B  }
0xb8: {  	s29 =	simm.s32 $0x9;
	_ =	strace $0x8000005D  }
0xb9: {  	_ =	swait.ge [sflag:s29], $0x1  }
0xba: {  	[sflag:s29] =	ssyncadd.s32 $0xFFFFFFFF  }
0xbb: {  	_ =	strace $0x9000005D  }
0xbc: {  	_ =	sfence  }
0xbd: {  	s30 =	sld [smem:$0x0];
	_ =	sdelay $0x2  }
0xbe: {  	s31 =	sshll.u32 s1, $0xD;
	s1 =	sshrl.u32 s1, $0x2  }
0xbf: {  	s3 =	sand.u32 $0x4000, s31;
	s1 =	sadd.s32 s1, s30  }
0xc0: {  	s0 =	sor.u32 s3, s0;
	s1 =	sshll.u32 s1, $0x11  }
0xc1: {  	s0 =	sor.u32 s1, s0  }
0xc2: {  	s0 =	sadd.s32 $0x8F2B, s0  }
0xc3: {  	[sflag:s0] =	ssyncadd.remote.s32 $0x1  }
0xc4: {  	_ =	sfence.sel $0xFFFF  }
0xc5: {  	[dreg:$0x0] =	wrdreg $0xFFFFFFFF;
	(pc) =	sbr.abs _section_cstart, $3  }
0xc6: {  	[dreg:$0x1] =	wrdreg $0xFFFFFFFF  }
0xc7: {  	_ =	task.clear_ibuf [dreg:s7], $0x2FFFF;
	_ =	strace $0x9FFFFFFF  }
0xc8: {  	(tm) =	ssettm $0x7FFFFFFF  }
0xc9: {  	_ =	shalt  }
tec
execute0_lowered:
.L_overlay_start_1:
0x0: {  	(tag) =	ssettag $0x1  }
0x1: {  	s3 =	rddreg [dreg:$0x0]  }
0x2: {  	s6 =	rddreg [dreg:$0x1];
	s1 =	srdreg.scid  }
0x3: {  	s0 =	rddreg [dreg:$0x2];
	s2 =	simm.s32 $0x0;
	s4 =	sand.u32 $0x1, s1  }
0x4: {  	[smem:$0x7FF] =	sst s2;
	s5 =	smul.u32 $0x50000, s4  }
0x5: {  	s1 =	stileid.u32;
	s7 =	smul.u32 $0x14000, s4  }
0x6: {  	_ =	strace $0x8000005C;
	s4 =	ssub.s32 $0x2, s4;
	s8 =	smul.u32 $0x1400, s1  }
0x7: {  	s10 =	smul.u32 $0x5000, s1;
	s9 =	sshrl.u32 s4, $0x1;
	s5 =	sadd.s32 s5, s3  }
0x8: {  	s3 =	sadd.s32 $0xB800, s3;
	s4 =	ssub.s32 s4, s9;
	s7 =	sadd.s32 s8, s7  }
0x9: {  	s8 =	simm.s32 $0x80;
	s9 =	simm.s32 $0x1;
	s4 =	smax.u32 s4, $0x1  }
0xa: {  	s5 =	sadd.s32 s10, s5;
	s7 =	sshrl.u32 s7, $0x3;
	s10 =	simm.s32 $0x0  }
0xb: {  	s5 =	sadd.s32 $0x15600, s5;
	s6 =	sadd.s32 s7, s6;
	s7 =	simm.s32 $0x2  }
.LBB2_1:
0xc: {  	s11 =	sadd.s32 $0x0, s6  }
0xd: {  	[tilespmem:s2], [sflag:$0x2] =	stream.linear.gather [hbm4b:s11+s2], $0x80, $0x38;
	[tilespmem:$0x1080] =	vst v63  }
0xe: {  	_ =	swait.ge [sflag:s7], $0x80  }
0xf: {  	[sflag:s7] =	ssyncset.done $0x0  }
0x10: {  	[sflag:s7] =	ssyncadd.s32 $0xFFFFFF80  }
0x11: {  	[tilespmem:s8], [sflag:$0x1] =	stream.indirect.gather [hbm4b:s3+s8], $0x20, s2, s8, $0xb8;
	[tilespmem:$0x1080] =	vst v63  }
0x12: {  	_ =	swait.ge [sflag:s9], $0x1000  }
0x13: {  	[sflag:s9] =	ssyncset.done $0x0  }
0x14: {  	[sflag:s9] =	ssyncadd.s32 $0xFFFFF000  }
0x15: {  	[hbm4b:s5+s2] =	stream.linear.scatter [tilespmem:s8], [sflag:$0x2], $0x1000, $0x38;
	[tilespmem:$0x1080] =	vst v63  }
0x16: {  	s12 =	simm.s32 $0x10;
	_ =	swait.ge [sflag:s7], $0x1000  }
0x17: {  	s13 =	simm.s32 $0x20;
	s11 =	sadd.s32 $0x200, s5;
	[sflag:s7] =	ssyncset.done $0x0  }
.LBB2_2:
0x18: {  	s14 =	sadd.s32 s12, s6  }
0x19: {  	[sflag:s7] =	ssyncadd.s32 $0xFFFFF000;
	s12 =	smov.u32 s13;
	s15 =	sadd.s32 $0x10, s13  }
0x1a: {  	[tilespmem:s2], [sflag:$0x2] =	stream.linear.gather [hbm4b:s14+s2], $0x80, $0x38;
	[tilespmem:$0x1080] =	vst v63  }
0x1b: {  	p0 =	sne.s32 s13, $0x270;
	_ =	swait.ge [sflag:s7], $0x80  }
0x1c: {  	[sflag:s7] =	ssyncset.done $0x0  }
0x1d: {  	[sflag:s7] =	ssyncadd.s32 $0xFFFFFF80  }
0x1e: {  	[tilespmem:s8], [sflag:$0x1] =	stream.indirect.gather [hbm4b:s3+s8], $0x20, s2, s8, $0xb8;
	[tilespmem:$0x1080] =	vst v63  }
0x1f: {  	_ =	swait.ge [sflag:s9], $0x1000  }
.Ltmp0:
0x20: {  	[sflag:s9] =	ssyncset.done $0x0;
	(pc) =	sbr.rel @p0 .LBB2_2-.Ltmp0, $4  }
0x21: {  	[sflag:s9] =	ssyncadd.s32 $0xFFFFF000  }
0x22: {  	[hbm4b:s11+s2] =	stream.linear.scatter [tilespmem:s8], [sflag:$0x2], $0x1000, $0x38;
	[tilespmem:$0x1080] =	vst v63  }
0x23: {  	_ =	swait.ge [sflag:s7], $0x1000  }
0x24: {  	s13 =	smov.u32 s15;
	s11 =	sadd.s32 $0x200, s11;
	[sflag:s7] =	ssyncset.done $0x0  }
0x25: {  	s12 =	sadd.s32 s12, s6;
	[sflag:s7] =	ssyncadd.s32 $0xFFFFF000  }
0x26: {  	[tilespmem:s2], [sflag:$0x2] =	stream.linear.gather [hbm4b:s12+s2], $0x80, $0x38;
	[tilespmem:$0x1080] =	vst v63  }
0x27: {  	_ =	swait.ge [sflag:s7], $0x80  }
0x28: {  	[sflag:s7] =	ssyncset.done $0x0  }
0x29: {  	[sflag:s7] =	ssyncadd.s32 $0xFFFFFF80  }
0x2a: {  	[tilespmem:s8], [sflag:$0x1] =	stream.indirect.gather [hbm4b:s3+s8], $0x20, s2, s8, $0xb8;
	[tilespmem:$0x1080] =	vst v63  }
0x2b: {  	s10 =	sadd.s32 $0x1, s10;
	_ =	swait.ge [sflag:s9], $0x1000  }
0x2c: {  	p0 =	sne.s32 s10, s4;
	[sflag:s9] =	ssyncset.done $0x0  }
.Ltmp1:
0x2d: {  	[sflag:s9] =	ssyncadd.s32 $0xFFFFF000;
	(pc) =	sbr.rel @p0 .LBB2_1-.Ltmp1, $4  }
0x2e: {  	[hbm4b:s11+s2] =	stream.linear.scatter [tilespmem:s8], [sflag:$0x2], $0x1000, $0x38;
	[tilespmem:$0x1080] =	vst v63  }
0x2f: {  	_ =	swait.ge [sflag:s7], $0x1000  }
0x30: {  	[sflag:s7] =	ssyncset.done $0x0  }
0x31: {  	[sflag:s7] =	ssyncadd.s32 $0xFFFFF000  }
0x32: {  	_ =	sfence.sel $0x180000  }
0x33: {  	[bflag:$0x0] =	sbarrier.arrive $0xFFFF  }
0x34: {  	p0 =	sne.s32 s1, $0x0;
	_ =	strace $0x9000005C  }
0x35: {  	s0 =	sadd.s32 @!p0 $0x100000, s0;
	[bflag:$0x2] =	sbarrier.arrive $0xFFFF  }
0x36: {  	[sflag:s0] =	ssyncadd.tile.s32 @!p0 $0x1;
	_ =	shalt  }
.Lfunc_end2:
_tile_overlayer_lowered:
.L_overlay_start_2:
0x37: {  	(tag) =	ssettag $0x2  }
0x38: {  	s0 =	rddreg [dreg:$0x0];
	s2 =	stileid.u32  }
0x39: {  	s1 =	rddreg [dreg:$0x1];
	p0 =	sne.s32 s2, $0x0  }
0x3a: {  	s3 =	rddreg [dreg:$0x2];
	[bflag:$0x3] =	sbarrier.arrive $0xFFFF;
	s2 =	simm.s32 @!p0 $0x1C02  }
0x3b: {  	[timem:s3], [sflag:s2] =	dma.local @!p0 [hbm:s0], s1  }
0x3c: {  	s0 =	simm.s32 @!p0 $0x2  }
0x3d: {  	_ =	swait.ge @!p0 [sflag:s0], s1  }
0x3e: {  	s1 =	ssub.s32 @!p0 $0x0, s1;
	[sflag:s0] =	ssyncset.done @!p0 $0x0  }
0x3f: {  	[sflag:s0] =	ssyncadd.s32 @!p0 s1  }
0x40: {  	[bflag:$0x3] =	sbarrier.arrive $0xFFFF  }
0x41: {  	_ =	shalt  }

// kernel: kernel.49.cloned.1.call-start
scs
__scs_entry_jumppad:
0x0: {  	(pc) =	sbr.rel $0x88, $3  }
0x1: {  	(tag) =	ssettag $0x0;
	lr =	simm.s32 $0x1  }
0x2: {  	[smem:$0x3F82] =	sst lr;
	_ =	strace $0xD0000000  }
0x3: {  	_ = 	snop  }
0x4: {  	_ = 	snop  }
0x5: {  	_ = 	snop  }
0x6: {  	_ = 	snop  }
0x7: {  	_ = 	snop  }
__scs_overlays_trampoline_lowered:
0x8: {  	[smem:$0x3F91] =	sst s0  }
0x9: {  	[smem:$0x3F92] =	sst s1  }
0xa: {  	[smem:$0x3F93] =	sst s2  }
0xb: {  	[smem:$0x3F94] =	sst s3  }
0xc: {  	[smem:$0x3F95] =	sst s4  }
0xd: {  	[smem:$0x3F96] =	sst s5  }
0xe: {  	[smem:$0x3F97] =	sst s6  }
0xf: {  	[smem:$0x3F98] =	sst s7  }
0x10: {  	[smem:$0x3F99] =	sst s8  }
0x11: {  	[smem:$0x3F9A] =	sst s9;
	s0 =	simm.s32 @!p0 $0x0  }
0x12: {  	s1 =	sld [smem:$0x3F80];
	s0 =	simm.s32 @p0 $0x1  }
0x13: {  	[smem:$0x3F9B] =	sst s0;
	s0 =	simm.s32 @!p1 $0x0  }
0x14: {  	s2 =	sld [smem:$0x3F7F];
	s0 =	simm.s32 @p1 $0x1  }
0x15: {  	[smem:$0x3F9C] =	sst s0;
	s0 =	simm.s32 @!p2 $0x0  }
0x16: {  	s3 =	sld [smem:$0x3FDB];
	s0 =	simm.s32 @p2 $0x1  }
0x17: {  	s4 =	simm.s32 $0x1BF5;
	[smem:$0x3F9E] =	sst s0  }
0x18: {  	s0 =	sld [smem:$0x3F81];
	_ =	swait.ge [sflag:s4], $0x0  }
0x19: {  	s7 =	sld [smem:$0x3F82]  }
0x1a: {  	s8 =	sadd.s32 $0xFFFFE003, lr  }
0x1b: {  	s9 =	sadd.s32 $0xFFFFFEF7, lr;
	s5 =	simm.s32 $0xFFFFFFFF;
	p2 =	slt.u32 s8, $0xFFFFF086  }
0x1c: {  	p1 =	slt.u32 s9, $0xF7A;
	s5 =	simm.s32 @!p2 $0x0  }
0x1d: {  	s5 =	simm.s32 @p1 $0x1;
	p0 =	seq.s32 s7, s2  }
0x1e: {  	s7 =	smul.u32 @!p0 $0xF7A, s2;
	p2 =	seq.s32 @!p0 s5, $0x0  }
0x1f: {  	s9 =	smul.u32 $0xF7A, s1;
	s8 =	simm.s32 @!p0 $0x1BF5;
	p2 =	por !p2, p0  }
0x20: {  	[sflag:s8] =	ssyncset.s32 @!p0 $0xFFFFF086;
	s6 =	sadd.s32 @!p0 s3, s7;
	s7 =	simm.s32 @!p0 $0x108  }
0x21: {  	s3 =	sadd.s32 s3, s9;
	s6 =	sadd.s32 @!p0 $0x88, s6;
	s7 =	simm.s32 @p2 $0x1082  }
0x22: {  	[simem:s7], [sflag:s8] =	dma.local @!p0 [hbm:s6], $0xF7A  }
0x23: {  	s9 =	sor.u32 $0xD0000000, s2;
	s6 =	simm.s32 $0x108;
	_ =	swait.ge @!p0 [sflag:s8], $0x0  }
0x24: {  	s3 =	sadd.s32 $0x88, s3;
	s6 =	simm.s32 @!p1 $0x1082;
	[sflag:s4] =	ssyncset.s32 $0xFFFFF086  }
0x25: {  	[simem:s6], [sflag:s4] =	dma.local [hbm:s3], $0xF7A  }
0x26: {  	[smem:$0x3F82] =	sst s1;
	(tag) =	ssettag s2;
	_ =	strace s9  }
0x27: {  	s1 =	sld [smem:$0x3F92]  }
0x28: {  	s2 =	sld [smem:$0x3F93]  }
0x29: {  	s4 =	sld [smem:$0x3F95]  }
0x2a: {  	p0 =	seq.s32 s5, $0x0;
	s5 =	sld [smem:$0x3F96]  }
0x2b: {  	s6 =	sld [smem:$0x3F97]  }
0x2c: {  	s7 =	sld [smem:$0x3F98]  }
0x2d: {  	s3 =	simm.s32 $0x108;
	s8 =	sld [smem:$0x3F99]  }
0x2e: {  	s3 =	simm.s32 @!p0 $0x1082;
	s9 =	sld [smem:$0x3F9A]  }
0x2f: {  	lr =	sadd.s32 s0, s3;
	s0 =	sld [smem:$0x3F91]  }
0x30: {  	s3 =	sld [smem:$0x3F94]  }
0x31: {  	[smem:$0x3F9D] =	sst s10  }
0x32: {  	s10 =	sld [smem:$0x3F9B];
	_ =	sdelay $0x3  }
0x33: {  	p0 =	seq.s32 s10, $0x1;
	s10 =	sld [smem:$0x3F9D];
	_ =	sdelay $0x3  }
0x34: {  	[smem:$0x3F9D] =	sst s10  }
0x35: {  	s10 =	sld [smem:$0x3F9C];
	_ =	sdelay $0x3  }
0x36: {  	p1 =	seq.s32 s10, $0x1;
	s10 =	sld [smem:$0x3F9D];
	_ =	sdelay $0x3  }
0x37: {  	[smem:$0x3F9D] =	sst s10  }
0x38: {  	s10 =	sld [smem:$0x3F9E]  }
0x39: {  	_ = 	snop;
	(pc) =	sbr.ind lr, $3  }
0x3a: {  	_ = 	snop  }
0x3b: {  	_ = 	snop  }
0x3c: {  	p2 =	seq.s32 s10, $0x1;
	s10 =	sld [smem:$0x3F9D]  }
0x3d: {  	_ =	shalt  }
0x3e: {  	_ =	shalt  }
0x3f: {  	_ =	shalt  }
0x40: {  	_ =	shalt  }
0x41: {  	_ =	shalt  }
0x42: {  	_ =	shalt  }
0x43: {  	_ =	shalt  }
0x44: {  	_ =	shalt  }
0x45: {  	_ =	shalt  }
0x46: {  	_ =	shalt  }
0x47: {  	_ =	shalt  }
0x48: {  	_ =	shalt  }
0x49: {  	_ =	shalt  }
0x4a: {  	_ =	shalt  }
0x4b: {  	_ =	shalt  }
0x4c: {  	_ =	shalt  }
0x4d: {  	_ =	shalt  }
0x4e: {  	_ =	shalt  }
0x4f: {  	_ =	shalt  }
0x50: {  	_ =	shalt  }
0x51: {  	_ =	shalt  }
0x52: {  	_ =	shalt  }
0x53: {  	_ =	shalt  }
0x54: {  	_ =	shalt  }
0x55: {  	_ =	shalt  }
0x56: {  	_ =	shalt  }
0x57: {  	_ =	shalt  }
0x58: {  	_ =	shalt  }
0x59: {  	_ =	shalt  }
0x5a: {  	_ =	shalt  }
0x5b: {  	_ =	shalt  }
0x5c: {  	_ =	shalt  }
0x5d: {  	_ =	shalt  }
0x5e: {  	_ =	shalt  }
0x5f: {  	_ =	shalt  }
0x60: {  	_ =	shalt  }
0x61: {  	_ =	shalt  }
0x62: {  	_ =	shalt  }
0x63: {  	_ =	shalt  }
0x64: {  	_ =	shalt  }
0x65: {  	_ =	shalt  }
0x66: {  	_ =	shalt  }
0x67: {  	_ =	shalt  }
0x68: {  	_ =	shalt  }
0x69: {  	_ =	shalt  }
0x6a: {  	_ =	shalt  }
0x6b: {  	_ =	shalt  }
0x6c: {  	_ =	shalt  }
0x6d: {  	_ =	shalt  }
0x6e: {  	_ =	shalt  }
0x6f: {  	_ =	shalt  }
0x70: {  	_ =	shalt  }
0x71: {  	_ =	shalt  }
0x72: {  	_ =	shalt  }
0x73: {  	_ =	shalt  }
0x74: {  	_ =	shalt  }
0x75: {  	_ =	shalt  }
0x76: {  	_ =	shalt  }
0x77: {  	_ =	shalt  }
0x78: {  	_ =	shalt  }
0x79: {  	_ =	shalt  }
0x7a: {  	_ =	shalt  }
0x7b: {  	_ =	shalt  }
0x7c: {  	_ =	shalt  }
0x7d: {  	_ =	shalt  }
0x7e: {  	_ =	shalt  }
0x7f: {  	_ =	shalt  }
0x80: {  	_ =	shalt  }
0x81: {  	_ =	shalt  }
0x82: {  	_ =	shalt  }
0x83: {  	_ =	shalt  }
0x84: {  	_ =	shalt  }
0x85: {  	_ =	shalt  }
0x86: {  	_ =	shalt  }
0x87: {  	_ =	shalt  }
.Lfunc_end0:
.L_simem_size_0:
called_computation.8_lowered:
.L_overlay_start_0:
0x88: {  	s2 =	sld [smem:$0x3FD9]  }
0x89: {  	s3 =	sld [smem:$0x3FFE];
	_ =	sdelay $0x1  }
0x8a: {  	s1 =	srdreg.scid  }
0x8b: {  	s0 =	sand.u32 $0x1, s1  }
0x8c: {  	s16 =	sshll.u32 s0, $0xA;
	s2 =	sadd.s32 s3, s2  }
0x8d: {  	s2 =	sadd.s32 s2, s16  }
0x8e: {  	[smem:$0x3FA9] =	sst s2  }
0x8f: {  	_ = 	snop  }
0x90: {  	(tm) =	ssettm $0x1  }
0x91: {  	s17 =	sld [smem:$0x3FFB];
	_ =	sdelay $0x3  }
0x92: {  	_ =	strace s17  }
0x93: {  	s2 =	sld [smem:$0x3FFC];
	_ =	sdelay $0x3  }
0x94: {  	_ =	strace s2  }
0x95: {  	s2 =	sld [smem:$0x3FFD];
	_ =	sdelay $0x3  }
0x96: {  	_ =	strace s2  }
0x97: {  	_ =	strace $0x8FFFFFFF  }
0x98: {  	s18 =	sld [smem:$0x3FDB];
	_ =	sdelay $0x1  }
0x99: {  	s19 =	simm.s32 $_scs_section_size  }
0x9a: {  	s4 =	simm.s32 $_size__tile_overlayer_lowered;
	s5 =	simm.s32 $_tile_overlayer_lowered  }
0x9b: {  	s22 =	simm.s32 $0x1BFF;
	s21 =	sshll.u32 s5, $0x1;
	s2 =	sadd.s32 s19, s18  }
0x9c: {  	s6 =	simm.s32 $0x0;
	s20 =	sshll.u32 s4, $0x1;
	s4 =	sadd.s32 s21, s2  }
0x9d: {  	[timem:s6], [sflag:s22] =	dma.local [hbm:s4], s20  }
0x9e: {  	_ =	swait.ge [sflag:s22], s20  }
0x9f: {  	s3 =	ssub.s32 $0x0, s20;
	[sflag:s22] =	ssyncset.done $0x0  }
0xa0: {  	[sflag:s22] =	ssyncadd.s32 s3;
	_ =	sdelay $0x1  }
0xa1: {  	s23 =	simm.s32 $0x1B8B  }
0xa2: {  	_ =	swait.ge [sflag:s23], $0x1  }
0xa3: {  	[sflag:s23] =	ssyncset.done $0x0  }
0xa4: {  	s25 =	simm.s32 $0x1B8E;
	s24 =	sld [smem:$0x3FFE];
	[sflag:s23] =	ssyncadd.s32 $0xFFFFFFFF  }
0xa5: {  	s26 =	simm.s32 $execute0_lowered;
	[smem:$0x3FD2] =	sst s25  }
0xa6: {  	s4 =	sshll.u32 s26, $0x1;
	_ =	strace $0x8000005E;
	[dreg:$0x1] =	wrdreg $0xFFFFFFFF  }
0xa7: {  	s28 =	simm.s32 $_size_execute0_lowered;
	s2 =	sadd.s32 s2, s4;
	[dreg:$0x0] =	wrdreg $0x0  }
0xa8: {  	s4 =	sshll.u32 s28, $0x1;
	[dreg:$0x2] =	wrdreg s2  }
0xa9: {  	[dreg:$0x3] =	wrdreg s4  }
0xaa: {  	[dreg:$0x4] =	wrdreg $0xC0  }
0xab: {  	_ =	task [dreg:s6], $0x5FFFF  }
0xac: {  	[dreg:$0x1] =	wrdreg $0xFFFFFFFF  }
0xad: {  	[dreg:$0x0] =	wrdreg $0x60  }
0xae: {  	[dreg:$0x2] =	wrdreg s24  }
0xaf: {  	[dreg:$0x3] =	wrdreg $0x9  }
0xb0: {  	_ =	task.clear_ibuf [dreg:s6], $0x4FFFF;
	_ =	strace $0x9000005E  }
0xb1: {  	s29 =	simm.s32 $0x9;
	_ =	strace $0x80000060  }
0xb2: {  	_ =	swait.ge [sflag:s29], $0x1  }
0xb3: {  	[sflag:s29] =	ssyncadd.s32 $0xFFFFFFFF  }
0xb4: {  	_ =	strace $0x90000060  }
0xb5: {  	_ =	sfence  }
0xb6: {  	s30 =	sld [smem:$0x0];
	_ =	sdelay $0x2  }
0xb7: {  	s31 =	sshll.u32 s1, $0xD;
	s1 =	sshrl.u32 s1, $0x2  }
0xb8: {  	s3 =	sand.u32 $0x4000, s31;
	s1 =	sadd.s32 s1, s30  }
0xb9: {  	s0 =	sor.u32 s3, s0;
	s1 =	sshll.u32 s1, $0x11  }
0xba: {  	s0 =	sor.u32 s1, s0  }
0xbb: {  	s0 =	sadd.s32 $0x8F2B, s0  }
0xbc: {  	[sflag:s0] =	ssyncadd.remote.s32 $0x1  }
0xbd: {  	_ =	sfence.sel $0xFFFF  }
0xbe: {  	[dreg:$0x0] =	wrdreg $0xFFFFFFFF;
	(pc) =	sbr.abs _section_cstart, $3  }
0xbf: {  	[dreg:$0x1] =	wrdreg $0xFFFFFFFF  }
0xc0: {  	_ =	task.clear_ibuf [dreg:s6], $0x2FFFF;
	_ =	strace $0x9FFFFFFF  }
0xc1: {  	(tm) =	ssettm $0x7FFFFFFF  }
tec
execute0_lowered:
.L_overlay_start_1:
0x0: {  	(tag) =	ssettag $0x1  }
0x1: {  	s4 =	rddreg [dreg:$0x0];
	s1 =	srdreg.scid  }
0x2: {  	s0 =	rddreg [dreg:$0x1];
	s5 =	sand.u32 $0x1, s1  }
0x3: {  	s2 =	simm.s32 $0x0;
	s1 =	stileid.u32;
	s6 =	smul.u32 $0x14000, s5  }
0x4: {  	s10 =	simm.s32 $0x0;
	[smem:$0x7FF] =	sst s2;
	s7 =	smul.u32 $0x1400, s1  }
0x5: {  	s3 =	sadd.s32 $0xB800, s4;
	s8 =	smul.u32 $0x50000, s5;
	s5 =	ssub.s32 $0x2, s5  }
0x6: {  	_ =	strace $0x8000005F;
	s9 =	smul.u32 $0x5000, s1;
	s30 =	sshrl.u32 s5, $0x1  }
0x7: {  	s6 =	sadd.s32 s7, s6;
	s8 =	sadd.s32 s8, s4;
	s5 =	ssub.s32 s5, s30  }
0x8: {  	s7 =	simm.s32 $0x2;
	s6 =	sshrl.u32 s6, $0x3;
	s31 =	sadd.s32 s9, s8  }
0x9: {  	s8 =	simm.s32 $0x80;
	s9 =	simm.s32 $0x1;
	s6 =	sadd.s32 s6, s4  }
0xa: {  	s4 =	smax.u32 s5, $0x1;
	s5 =	sadd.s32 $0xEBE00, s31;
	s6 =	sadd.s32 $0xE6E00, s6  }
.LBB2_1:
0xb: {  	s11 =	sadd.s32 $0x0, s6  }
0xc: {  	[tilespmem:s2], [sflag:$0x2] =	stream.linear.gather [hbm4b:s11+s2], $0x80, $0x38;
	[tilespmem:$0x1080] =	vst v63  }
0xd: {  	_ =	swait.ge [sflag:s7], $0x80  }
0xe: {  	[sflag:s7] =	ssyncset.done $0x0  }
0xf: {  	[sflag:s7] =	ssyncadd.s32 $0xFFFFFF80  }
0x10: {  	[tilespmem:s8], [sflag:$0x1] =	stream.indirect.gather [hbm4b:s3+s8], $0x20, s2, s8, $0xb8;
	[tilespmem:$0x1080] =	vst v63  }
0x11: {  	_ =	swait.ge [sflag:s9], $0x1000  }
0x12: {  	[sflag:s9] =	ssyncset.done $0x0  }
0x13: {  	[sflag:s9] =	ssyncadd.s32 $0xFFFFF000  }
0x14: {  	[hbm4b:s5+s2] =	stream.linear.scatter [tilespmem:s8], [sflag:$0x2], $0x1000, $0x38;
	[tilespmem:$0x1080] =	vst v63  }
0x15: {  	s12 =	simm.s32 $0x10;
	_ =	swait.ge [sflag:s7], $0x1000  }
0x16: {  	s13 =	simm.s32 $0x20;
	s11 =	sadd.s32 $0x200, s5;
	[sflag:s7] =	ssyncset.done $0x0  }
.LBB2_2:
0x17: {  	s14 =	sadd.s32 s12, s6  }
0x18: {  	[sflag:s7] =	ssyncadd.s32 $0xFFFFF000;
	s12 =	smov.u32 s13;
	s15 =	sadd.s32 $0x10, s13  }
0x19: {  	[tilespmem:s2], [sflag:$0x2] =	stream.linear.gather [hbm4b:s14+s2], $0x80, $0x38;
	[tilespmem:$0x1080] =	vst v63  }
0x1a: {  	p0 =	sne.s32 s13, $0x270;
	_ =	swait.ge [sflag:s7], $0x80  }
0x1b: {  	[sflag:s7] =	ssyncset.done $0x0  }
0x1c: {  	[sflag:s7] =	ssyncadd.s32 $0xFFFFFF80  }
0x1d: {  	[tilespmem:s8], [sflag:$0x1] =	stream.indirect.gather [hbm4b:s3+s8], $0x20, s2, s8, $0xb8;
	[tilespmem:$0x1080] =	vst v63  }
0x1e: {  	_ =	swait.ge [sflag:s9], $0x1000  }
.Ltmp0:
0x1f: {  	[sflag:s9] =	ssyncset.done $0x0;
	(pc) =	sbr.rel @p0 .LBB2_2-.Ltmp0, $4  }
0x20: {  	[sflag:s9] =	ssyncadd.s32 $0xFFFFF000  }
0x21: {  	[hbm4b:s11+s2] =	stream.linear.scatter [tilespmem:s8], [sflag:$0x2], $0x1000, $0x38;
	[tilespmem:$0x1080] =	vst v63  }
0x22: {  	_ =	swait.ge [sflag:s7], $0x1000  }
0x23: {  	s13 =	smov.u32 s15;
	s11 =	sadd.s32 $0x200, s11;
	[sflag:s7] =	ssyncset.done $0x0  }
0x24: {  	s12 =	sadd.s32 s12, s6;
	[sflag:s7] =	ssyncadd.s32 $0xFFFFF000  }
0x25: {  	[tilespmem:s2], [sflag:$0x2] =	stream.linear.gather [hbm4b:s12+s2], $0x80, $0x38;
	[tilespmem:$0x1080] =	vst v63  }
0x26: {  	_ =	swait.ge [sflag:s7], $0x80  }
0x27: {  	[sflag:s7] =	ssyncset.done $0x0  }
0x28: {  	[sflag:s7] =	ssyncadd.s32 $0xFFFFFF80  }
0x29: {  	[tilespmem:s8], [sflag:$0x1] =	stream.indirect.gather [hbm4b:s3+s8], $0x20, s2, s8, $0xb8;
	[tilespmem:$0x1080] =	vst v63  }
0x2a: {  	s10 =	sadd.s32 $0x1, s10;
	_ =	swait.ge [sflag:s9], $0x1000  }
0x2b: {  	p0 =	sne.s32 s10, s4;
	[sflag:s9] =	ssyncset.done $0x0  }
.Ltmp1:
0x2c: {  	[sflag:s9] =	ssyncadd.s32 $0xFFFFF000;
	(pc) =	sbr.rel @p0 .LBB2_1-.Ltmp1, $4  }
0x2d: {  	[hbm4b:s11+s2] =	stream.linear.scatter [tilespmem:s8], [sflag:$0x2], $0x1000, $0x38;
	[tilespmem:$0x1080] =	vst v63  }
0x2e: {  	_ =	swait.ge [sflag:s7], $0x1000  }
0x2f: {  	[sflag:s7] =	ssyncset.done $0x0  }
0x30: {  	[sflag:s7] =	ssyncadd.s32 $0xFFFFF000  }
0x31: {  	_ =	sfence.sel $0x180000  }
0x32: {  	[bflag:$0x0] =	sbarrier.arrive $0xFFFF  }
0x33: {  	p0 =	sne.s32 s1, $0x0;
	_ =	strace $0x9000005F  }
0x34: {  	s0 =	sadd.s32 @!p0 $0x100000, s0;
	[bflag:$0x2] =	sbarrier.arrive $0xFFFF  }
0x35: {  	[sflag:s0] =	ssyncadd.tile.s32 @!p0 $0x1;
	_ =	shalt  }
.Lfunc_end2:
_tile_overlayer_lowered:
.L_overlay_start_2:
0x36: {  	(tag) =	ssettag $0x2  }
0x37: {  	s0 =	rddreg [dreg:$0x0];
	s2 =	stileid.u32  }
0x38: {  	s1 =	rddreg [dreg:$0x1];
	p0 =	sne.s32 s2, $0x0  }
0x39: {  	s3 =	rddreg [dreg:$0x2];
	[bflag:$0x3] =	sbarrier.arrive $0xFFFF;
	s2 =	simm.s32 @!p0 $0x1C02  }
0x3a: {  	[timem:s3], [sflag:s2] =	dma.local @!p0 [hbm:s0], s1  }
0x3b: {  	s0 =	simm.s32 @!p0 $0x2  }
0x3c: {  	_ =	swait.ge @!p0 [sflag:s0], s1  }
0x3d: {  	s1 =	ssub.s32 @!p0 $0x0, s1;
	[sflag:s0] =	ssyncset.done @!p0 $0x0  }
0x3e: {  	[sflag:s0] =	ssyncadd.s32 @!p0 s1  }
0x3f: {  	[bflag:$0x3] =	sbarrier.arrive $0xFFFF  }
0x40: {  	_ =	shalt  }

</sc_bundles>
